<compile_context>
chip_gen: v7x
topology: tpu7x:2x2x1
jax: 0.10.2.dev20260603
libtpu: 0.0.44.dev20260713+nightly
codegen_flags: <defaults>
</compile_context>

<pallas_src>
import functools

import jax
import jax.numpy as jnp
from jax import lax
from jax.experimental import pallas as pl
from jax.experimental.pallas import tpu as pltpu
from jax.experimental.pallas import tpu_sc as plsc


def _build_sc_kernel(M, D, B, NC, NS, L):
    NW = NC * NS
    bpw = B // NW
    n_grp = bpw // L
    TW = 128
    KB = 4
    n_b = bpw // KB
    n_q = D // L
    mesh = plsc.VectorSubcoreMesh(core_axis_name="c", subcore_axis_name="s")

    @functools.partial(
        pl.kernel,
        out_type=jax.ShapeDtypeStruct((D + 1, B), jnp.float32),
        mesh=mesh,
        compiler_params=pltpu.CompilerParams(
            use_tc_tiling_on_sc=True, needs_layout_passes=False),
        scratch_types=[
            pltpu.VMEM((bpw,), jnp.int32),
            pltpu.VMEM((L,), jnp.int32),
            pltpu.VMEM((bpw,), jnp.int32),
            pltpu.VMEM((bpw,), jnp.int32),
            pltpu.VMEM((2, KB, D, TW), jnp.float32),
            pltpu.VMEM((D, bpw), jnp.float32),
            pltpu.VMEM((1, bpw), jnp.float32),
            pltpu.VMEM((bpw,), jnp.float32),
            pltpu.VMEM((bpw,), jnp.float32),
            pltpu.SemaphoreType.DMA,
            pltpu.SemaphoreType.DMA,
            pltpu.SemaphoreType.DMA,
            pltpu.SemaphoreType.DMA,
        ],
    )
    def k(memT_h, mem_rew_h, obsT_h, rew_h, sidx_h, ivec_h,
          outT_h,
          idx_v, ivec_v, off_v, roff_v, bufs_v, blk_v, rrow_v, rew_v,
          obs_rew_v, semA, semB, sem1, sem2):
        wid = lax.axis_index("s") * NC + lax.axis_index("c")
        base = wid * bpw
        pltpu.sync_copy(sidx_h.at[pl.ds(base, bpw)], idx_v)
        pltpu.sync_copy(ivec_h, ivec_v)
        c_rew = pltpu.async_copy(mem_rew_h.at[idx_v], rew_v, sem1)
        iv = ivec_v[...]

        def grp(g, cnt):
            gb = pl.multiple_of(g * L, L)
            s = idx_v[pl.ds(gb, L)]
            off = s - iv
            off = jnp.where(off < 0, off + M, off)
            hit = off < B
            off_v[pl.ds(gb, L)] = off
            roff_v[pl.ds(gb, L)] = jnp.where(hit, off, 0)
            return cnt + plsc.all_reduce_population_count(hit)

        nhit = lax.fori_loop(0, n_grp, grp, jnp.zeros((L,), jnp.int32))

        lane16 = lax.iota(jnp.int32, L)

        def _batch_idx(b):
            pos = jnp.minimum(b * KB + lane16, bpw - 1)
            return plsc.load_gather(idx_v, [pos])

        def _fire(b, ring, sem):
            sv = _batch_idx(b)
            for j in range(KB):
                c0 = pl.multiple_of(
                    lax.shift_left(lax.shift_right_logical(sv[j], 7), 7), TW)
                pltpu.async_copy(
                    memT_h.at[:, pl.ds(c0, TW)], bufs_v.at[ring, j], sem)

        def _drain(ring, sem):
            for j in range(KB):
                pltpu.make_async_copy(
                    memT_h.at[:, pl.ds(0, TW)], bufs_v.at[ring, j], sem).wait()

        def _extract_col(src_ref, col, dst_col):
            cvec = jnp.full((L,), col, dtype=jnp.int32)
            dvec = jnp.full((L,), dst_col, dtype=jnp.int32)
            for q in range(n_q):
                r_vec = q * L + lane16
                v = plsc.load_gather(src_ref, [r_vec, cvec])
                plsc.store_scatter(blk_v, [r_vec, dvec], v)

        def _extract(b, ring):
            sv = _batch_idx(b)
            for j in range(KB):
                _extract_col(bufs_v.at[ring, j], sv[j] & (TW - 1), b * KB + j)

        _fire(jnp.int32(0), 0, semA)

        def pipe(t, c):
            b0 = t * 2
            _fire(b0 + 1, 1, semB)
            _drain(0, semA)
            _extract(b0, 0)

            @pl.when(t < n_b // 2 - 1)
            def _():
                _fire(b0 + 2, 0, semA)

            _drain(1, semB)
            _extract(b0 + 1, 1)
            return c

        lax.fori_loop(0, n_b // 2, pipe, jnp.int32(0))
        c_rew.wait()

        @pl.when(nhit[0] > 0)
        def _fixup():
            pltpu.async_copy(rew_h.at[roff_v], obs_rew_v, sem2).wait()

            def rfix(g, c):
                gb = pl.multiple_of(g * L, L)
                off = off_v[pl.ds(gb, L)]
                hit = off < B
                rew_v[pl.ds(gb, L)] = jnp.where(
                    hit, obs_rew_v[pl.ds(gb, L)], rew_v[pl.ds(gb, L)])
                for j in range(L):
                    oj = off[j]
                    @pl.when(oj < B)
                    def _(j=j, oj=oj):
                        c0 = pl.multiple_of(
                            lax.shift_left(lax.shift_right_logical(oj, 7), 7),
                            TW)
                        pltpu.sync_copy(
                            obsT_h.at[:, pl.ds(c0, TW)], bufs_v.at[0, 0])
                        _extract_col(bufs_v.at[0, 0], oj & (TW - 1), gb + j)
                return c

            lax.fori_loop(0, n_grp, rfix, jnp.int32(0))

        def rrow(g, c):
            gb = pl.multiple_of(g * L, L)
            rrow_v[0, pl.ds(gb, L)] = rew_v[pl.ds(gb, L)]
            return c

        lax.fori_loop(0, n_grp, rrow, jnp.int32(0))

        pltpu.sync_copy(blk_v, outT_h.at[pl.ds(0, D), pl.ds(base, bpw)])
        pltpu.sync_copy(rrow_v, outT_h.at[pl.ds(D, 1), pl.ds(base, bpw)])

    return k


def kernel(memory_obs, memory_reward, obs, reward, i, sample_indices):
    M, D = memory_obs.shape
    B = obs.shape[0]
    info = plsc.get_sparse_core_info()
    NC, NS, L = info.num_cores, info.num_subcores, info.num_lanes
    memT = memory_obs.T
    obsT = obs.T
    sidx = sample_indices.astype(jnp.int32)
    i_vec = jnp.full((L,), i, dtype=jnp.int32)
    k = _build_sc_kernel(M, D, B, NC, NS, L)
    outT = k(memT, memory_reward, obsT, reward, sidx, i_vec)
    return outT.T

# --- scband reference (transcript-rebuilt; emitter-appended) ---
"""Pipeline reference for scband-base-replay-memory-26774826123655 (READ-ONLY COPY).

The authoritative reference and input builder live on the scoring server;
editing this copy changes nothing except your own understanding.
"""

import jax, jax.numpy as jnp
import numpy as np

MAX_LENGTH = 1000000
OBS_DIM = 64
BATCH = 4096

def setup_inputs(seed: int = 0) -> dict:
    key = jax.random.key(seed)
    k1, k2, k3 = jax.random.split(key, 3)
    # persistent buffers registered in __init__ via _set_tensor (default_value=0 -> zeros)
    memory_obs = jnp.zeros((MAX_LENGTH, OBS_DIM), dtype=jnp.float32)
    memory_reward = jnp.zeros((MAX_LENGTH,), dtype=jnp.float32)
    obs = jax.random.normal(k1, (BATCH, OBS_DIM), dtype=jnp.float32)
    reward = jax.random.normal(k2, (BATCH,), dtype=jnp.float32)
    i = 500000  # current write cursor (self.i % max_length); no-wrap branch
    sample_indices = jax.random.randint(k3, (BATCH,), 0, MAX_LENGTH, dtype=jnp.int64)
    return {"memory_obs": memory_obs, "memory_reward": memory_reward, "obs": obs, "reward": reward, "i": i, "sample_indices": sample_indices}

def reference(memory_obs, memory_reward, obs, reward, i, sample_indices):
    # BaseReplayMemory.store: compute ring-buffer write indices, scatter-overwrite buffers
    B = obs.shape[0]
    M = memory_obs.shape[0]
    indices = (jnp.asarray(i, dtype=jnp.int64) + jnp.arange(B, dtype=jnp.int64)) % M
    mem_obs = memory_obs.at[indices].set(obs)
    mem_rew = memory_reward.at[indices].set(reward)
    # BaseReplayMemory.__getitem__(indices): gather an ExperienceSample from the updated buffers
    sample_obs = jnp.take(mem_obs, sample_indices, axis=0)
    sample_rew = jnp.take(mem_rew, sample_indices, axis=0)
    # pack the sampled experience fields into one array [B, d+1]
    return jnp.concatenate([sample_obs, sample_rew[:, None]], axis=1)

if __name__ == "__main__":
    import jax
    _d = setup_inputs()
    print(jax.jit(kernel)(*tuple(_d.values())))

</pallas_src>

<mosaic_0001>
#map = affine_map<(d0, d1) -> (0, 0)>
#map1 = affine_map<(d0, d1) -> (0)>
module attributes {stable_mosaic.version = 14 : i64} {
  func.func @k(%arg0: i32, %arg1: i32, %arg2: memref<64x1000000xf32, #tpu.memory_space<hbm>>, %arg3: memref<1000000xf32, #tpu.memory_space<hbm>>, %arg4: memref<64x4096xf32, #tpu.memory_space<hbm>>, %arg5: memref<4096xf32, #tpu.memory_space<hbm>>, %arg6: memref<4096xi32, #tpu.memory_space<hbm>>, %arg7: memref<16xi32, #tpu.memory_space<hbm>>, %arg8: memref<65x4096xf32, #tpu.memory_space<hbm>>, %arg9: memref<128xi32, #tpu.memory_space<vmem>>, %arg10: memref<16xi32, #tpu.memory_space<vmem>>, %arg11: memref<128xi32, #tpu.memory_space<vmem>>, %arg12: memref<128xi32, #tpu.memory_space<vmem>>, %arg13: memref<2x4x64x128xf32, #tpu.memory_space<vmem>>, %arg14: memref<64x128xf32, #tpu.memory_space<vmem>>, %arg15: memref<1x128xf32, #tpu.memory_space<vmem>>, %arg16: memref<128xf32, #tpu.memory_space<vmem>>, %arg17: memref<128xf32, #tpu.memory_space<vmem>>, %arg18: memref<!tpu.dma_semaphore, #tpu.memory_space<semaphore_mem>>, %arg19: memref<!tpu.dma_semaphore, #tpu.memory_space<semaphore_mem>>, %arg20: memref<!tpu.dma_semaphore, #tpu.memory_space<semaphore_mem>>, %arg21: memref<!tpu.dma_semaphore, #tpu.memory_space<semaphore_mem>>) attributes {dimension_semantics = [#tpu.dimension_semantics<core_parallel>, #tpu.dimension_semantics<subcore_parallel>], iteration_bounds = array<i64: 2, 16>, scalar_prefetch = 0 : i64, scratch_operands = 13 : i64, tpu.core_type = #tpu.core_type<sc_vector_subcore>, window_params = [{transform_indices = #map}, {transform_indices = #map1}, {transform_indices = #map}, {transform_indices = #map1}, {transform_indices = #map1}, {transform_indices = #map1}, {transform_indices = #map}]} {
    %mul3A = arith.constant 2 : i32
    %mul3A_0 = arith.muli %arg1, %mul3A : i32
    %add3A = arith.addi %mul3A_0, %arg0 : i32
    %mul3A_1 = arith.constant 128 : i32
    %mul3A_2 = arith.muli %add3A, %mul3A_1 : i32
    "tpu.region"() ({
      %run_scoped3A = tpu.sem_alloc : memref<!tpu.dma_semaphore, #tpu.memory_space<semaphore_mem>>
      %dma_start3A_114 = tpu.memref_slice %arg6[%mul3A_2] : memref<4096xi32, #tpu.memory_space<hbm>> -> memref<128xi32, #tpu.memory_space<hbm>>
      %dma_start3A_115 = tpu.memref_slice %arg6[%mul3A_2] : memref<4096xi32, #tpu.memory_space<hbm>> -> memref<128xi32, #tpu.memory_space<hbm>>
      tpu.enqueue_dma source(%dma_start3A_115 : memref<128xi32, #tpu.memory_space<hbm>>) target(%arg9 : memref<128xi32, #tpu.memory_space<vmem>>) target_semaphore(%run_scoped3A : memref<!tpu.dma_semaphore, #tpu.memory_space<semaphore_mem>>)
      %dma_wait3A_116 = tpu.memref_slice %arg6[%mul3A_2] : memref<4096xi32, #tpu.memory_space<hbm>> -> memref<128xi32, #tpu.memory_space<hbm>>
      %dma_wait3A_117 = tpu.memref_slice %arg6[%mul3A_2] : memref<4096xi32, #tpu.memory_space<hbm>> -> memref<128xi32, #tpu.memory_space<hbm>>
      tpu.wait_dma2 semaphore(%run_scoped3A : memref<!tpu.dma_semaphore, #tpu.memory_space<semaphore_mem>>) src(%dma_wait3A_117 : memref<128xi32, #tpu.memory_space<hbm>>) dst(%arg9 : memref<128xi32, #tpu.memory_space<vmem>>)
      tpu.yield
    }) : () -> ()
    "tpu.region"() ({
      %run_scoped3A = tpu.sem_alloc : memref<!tpu.dma_semaphore, #tpu.memory_space<semaphore_mem>>
      tpu.enqueue_dma source(%arg7 : memref<16xi32, #tpu.memory_space<hbm>>) target(%arg10 : memref<16xi32, #tpu.memory_space<vmem>>) target_semaphore(%run_scoped3A : memref<!tpu.dma_semaphore, #tpu.memory_space<semaphore_mem>>)
      tpu.wait_dma2 semaphore(%run_scoped3A : memref<!tpu.dma_semaphore, #tpu.memory_space<semaphore_mem>>) src(%arg7 : memref<16xi32, #tpu.memory_space<hbm>>) dst(%arg10 : memref<16xi32, #tpu.memory_space<vmem>>)
      tpu.yield
    }) : () -> ()
    %dma_start3A = arith.constant 0 : i32
    %dma_start3A_3 = tpu.memref_slice %arg3[%dma_start3A] : memref<1000000xf32, #tpu.memory_space<hbm>> -> memref<1000000xf32, #tpu.memory_space<hbm>>
    tpu.enqueue_indirect_dma source(%dma_start3A_3 : memref<1000000xf32, #tpu.memory_space<hbm>>) target(%arg16 : memref<128xf32, #tpu.memory_space<vmem>>) offsets(%arg9 : memref<128xi32, #tpu.memory_space<vmem>>) semaphore(%arg20 : memref<!tpu.dma_semaphore, #tpu.memory_space<semaphore_mem>>)
    %get3A = arith.constant 0 : index
    %get3A_4 = tpu.vector_load %arg10[%get3A] {strides = array<i32>} : memref<16xi32, #tpu.memory_space<vmem>>, vector<16xi32>,
    %broadcast_in_dim3A = arith.constant 0 : i32
    %broadcast_in_dim3A_5 = vector.broadcast %broadcast_in_dim3A : i32 to vector<16xi32>
    %scan3A = arith.constant 0 : i32
    %scan3A_6 = arith.constant 8 : i32
    %scan3A_7 = arith.addi %scan3A, %scan3A_6 : i32
    %scan3A_8 = arith.constant 1 : i32
    %scan3A_9 = scf.for %scan3A_114 = %scan3A to %scan3A_7 step %scan3A_8 iter_args(%scan3A_115 = %broadcast_in_dim3A_5) -> (vector<16xi32>)  : i32 {
      %mul3A_116 = arith.constant 16 : i32
      %mul3A_117 = arith.muli %scan3A_114, %mul3A_116 : i32
      %multiple_of3A_118 = tpu.assume_multiple %mul3A_117, 16 : i32
      %get3A_119 = arith.index_cast %multiple_of3A_118 : i32 to index
      %get3A_120 = tpu.vector_load %arg9[%get3A_119] {strides = array<i32>} : memref<128xi32, #tpu.memory_space<vmem>>, vector<16xi32>,
      %sub3A = arith.subi %get3A_120, %get3A_4 : vector<16xi32>
      %lt3A = arith.constant 0 : i32
      %lt3A_121 = vector.broadcast %lt3A : i32 to vector<16xi32>
      %lt3A_122 = arith.cmpi slt, %sub3A, %lt3A_121 : vector<16xi32>
      %add3A_123 = arith.constant 1000000 : i32
      %add3A_124 = vector.broadcast %add3A_123 : i32 to vector<16xi32>
      %add3A_125 = arith.addi %sub3A, %add3A_124 : vector<16xi32>
      %select_n3A = arith.select %lt3A_122, %add3A_125, %sub3A : vector<16xi1>, vector<16xi32>
      %lt3A_126 = arith.constant 4096 : i32
      %lt3A_127 = vector.broadcast %lt3A_126 : i32 to vector<16xi32>
      %lt3A_128 = arith.cmpi slt, %select_n3A, %lt3A_127 : vector<16xi32>
      %swap3A = arith.index_cast %multiple_of3A_118 : i32 to index
      %swap3A_129 = tpu.vector_load %arg11[%swap3A] {strides = array<i32>} : memref<128xi32, #tpu.memory_space<vmem>>, vector<16xi32>,
      tpu.vector_store %arg11[%swap3A], %select_n3A {strides = array<i32>} : memref<128xi32, #tpu.memory_space<vmem>>, vector<16xi32>,
      %jit3A = arith.constant 0 : i32
      %broadcast_in_dim3A_130 = vector.broadcast %jit3A : i32 to vector<16xi32>
      %select_n3A_131 = arith.select %lt3A_128, %select_n3A, %broadcast_in_dim3A_130 : vector<16xi1>, vector<16xi32>
      %swap3A_132 = arith.index_cast %multiple_of3A_118 : i32 to index
      %swap3A_133 = tpu.vector_load %arg12[%swap3A_132] {strides = array<i32>} : memref<128xi32, #tpu.memory_space<vmem>>, vector<16xi32>,
      tpu.vector_store %arg12[%swap3A_132], %select_n3A_131 {strides = array<i32>} : memref<128xi32, #tpu.memory_space<vmem>>, vector<16xi32>,
      %all_reduce_population_count3A = tpu.all_reduce %lt3A_128 {dim = 0 : i64, kind = #tpu.reduction_kind<sum>} : vector<16xi1> -> vector<16xi32>
      %add3A_134 = arith.addi %scan3A_115, %all_reduce_population_count3A : vector<16xi32>
      scf.yield %add3A_134 : vector<16xi32>
    }
    %scan3A_10 = arith.constant 8 : i32
    %iota3A = tpu.iota {dimensions = array<i32: 0>} : vector<16xi32>
    %mul3A_11 = arith.constant 0 : i32
    %mul3A_12 = arith.constant 4 : i32
    %mul3A_13 = arith.muli %mul3A_11, %mul3A_12 : i32
    %add3A_14 = vector.broadcast %mul3A_13 : i32 to vector<16xi32>
    %add3A_15 = arith.addi %add3A_14, %iota3A : vector<16xi32>
    %min3A = arith.constant 127 : i32
    %min3A_16 = vector.broadcast %min3A : i32 to vector<16xi32>
    %min3A_17 = arith.minsi %add3A_15, %min3A_16 : vector<16xi32>
    %gather3A = tpu.vector_load_idx %arg9[%min3A_17] : memref<128xi32, #tpu.memory_space<vmem>>[vector<16xi32>], vector<16xi32>,
    %slice3A = vector.extract_strided_slice %gather3A {offsets = [0], sizes = [1], strides = [1]} : vector<16xi32> to vector<1xi32>
    %squeeze3A = vector.extract %slice3A[0] : i32 from vector<1xi32>
    %shift_right_logical3A = arith.constant 7 : i32
    %shift_right_logical3A_18 = arith.shrui %squeeze3A, %shift_right_logical3A : i32
    %shift_left3A = arith.constant 7 : i32
    %shift_left3A_19 = arith.shli %shift_right_logical3A_18, %shift_left3A : i32
    %multiple_of3A = tpu.assume_multiple %shift_left3A_19, 128 : i32
    %dma_start3A_20 = arith.constant 0 : i32
    %dma_start3A_21 = arith.constant 0 : i32
    %dma_start3A_22 = arith.constant 0 : i32
    %dma_start3A_23 = arith.constant 0 : i32
    %dma_start3A_24 = tpu.memref_slice %arg13[%dma_start3A_20, %dma_start3A_21, %dma_start3A_22, %dma_start3A_23] : memref<2x4x64x128xf32, #tpu.memory_space<vmem>> -> memref<1x1x64x128xf32, #tpu.memory_space<vmem>>
    %dma_start3A_25 = tpu.memref_squeeze %dma_start3A_24 : memref<1x1x64x128xf32, #tpu.memory_space<vmem>> -> memref<64x128xf32, #tpu.memory_space<vmem>>
    %dma_start3A_26 = arith.constant 0 : i32
    %dma_start3A_27 = tpu.memref_slice %arg2[%dma_start3A_26, %multiple_of3A] : memref<64x1000000xf32, #tpu.memory_space<hbm>> -> memref<64x128xf32, #tpu.memory_space<hbm>>
    %dma_start3A_28 = arith.constant 0 : i32
    %dma_start3A_29 = arith.constant 0 : i32
    %dma_start3A_30 = tpu.memref_slice %arg13[%dma_start3A_20, %dma_start3A_21, %dma_start3A_28, %dma_start3A_29] : memref<2x4x64x128xf32, #tpu.memory_space<vmem>> -> memref<1x1x64x128xf32, #tpu.memory_space<vmem>>
    %dma_start3A_31 = tpu.memref_squeeze %dma_start3A_30 : memref<1x1x64x128xf32, #tpu.memory_space<vmem>> -> memref<64x128xf32, #tpu.memory_space<vmem>>
    %dma_start3A_32 = arith.constant 0 : i32
    %dma_start3A_33 = tpu.memref_slice %arg2[%dma_start3A_32, %multiple_of3A] : memref<64x1000000xf32, #tpu.memory_space<hbm>> -> memref<64x128xf32, #tpu.memory_space<hbm>>
    tpu.enqueue_dma source(%dma_start3A_33 : memref<64x128xf32, #tpu.memory_space<hbm>>) target(%dma_start3A_31 : memref<64x128xf32, #tpu.memory_space<vmem>>) target_semaphore(%arg18 : memref<!tpu.dma_semaphore, #tpu.memory_space<semaphore_mem>>)
    %slice3A_34 = vector.extract_strided_slice %gather3A {offsets = [1], sizes = [1], strides = [1]} : vector<16xi32> to vector<1xi32>
    %squeeze3A_35 = vector.extract %slice3A_34[0] : i32 from vector<1xi32>
    %shift_right_logical3A_36 = arith.constant 7 : i32
    %shift_right_logical3A_37 = arith.shrui %squeeze3A_35, %shift_right_logical3A_36 : i32
    %shift_left3A_38 = arith.constant 7 : i32
    %shift_left3A_39 = arith.shli %shift_right_logical3A_37, %shift_left3A_38 : i32
    %multiple_of3A_40 = tpu.assume_multiple %shift_left3A_39, 128 : i32
    %dma_start3A_41 = arith.constant 0 : i32
    %dma_start3A_42 = arith.constant 1 : i32
    %dma_start3A_43 = arith.constant 0 : i32
    %dma_start3A_44 = arith.constant 0 : i32
    %dma_start3A_45 = tpu.memref_slice %arg13[%dma_start3A_41, %dma_start3A_42, %dma_start3A_43, %dma_start3A_44] : memref<2x4x64x128xf32, #tpu.memory_space<vmem>> -> memref<1x1x64x128xf32, #tpu.memory_space<vmem>>
    %dma_start3A_46 = tpu.memref_squeeze %dma_start3A_45 : memref<1x1x64x128xf32, #tpu.memory_space<vmem>> -> memref<64x128xf32, #tpu.memory_space<vmem>>
    %dma_start3A_47 = arith.constant 0 : i32
    %dma_start3A_48 = tpu.memref_slice %arg2[%dma_start3A_47, %multiple_of3A_40] : memref<64x1000000xf32, #tpu.memory_space<hbm>> -> memref<64x128xf32, #tpu.memory_space<hbm>>
    %dma_start3A_49 = arith.constant 0 : i32
    %dma_start3A_50 = arith.constant 0 : i32
    %dma_start3A_51 = tpu.memref_slice %arg13[%dma_start3A_41, %dma_start3A_42, %dma_start3A_49, %dma_start3A_50] : memref<2x4x64x128xf32, #tpu.memory_space<vmem>> -> memref<1x1x64x128xf32, #tpu.memory_space<vmem>>
    %dma_start3A_52 = tpu.memref_squeeze %dma_start3A_51 : memref<1x1x64x128xf32, #tpu.memory_space<vmem>> -> memref<64x128xf32, #tpu.memory_space<vmem>>
    %dma_start3A_53 = arith.constant 0 : i32
    %dma_start3A_54 = tpu.memref_slice %arg2[%dma_start3A_53, %multiple_of3A_40] : memref<64x1000000xf32, #tpu.memory_space<hbm>> -> memref<64x128xf32, #tpu.memory_space<hbm>>
    tpu.enqueue_dma source(%dma_start3A_54 : memref<64x128xf32, #tpu.memory_space<hbm>>) target(%dma_start3A_52 : memref<64x128xf32, #tpu.memory_space<vmem>>) target_semaphore(%arg18 : memref<!tpu.dma_semaphore, #tpu.memory_space<semaphore_mem>>)
    %slice3A_55 = vector.extract_strided_slice %gather3A {offsets = [2], sizes = [1], strides = [1]} : vector<16xi32> to vector<1xi32>
    %squeeze3A_56 = vector.extract %slice3A_55[0] : i32 from vector<1xi32>
    %shift_right_logical3A_57 = arith.constant 7 : i32
    %shift_right_logical3A_58 = arith.shrui %squeeze3A_56, %shift_right_logical3A_57 : i32
    %shift_left3A_59 = arith.constant 7 : i32
    %shift_left3A_60 = arith.shli %shift_right_logical3A_58, %shift_left3A_59 : i32
    %multiple_of3A_61 = tpu.assume_multiple %shift_left3A_60, 128 : i32
    %dma_start3A_62 = arith.constant 0 : i32
    %dma_start3A_63 = arith.constant 2 : i32
    %dma_start3A_64 = arith.constant 0 : i32
    %dma_start3A_65 = arith.constant 0 : i32
    %dma_start3A_66 = tpu.memref_slice %arg13[%dma_start3A_62, %dma_start3A_63, %dma_start3A_64, %dma_start3A_65] : memref<2x4x64x128xf32, #tpu.memory_space<vmem>> -> memref<1x1x64x128xf32, #tpu.memory_space<vmem>>
    %dma_start3A_67 = tpu.memref_squeeze %dma_start3A_66 : memref<1x1x64x128xf32, #tpu.memory_space<vmem>> -> memref<64x128xf32, #tpu.memory_space<vmem>>
    %dma_start3A_68 = arith.constant 0 : i32
    %dma_start3A_69 = tpu.memref_slice %arg2[%dma_start3A_68, %multiple_of3A_61] : memref<64x1000000xf32, #tpu.memory_space<hbm>> -> memref<64x128xf32, #tpu.memory_space<hbm>>
    %dma_start3A_70 = arith.constant 0 : i32
    %dma_start3A_71 = arith.constant 0 : i32
    %dma_start3A_72 = tpu.memref_slice %arg13[%dma_start3A_62, %dma_start3A_63, %dma_start3A_70, %dma_start3A_71] : memref<2x4x64x128xf32, #tpu.memory_space<vmem>> -> memref<1x1x64x128xf32, #tpu.memory_space<vmem>>
    %dma_start3A_73 = tpu.memref_squeeze %dma_start3A_72 : memref<1x1x64x128xf32, #tpu.memory_space<vmem>> -> memref<64x128xf32, #tpu.memory_space<vmem>>
    %dma_start3A_74 = arith.constant 0 : i32
    %dma_start3A_75 = tpu.memref_slice %arg2[%dma_start3A_74, %multiple_of3A_61] : memref<64x1000000xf32, #tpu.memory_space<hbm>> -> memref<64x128xf32, #tpu.memory_space<hbm>>
    tpu.enqueue_dma source(%dma_start3A_75 : memref<64x128xf32, #tpu.memory_space<hbm>>) target(%dma_start3A_73 : memref<64x128xf32, #tpu.memory_space<vmem>>) target_semaphore(%arg18 : memref<!tpu.dma_semaphore, #tpu.memory_space<semaphore_mem>>)
    %slice3A_76 = vector.extract_strided_slice %gather3A {offsets = [3], sizes = [1], strides = [1]} : vector<16xi32> to vector<1xi32>
    %squeeze3A_77 = vector.extract %slice3A_76[0] : i32 from vector<1xi32>
    %shift_right_logical3A_78 = arith.constant 7 : i32
    %shift_right_logical3A_79 = arith.shrui %squeeze3A_77, %shift_right_logical3A_78 : i32
    %shift_left3A_80 = arith.constant 7 : i32
    %shift_left3A_81 = arith.shli %shift_right_logical3A_79, %shift_left3A_80 : i32
    %multiple_of3A_82 = tpu.assume_multiple %shift_left3A_81, 128 : i32
    %dma_start3A_83 = arith.constant 0 : i32
    %dma_start3A_84 = arith.constant 3 : i32
    %dma_start3A_85 = arith.constant 0 : i32
    %dma_start3A_86 = arith.constant 0 : i32
    %dma_start3A_87 = tpu.memref_slice %arg13[%dma_start3A_83, %dma_start3A_84, %dma_start3A_85, %dma_start3A_86] : memref<2x4x64x128xf32, #tpu.memory_space<vmem>> -> memref<1x1x64x128xf32, #tpu.memory_space<vmem>>
    %dma_start3A_88 = tpu.memref_squeeze %dma_start3A_87 : memref<1x1x64x128xf32, #tpu.memory_space<vmem>> -> memref<64x128xf32, #tpu.memory_space<vmem>>
    %dma_start3A_89 = arith.constant 0 : i32
    %dma_start3A_90 = tpu.memref_slice %arg2[%dma_start3A_89, %multiple_of3A_82] : memref<64x1000000xf32, #tpu.memory_space<hbm>> -> memref<64x128xf32, #tpu.memory_space<hbm>>
    %dma_start3A_91 = arith.constant 0 : i32
    %dma_start3A_92 = arith.constant 0 : i32
    %dma_start3A_93 = tpu.memref_slice %arg13[%dma_start3A_83, %dma_start3A_84, %dma_start3A_91, %dma_start3A_92] : memref<2x4x64x128xf32, #tpu.memory_space<vmem>> -> memref<1x1x64x128xf32, #tpu.memory_space<vmem>>
    %dma_start3A_94 = tpu.memref_squeeze %dma_start3A_93 : memref<1x1x64x128xf32, #tpu.memory_space<vmem>> -> memref<64x128xf32, #tpu.memory_space<vmem>>
    %dma_start3A_95 = arith.constant 0 : i32
    %dma_start3A_96 = tpu.memref_slice %arg2[%dma_start3A_95, %multiple_of3A_82] : memref<64x1000000xf32, #tpu.memory_space<hbm>> -> memref<64x128xf32, #tpu.memory_space<hbm>>
    tpu.enqueue_dma source(%dma_start3A_96 : memref<64x128xf32, #tpu.memory_space<hbm>>) target(%dma_start3A_94 : memref<64x128xf32, #tpu.memory_space<vmem>>) target_semaphore(%arg18 : memref<!tpu.dma_semaphore, #tpu.memory_space<semaphore_mem>>)
    %scan3A_97 = arith.constant 0 : i32
    %scan3A_98 = arith.constant 0 : i32
    %scan3A_99 = arith.constant 16 : i32
    %scan3A_100 = arith.addi %scan3A_98, %scan3A_99 : i32
    %scan3A_101 = arith.constant 1 : i32
    scf.for %scan3A_114 = %scan3A_98 to %scan3A_100 step %scan3A_101  : i32 {
      %mul3A_115 = arith.constant 2 : i32
      %mul3A_116 = arith.muli %scan3A_114, %mul3A_115 : i32
      %add3A_117 = arith.constant 1 : i32
      %add3A_118 = arith.addi %mul3A_116, %add3A_117 : i32
      %mul3A_119 = arith.constant 4 : i32
      %mul3A_120 = arith.muli %add3A_118, %mul3A_119 : i32
      %add3A_121 = vector.broadcast %mul3A_120 : i32 to vector<16xi32>
      %add3A_122 = arith.addi %add3A_121, %iota3A : vector<16xi32>
      %min3A_123 = arith.constant 127 : i32
      %min3A_124 = vector.broadcast %min3A_123 : i32 to vector<16xi32>
      %min3A_125 = arith.minsi %add3A_122, %min3A_124 : vector<16xi32>
      %gather3A_126 = tpu.vector_load_idx %arg9[%min3A_125] : memref<128xi32, #tpu.memory_space<vmem>>[vector<16xi32>], vector<16xi32>,
      %slice3A_127 = vector.extract_strided_slice %gather3A_126 {offsets = [0], sizes = [1], strides = [1]} : vector<16xi32> to vector<1xi32>
      %squeeze3A_128 = vector.extract %slice3A_127[0] : i32 from vector<1xi32>
      %shift_right_logical3A_129 = arith.constant 7 : i32
      %shift_right_logical3A_130 = arith.shrui %squeeze3A_128, %shift_right_logical3A_129 : i32
      %shift_left3A_131 = arith.constant 7 : i32
      %shift_left3A_132 = arith.shli %shift_right_logical3A_130, %shift_left3A_131 : i32
      %multiple_of3A_133 = tpu.assume_multiple %shift_left3A_132, 128 : i32
      %dma_start3A_134 = arith.constant 1 : i32
      %dma_start3A_135 = arith.constant 0 : i32
      %dma_start3A_136 = arith.constant 0 : i32
      %dma_start3A_137 = arith.constant 0 : i32
      %dma_start3A_138 = tpu.memref_slice %arg13[%dma_start3A_134, %dma_start3A_135, %dma_start3A_136, %dma_start3A_137] : memref<2x4x64x128xf32, #tpu.memory_space<vmem>> -> memref<1x1x64x128xf32, #tpu.memory_space<vmem>>
      %dma_start3A_139 = tpu.memref_squeeze %dma_start3A_138 : memref<1x1x64x128xf32, #tpu.memory_space<vmem>> -> memref<64x128xf32, #tpu.memory_space<vmem>>
      %dma_start3A_140 = arith.constant 0 : i32
      %dma_start3A_141 = tpu.memref_slice %arg2[%dma_start3A_140, %multiple_of3A_133] : memref<64x1000000xf32, #tpu.memory_space<hbm>> -> memref<64x128xf32, #tpu.memory_space<hbm>>
      %dma_start3A_142 = arith.constant 0 : i32
      %dma_start3A_143 = arith.constant 0 : i32
      %dma_start3A_144 = tpu.memref_slice %arg13[%dma_start3A_134, %dma_start3A_135, %dma_start3A_142, %dma_start3A_143] : memref<2x4x64x128xf32, #tpu.memory_space<vmem>> -> memref<1x1x64x128xf32, #tpu.memory_space<vmem>>
      %dma_start3A_145 = tpu.memref_squeeze %dma_start3A_144 : memref<1x1x64x128xf32, #tpu.memory_space<vmem>> -> memref<64x128xf32, #tpu.memory_space<vmem>>
      %dma_start3A_146 = arith.constant 0 : i32
      %dma_start3A_147 = tpu.memref_slice %arg2[%dma_start3A_146, %multiple_of3A_133] : memref<64x1000000xf32, #tpu.memory_space<hbm>> -> memref<64x128xf32, #tpu.memory_space<hbm>>
      tpu.enqueue_dma source(%dma_start3A_147 : memref<64x128xf32, #tpu.memory_space<hbm>>) target(%dma_start3A_145 : memref<64x128xf32, #tpu.memory_space<vmem>>) target_semaphore(%arg19 : memref<!tpu.dma_semaphore, #tpu.memory_space<semaphore_mem>>)
      %slice3A_148 = vector.extract_strided_slice %gather3A_126 {offsets = [1], sizes = [1], strides = [1]} : vector<16xi32> to vector<1xi32>
      %squeeze3A_149 = vector.extract %slice3A_148[0] : i32 from vector<1xi32>
      %shift_right_logical3A_150 = arith.constant 7 : i32
      %shift_right_logical3A_151 = arith.shrui %squeeze3A_149, %shift_right_logical3A_150 : i32
      %shift_left3A_152 = arith.constant 7 : i32
      %shift_left3A_153 = arith.shli %shift_right_logical3A_151, %shift_left3A_152 : i32
      %multiple_of3A_154 = tpu.assume_multiple %shift_left3A_153, 128 : i32
      %dma_start3A_155 = arith.constant 1 : i32
      %dma_start3A_156 = arith.constant 1 : i32
      %dma_start3A_157 = arith.constant 0 : i32
      %dma_start3A_158 = arith.constant 0 : i32
      %dma_start3A_159 = tpu.memref_slice %arg13[%dma_start3A_155, %dma_start3A_156, %dma_start3A_157, %dma_start3A_158] : memref<2x4x64x128xf32, #tpu.memory_space<vmem>> -> memref<1x1x64x128xf32, #tpu.memory_space<vmem>>
      %dma_start3A_160 = tpu.memref_squeeze %dma_start3A_159 : memref<1x1x64x128xf32, #tpu.memory_space<vmem>> -> memref<64x128xf32, #tpu.memory_space<vmem>>
      %dma_start3A_161 = arith.constant 0 : i32
      %dma_start3A_162 = tpu.memref_slice %arg2[%dma_start3A_161, %multiple_of3A_154] : memref<64x1000000xf32, #tpu.memory_space<hbm>> -> memref<64x128xf32, #tpu.memory_space<hbm>>
      %dma_start3A_163 = arith.constant 0 : i32
      %dma_start3A_164 = arith.constant 0 : i32
      %dma_start3A_165 = tpu.memref_slice %arg13[%dma_start3A_155, %dma_start3A_156, %dma_start3A_163, %dma_start3A_164] : memref<2x4x64x128xf32, #tpu.memory_space<vmem>> -> memref<1x1x64x128xf32, #tpu.memory_space<vmem>>
      %dma_start3A_166 = tpu.memref_squeeze %dma_start3A_165 : memref<1x1x64x128xf32, #tpu.memory_space<vmem>> -> memref<64x128xf32, #tpu.memory_space<vmem>>
      %dma_start3A_167 = arith.constant 0 : i32
      %dma_start3A_168 = tpu.memref_slice %arg2[%dma_start3A_167, %multiple_of3A_154] : memref<64x1000000xf32, #tpu.memory_space<hbm>> -> memref<64x128xf32, #tpu.memory_space<hbm>>
      tpu.enqueue_dma source(%dma_start3A_168 : memref<64x128xf32, #tpu.memory_space<hbm>>) target(%dma_start3A_166 : memref<64x128xf32, #tpu.memory_space<vmem>>) target_semaphore(%arg19 : memref<!tpu.dma_semaphore, #tpu.memory_space<semaphore_mem>>)
      %slice3A_169 = vector.extract_strided_slice %gather3A_126 {offsets = [2], sizes = [1], strides = [1]} : vector<16xi32> to vector<1xi32>
      %squeeze3A_170 = vector.extract %slice3A_169[0] : i32 from vector<1xi32>
      %shift_right_logical3A_171 = arith.constant 7 : i32
      %shift_right_logical3A_172 = arith.shrui %squeeze3A_170, %shift_right_logical3A_171 : i32
      %shift_left3A_173 = arith.constant 7 : i32
      %shift_left3A_174 = arith.shli %shift_right_logical3A_172, %shift_left3A_173 : i32
      %multiple_of3A_175 = tpu.assume_multiple %shift_left3A_174, 128 : i32
      %dma_start3A_176 = arith.constant 1 : i32
      %dma_start3A_177 = arith.constant 2 : i32
      %dma_start3A_178 = arith.constant 0 : i32
      %dma_start3A_179 = arith.constant 0 : i32
      %dma_start3A_180 = tpu.memref_slice %arg13[%dma_start3A_176, %dma_start3A_177, %dma_start3A_178, %dma_start3A_179] : memref<2x4x64x128xf32, #tpu.memory_space<vmem>> -> memref<1x1x64x128xf32, #tpu.memory_space<vmem>>
      %dma_start3A_181 = tpu.memref_squeeze %dma_start3A_180 : memref<1x1x64x128xf32, #tpu.memory_space<vmem>> -> memref<64x128xf32, #tpu.memory_space<vmem>>
      %dma_start3A_182 = arith.constant 0 : i32
      %dma_start3A_183 = tpu.memref_slice %arg2[%dma_start3A_182, %multiple_of3A_175] : memref<64x1000000xf32, #tpu.memory_space<hbm>> -> memref<64x128xf32, #tpu.memory_space<hbm>>
      %dma_start3A_184 = arith.constant 0 : i32
      %dma_start3A_185 = arith.constant 0 : i32
      %dma_start3A_186 = tpu.memref_slice %arg13[%dma_start3A_176, %dma_start3A_177, %dma_start3A_184, %dma_start3A_185] : memref<2x4x64x128xf32, #tpu.memory_space<vmem>> -> memref<1x1x64x128xf32, #tpu.memory_space<vmem>>
      %dma_start3A_187 = tpu.memref_squeeze %dma_start3A_186 : memref<1x1x64x128xf32, #tpu.memory_space<vmem>> -> memref<64x128xf32, #tpu.memory_space<vmem>>
      %dma_start3A_188 = arith.constant 0 : i32
      %dma_start3A_189 = tpu.memref_slice %arg2[%dma_start3A_188, %multiple_of3A_175] : memref<64x1000000xf32, #tpu.memory_space<hbm>> -> memref<64x128xf32, #tpu.memory_space<hbm>>
      tpu.enqueue_dma source(%dma_start3A_189 : memref<64x128xf32, #tpu.memory_space<hbm>>) target(%dma_start3A_187 : memref<64x128xf32, #tpu.memory_space<vmem>>) target_semaphore(%arg19 : memref<!tpu.dma_semaphore, #tpu.memory_space<semaphore_mem>>)
      %slice3A_190 = vector.extract_strided_slice %gather3A_126 {offsets = [3], sizes = [1], strides = [1]} : vector<16xi32> to vector<1xi32>
      %squeeze3A_191 = vector.extract %slice3A_190[0] : i32 from vector<1xi32>
      %shift_right_logical3A_192 = arith.constant 7 : i32
      %shift_right_logical3A_193 = arith.shrui %squeeze3A_191, %shift_right_logical3A_192 : i32
      %shift_left3A_194 = arith.constant 7 : i32
      %shift_left3A_195 = arith.shli %shift_right_logical3A_193, %shift_left3A_194 : i32
      %multiple_of3A_196 = tpu.assume_multiple %shift_left3A_195, 128 : i32
      %dma_start3A_197 = arith.constant 1 : i32
      %dma_start3A_198 = arith.constant 3 : i32
      %dma_start3A_199 = arith.constant 0 : i32
      %dma_start3A_200 = arith.constant 0 : i32
      %dma_start3A_201 = tpu.memref_slice %arg13[%dma_start3A_197, %dma_start3A_198, %dma_start3A_199, %dma_start3A_200] : memref<2x4x64x128xf32, #tpu.memory_space<vmem>> -> memref<1x1x64x128xf32, #tpu.memory_space<vmem>>
      %dma_start3A_202 = tpu.memref_squeeze %dma_start3A_201 : memref<1x1x64x128xf32, #tpu.memory_space<vmem>> -> memref<64x128xf32, #tpu.memory_space<vmem>>
      %dma_start3A_203 = arith.constant 0 : i32
      %dma_start3A_204 = tpu.memref_slice %arg2[%dma_start3A_203, %multiple_of3A_196] : memref<64x1000000xf32, #tpu.memory_space<hbm>> -> memref<64x128xf32, #tpu.memory_space<hbm>>
      %dma_start3A_205 = arith.constant 0 : i32
      %dma_start3A_206 = arith.constant 0 : i32
      %dma_start3A_207 = tpu.memref_slice %arg13[%dma_start3A_197, %dma_start3A_198, %dma_start3A_205, %dma_start3A_206] : memref<2x4x64x128xf32, #tpu.memory_space<vmem>> -> memref<1x1x64x128xf32, #tpu.memory_space<vmem>>
      %dma_start3A_208 = tpu.memref_squeeze %dma_start3A_207 : memref<1x1x64x128xf32, #tpu.memory_space<vmem>> -> memref<64x128xf32, #tpu.memory_space<vmem>>
      %dma_start3A_209 = arith.constant 0 : i32
      %dma_start3A_210 = tpu.memref_slice %arg2[%dma_start3A_209, %multiple_of3A_196] : memref<64x1000000xf32, #tpu.memory_space<hbm>> -> memref<64x128xf32, #tpu.memory_space<hbm>>
      tpu.enqueue_dma source(%dma_start3A_210 : memref<64x128xf32, #tpu.memory_space<hbm>>) target(%dma_start3A_208 : memref<64x128xf32, #tpu.memory_space<vmem>>) target_semaphore(%arg19 : memref<!tpu.dma_semaphore, #tpu.memory_space<semaphore_mem>>)
      %dma_wait3A_211 = arith.constant 0 : i32
      %dma_wait3A_212 = arith.constant 0 : i32
      %dma_wait3A_213 = arith.constant 0 : i32
      %dma_wait3A_214 = arith.constant 0 : i32
      %dma_wait3A_215 = tpu.memref_slice %arg13[%dma_wait3A_211, %dma_wait3A_212, %dma_wait3A_213, %dma_wait3A_214] : memref<2x4x64x128xf32, #tpu.memory_space<vmem>> -> memref<1x1x64x128xf32, #tpu.memory_space<vmem>>
      %dma_wait3A_216 = tpu.memref_squeeze %dma_wait3A_215 : memref<1x1x64x128xf32, #tpu.memory_space<vmem>> -> memref<64x128xf32, #tpu.memory_space<vmem>>
      %dma_wait3A_217 = arith.constant 0 : i32
      %dma_wait3A_218 = arith.constant 0 : i32
      %dma_wait3A_219 = tpu.memref_slice %arg2[%dma_wait3A_217, %dma_wait3A_218] : memref<64x1000000xf32, #tpu.memory_space<hbm>> -> memref<64x128xf32, #tpu.memory_space<hbm>>
      %dma_wait3A_220 = arith.constant 0 : i32
      %dma_wait3A_221 = arith.constant 0 : i32
      %dma_wait3A_222 = tpu.memref_slice %arg13[%dma_wait3A_211, %dma_wait3A_212, %dma_wait3A_220, %dma_wait3A_221] : memref<2x4x64x128xf32, #tpu.memory_space<vmem>> -> memref<1x1x64x128xf32, #tpu.memory_space<vmem>>
      %dma_wait3A_223 = tpu.memref_squeeze %dma_wait3A_222 : memref<1x1x64x128xf32, #tpu.memory_space<vmem>> -> memref<64x128xf32, #tpu.memory_space<vmem>>
      %dma_wait3A_224 = arith.constant 0 : i32
      %dma_wait3A_225 = arith.constant 0 : i32
      %dma_wait3A_226 = tpu.memref_slice %arg2[%dma_wait3A_224, %dma_wait3A_225] : memref<64x1000000xf32, #tpu.memory_space<hbm>> -> memref<64x128xf32, #tpu.memory_space<hbm>>
      tpu.wait_dma2 semaphore(%arg18 : memref<!tpu.dma_semaphore, #tpu.memory_space<semaphore_mem>>) src(%dma_wait3A_226 : memref<64x128xf32, #tpu.memory_space<hbm>>) dst(%dma_wait3A_223 : memref<64x128xf32, #tpu.memory_space<vmem>>)
      %dma_wait3A_227 = arith.constant 0 : i32
      %dma_wait3A_228 = arith.constant 1 : i32
      %dma_wait3A_229 = arith.constant 0 : i32
      %dma_wait3A_230 = arith.constant 0 : i32
      %dma_wait3A_231 = tpu.memref_slice %arg13[%dma_wait3A_227, %dma_wait3A_228, %dma_wait3A_229, %dma_wait3A_230] : memref<2x4x64x128xf32, #tpu.memory_space<vmem>> -> memref<1x1x64x128xf32, #tpu.memory_space<vmem>>
      %dma_wait3A_232 = tpu.memref_squeeze %dma_wait3A_231 : memref<1x1x64x128xf32, #tpu.memory_space<vmem>> -> memref<64x128xf32, #tpu.memory_space<vmem>>
      %dma_wait3A_233 = arith.constant 0 : i32
      %dma_wait3A_234 = arith.constant 0 : i32
      %dma_wait3A_235 = tpu.memref_slice %arg2[%dma_wait3A_233, %dma_wait3A_234] : memref<64x1000000xf32, #tpu.memory_space<hbm>> -> memref<64x128xf32, #tpu.memory_space<hbm>>
      %dma_wait3A_236 = arith.constant 0 : i32
      %dma_wait3A_237 = arith.constant 0 : i32
      %dma_wait3A_238 = tpu.memref_slice %arg13[%dma_wait3A_227, %dma_wait3A_228, %dma_wait3A_236, %dma_wait3A_237] : memref<2x4x64x128xf32, #tpu.memory_space<vmem>> -> memref<1x1x64x128xf32, #tpu.memory_space<vmem>>
      %dma_wait3A_239 = tpu.memref_squeeze %dma_wait3A_238 : memref<1x1x64x128xf32, #tpu.memory_space<vmem>> -> memref<64x128xf32, #tpu.memory_space<vmem>>
      %dma_wait3A_240 = arith.constant 0 : i32
      %dma_wait3A_241 = arith.constant 0 : i32
      %dma_wait3A_242 = tpu.memref_slice %arg2[%dma_wait3A_240, %dma_wait3A_241] : memref<64x1000000xf32, #tpu.memory_space<hbm>> -> memref<64x128xf32, #tpu.memory_space<hbm>>
      tpu.wait_dma2 semaphore(%arg18 : memref<!tpu.dma_semaphore, #tpu.memory_space<semaphore_mem>>) src(%dma_wait3A_242 : memref<64x128xf32, #tpu.memory_space<hbm>>) dst(%dma_wait3A_239 : memref<64x128xf32, #tpu.memory_space<vmem>>)
      %dma_wait3A_243 = arith.constant 0 : i32
      %dma_wait3A_244 = arith.constant 2 : i32
      %dma_wait3A_245 = arith.constant 0 : i32
      %dma_wait3A_246 = arith.constant 0 : i32
      %dma_wait3A_247 = tpu.memref_slice %arg13[%dma_wait3A_243, %dma_wait3A_244, %dma_wait3A_245, %dma_wait3A_246] : memref<2x4x64x128xf32, #tpu.memory_space<vmem>> -> memref<1x1x64x128xf32, #tpu.memory_space<vmem>>
      %dma_wait3A_248 = tpu.memref_squeeze %dma_wait3A_247 : memref<1x1x64x128xf32, #tpu.memory_space<vmem>> -> memref<64x128xf32, #tpu.memory_space<vmem>>
      %dma_wait3A_249 = arith.constant 0 : i32
      %dma_wait3A_250 = arith.constant 0 : i32
      %dma_wait3A_251 = tpu.memref_slice %arg2[%dma_wait3A_249, %dma_wait3A_250] : memref<64x1000000xf32, #tpu.memory_space<hbm>> -> memref<64x128xf32, #tpu.memory_space<hbm>>
      %dma_wait3A_252 = arith.constant 0 : i32
      %dma_wait3A_253 = arith.constant 0 : i32
      %dma_wait3A_254 = tpu.memref_slice %arg13[%dma_wait3A_243, %dma_wait3A_244, %dma_wait3A_252, %dma_wait3A_253] : memref<2x4x64x128xf32, #tpu.memory_space<vmem>> -> memref<1x1x64x128xf32, #tpu.memory_space<vmem>>
      %dma_wait3A_255 = tpu.memref_squeeze %dma_wait3A_254 : memref<1x1x64x128xf32, #tpu.memory_space<vmem>> -> memref<64x128xf32, #tpu.memory_space<vmem>>
      %dma_wait3A_256 = arith.constant 0 : i32
      %dma_wait3A_257 = arith.constant 0 : i32
      %dma_wait3A_258 = tpu.memref_slice %arg2[%dma_wait3A_256, %dma_wait3A_257] : memref<64x1000000xf32, #tpu.memory_space<hbm>> -> memref<64x128xf32, #tpu.memory_space<hbm>>
      tpu.wait_dma2 semaphore(%arg18 : memref<!tpu.dma_semaphore, #tpu.memory_space<semaphore_mem>>) src(%dma_wait3A_258 : memref<64x128xf32, #tpu.memory_space<hbm>>) dst(%dma_wait3A_255 : memref<64x128xf32, #tpu.memory_space<vmem>>)
      %dma_wait3A_259 = arith.constant 0 : i32
      %dma_wait3A_260 = arith.constant 3 : i32
      %dma_wait3A_261 = arith.constant 0 : i32
      %dma_wait3A_262 = arith.constant 0 : i32
      %dma_wait3A_263 = tpu.memref_slice %arg13[%dma_wait3A_259, %dma_wait3A_260, %dma_wait3A_261, %dma_wait3A_262] : memref<2x4x64x128xf32, #tpu.memory_space<vmem>> -> memref<1x1x64x128xf32, #tpu.memory_space<vmem>>
      %dma_wait3A_264 = tpu.memref_squeeze %dma_wait3A_263 : memref<1x1x64x128xf32, #tpu.memory_space<vmem>> -> memref<64x128xf32, #tpu.memory_space<vmem>>
      %dma_wait3A_265 = arith.constant 0 : i32
      %dma_wait3A_266 = arith.constant 0 : i32
      %dma_wait3A_267 = tpu.memref_slice %arg2[%dma_wait3A_265, %dma_wait3A_266] : memref<64x1000000xf32, #tpu.memory_space<hbm>> -> memref<64x128xf32, #tpu.memory_space<hbm>>
      %dma_wait3A_268 = arith.constant 0 : i32
      %dma_wait3A_269 = arith.constant 0 : i32
      %dma_wait3A_270 = tpu.memref_slice %arg13[%dma_wait3A_259, %dma_wait3A_260, %dma_wait3A_268, %dma_wait3A_269] : memref<2x4x64x128xf32, #tpu.memory_space<vmem>> -> memref<1x1x64x128xf32, #tpu.memory_space<vmem>>
      %dma_wait3A_271 = tpu.memref_squeeze %dma_wait3A_270 : memref<1x1x64x128xf32, #tpu.memory_space<vmem>> -> memref<64x128xf32, #tpu.memory_space<vmem>>
      %dma_wait3A_272 = arith.constant 0 : i32
      %dma_wait3A_273 = arith.constant 0 : i32
      %dma_wait3A_274 = tpu.memref_slice %arg2[%dma_wait3A_272, %dma_wait3A_273] : memref<64x1000000xf32, #tpu.memory_space<hbm>> -> memref<64x128xf32, #tpu.memory_space<hbm>>
      tpu.wait_dma2 semaphore(%arg18 : memref<!tpu.dma_semaphore, #tpu.memory_space<semaphore_mem>>) src(%dma_wait3A_274 : memref<64x128xf32, #tpu.memory_space<hbm>>) dst(%dma_wait3A_271 : memref<64x128xf32, #tpu.memory_space<vmem>>)
      %mul3A_275 = arith.constant 4 : i32
      %mul3A_276 = arith.muli %mul3A_116, %mul3A_275 : i32
      %add3A_277 = vector.broadcast %mul3A_276 : i32 to vector<16xi32>
      %add3A_278 = arith.addi %add3A_277, %iota3A : vector<16xi32>
      %min3A_279 = arith.constant 127 : i32
      %min3A_280 = vector.broadcast %min3A_279 : i32 to vector<16xi32>
      %min3A_281 = arith.minsi %add3A_278, %min3A_280 : vector<16xi32>
      %gather3A_282 = tpu.vector_load_idx %arg9[%min3A_281] : memref<128xi32, #tpu.memory_space<vmem>>[vector<16xi32>], vector<16xi32>,
      %slice3A_283 = vector.extract_strided_slice %gather3A_282 {offsets = [0], sizes = [1], strides = [1]} : vector<16xi32> to vector<1xi32>
      %squeeze3A_284 = vector.extract %slice3A_283[0] : i32 from vector<1xi32>
      %and3A = arith.constant 127 : i32
      %and3A_285 = arith.andi %squeeze3A_284, %and3A : i32
      %mul3A_286 = arith.constant 4 : i32
      %mul3A_287 = arith.muli %mul3A_116, %mul3A_286 : i32
      %add3A_288 = arith.constant 0 : i32
      %add3A_289 = arith.addi %mul3A_287, %add3A_288 : i32
      %broadcast_in_dim3A_290 = vector.broadcast %and3A_285 : i32 to vector<16xi32>
      %broadcast_in_dim3A_291 = vector.broadcast %add3A_289 : i32 to vector<16xi32>
      %add3A_292 = arith.constant 0 : i32
      %add3A_293 = vector.broadcast %add3A_292 : i32 to vector<16xi32>
      %add3A_294 = arith.addi %add3A_293, %iota3A : vector<16xi32>
      %gather3A_295 = arith.constant 0 : i32
      %gather3A_296 = arith.constant 0 : i32
      %gather3A_297 = arith.constant 0 : i32
      %gather3A_298 = arith.constant 0 : i32
      %gather3A_299 = tpu.memref_slice %arg13[%gather3A_295, %gather3A_296, %gather3A_297, %gather3A_298] : memref<2x4x64x128xf32, #tpu.memory_space<vmem>> -> memref<1x1x64x128xf32, #tpu.memory_space<vmem>>
      %gather3A_300 = tpu.memref_squeeze %gather3A_299 : memref<1x1x64x128xf32, #tpu.memory_space<vmem>> -> memref<64x128xf32, #tpu.memory_space<vmem>>
      %gather3A_301 = tpu.vector_load_idx %gather3A_300[%add3A_294, %broadcast_in_dim3A_290] : memref<64x128xf32, #tpu.memory_space<vmem>>[vector<16xi32>, vector<16xi32>], vector<16xf32>,
      tpu.vector_store_idx %arg14[%add3A_294, %broadcast_in_dim3A_291], %gather3A_301 : memref<64x128xf32, #tpu.memory_space<vmem>>[vector<16xi32>, vector<16xi32>], vector<16xf32>,
      %add3A_302 = arith.constant 16 : i32
      %add3A_303 = vector.broadcast %add3A_302 : i32 to vector<16xi32>
      %add3A_304 = arith.addi %add3A_303, %iota3A : vector<16xi32>
      %gather3A_305 = arith.constant 0 : i32
      %gather3A_306 = arith.constant 0 : i32
      %gather3A_307 = arith.constant 0 : i32
      %gather3A_308 = arith.constant 0 : i32
      %gather3A_309 = tpu.memref_slice %arg13[%gather3A_305, %gather3A_306, %gather3A_307, %gather3A_308] : memref<2x4x64x128xf32, #tpu.memory_space<vmem>> -> memref<1x1x64x128xf32, #tpu.memory_space<vmem>>
      %gather3A_310 = tpu.memref_squeeze %gather3A_309 : memref<1x1x64x128xf32, #tpu.memory_space<vmem>> -> memref<64x128xf32, #tpu.memory_space<vmem>>
      %gather3A_311 = tpu.vector_load_idx %gather3A_310[%add3A_304, %broadcast_in_dim3A_290] : memref<64x128xf32, #tpu.memory_space<vmem>>[vector<16xi32>, vector<16xi32>], vector<16xf32>,
      tpu.vector_store_idx %arg14[%add3A_304, %broadcast_in_dim3A_291], %gather3A_311 : memref<64x128xf32, #tpu.memory_space<vmem>>[vector<16xi32>, vector<16xi32>], vector<16xf32>,
      %add3A_312 = arith.constant 32 : i32
      %add3A_313 = vector.broadcast %add3A_312 : i32 to vector<16xi32>
      %add3A_314 = arith.addi %add3A_313, %iota3A : vector<16xi32>
      %gather3A_315 = arith.constant 0 : i32
      %gather3A_316 = arith.constant 0 : i32
      %gather3A_317 = arith.constant 0 : i32
      %gather3A_318 = arith.constant 0 : i32
      %gather3A_319 = tpu.memref_slice %arg13[%gather3A_315, %gather3A_316, %gather3A_317, %gather3A_318] : memref<2x4x64x128xf32, #tpu.memory_space<vmem>> -> memref<1x1x64x128xf32, #tpu.memory_space<vmem>>
      %gather3A_320 = tpu.memref_squeeze %gather3A_319 : memref<1x1x64x128xf32, #tpu.memory_space<vmem>> -> memref<64x128xf32, #tpu.memory_space<vmem>>
      %gather3A_321 = tpu.vector_load_idx %gather3A_320[%add3A_314, %broadcast_in_dim3A_290] : memref<64x128xf32, #tpu.memory_space<vmem>>[vector<16xi32>, vector<16xi32>], vector<16xf32>,
      tpu.vector_store_idx %arg14[%add3A_314, %broadcast_in_dim3A_291], %gather3A_321 : memref<64x128xf32, #tpu.memory_space<vmem>>[vector<16xi32>, vector<16xi32>], vector<16xf32>,
      %add3A_322 = arith.constant 48 : i32
      %add3A_323 = vector.broadcast %add3A_322 : i32 to vector<16xi32>
      %add3A_324 = arith.addi %add3A_323, %iota3A : vector<16xi32>
      %gather3A_325 = arith.constant 0 : i32
      %gather3A_326 = arith.constant 0 : i32
      %gather3A_327 = arith.constant 0 : i32
      %gather3A_328 = arith.constant 0 : i32
      %gather3A_329 = tpu.memref_slice %arg13[%gather3A_325, %gather3A_326, %gather3A_327, %gather3A_328] : memref<2x4x64x128xf32, #tpu.memory_space<vmem>> -> memref<1x1x64x128xf32, #tpu.memory_space<vmem>>
      %gather3A_330 = tpu.memref_squeeze %gather3A_329 : memref<1x1x64x128xf32, #tpu.memory_space<vmem>> -> memref<64x128xf32, #tpu.memory_space<vmem>>
      %gather3A_331 = tpu.vector_load_idx %gather3A_330[%add3A_324, %broadcast_in_dim3A_290] : memref<64x128xf32, #tpu.memory_space<vmem>>[vector<16xi32>, vector<16xi32>], vector<16xf32>,
      tpu.vector_store_idx %arg14[%add3A_324, %broadcast_in_dim3A_291], %gather3A_331 : memref<64x128xf32, #tpu.memory_space<vmem>>[vector<16xi32>, vector<16xi32>], vector<16xf32>,
      %slice3A_332 = vector.extract_strided_slice %gather3A_282 {offsets = [1], sizes = [1], strides = [1]} : vector<16xi32> to vector<1xi32>
      %squeeze3A_333 = vector.extract %slice3A_332[0] : i32 from vector<1xi32>
      %and3A_334 = arith.constant 127 : i32
      %and3A_335 = arith.andi %squeeze3A_333, %and3A_334 : i32
      %mul3A_336 = arith.constant 4 : i32
      %mul3A_337 = arith.muli %mul3A_116, %mul3A_336 : i32
      %add3A_338 = arith.constant 1 : i32
      %add3A_339 = arith.addi %mul3A_337, %add3A_338 : i32
      %broadcast_in_dim3A_340 = vector.broadcast %and3A_335 : i32 to vector<16xi32>
      %broadcast_in_dim3A_341 = vector.broadcast %add3A_339 : i32 to vector<16xi32>
      %add3A_342 = arith.constant 0 : i32
      %add3A_343 = vector.broadcast %add3A_342 : i32 to vector<16xi32>
      %add3A_344 = arith.addi %add3A_343, %iota3A : vector<16xi32>
      %gather3A_345 = arith.constant 0 : i32
      %gather3A_346 = arith.constant 1 : i32
      %gather3A_347 = arith.constant 0 : i32
      %gather3A_348 = arith.constant 0 : i32
      %gather3A_349 = tpu.memref_slice %arg13[%gather3A_345, %gather3A_346, %gather3A_347, %gather3A_348] : memref<2x4x64x128xf32, #tpu.memory_space<vmem>> -> memref<1x1x64x128xf32, #tpu.memory_space<vmem>>
      %gather3A_350 = tpu.memref_squeeze %gather3A_349 : memref<1x1x64x128xf32, #tpu.memory_space<vmem>> -> memref<64x128xf32, #tpu.memory_space<vmem>>
      %gather3A_351 = tpu.vector_load_idx %gather3A_350[%add3A_344, %broadcast_in_dim3A_340] : memref<64x128xf32, #tpu.memory_space<vmem>>[vector<16xi32>, vector<16xi32>], vector<16xf32>,
      tpu.vector_store_idx %arg14[%add3A_344, %broadcast_in_dim3A_341], %gather3A_351 : memref<64x128xf32, #tpu.memory_space<vmem>>[vector<16xi32>, vector<16xi32>], vector<16xf32>,
      %add3A_352 = arith.constant 16 : i32
      %add3A_353 = vector.broadcast %add3A_352 : i32 to vector<16xi32>
      %add3A_354 = arith.addi %add3A_353, %iota3A : vector<16xi32>
      %gather3A_355 = arith.constant 0 : i32
      %gather3A_356 = arith.constant 1 : i32
      %gather3A_357 = arith.constant 0 : i32
      %gather3A_358 = arith.constant 0 : i32
      %gather3A_359 = tpu.memref_slice %arg13[%gather3A_355, %gather3A_356, %gather3A_357, %gather3A_358] : memref<2x4x64x128xf32, #tpu.memory_space<vmem>> -> memref<1x1x64x128xf32, #tpu.memory_space<vmem>>
      %gather3A_360 = tpu.memref_squeeze %gather3A_359 : memref<1x1x64x128xf32, #tpu.memory_space<vmem>> -> memref<64x128xf32, #tpu.memory_space<vmem>>
      %gather3A_361 = tpu.vector_load_idx %gather3A_360[%add3A_354, %broadcast_in_dim3A_340] : memref<64x128xf32, #tpu.memory_space<vmem>>[vector<16xi32>, vector<16xi32>], vector<16xf32>,
      tpu.vector_store_idx %arg14[%add3A_354, %broadcast_in_dim3A_341], %gather3A_361 : memref<64x128xf32, #tpu.memory_space<vmem>>[vector<16xi32>, vector<16xi32>], vector<16xf32>,
      %add3A_362 = arith.constant 32 : i32
      %add3A_363 = vector.broadcast %add3A_362 : i32 to vector<16xi32>
      %add3A_364 = arith.addi %add3A_363, %iota3A : vector<16xi32>
      %gather3A_365 = arith.constant 0 : i32
      %gather3A_366 = arith.constant 1 : i32
      %gather3A_367 = arith.constant 0 : i32
      %gather3A_368 = arith.constant 0 : i32
      %gather3A_369 = tpu.memref_slice %arg13[%gather3A_365, %gather3A_366, %gather3A_367, %gather3A_368] : memref<2x4x64x128xf32, #tpu.memory_space<vmem>> -> memref<1x1x64x128xf32, #tpu.memory_space<vmem>>
      %gather3A_370 = tpu.memref_squeeze %gather3A_369 : memref<1x1x64x128xf32, #tpu.memory_space<vmem>> -> memref<64x128xf32, #tpu.memory_space<vmem>>
      %gather3A_371 = tpu.vector_load_idx %gather3A_370[%add3A_364, %broadcast_in_dim3A_340] : memref<64x128xf32, #tpu.memory_space<vmem>>[vector<16xi32>, vector<16xi32>], vector<16xf32>,
      tpu.vector_store_idx %arg14[%add3A_364, %broadcast_in_dim3A_341], %gather3A_371 : memref<64x128xf32, #tpu.memory_space<vmem>>[vector<16xi32>, vector<16xi32>], vector<16xf32>,
      %add3A_372 = arith.constant 48 : i32
      %add3A_373 = vector.broadcast %add3A_372 : i32 to vector<16xi32>
      %add3A_374 = arith.addi %add3A_373, %iota3A : vector<16xi32>
      %gather3A_375 = arith.constant 0 : i32
      %gather3A_376 = arith.constant 1 : i32
      %gather3A_377 = arith.constant 0 : i32
      %gather3A_378 = arith.constant 0 : i32
      %gather3A_379 = tpu.memref_slice %arg13[%gather3A_375, %gather3A_376, %gather3A_377, %gather3A_378] : memref<2x4x64x128xf32, #tpu.memory_space<vmem>> -> memref<1x1x64x128xf32, #tpu.memory_space<vmem>>
      %gather3A_380 = tpu.memref_squeeze %gather3A_379 : memref<1x1x64x128xf32, #tpu.memory_space<vmem>> -> memref<64x128xf32, #tpu.memory_space<vmem>>
      %gather3A_381 = tpu.vector_load_idx %gather3A_380[%add3A_374, %broadcast_in_dim3A_340] : memref<64x128xf32, #tpu.memory_space<vmem>>[vector<16xi32>, vector<16xi32>], vector<16xf32>,
      tpu.vector_store_idx %arg14[%add3A_374, %broadcast_in_dim3A_341], %gather3A_381 : memref<64x128xf32, #tpu.memory_space<vmem>>[vector<16xi32>, vector<16xi32>], vector<16xf32>,
      %slice3A_382 = vector.extract_strided_slice %gather3A_282 {offsets = [2], sizes = [1], strides = [1]} : vector<16xi32> to vector<1xi32>
      %squeeze3A_383 = vector.extract %slice3A_382[0] : i32 from vector<1xi32>
      %and3A_384 = arith.constant 127 : i32
      %and3A_385 = arith.andi %squeeze3A_383, %and3A_384 : i32
      %mul3A_386 = arith.constant 4 : i32
      %mul3A_387 = arith.muli %mul3A_116, %mul3A_386 : i32
      %add3A_388 = arith.constant 2 : i32
      %add3A_389 = arith.addi %mul3A_387, %add3A_388 : i32
      %broadcast_in_dim3A_390 = vector.broadcast %and3A_385 : i32 to vector<16xi32>
      %broadcast_in_dim3A_391 = vector.broadcast %add3A_389 : i32 to vector<16xi32>
      %add3A_392 = arith.constant 0 : i32
      %add3A_393 = vector.broadcast %add3A_392 : i32 to vector<16xi32>
      %add3A_394 = arith.addi %add3A_393, %iota3A : vector<16xi32>
      %gather3A_395 = arith.constant 0 : i32
      %gather3A_396 = arith.constant 2 : i32
      %gather3A_397 = arith.constant 0 : i32
      %gather3A_398 = arith.constant 0 : i32
      %gather3A_399 = tpu.memref_slice %arg13[%gather3A_395, %gather3A_396, %gather3A_397, %gather3A_398] : memref<2x4x64x128xf32, #tpu.memory_space<vmem>> -> memref<1x1x64x128xf32, #tpu.memory_space<vmem>>
      %gather3A_400 = tpu.memref_squeeze %gather3A_399 : memref<1x1x64x128xf32, #tpu.memory_space<vmem>> -> memref<64x128xf32, #tpu.memory_space<vmem>>
      %gather3A_401 = tpu.vector_load_idx %gather3A_400[%add3A_394, %broadcast_in_dim3A_390] : memref<64x128xf32, #tpu.memory_space<vmem>>[vector<16xi32>, vector<16xi32>], vector<16xf32>,
      tpu.vector_store_idx %arg14[%add3A_394, %broadcast_in_dim3A_391], %gather3A_401 : memref<64x128xf32, #tpu.memory_space<vmem>>[vector<16xi32>, vector<16xi32>], vector<16xf32>,
      %add3A_402 = arith.constant 16 : i32
      %add3A_403 = vector.broadcast %add3A_402 : i32 to vector<16xi32>
      %add3A_404 = arith.addi %add3A_403, %iota3A : vector<16xi32>
      %gather3A_405 = arith.constant 0 : i32
      %gather3A_406 = arith.constant 2 : i32
      %gather3A_407 = arith.constant 0 : i32
      %gather3A_408 = arith.constant 0 : i32
      %gather3A_409 = tpu.memref_slice %arg13[%gather3A_405, %gather3A_406, %gather3A_407, %gather3A_408] : memref<2x4x64x128xf32, #tpu.memory_space<vmem>> -> memref<1x1x64x128xf32, #tpu.memory_space<vmem>>
      %gather3A_410 = tpu.memref_squeeze %gather3A_409 : memref<1x1x64x128xf32, #tpu.memory_space<vmem>> -> memref<64x128xf32, #tpu.memory_space<vmem>>
      %gather3A_411 = tpu.vector_load_idx %gather3A_410[%add3A_404, %broadcast_in_dim3A_390] : memref<64x128xf32, #tpu.memory_space<vmem>>[vector<16xi32>, vector<16xi32>], vector<16xf32>,
      tpu.vector_store_idx %arg14[%add3A_404, %broadcast_in_dim3A_391], %gather3A_411 : memref<64x128xf32, #tpu.memory_space<vmem>>[vector<16xi32>, vector<16xi32>], vector<16xf32>,
      %add3A_412 = arith.constant 32 : i32
      %add3A_413 = vector.broadcast %add3A_412 : i32 to vector<16xi32>
      %add3A_414 = arith.addi %add3A_413, %iota3A : vector<16xi32>
      %gather3A_415 = arith.constant 0 : i32
      %gather3A_416 = arith.constant 2 : i32
      %gather3A_417 = arith.constant 0 : i32
      %gather3A_418 = arith.constant 0 : i32
      %gather3A_419 = tpu.memref_slice %arg13[%gather3A_415, %gather3A_416, %gather3A_417, %gather3A_418] : memref<2x4x64x128xf32, #tpu.memory_space<vmem>> -> memref<1x1x64x128xf32, #tpu.memory_space<vmem>>
      %gather3A_420 = tpu.memref_squeeze %gather3A_419 : memref<1x1x64x128xf32, #tpu.memory_space<vmem>> -> memref<64x128xf32, #tpu.memory_space<vmem>>
      %gather3A_421 = tpu.vector_load_idx %gather3A_420[%add3A_414, %broadcast_in_dim3A_390] : memref<64x128xf32, #tpu.memory_space<vmem>>[vector<16xi32>, vector<16xi32>], vector<16xf32>,
      tpu.vector_store_idx %arg14[%add3A_414, %broadcast_in_dim3A_391], %gather3A_421 : memref<64x128xf32, #tpu.memory_space<vmem>>[vector<16xi32>, vector<16xi32>], vector<16xf32>,
      %add3A_422 = arith.constant 48 : i32
      %add3A_423 = vector.broadcast %add3A_422 : i32 to vector<16xi32>
      %add3A_424 = arith.addi %add3A_423, %iota3A : vector<16xi32>
      %gather3A_425 = arith.constant 0 : i32
      %gather3A_426 = arith.constant 2 : i32
      %gather3A_427 = arith.constant 0 : i32
      %gather3A_428 = arith.constant 0 : i32
      %gather3A_429 = tpu.memref_slice %arg13[%gather3A_425, %gather3A_426, %gather3A_427, %gather3A_428] : memref<2x4x64x128xf32, #tpu.memory_space<vmem>> -> memref<1x1x64x128xf32, #tpu.memory_space<vmem>>
      %gather3A_430 = tpu.memref_squeeze %gather3A_429 : memref<1x1x64x128xf32, #tpu.memory_space<vmem>> -> memref<64x128xf32, #tpu.memory_space<vmem>>
      %gather3A_431 = tpu.vector_load_idx %gather3A_430[%add3A_424, %broadcast_in_dim3A_390] : memref<64x128xf32, #tpu.memory_space<vmem>>[vector<16xi32>, vector<16xi32>], vector<16xf32>,
      tpu.vector_store_idx %arg14[%add3A_424, %broadcast_in_dim3A_391], %gather3A_431 : memref<64x128xf32, #tpu.memory_space<vmem>>[vector<16xi32>, vector<16xi32>], vector<16xf32>,
      %slice3A_432 = vector.extract_strided_slice %gather3A_282 {offsets = [3], sizes = [1], strides = [1]} : vector<16xi32> to vector<1xi32>
      %squeeze3A_433 = vector.extract %slice3A_432[0] : i32 from vector<1xi32>
      %and3A_434 = arith.constant 127 : i32
      %and3A_435 = arith.andi %squeeze3A_433, %and3A_434 : i32
      %mul3A_436 = arith.constant 4 : i32
      %mul3A_437 = arith.muli %mul3A_116, %mul3A_436 : i32
      %add3A_438 = arith.constant 3 : i32
      %add3A_439 = arith.addi %mul3A_437, %add3A_438 : i32
      %broadcast_in_dim3A_440 = vector.broadcast %and3A_435 : i32 to vector<16xi32>
      %broadcast_in_dim3A_441 = vector.broadcast %add3A_439 : i32 to vector<16xi32>
      %add3A_442 = arith.constant 0 : i32
      %add3A_443 = vector.broadcast %add3A_442 : i32 to vector<16xi32>
      %add3A_444 = arith.addi %add3A_443, %iota3A : vector<16xi32>
      %gather3A_445 = arith.constant 0 : i32
      %gather3A_446 = arith.constant 3 : i32
      %gather3A_447 = arith.constant 0 : i32
      %gather3A_448 = arith.constant 0 : i32
      %gather3A_449 = tpu.memref_slice %arg13[%gather3A_445, %gather3A_446, %gather3A_447, %gather3A_448] : memref<2x4x64x128xf32, #tpu.memory_space<vmem>> -> memref<1x1x64x128xf32, #tpu.memory_space<vmem>>
      %gather3A_450 = tpu.memref_squeeze %gather3A_449 : memref<1x1x64x128xf32, #tpu.memory_space<vmem>> -> memref<64x128xf32, #tpu.memory_space<vmem>>
      %gather3A_451 = tpu.vector_load_idx %gather3A_450[%add3A_444, %broadcast_in_dim3A_440] : memref<64x128xf32, #tpu.memory_space<vmem>>[vector<16xi32>, vector<16xi32>], vector<16xf32>,
      tpu.vector_store_idx %arg14[%add3A_444, %broadcast_in_dim3A_441], %gather3A_451 : memref<64x128xf32, #tpu.memory_space<vmem>>[vector<16xi32>, vector<16xi32>], vector<16xf32>,
      %add3A_452 = arith.constant 16 : i32
      %add3A_453 = vector.broadcast %add3A_452 : i32 to vector<16xi32>
      %add3A_454 = arith.addi %add3A_453, %iota3A : vector<16xi32>
      %gather3A_455 = arith.constant 0 : i32
      %gather3A_456 = arith.constant 3 : i32
      %gather3A_457 = arith.constant 0 : i32
      %gather3A_458 = arith.constant 0 : i32
      %gather3A_459 = tpu.memref_slice %arg13[%gather3A_455, %gather3A_456, %gather3A_457, %gather3A_458] : memref<2x4x64x128xf32, #tpu.memory_space<vmem>> -> memref<1x1x64x128xf32, #tpu.memory_space<vmem>>
      %gather3A_460 = tpu.memref_squeeze %gather3A_459 : memref<1x1x64x128xf32, #tpu.memory_space<vmem>> -> memref<64x128xf32, #tpu.memory_space<vmem>>
      %gather3A_461 = tpu.vector_load_idx %gather3A_460[%add3A_454, %broadcast_in_dim3A_440] : memref<64x128xf32, #tpu.memory_space<vmem>>[vector<16xi32>, vector<16xi32>], vector<16xf32>,
      tpu.vector_store_idx %arg14[%add3A_454, %broadcast_in_dim3A_441], %gather3A_461 : memref<64x128xf32, #tpu.memory_space<vmem>>[vector<16xi32>, vector<16xi32>], vector<16xf32>,
      %add3A_462 = arith.constant 32 : i32
      %add3A_463 = vector.broadcast %add3A_462 : i32 to vector<16xi32>
      %add3A_464 = arith.addi %add3A_463, %iota3A : vector<16xi32>
      %gather3A_465 = arith.constant 0 : i32
      %gather3A_466 = arith.constant 3 : i32
      %gather3A_467 = arith.constant 0 : i32
      %gather3A_468 = arith.constant 0 : i32
      %gather3A_469 = tpu.memref_slice %arg13[%gather3A_465, %gather3A_466, %gather3A_467, %gather3A_468] : memref<2x4x64x128xf32, #tpu.memory_space<vmem>> -> memref<1x1x64x128xf32, #tpu.memory_space<vmem>>
      %gather3A_470 = tpu.memref_squeeze %gather3A_469 : memref<1x1x64x128xf32, #tpu.memory_space<vmem>> -> memref<64x128xf32, #tpu.memory_space<vmem>>
      %gather3A_471 = tpu.vector_load_idx %gather3A_470[%add3A_464, %broadcast_in_dim3A_440] : memref<64x128xf32, #tpu.memory_space<vmem>>[vector<16xi32>, vector<16xi32>], vector<16xf32>,
      tpu.vector_store_idx %arg14[%add3A_464, %broadcast_in_dim3A_441], %gather3A_471 : memref<64x128xf32, #tpu.memory_space<vmem>>[vector<16xi32>, vector<16xi32>], vector<16xf32>,
      %add3A_472 = arith.constant 48 : i32
      %add3A_473 = vector.broadcast %add3A_472 : i32 to vector<16xi32>
      %add3A_474 = arith.addi %add3A_473, %iota3A : vector<16xi32>
      %gather3A_475 = arith.constant 0 : i32
      %gather3A_476 = arith.constant 3 : i32
      %gather3A_477 = arith.constant 0 : i32
      %gather3A_478 = arith.constant 0 : i32
      %gather3A_479 = tpu.memref_slice %arg13[%gather3A_475, %gather3A_476, %gather3A_477, %gather3A_478] : memref<2x4x64x128xf32, #tpu.memory_space<vmem>> -> memref<1x1x64x128xf32, #tpu.memory_space<vmem>>
      %gather3A_480 = tpu.memref_squeeze %gather3A_479 : memref<1x1x64x128xf32, #tpu.memory_space<vmem>> -> memref<64x128xf32, #tpu.memory_space<vmem>>
      %gather3A_481 = tpu.vector_load_idx %gather3A_480[%add3A_474, %broadcast_in_dim3A_440] : memref<64x128xf32, #tpu.memory_space<vmem>>[vector<16xi32>, vector<16xi32>], vector<16xf32>,
      tpu.vector_store_idx %arg14[%add3A_474, %broadcast_in_dim3A_441], %gather3A_481 : memref<64x128xf32, #tpu.memory_space<vmem>>[vector<16xi32>, vector<16xi32>], vector<16xf32>,
      %lt3A = arith.constant 15 : i32
      %lt3A_482 = arith.cmpi slt, %scan3A_114, %lt3A : i32
      %convert_element_type3A_483 = arith.extui %lt3A_482 : i1 to i32
      %cond3A_484 = arith.constant 0 : i32
      %cond3A_485 = arith.cmpi ne, %convert_element_type3A_483, %cond3A_484 : i32
      scf.if %cond3A_485 {
        %add3A_760 = arith.constant 2 : i32
        %add3A_761 = arith.addi %mul3A_116, %add3A_760 : i32
        %mul3A_762 = arith.constant 4 : i32
        %mul3A_763 = arith.muli %add3A_761, %mul3A_762 : i32
        %add3A_764 = vector.broadcast %mul3A_763 : i32 to vector<16xi32>
        %add3A_765 = arith.addi %add3A_764, %iota3A : vector<16xi32>
        %min3A_766 = arith.constant 127 : i32
        %min3A_767 = vector.broadcast %min3A_766 : i32 to vector<16xi32>
        %min3A_768 = arith.minsi %add3A_765, %min3A_767 : vector<16xi32>
        %gather3A_769 = tpu.vector_load_idx %arg9[%min3A_768] : memref<128xi32, #tpu.memory_space<vmem>>[vector<16xi32>], vector<16xi32>,
        %slice3A_770 = vector.extract_strided_slice %gather3A_769 {offsets = [0], sizes = [1], strides = [1]} : vector<16xi32> to vector<1xi32>
        %squeeze3A_771 = vector.extract %slice3A_770[0] : i32 from vector<1xi32>
        %shift_right_logical3A_772 = arith.constant 7 : i32
        %shift_right_logical3A_773 = arith.shrui %squeeze3A_771, %shift_right_logical3A_772 : i32
        %shift_left3A_774 = arith.constant 7 : i32
        %shift_left3A_775 = arith.shli %shift_right_logical3A_773, %shift_left3A_774 : i32
        %multiple_of3A_776 = tpu.assume_multiple %shift_left3A_775, 128 : i32
        %dma_start3A_777 = arith.constant 0 : i32
        %dma_start3A_778 = arith.constant 0 : i32
        %dma_start3A_779 = arith.constant 0 : i32
        %dma_start3A_780 = arith.constant 0 : i32
        %dma_start3A_781 = tpu.memref_slice %arg13[%dma_start3A_777, %dma_start3A_778, %dma_start3A_779, %dma_start3A_780] : memref<2x4x64x128xf32, #tpu.memory_space<vmem>> -> memref<1x1x64x128xf32, #tpu.memory_space<vmem>>
        %dma_start3A_782 = tpu.memref_squeeze %dma_start3A_781 : memref<1x1x64x128xf32, #tpu.memory_space<vmem>> -> memref<64x128xf32, #tpu.memory_space<vmem>>
        %dma_start3A_783 = arith.constant 0 : i32
        %dma_start3A_784 = tpu.memref_slice %arg2[%dma_start3A_783, %multiple_of3A_776] : memref<64x1000000xf32, #tpu.memory_space<hbm>> -> memref<64x128xf32, #tpu.memory_space<hbm>>
        %dma_start3A_785 = arith.constant 0 : i32
        %dma_start3A_786 = arith.constant 0 : i32
        %dma_start3A_787 = tpu.memref_slice %arg13[%dma_start3A_777, %dma_start3A_778, %dma_start3A_785, %dma_start3A_786] : memref<2x4x64x128xf32, #tpu.memory_space<vmem>> -> memref<1x1x64x128xf32, #tpu.memory_space<vmem>>
        %dma_start3A_788 = tpu.memref_squeeze %dma_start3A_787 : memref<1x1x64x128xf32, #tpu.memory_space<vmem>> -> memref<64x128xf32, #tpu.memory_space<vmem>>
        %dma_start3A_789 = arith.constant 0 : i32
        %dma_start3A_790 = tpu.memref_slice %arg2[%dma_start3A_789, %multiple_of3A_776] : memref<64x1000000xf32, #tpu.memory_space<hbm>> -> memref<64x128xf32, #tpu.memory_space<hbm>>
        tpu.enqueue_dma source(%dma_start3A_790 : memref<64x128xf32, #tpu.memory_space<hbm>>) target(%dma_start3A_788 : memref<64x128xf32, #tpu.memory_space<vmem>>) target_semaphore(%arg18 : memref<!tpu.dma_semaphore, #tpu.memory_space<semaphore_mem>>)
        %slice3A_791 = vector.extract_strided_slice %gather3A_769 {offsets = [1], sizes = [1], strides = [1]} : vector<16xi32> to vector<1xi32>
        %squeeze3A_792 = vector.extract %slice3A_791[0] : i32 from vector<1xi32>
        %shift_right_logical3A_793 = arith.constant 7 : i32
        %shift_right_logical3A_794 = arith.shrui %squeeze3A_792, %shift_right_logical3A_793 : i32
        %shift_left3A_795 = arith.constant 7 : i32
        %shift_left3A_796 = arith.shli %shift_right_logical3A_794, %shift_left3A_795 : i32
        %multiple_of3A_797 = tpu.assume_multiple %shift_left3A_796, 128 : i32
        %dma_start3A_798 = arith.constant 0 : i32
        %dma_start3A_799 = arith.constant 1 : i32
        %dma_start3A_800 = arith.constant 0 : i32
        %dma_start3A_801 = arith.constant 0 : i32
        %dma_start3A_802 = tpu.memref_slice %arg13[%dma_start3A_798, %dma_start3A_799, %dma_start3A_800, %dma_start3A_801] : memref<2x4x64x128xf32, #tpu.memory_space<vmem>> -> memref<1x1x64x128xf32, #tpu.memory_space<vmem>>
        %dma_start3A_803 = tpu.memref_squeeze %dma_start3A_802 : memref<1x1x64x128xf32, #tpu.memory_space<vmem>> -> memref<64x128xf32, #tpu.memory_space<vmem>>
        %dma_start3A_804 = arith.constant 0 : i32
        %dma_start3A_805 = tpu.memref_slice %arg2[%dma_start3A_804, %multiple_of3A_797] : memref<64x1000000xf32, #tpu.memory_space<hbm>> -> memref<64x128xf32, #tpu.memory_space<hbm>>
        %dma_start3A_806 = arith.constant 0 : i32
        %dma_start3A_807 = arith.constant 0 : i32
        %dma_start3A_808 = tpu.memref_slice %arg13[%dma_start3A_798, %dma_start3A_799, %dma_start3A_806, %dma_start3A_807] : memref<2x4x64x128xf32, #tpu.memory_space<vmem>> -> memref<1x1x64x128xf32, #tpu.memory_space<vmem>>
        %dma_start3A_809 = tpu.memref_squeeze %dma_start3A_808 : memref<1x1x64x128xf32, #tpu.memory_space<vmem>> -> memref<64x128xf32, #tpu.memory_space<vmem>>
        %dma_start3A_810 = arith.constant 0 : i32
        %dma_start3A_811 = tpu.memref_slice %arg2[%dma_start3A_810, %multiple_of3A_797] : memref<64x1000000xf32, #tpu.memory_space<hbm>> -> memref<64x128xf32, #tpu.memory_space<hbm>>
        tpu.enqueue_dma source(%dma_start3A_811 : memref<64x128xf32, #tpu.memory_space<hbm>>) target(%dma_start3A_809 : memref<64x128xf32, #tpu.memory_space<vmem>>) target_semaphore(%arg18 : memref<!tpu.dma_semaphore, #tpu.memory_space<semaphore_mem>>)
        %slice3A_812 = vector.extract_strided_slice %gather3A_769 {offsets = [2], sizes = [1], strides = [1]} : vector<16xi32> to vector<1xi32>
        %squeeze3A_813 = vector.extract %slice3A_812[0] : i32 from vector<1xi32>
        %shift_right_logical3A_814 = arith.constant 7 : i32
        %shift_right_logical3A_815 = arith.shrui %squeeze3A_813, %shift_right_logical3A_814 : i32
        %shift_left3A_816 = arith.constant 7 : i32
        %shift_left3A_817 = arith.shli %shift_right_logical3A_815, %shift_left3A_816 : i32
        %multiple_of3A_818 = tpu.assume_multiple %shift_left3A_817, 128 : i32
        %dma_start3A_819 = arith.constant 0 : i32
        %dma_start3A_820 = arith.constant 2 : i32
        %dma_start3A_821 = arith.constant 0 : i32
        %dma_start3A_822 = arith.constant 0 : i32
        %dma_start3A_823 = tpu.memref_slice %arg13[%dma_start3A_819, %dma_start3A_820, %dma_start3A_821, %dma_start3A_822] : memref<2x4x64x128xf32, #tpu.memory_space<vmem>> -> memref<1x1x64x128xf32, #tpu.memory_space<vmem>>
        %dma_start3A_824 = tpu.memref_squeeze %dma_start3A_823 : memref<1x1x64x128xf32, #tpu.memory_space<vmem>> -> memref<64x128xf32, #tpu.memory_space<vmem>>
        %dma_start3A_825 = arith.constant 0 : i32
        %dma_start3A_826 = tpu.memref_slice %arg2[%dma_start3A_825, %multiple_of3A_818] : memref<64x1000000xf32, #tpu.memory_space<hbm>> -> memref<64x128xf32, #tpu.memory_space<hbm>>
        %dma_start3A_827 = arith.constant 0 : i32
        %dma_start3A_828 = arith.constant 0 : i32
        %dma_start3A_829 = tpu.memref_slice %arg13[%dma_start3A_819, %dma_start3A_820, %dma_start3A_827, %dma_start3A_828] : memref<2x4x64x128xf32, #tpu.memory_space<vmem>> -> memref<1x1x64x128xf32, #tpu.memory_space<vmem>>
        %dma_start3A_830 = tpu.memref_squeeze %dma_start3A_829 : memref<1x1x64x128xf32, #tpu.memory_space<vmem>> -> memref<64x128xf32, #tpu.memory_space<vmem>>
        %dma_start3A_831 = arith.constant 0 : i32
        %dma_start3A_832 = tpu.memref_slice %arg2[%dma_start3A_831, %multiple_of3A_818] : memref<64x1000000xf32, #tpu.memory_space<hbm>> -> memref<64x128xf32, #tpu.memory_space<hbm>>
        tpu.enqueue_dma source(%dma_start3A_832 : memref<64x128xf32, #tpu.memory_space<hbm>>) target(%dma_start3A_830 : memref<64x128xf32, #tpu.memory_space<vmem>>) target_semaphore(%arg18 : memref<!tpu.dma_semaphore, #tpu.memory_space<semaphore_mem>>)
        %slice3A_833 = vector.extract_strided_slice %gather3A_769 {offsets = [3], sizes = [1], strides = [1]} : vector<16xi32> to vector<1xi32>
        %squeeze3A_834 = vector.extract %slice3A_833[0] : i32 from vector<1xi32>
        %shift_right_logical3A_835 = arith.constant 7 : i32
        %shift_right_logical3A_836 = arith.shrui %squeeze3A_834, %shift_right_logical3A_835 : i32
        %shift_left3A_837 = arith.constant 7 : i32
        %shift_left3A_838 = arith.shli %shift_right_logical3A_836, %shift_left3A_837 : i32
        %multiple_of3A_839 = tpu.assume_multiple %shift_left3A_838, 128 : i32
        %dma_start3A_840 = arith.constant 0 : i32
        %dma_start3A_841 = arith.constant 3 : i32
        %dma_start3A_842 = arith.constant 0 : i32
        %dma_start3A_843 = arith.constant 0 : i32
        %dma_start3A_844 = tpu.memref_slice %arg13[%dma_start3A_840, %dma_start3A_841, %dma_start3A_842, %dma_start3A_843] : memref<2x4x64x128xf32, #tpu.memory_space<vmem>> -> memref<1x1x64x128xf32, #tpu.memory_space<vmem>>
        %dma_start3A_845 = tpu.memref_squeeze %dma_start3A_844 : memref<1x1x64x128xf32, #tpu.memory_space<vmem>> -> memref<64x128xf32, #tpu.memory_space<vmem>>
        %dma_start3A_846 = arith.constant 0 : i32
        %dma_start3A_847 = tpu.memref_slice %arg2[%dma_start3A_846, %multiple_of3A_839] : memref<64x1000000xf32, #tpu.memory_space<hbm>> -> memref<64x128xf32, #tpu.memory_space<hbm>>
        %dma_start3A_848 = arith.constant 0 : i32
        %dma_start3A_849 = arith.constant 0 : i32
        %dma_start3A_850 = tpu.memref_slice %arg13[%dma_start3A_840, %dma_start3A_841, %dma_start3A_848, %dma_start3A_849] : memref<2x4x64x128xf32, #tpu.memory_space<vmem>> -> memref<1x1x64x128xf32, #tpu.memory_space<vmem>>
        %dma_start3A_851 = tpu.memref_squeeze %dma_start3A_850 : memref<1x1x64x128xf32, #tpu.memory_space<vmem>> -> memref<64x128xf32, #tpu.memory_space<vmem>>
        %dma_start3A_852 = arith.constant 0 : i32
        %dma_start3A_853 = tpu.memref_slice %arg2[%dma_start3A_852, %multiple_of3A_839] : memref<64x1000000xf32, #tpu.memory_space<hbm>> -> memref<64x128xf32, #tpu.memory_space<hbm>>
        tpu.enqueue_dma source(%dma_start3A_853 : memref<64x128xf32, #tpu.memory_space<hbm>>) target(%dma_start3A_851 : memref<64x128xf32, #tpu.memory_space<vmem>>) target_semaphore(%arg18 : memref<!tpu.dma_semaphore, #tpu.memory_space<semaphore_mem>>)
      } else {
      }
      %dma_wait3A_486 = arith.constant 1 : i32
      %dma_wait3A_487 = arith.constant 0 : i32
      %dma_wait3A_488 = arith.constant 0 : i32
      %dma_wait3A_489 = arith.constant 0 : i32
      %dma_wait3A_490 = tpu.memref_slice %arg13[%dma_wait3A_486, %dma_wait3A_487, %dma_wait3A_488, %dma_wait3A_489] : memref<2x4x64x128xf32, #tpu.memory_space<vmem>> -> memref<1x1x64x128xf32, #tpu.memory_space<vmem>>
      %dma_wait3A_491 = tpu.memref_squeeze %dma_wait3A_490 : memref<1x1x64x128xf32, #tpu.memory_space<vmem>> -> memref<64x128xf32, #tpu.memory_space<vmem>>
      %dma_wait3A_492 = arith.constant 0 : i32
      %dma_wait3A_493 = arith.constant 0 : i32
      %dma_wait3A_494 = tpu.memref_slice %arg2[%dma_wait3A_492, %dma_wait3A_493] : memref<64x1000000xf32, #tpu.memory_space<hbm>> -> memref<64x128xf32, #tpu.memory_space<hbm>>
      %dma_wait3A_495 = arith.constant 0 : i32
      %dma_wait3A_496 = arith.constant 0 : i32
      %dma_wait3A_497 = tpu.memref_slice %arg13[%dma_wait3A_486, %dma_wait3A_487, %dma_wait3A_495, %dma_wait3A_496] : memref<2x4x64x128xf32, #tpu.memory_space<vmem>> -> memref<1x1x64x128xf32, #tpu.memory_space<vmem>>
      %dma_wait3A_498 = tpu.memref_squeeze %dma_wait3A_497 : memref<1x1x64x128xf32, #tpu.memory_space<vmem>> -> memref<64x128xf32, #tpu.memory_space<vmem>>
      %dma_wait3A_499 = arith.constant 0 : i32
      %dma_wait3A_500 = arith.constant 0 : i32
      %dma_wait3A_501 = tpu.memref_slice %arg2[%dma_wait3A_499, %dma_wait3A_500] : memref<64x1000000xf32, #tpu.memory_space<hbm>> -> memref<64x128xf32, #tpu.memory_space<hbm>>
      tpu.wait_dma2 semaphore(%arg19 : memref<!tpu.dma_semaphore, #tpu.memory_space<semaphore_mem>>) src(%dma_wait3A_501 : memref<64x128xf32, #tpu.memory_space<hbm>>) dst(%dma_wait3A_498 : memref<64x128xf32, #tpu.memory_space<vmem>>)
      %dma_wait3A_502 = arith.constant 1 : i32
      %dma_wait3A_503 = arith.constant 1 : i32
      %dma_wait3A_504 = arith.constant 0 : i32
      %dma_wait3A_505 = arith.constant 0 : i32
      %dma_wait3A_506 = tpu.memref_slice %arg13[%dma_wait3A_502, %dma_wait3A_503, %dma_wait3A_504, %dma_wait3A_505] : memref<2x4x64x128xf32, #tpu.memory_space<vmem>> -> memref<1x1x64x128xf32, #tpu.memory_space<vmem>>
      %dma_wait3A_507 = tpu.memref_squeeze %dma_wait3A_506 : memref<1x1x64x128xf32, #tpu.memory_space<vmem>> -> memref<64x128xf32, #tpu.memory_space<vmem>>
      %dma_wait3A_508 = arith.constant 0 : i32
      %dma_wait3A_509 = arith.constant 0 : i32
      %dma_wait3A_510 = tpu.memref_slice %arg2[%dma_wait3A_508, %dma_wait3A_509] : memref<64x1000000xf32, #tpu.memory_space<hbm>> -> memref<64x128xf32, #tpu.memory_space<hbm>>
      %dma_wait3A_511 = arith.constant 0 : i32
      %dma_wait3A_512 = arith.constant 0 : i32
      %dma_wait3A_513 = tpu.memref_slice %arg13[%dma_wait3A_502, %dma_wait3A_503, %dma_wait3A_511, %dma_wait3A_512] : memref<2x4x64x128xf32, #tpu.memory_space<vmem>> -> memref<1x1x64x128xf32, #tpu.memory_space<vmem>>
      %dma_wait3A_514 = tpu.memref_squeeze %dma_wait3A_513 : memref<1x1x64x128xf32, #tpu.memory_space<vmem>> -> memref<64x128xf32, #tpu.memory_space<vmem>>
      %dma_wait3A_515 = arith.constant 0 : i32
      %dma_wait3A_516 = arith.constant 0 : i32
      %dma_wait3A_517 = tpu.memref_slice %arg2[%dma_wait3A_515, %dma_wait3A_516] : memref<64x1000000xf32, #tpu.memory_space<hbm>> -> memref<64x128xf32, #tpu.memory_space<hbm>>
      tpu.wait_dma2 semaphore(%arg19 : memref<!tpu.dma_semaphore, #tpu.memory_space<semaphore_mem>>) src(%dma_wait3A_517 : memref<64x128xf32, #tpu.memory_space<hbm>>) dst(%dma_wait3A_514 : memref<64x128xf32, #tpu.memory_space<vmem>>)
      %dma_wait3A_518 = arith.constant 1 : i32
      %dma_wait3A_519 = arith.constant 2 : i32
      %dma_wait3A_520 = arith.constant 0 : i32
      %dma_wait3A_521 = arith.constant 0 : i32
      %dma_wait3A_522 = tpu.memref_slice %arg13[%dma_wait3A_518, %dma_wait3A_519, %dma_wait3A_520, %dma_wait3A_521] : memref<2x4x64x128xf32, #tpu.memory_space<vmem>> -> memref<1x1x64x128xf32, #tpu.memory_space<vmem>>
      %dma_wait3A_523 = tpu.memref_squeeze %dma_wait3A_522 : memref<1x1x64x128xf32, #tpu.memory_space<vmem>> -> memref<64x128xf32, #tpu.memory_space<vmem>>
      %dma_wait3A_524 = arith.constant 0 : i32
      %dma_wait3A_525 = arith.constant 0 : i32
      %dma_wait3A_526 = tpu.memref_slice %arg2[%dma_wait3A_524, %dma_wait3A_525] : memref<64x1000000xf32, #tpu.memory_space<hbm>> -> memref<64x128xf32, #tpu.memory_space<hbm>>
      %dma_wait3A_527 = arith.constant 0 : i32
      %dma_wait3A_528 = arith.constant 0 : i32
      %dma_wait3A_529 = tpu.memref_slice %arg13[%dma_wait3A_518, %dma_wait3A_519, %dma_wait3A_527, %dma_wait3A_528] : memref<2x4x64x128xf32, #tpu.memory_space<vmem>> -> memref<1x1x64x128xf32, #tpu.memory_space<vmem>>
      %dma_wait3A_530 = tpu.memref_squeeze %dma_wait3A_529 : memref<1x1x64x128xf32, #tpu.memory_space<vmem>> -> memref<64x128xf32, #tpu.memory_space<vmem>>
      %dma_wait3A_531 = arith.constant 0 : i32
      %dma_wait3A_532 = arith.constant 0 : i32
      %dma_wait3A_533 = tpu.memref_slice %arg2[%dma_wait3A_531, %dma_wait3A_532] : memref<64x1000000xf32, #tpu.memory_space<hbm>> -> memref<64x128xf32, #tpu.memory_space<hbm>>
      tpu.wait_dma2 semaphore(%arg19 : memref<!tpu.dma_semaphore, #tpu.memory_space<semaphore_mem>>) src(%dma_wait3A_533 : memref<64x128xf32, #tpu.memory_space<hbm>>) dst(%dma_wait3A_530 : memref<64x128xf32, #tpu.memory_space<vmem>>)
      %dma_wait3A_534 = arith.constant 1 : i32
      %dma_wait3A_535 = arith.constant 3 : i32
      %dma_wait3A_536 = arith.constant 0 : i32
      %dma_wait3A_537 = arith.constant 0 : i32
      %dma_wait3A_538 = tpu.memref_slice %arg13[%dma_wait3A_534, %dma_wait3A_535, %dma_wait3A_536, %dma_wait3A_537] : memref<2x4x64x128xf32, #tpu.memory_space<vmem>> -> memref<1x1x64x128xf32, #tpu.memory_space<vmem>>
      %dma_wait3A_539 = tpu.memref_squeeze %dma_wait3A_538 : memref<1x1x64x128xf32, #tpu.memory_space<vmem>> -> memref<64x128xf32, #tpu.memory_space<vmem>>
      %dma_wait3A_540 = arith.constant 0 : i32
      %dma_wait3A_541 = arith.constant 0 : i32
      %dma_wait3A_542 = tpu.memref_slice %arg2[%dma_wait3A_540, %dma_wait3A_541] : memref<64x1000000xf32, #tpu.memory_space<hbm>> -> memref<64x128xf32, #tpu.memory_space<hbm>>
      %dma_wait3A_543 = arith.constant 0 : i32
      %dma_wait3A_544 = arith.constant 0 : i32
      %dma_wait3A_545 = tpu.memref_slice %arg13[%dma_wait3A_534, %dma_wait3A_535, %dma_wait3A_543, %dma_wait3A_544] : memref<2x4x64x128xf32, #tpu.memory_space<vmem>> -> memref<1x1x64x128xf32, #tpu.memory_space<vmem>>
      %dma_wait3A_546 = tpu.memref_squeeze %dma_wait3A_545 : memref<1x1x64x128xf32, #tpu.memory_space<vmem>> -> memref<64x128xf32, #tpu.memory_space<vmem>>
      %dma_wait3A_547 = arith.constant 0 : i32
      %dma_wait3A_548 = arith.constant 0 : i32
      %dma_wait3A_549 = tpu.memref_slice %arg2[%dma_wait3A_547, %dma_wait3A_548] : memref<64x1000000xf32, #tpu.memory_space<hbm>> -> memref<64x128xf32, #tpu.memory_space<hbm>>
      tpu.wait_dma2 semaphore(%arg19 : memref<!tpu.dma_semaphore, #tpu.memory_space<semaphore_mem>>) src(%dma_wait3A_549 : memref<64x128xf32, #tpu.memory_space<hbm>>) dst(%dma_wait3A_546 : memref<64x128xf32, #tpu.memory_space<vmem>>)
      %add3A_550 = arith.constant 1 : i32
      %add3A_551 = arith.addi %mul3A_116, %add3A_550 : i32
      %mul3A_552 = arith.constant 4 : i32
      %mul3A_553 = arith.muli %add3A_551, %mul3A_552 : i32
      %add3A_554 = vector.broadcast %mul3A_553 : i32 to vector<16xi32>
      %add3A_555 = arith.addi %add3A_554, %iota3A : vector<16xi32>
      %min3A_556 = arith.constant 127 : i32
      %min3A_557 = vector.broadcast %min3A_556 : i32 to vector<16xi32>
      %min3A_558 = arith.minsi %add3A_555, %min3A_557 : vector<16xi32>
      %gather3A_559 = tpu.vector_load_idx %arg9[%min3A_558] : memref<128xi32, #tpu.memory_space<vmem>>[vector<16xi32>], vector<16xi32>,
      %slice3A_560 = vector.extract_strided_slice %gather3A_559 {offsets = [0], sizes = [1], strides = [1]} : vector<16xi32> to vector<1xi32>
      %squeeze3A_561 = vector.extract %slice3A_560[0] : i32 from vector<1xi32>
      %and3A_562 = arith.constant 127 : i32
      %and3A_563 = arith.andi %squeeze3A_561, %and3A_562 : i32
      %mul3A_564 = arith.constant 4 : i32
      %mul3A_565 = arith.muli %add3A_551, %mul3A_564 : i32
      %add3A_566 = arith.constant 0 : i32
      %add3A_567 = arith.addi %mul3A_565, %add3A_566 : i32
      %broadcast_in_dim3A_568 = vector.broadcast %and3A_563 : i32 to vector<16xi32>
      %broadcast_in_dim3A_569 = vector.broadcast %add3A_567 : i32 to vector<16xi32>
      %add3A_570 = arith.constant 0 : i32
      %add3A_571 = vector.broadcast %add3A_570 : i32 to vector<16xi32>
      %add3A_572 = arith.addi %add3A_571, %iota3A : vector<16xi32>
      %gather3A_573 = arith.constant 1 : i32
      %gather3A_574 = arith.constant 0 : i32
      %gather3A_575 = arith.constant 0 : i32
      %gather3A_576 = arith.constant 0 : i32
      %gather3A_577 = tpu.memref_slice %arg13[%gather3A_573, %gather3A_574, %gather3A_575, %gather3A_576] : memref<2x4x64x128xf32, #tpu.memory_space<vmem>> -> memref<1x1x64x128xf32, #tpu.memory_space<vmem>>
      %gather3A_578 = tpu.memref_squeeze %gather3A_577 : memref<1x1x64x128xf32, #tpu.memory_space<vmem>> -> memref<64x128xf32, #tpu.memory_space<vmem>>
      %gather3A_579 = tpu.vector_load_idx %gather3A_578[%add3A_572, %broadcast_in_dim3A_568] : memref<64x128xf32, #tpu.memory_space<vmem>>[vector<16xi32>, vector<16xi32>], vector<16xf32>,
      tpu.vector_store_idx %arg14[%add3A_572, %broadcast_in_dim3A_569], %gather3A_579 : memref<64x128xf32, #tpu.memory_space<vmem>>[vector<16xi32>, vector<16xi32>], vector<16xf32>,
      %add3A_580 = arith.constant 16 : i32
      %add3A_581 = vector.broadcast %add3A_580 : i32 to vector<16xi32>
      %add3A_582 = arith.addi %add3A_581, %iota3A : vector<16xi32>
      %gather3A_583 = arith.constant 1 : i32
      %gather3A_584 = arith.constant 0 : i32
      %gather3A_585 = arith.constant 0 : i32
      %gather3A_586 = arith.constant 0 : i32
      %gather3A_587 = tpu.memref_slice %arg13[%gather3A_583, %gather3A_584, %gather3A_585, %gather3A_586] : memref<2x4x64x128xf32, #tpu.memory_space<vmem>> -> memref<1x1x64x128xf32, #tpu.memory_space<vmem>>
      %gather3A_588 = tpu.memref_squeeze %gather3A_587 : memref<1x1x64x128xf32, #tpu.memory_space<vmem>> -> memref<64x128xf32, #tpu.memory_space<vmem>>
      %gather3A_589 = tpu.vector_load_idx %gather3A_588[%add3A_582, %broadcast_in_dim3A_568] : memref<64x128xf32, #tpu.memory_space<vmem>>[vector<16xi32>, vector<16xi32>], vector<16xf32>,
      tpu.vector_store_idx %arg14[%add3A_582, %broadcast_in_dim3A_569], %gather3A_589 : memref<64x128xf32, #tpu.memory_space<vmem>>[vector<16xi32>, vector<16xi32>], vector<16xf32>,
      %add3A_590 = arith.constant 32 : i32
      %add3A_591 = vector.broadcast %add3A_590 : i32 to vector<16xi32>
      %add3A_592 = arith.addi %add3A_591, %iota3A : vector<16xi32>
      %gather3A_593 = arith.constant 1 : i32
      %gather3A_594 = arith.constant 0 : i32
      %gather3A_595 = arith.constant 0 : i32
      %gather3A_596 = arith.constant 0 : i32
      %gather3A_597 = tpu.memref_slice %arg13[%gather3A_593, %gather3A_594, %gather3A_595, %gather3A_596] : memref<2x4x64x128xf32, #tpu.memory_space<vmem>> -> memref<1x1x64x128xf32, #tpu.memory_space<vmem>>
      %gather3A_598 = tpu.memref_squeeze %gather3A_597 : memref<1x1x64x128xf32, #tpu.memory_space<vmem>> -> memref<64x128xf32, #tpu.memory_space<vmem>>
      %gather3A_599 = tpu.vector_load_idx %gather3A_598[%add3A_592, %broadcast_in_dim3A_568] : memref<64x128xf32, #tpu.memory_space<vmem>>[vector<16xi32>, vector<16xi32>], vector<16xf32>,
      tpu.vector_store_idx %arg14[%add3A_592, %broadcast_in_dim3A_569], %gather3A_599 : memref<64x128xf32, #tpu.memory_space<vmem>>[vector<16xi32>, vector<16xi32>], vector<16xf32>,
      %add3A_600 = arith.constant 48 : i32
      %add3A_601 = vector.broadcast %add3A_600 : i32 to vector<16xi32>
      %add3A_602 = arith.addi %add3A_601, %iota3A : vector<16xi32>
      %gather3A_603 = arith.constant 1 : i32
      %gather3A_604 = arith.constant 0 : i32
      %gather3A_605 = arith.constant 0 : i32
      %gather3A_606 = arith.constant 0 : i32
      %gather3A_607 = tpu.memref_slice %arg13[%gather3A_603, %gather3A_604, %gather3A_605, %gather3A_606] : memref<2x4x64x128xf32, #tpu.memory_space<vmem>> -> memref<1x1x64x128xf32, #tpu.memory_space<vmem>>
      %gather3A_608 = tpu.memref_squeeze %gather3A_607 : memref<1x1x64x128xf32, #tpu.memory_space<vmem>> -> memref<64x128xf32, #tpu.memory_space<vmem>>
      %gather3A_609 = tpu.vector_load_idx %gather3A_608[%add3A_602, %broadcast_in_dim3A_568] : memref<64x128xf32, #tpu.memory_space<vmem>>[vector<16xi32>, vector<16xi32>], vector<16xf32>,
      tpu.vector_store_idx %arg14[%add3A_602, %broadcast_in_dim3A_569], %gather3A_609 : memref<64x128xf32, #tpu.memory_space<vmem>>[vector<16xi32>, vector<16xi32>], vector<16xf32>,
      %slice3A_610 = vector.extract_strided_slice %gather3A_559 {offsets = [1], sizes = [1], strides = [1]} : vector<16xi32> to vector<1xi32>
      %squeeze3A_611 = vector.extract %slice3A_610[0] : i32 from vector<1xi32>
      %and3A_612 = arith.constant 127 : i32
      %and3A_613 = arith.andi %squeeze3A_611, %and3A_612 : i32
      %mul3A_614 = arith.constant 4 : i32
      %mul3A_615 = arith.muli %add3A_551, %mul3A_614 : i32
      %add3A_616 = arith.constant 1 : i32
      %add3A_617 = arith.addi %mul3A_615, %add3A_616 : i32
      %broadcast_in_dim3A_618 = vector.broadcast %and3A_613 : i32 to vector<16xi32>
      %broadcast_in_dim3A_619 = vector.broadcast %add3A_617 : i32 to vector<16xi32>
      %add3A_620 = arith.constant 0 : i32
      %add3A_621 = vector.broadcast %add3A_620 : i32 to vector<16xi32>
      %add3A_622 = arith.addi %add3A_621, %iota3A : vector<16xi32>
      %gather3A_623 = arith.constant 1 : i32
      %gather3A_624 = arith.constant 1 : i32
      %gather3A_625 = arith.constant 0 : i32
      %gather3A_626 = arith.constant 0 : i32
      %gather3A_627 = tpu.memref_slice %arg13[%gather3A_623, %gather3A_624, %gather3A_625, %gather3A_626] : memref<2x4x64x128xf32, #tpu.memory_space<vmem>> -> memref<1x1x64x128xf32, #tpu.memory_space<vmem>>
      %gather3A_628 = tpu.memref_squeeze %gather3A_627 : memref<1x1x64x128xf32, #tpu.memory_space<vmem>> -> memref<64x128xf32, #tpu.memory_space<vmem>>
      %gather3A_629 = tpu.vector_load_idx %gather3A_628[%add3A_622, %broadcast_in_dim3A_618] : memref<64x128xf32, #tpu.memory_space<vmem>>[vector<16xi32>, vector<16xi32>], vector<16xf32>,
      tpu.vector_store_idx %arg14[%add3A_622, %broadcast_in_dim3A_619], %gather3A_629 : memref<64x128xf32, #tpu.memory_space<vmem>>[vector<16xi32>, vector<16xi32>], vector<16xf32>,
      %add3A_630 = arith.constant 16 : i32
      %add3A_631 = vector.broadcast %add3A_630 : i32 to vector<16xi32>
      %add3A_632 = arith.addi %add3A_631, %iota3A : vector<16xi32>
      %gather3A_633 = arith.constant 1 : i32
      %gather3A_634 = arith.constant 1 : i32
      %gather3A_635 = arith.constant 0 : i32
      %gather3A_636 = arith.constant 0 : i32
      %gather3A_637 = tpu.memref_slice %arg13[%gather3A_633, %gather3A_634, %gather3A_635, %gather3A_636] : memref<2x4x64x128xf32, #tpu.memory_space<vmem>> -> memref<1x1x64x128xf32, #tpu.memory_space<vmem>>
      %gather3A_638 = tpu.memref_squeeze %gather3A_637 : memref<1x1x64x128xf32, #tpu.memory_space<vmem>> -> memref<64x128xf32, #tpu.memory_space<vmem>>
      %gather3A_639 = tpu.vector_load_idx %gather3A_638[%add3A_632, %broadcast_in_dim3A_618] : memref<64x128xf32, #tpu.memory_space<vmem>>[vector<16xi32>, vector<16xi32>], vector<16xf32>,
      tpu.vector_store_idx %arg14[%add3A_632, %broadcast_in_dim3A_619], %gather3A_639 : memref<64x128xf32, #tpu.memory_space<vmem>>[vector<16xi32>, vector<16xi32>], vector<16xf32>,
      %add3A_640 = arith.constant 32 : i32
      %add3A_641 = vector.broadcast %add3A_640 : i32 to vector<16xi32>
      %add3A_642 = arith.addi %add3A_641, %iota3A : vector<16xi32>
      %gather3A_643 = arith.constant 1 : i32
      %gather3A_644 = arith.constant 1 : i32
      %gather3A_645 = arith.constant 0 : i32
      %gather3A_646 = arith.constant 0 : i32
      %gather3A_647 = tpu.memref_slice %arg13[%gather3A_643, %gather3A_644, %gather3A_645, %gather3A_646] : memref<2x4x64x128xf32, #tpu.memory_space<vmem>> -> memref<1x1x64x128xf32, #tpu.memory_space<vmem>>
      %gather3A_648 = tpu.memref_squeeze %gather3A_647 : memref<1x1x64x128xf32, #tpu.memory_space<vmem>> -> memref<64x128xf32, #tpu.memory_space<vmem>>
      %gather3A_649 = tpu.vector_load_idx %gather3A_648[%add3A_642, %broadcast_in_dim3A_618] : memref<64x128xf32, #tpu.memory_space<vmem>>[vector<16xi32>, vector<16xi32>], vector<16xf32>,
      tpu.vector_store_idx %arg14[%add3A_642, %broadcast_in_dim3A_619], %gather3A_649 : memref<64x128xf32, #tpu.memory_space<vmem>>[vector<16xi32>, vector<16xi32>], vector<16xf32>,
      %add3A_650 = arith.constant 48 : i32
      %add3A_651 = vector.broadcast %add3A_650 : i32 to vector<16xi32>
      %add3A_652 = arith.addi %add3A_651, %iota3A : vector<16xi32>
      %gather3A_653 = arith.constant 1 : i32
      %gather3A_654 = arith.constant 1 : i32
      %gather3A_655 = arith.constant 0 : i32
      %gather3A_656 = arith.constant 0 : i32
      %gather3A_657 = tpu.memref_slice %arg13[%gather3A_653, %gather3A_654, %gather3A_655, %gather3A_656] : memref<2x4x64x128xf32, #tpu.memory_space<vmem>> -> memref<1x1x64x128xf32, #tpu.memory_space<vmem>>
      %gather3A_658 = tpu.memref_squeeze %gather3A_657 : memref<1x1x64x128xf32, #tpu.memory_space<vmem>> -> memref<64x128xf32, #tpu.memory_space<vmem>>
      %gather3A_659 = tpu.vector_load_idx %gather3A_658[%add3A_652, %broadcast_in_dim3A_618] : memref<64x128xf32, #tpu.memory_space<vmem>>[vector<16xi32>, vector<16xi32>], vector<16xf32>,
      tpu.vector_store_idx %arg14[%add3A_652, %broadcast_in_dim3A_619], %gather3A_659 : memref<64x128xf32, #tpu.memory_space<vmem>>[vector<16xi32>, vector<16xi32>], vector<16xf32>,
      %slice3A_660 = vector.extract_strided_slice %gather3A_559 {offsets = [2], sizes = [1], strides = [1]} : vector<16xi32> to vector<1xi32>
      %squeeze3A_661 = vector.extract %slice3A_660[0] : i32 from vector<1xi32>
      %and3A_662 = arith.constant 127 : i32
      %and3A_663 = arith.andi %squeeze3A_661, %and3A_662 : i32
      %mul3A_664 = arith.constant 4 : i32
      %mul3A_665 = arith.muli %add3A_551, %mul3A_664 : i32
      %add3A_666 = arith.constant 2 : i32
      %add3A_667 = arith.addi %mul3A_665, %add3A_666 : i32
      %broadcast_in_dim3A_668 = vector.broadcast %and3A_663 : i32 to vector<16xi32>
      %broadcast_in_dim3A_669 = vector.broadcast %add3A_667 : i32 to vector<16xi32>
      %add3A_670 = arith.constant 0 : i32
      %add3A_671 = vector.broadcast %add3A_670 : i32 to vector<16xi32>
      %add3A_672 = arith.addi %add3A_671, %iota3A : vector<16xi32>
      %gather3A_673 = arith.constant 1 : i32
      %gather3A_674 = arith.constant 2 : i32
      %gather3A_675 = arith.constant 0 : i32
      %gather3A_676 = arith.constant 0 : i32
      %gather3A_677 = tpu.memref_slice %arg13[%gather3A_673, %gather3A_674, %gather3A_675, %gather3A_676] : memref<2x4x64x128xf32, #tpu.memory_space<vmem>> -> memref<1x1x64x128xf32, #tpu.memory_space<vmem>>
      %gather3A_678 = tpu.memref_squeeze %gather3A_677 : memref<1x1x64x128xf32, #tpu.memory_space<vmem>> -> memref<64x128xf32, #tpu.memory_space<vmem>>
      %gather3A_679 = tpu.vector_load_idx %gather3A_678[%add3A_672, %broadcast_in_dim3A_668] : memref<64x128xf32, #tpu.memory_space<vmem>>[vector<16xi32>, vector<16xi32>], vector<16xf32>,
      tpu.vector_store_idx %arg14[%add3A_672, %broadcast_in_dim3A_669], %gather3A_679 : memref<64x128xf32, #tpu.memory_space<vmem>>[vector<16xi32>, vector<16xi32>], vector<16xf32>,
      %add3A_680 = arith.constant 16 : i32
      %add3A_681 = vector.broadcast %add3A_680 : i32 to vector<16xi32>
      %add3A_682 = arith.addi %add3A_681, %iota3A : vector<16xi32>
      %gather3A_683 = arith.constant 1 : i32
      %gather3A_684 = arith.constant 2 : i32
      %gather3A_685 = arith.constant 0 : i32
      %gather3A_686 = arith.constant 0 : i32
      %gather3A_687 = tpu.memref_slice %arg13[%gather3A_683, %gather3A_684, %gather3A_685, %gather3A_686] : memref<2x4x64x128xf32, #tpu.memory_space<vmem>> -> memref<1x1x64x128xf32, #tpu.memory_space<vmem>>
      %gather3A_688 = tpu.memref_squeeze %gather3A_687 : memref<1x1x64x128xf32, #tpu.memory_space<vmem>> -> memref<64x128xf32, #tpu.memory_space<vmem>>
      %gather3A_689 = tpu.vector_load_idx %gather3A_688[%add3A_682, %broadcast_in_dim3A_668] : memref<64x128xf32, #tpu.memory_space<vmem>>[vector<16xi32>, vector<16xi32>], vector<16xf32>,
      tpu.vector_store_idx %arg14[%add3A_682, %broadcast_in_dim3A_669], %gather3A_689 : memref<64x128xf32, #tpu.memory_space<vmem>>[vector<16xi32>, vector<16xi32>], vector<16xf32>,
      %add3A_690 = arith.constant 32 : i32
      %add3A_691 = vector.broadcast %add3A_690 : i32 to vector<16xi32>
      %add3A_692 = arith.addi %add3A_691, %iota3A : vector<16xi32>
      %gather3A_693 = arith.constant 1 : i32
      %gather3A_694 = arith.constant 2 : i32
      %gather3A_695 = arith.constant 0 : i32
      %gather3A_696 = arith.constant 0 : i32
      %gather3A_697 = tpu.memref_slice %arg13[%gather3A_693, %gather3A_694, %gather3A_695, %gather3A_696] : memref<2x4x64x128xf32, #tpu.memory_space<vmem>> -> memref<1x1x64x128xf32, #tpu.memory_space<vmem>>
      %gather3A_698 = tpu.memref_squeeze %gather3A_697 : memref<1x1x64x128xf32, #tpu.memory_space<vmem>> -> memref<64x128xf32, #tpu.memory_space<vmem>>
      %gather3A_699 = tpu.vector_load_idx %gather3A_698[%add3A_692, %broadcast_in_dim3A_668] : memref<64x128xf32, #tpu.memory_space<vmem>>[vector<16xi32>, vector<16xi32>], vector<16xf32>,
      tpu.vector_store_idx %arg14[%add3A_692, %broadcast_in_dim3A_669], %gather3A_699 : memref<64x128xf32, #tpu.memory_space<vmem>>[vector<16xi32>, vector<16xi32>], vector<16xf32>,
      %add3A_700 = arith.constant 48 : i32
      %add3A_701 = vector.broadcast %add3A_700 : i32 to vector<16xi32>
      %add3A_702 = arith.addi %add3A_701, %iota3A : vector<16xi32>
      %gather3A_703 = arith.constant 1 : i32
      %gather3A_704 = arith.constant 2 : i32
      %gather3A_705 = arith.constant 0 : i32
      %gather3A_706 = arith.constant 0 : i32
      %gather3A_707 = tpu.memref_slice %arg13[%gather3A_703, %gather3A_704, %gather3A_705, %gather3A_706] : memref<2x4x64x128xf32, #tpu.memory_space<vmem>> -> memref<1x1x64x128xf32, #tpu.memory_space<vmem>>
      %gather3A_708 = tpu.memref_squeeze %gather3A_707 : memref<1x1x64x128xf32, #tpu.memory_space<vmem>> -> memref<64x128xf32, #tpu.memory_space<vmem>>
      %gather3A_709 = tpu.vector_load_idx %gather3A_708[%add3A_702, %broadcast_in_dim3A_668] : memref<64x128xf32, #tpu.memory_space<vmem>>[vector<16xi32>, vector<16xi32>], vector<16xf32>,
      tpu.vector_store_idx %arg14[%add3A_702, %broadcast_in_dim3A_669], %gather3A_709 : memref<64x128xf32, #tpu.memory_space<vmem>>[vector<16xi32>, vector<16xi32>], vector<16xf32>,
      %slice3A_710 = vector.extract_strided_slice %gather3A_559 {offsets = [3], sizes = [1], strides = [1]} : vector<16xi32> to vector<1xi32>
      %squeeze3A_711 = vector.extract %slice3A_710[0] : i32 from vector<1xi32>
      %and3A_712 = arith.constant 127 : i32
      %and3A_713 = arith.andi %squeeze3A_711, %and3A_712 : i32
      %mul3A_714 = arith.constant 4 : i32
      %mul3A_715 = arith.muli %add3A_551, %mul3A_714 : i32
      %add3A_716 = arith.constant 3 : i32
      %add3A_717 = arith.addi %mul3A_715, %add3A_716 : i32
      %broadcast_in_dim3A_718 = vector.broadcast %and3A_713 : i32 to vector<16xi32>
      %broadcast_in_dim3A_719 = vector.broadcast %add3A_717 : i32 to vector<16xi32>
      %add3A_720 = arith.constant 0 : i32
      %add3A_721 = vector.broadcast %add3A_720 : i32 to vector<16xi32>
      %add3A_722 = arith.addi %add3A_721, %iota3A : vector<16xi32>
      %gather3A_723 = arith.constant 1 : i32
      %gather3A_724 = arith.constant 3 : i32
      %gather3A_725 = arith.constant 0 : i32
      %gather3A_726 = arith.constant 0 : i32
      %gather3A_727 = tpu.memref_slice %arg13[%gather3A_723, %gather3A_724, %gather3A_725, %gather3A_726] : memref<2x4x64x128xf32, #tpu.memory_space<vmem>> -> memref<1x1x64x128xf32, #tpu.memory_space<vmem>>
      %gather3A_728 = tpu.memref_squeeze %gather3A_727 : memref<1x1x64x128xf32, #tpu.memory_space<vmem>> -> memref<64x128xf32, #tpu.memory_space<vmem>>
      %gather3A_729 = tpu.vector_load_idx %gather3A_728[%add3A_722, %broadcast_in_dim3A_718] : memref<64x128xf32, #tpu.memory_space<vmem>>[vector<16xi32>, vector<16xi32>], vector<16xf32>,
      tpu.vector_store_idx %arg14[%add3A_722, %broadcast_in_dim3A_719], %gather3A_729 : memref<64x128xf32, #tpu.memory_space<vmem>>[vector<16xi32>, vector<16xi32>], vector<16xf32>,
      %add3A_730 = arith.constant 16 : i32
      %add3A_731 = vector.broadcast %add3A_730 : i32 to vector<16xi32>
      %add3A_732 = arith.addi %add3A_731, %iota3A : vector<16xi32>
      %gather3A_733 = arith.constant 1 : i32
      %gather3A_734 = arith.constant 3 : i32
      %gather3A_735 = arith.constant 0 : i32
      %gather3A_736 = arith.constant 0 : i32
      %gather3A_737 = tpu.memref_slice %arg13[%gather3A_733, %gather3A_734, %gather3A_735, %gather3A_736] : memref<2x4x64x128xf32, #tpu.memory_space<vmem>> -> memref<1x1x64x128xf32, #tpu.memory_space<vmem>>
      %gather3A_738 = tpu.memref_squeeze %gather3A_737 : memref<1x1x64x128xf32, #tpu.memory_space<vmem>> -> memref<64x128xf32, #tpu.memory_space<vmem>>
      %gather3A_739 = tpu.vector_load_idx %gather3A_738[%add3A_732, %broadcast_in_dim3A_718] : memref<64x128xf32, #tpu.memory_space<vmem>>[vector<16xi32>, vector<16xi32>], vector<16xf32>,
      tpu.vector_store_idx %arg14[%add3A_732, %broadcast_in_dim3A_719], %gather3A_739 : memref<64x128xf32, #tpu.memory_space<vmem>>[vector<16xi32>, vector<16xi32>], vector<16xf32>,
      %add3A_740 = arith.constant 32 : i32
      %add3A_741 = vector.broadcast %add3A_740 : i32 to vector<16xi32>
      %add3A_742 = arith.addi %add3A_741, %iota3A : vector<16xi32>
      %gather3A_743 = arith.constant 1 : i32
      %gather3A_744 = arith.constant 3 : i32
      %gather3A_745 = arith.constant 0 : i32
      %gather3A_746 = arith.constant 0 : i32
      %gather3A_747 = tpu.memref_slice %arg13[%gather3A_743, %gather3A_744, %gather3A_745, %gather3A_746] : memref<2x4x64x128xf32, #tpu.memory_space<vmem>> -> memref<1x1x64x128xf32, #tpu.memory_space<vmem>>
      %gather3A_748 = tpu.memref_squeeze %gather3A_747 : memref<1x1x64x128xf32, #tpu.memory_space<vmem>> -> memref<64x128xf32, #tpu.memory_space<vmem>>
      %gather3A_749 = tpu.vector_load_idx %gather3A_748[%add3A_742, %broadcast_in_dim3A_718] : memref<64x128xf32, #tpu.memory_space<vmem>>[vector<16xi32>, vector<16xi32>], vector<16xf32>,
      tpu.vector_store_idx %arg14[%add3A_742, %broadcast_in_dim3A_719], %gather3A_749 : memref<64x128xf32, #tpu.memory_space<vmem>>[vector<16xi32>, vector<16xi32>], vector<16xf32>,
      %add3A_750 = arith.constant 48 : i32
      %add3A_751 = vector.broadcast %add3A_750 : i32 to vector<16xi32>
      %add3A_752 = arith.addi %add3A_751, %iota3A : vector<16xi32>
      %gather3A_753 = arith.constant 1 : i32
      %gather3A_754 = arith.constant 3 : i32
      %gather3A_755 = arith.constant 0 : i32
      %gather3A_756 = arith.constant 0 : i32
      %gather3A_757 = tpu.memref_slice %arg13[%gather3A_753, %gather3A_754, %gather3A_755, %gather3A_756] : memref<2x4x64x128xf32, #tpu.memory_space<vmem>> -> memref<1x1x64x128xf32, #tpu.memory_space<vmem>>
      %gather3A_758 = tpu.memref_squeeze %gather3A_757 : memref<1x1x64x128xf32, #tpu.memory_space<vmem>> -> memref<64x128xf32, #tpu.memory_space<vmem>>
      %gather3A_759 = tpu.vector_load_idx %gather3A_758[%add3A_752, %broadcast_in_dim3A_718] : memref<64x128xf32, #tpu.memory_space<vmem>>[vector<16xi32>, vector<16xi32>], vector<16xf32>,
      tpu.vector_store_idx %arg14[%add3A_752, %broadcast_in_dim3A_719], %gather3A_759 : memref<64x128xf32, #tpu.memory_space<vmem>>[vector<16xi32>, vector<16xi32>], vector<16xf32>,
    }
    %scan3A_102 = arith.constant 16 : i32
    %dma_wait3A = arith.constant 0 : i32
    %dma_wait3A_103 = tpu.memref_slice %arg3[%dma_wait3A] : memref<1000000xf32, #tpu.memory_space<hbm>> -> memref<1000000xf32, #tpu.memory_space<hbm>>
    tpu.wait_indirect_dma semaphore(%arg20 : memref<!tpu.dma_semaphore, #tpu.memory_space<semaphore_mem>>) src(%dma_wait3A_103 : memref<1000000xf32, #tpu.memory_space<hbm>>) dst(%arg16 : memref<128xf32, #tpu.memory_space<vmem>>)
    %slice3A_104 = vector.extract_strided_slice %scan3A_9 {offsets = [0], sizes = [1], strides = [1]} : vector<16xi32> to vector<1xi32>
    %squeeze3A_105 = vector.extract %slice3A_104[0] : i32 from vector<1xi32>
    %gt3A = arith.constant 0 : i32
    %gt3A_106 = arith.cmpi sgt, %squeeze3A_105, %gt3A : i32
    %convert_element_type3A = arith.extui %gt3A_106 : i1 to i32
    %cond3A = arith.constant 0 : i32
    %cond3A_107 = arith.cmpi ne, %convert_element_type3A, %cond3A : i32
    scf.if %cond3A_107 {
      %dma_start3A_114 = arith.constant 0 : i32
      %dma_start3A_115 = tpu.memref_slice %arg5[%dma_start3A_114] : memref<4096xf32, #tpu.memory_space<hbm>> -> memref<4096xf32, #tpu.memory_space<hbm>>
      tpu.enqueue_indirect_dma source(%dma_start3A_115 : memref<4096xf32, #tpu.memory_space<hbm>>) target(%arg17 : memref<128xf32, #tpu.memory_space<vmem>>) offsets(%arg12 : memref<128xi32, #tpu.memory_space<vmem>>) semaphore(%arg21 : memref<!tpu.dma_semaphore, #tpu.memory_space<semaphore_mem>>)
      %dma_wait3A_116 = arith.constant 0 : i32
      %dma_wait3A_117 = tpu.memref_slice %arg5[%dma_wait3A_116] : memref<4096xf32, #tpu.memory_space<hbm>> -> memref<4096xf32, #tpu.memory_space<hbm>>
      tpu.wait_indirect_dma semaphore(%arg21 : memref<!tpu.dma_semaphore, #tpu.memory_space<semaphore_mem>>) src(%dma_wait3A_117 : memref<4096xf32, #tpu.memory_space<hbm>>) dst(%arg17 : memref<128xf32, #tpu.memory_space<vmem>>)
      %scan3A_118 = arith.constant 0 : i32
      %scan3A_119 = arith.constant 0 : i32
      %scan3A_120 = arith.constant 8 : i32
      %scan3A_121 = arith.addi %scan3A_119, %scan3A_120 : i32
      %scan3A_122 = arith.constant 1 : i32
      scf.for %scan3A_124 = %scan3A_119 to %scan3A_121 step %scan3A_122  : i32 {
        %mul3A_125 = arith.constant 16 : i32
        %mul3A_126 = arith.muli %scan3A_124, %mul3A_125 : i32
        %multiple_of3A_127 = tpu.assume_multiple %mul3A_126, 16 : i32
        %get3A_128 = arith.index_cast %multiple_of3A_127 : i32 to index
        %get3A_129 = tpu.vector_load %arg11[%get3A_128] {strides = array<i32>} : memref<128xi32, #tpu.memory_space<vmem>>, vector<16xi32>,
        %lt3A = arith.constant 4096 : i32
        %lt3A_130 = vector.broadcast %lt3A : i32 to vector<16xi32>
        %lt3A_131 = arith.cmpi slt, %get3A_129, %lt3A_130 : vector<16xi32>
        %get3A_132 = arith.index_cast %multiple_of3A_127 : i32 to index
        %get3A_133 = tpu.vector_load %arg17[%get3A_132] {strides = array<i32>} : memref<128xf32, #tpu.memory_space<vmem>>, vector<16xf32>,
        %get3A_134 = arith.index_cast %multiple_of3A_127 : i32 to index
        %get3A_135 = tpu.vector_load %arg16[%get3A_134] {strides = array<i32>} : memref<128xf32, #tpu.memory_space<vmem>>, vector<16xf32>,
        %select_n3A = arith.select %lt3A_131, %get3A_133, %get3A_135 : vector<16xi1>, vector<16xf32>
        %swap3A = arith.index_cast %multiple_of3A_127 : i32 to index
        %swap3A_136 = tpu.vector_load %arg16[%swap3A] {strides = array<i32>} : memref<128xf32, #tpu.memory_space<vmem>>, vector<16xf32>,
        tpu.vector_store %arg16[%swap3A], %select_n3A {strides = array<i32>} : memref<128xf32, #tpu.memory_space<vmem>>, vector<16xf32>,
        %slice3A_137 = vector.extract_strided_slice %get3A_129 {offsets = [0], sizes = [1], strides = [1]} : vector<16xi32> to vector<1xi32>
        %squeeze3A_138 = vector.extract %slice3A_137[0] : i32 from vector<1xi32>
        %lt3A_139 = arith.constant 4096 : i32
        %lt3A_140 = arith.cmpi slt, %squeeze3A_138, %lt3A_139 : i32
        %convert_element_type3A_141 = arith.extui %lt3A_140 : i1 to i32
        %cond3A_142 = arith.constant 0 : i32
        %cond3A_143 = arith.cmpi ne, %convert_element_type3A_141, %cond3A_142 : i32
        scf.if %cond3A_143 {
          %shift_right_logical3A_249 = arith.constant 7 : i32
          %shift_right_logical3A_250 = arith.shrui %squeeze3A_138, %shift_right_logical3A_249 : i32
          %shift_left3A_251 = arith.constant 7 : i32
          %shift_left3A_252 = arith.shli %shift_right_logical3A_250, %shift_left3A_251 : i32
          %multiple_of3A_253 = tpu.assume_multiple %shift_left3A_252, 128 : i32
          %run_scoped3A = arith.constant 0 : i32
          %run_scoped3A_254 = arith.constant 0 : i32
          "tpu.region"() ({
            %run_scoped3A_300 = tpu.sem_alloc : memref<!tpu.dma_semaphore, #tpu.memory_space<semaphore_mem>>
            %dma_start3A_301 = arith.constant 0 : i32
            %dma_start3A_302 = arith.constant 0 : i32
            %dma_start3A_303 = tpu.memref_slice %arg13[%run_scoped3A, %run_scoped3A_254, %dma_start3A_301, %dma_start3A_302] : memref<2x4x64x128xf32, #tpu.memory_space<vmem>> -> memref<1x1x64x128xf32, #tpu.memory_space<vmem>>
            %dma_start3A_304 = tpu.memref_squeeze %dma_start3A_303 : memref<1x1x64x128xf32, #tpu.memory_space<vmem>> -> memref<64x128xf32, #tpu.memory_space<vmem>>
            %dma_start3A_305 = arith.constant 0 : i32
            %dma_start3A_306 = tpu.memref_slice %arg4[%dma_start3A_305, %multiple_of3A_253] : memref<64x4096xf32, #tpu.memory_space<hbm>> -> memref<64x128xf32, #tpu.memory_space<hbm>>
            %dma_start3A_307 = arith.constant 0 : i32
            %dma_start3A_308 = arith.constant 0 : i32
            %dma_start3A_309 = tpu.memref_slice %arg13[%run_scoped3A, %run_scoped3A_254, %dma_start3A_307, %dma_start3A_308] : memref<2x4x64x128xf32, #tpu.memory_space<vmem>> -> memref<1x1x64x128xf32, #tpu.memory_space<vmem>>
            %dma_start3A_310 = tpu.memref_squeeze %dma_start3A_309 : memref<1x1x64x128xf32, #tpu.memory_space<vmem>> -> memref<64x128xf32, #tpu.memory_space<vmem>>
            %dma_start3A_311 = arith.constant 0 : i32
            %dma_start3A_312 = tpu.memref_slice %arg4[%dma_start3A_311, %multiple_of3A_253] : memref<64x4096xf32, #tpu.memory_space<hbm>> -> memref<64x128xf32, #tpu.memory_space<hbm>>
            tpu.enqueue_dma source(%dma_start3A_312 : memref<64x128xf32, #tpu.memory_space<hbm>>) target(%dma_start3A_310 : memref<64x128xf32, #tpu.memory_space<vmem>>) target_semaphore(%run_scoped3A_300 : memref<!tpu.dma_semaphore, #tpu.memory_space<semaphore_mem>>)
            %dma_wait3A_313 = arith.constant 0 : i32
            %dma_wait3A_314 = arith.constant 0 : i32
            %dma_wait3A_315 = tpu.memref_slice %arg13[%run_scoped3A, %run_scoped3A_254, %dma_wait3A_313, %dma_wait3A_314] : memref<2x4x64x128xf32, #tpu.memory_space<vmem>> -> memref<1x1x64x128xf32, #tpu.memory_space<vmem>>
            %dma_wait3A_316 = tpu.memref_squeeze %dma_wait3A_315 : memref<1x1x64x128xf32, #tpu.memory_space<vmem>> -> memref<64x128xf32, #tpu.memory_space<vmem>>
            %dma_wait3A_317 = arith.constant 0 : i32
            %dma_wait3A_318 = tpu.memref_slice %arg4[%dma_wait3A_317, %multiple_of3A_253] : memref<64x4096xf32, #tpu.memory_space<hbm>> -> memref<64x128xf32, #tpu.memory_space<hbm>>
            %dma_wait3A_319 = arith.constant 0 : i32
            %dma_wait3A_320 = arith.constant 0 : i32
            %dma_wait3A_321 = tpu.memref_slice %arg13[%run_scoped3A, %run_scoped3A_254, %dma_wait3A_319, %dma_wait3A_320] : memref<2x4x64x128xf32, #tpu.memory_space<vmem>> -> memref<1x1x64x128xf32, #tpu.memory_space<vmem>>
            %dma_wait3A_322 = tpu.memref_squeeze %dma_wait3A_321 : memref<1x1x64x128xf32, #tpu.memory_space<vmem>> -> memref<64x128xf32, #tpu.memory_space<vmem>>
            %dma_wait3A_323 = arith.constant 0 : i32
            %dma_wait3A_324 = tpu.memref_slice %arg4[%dma_wait3A_323, %multiple_of3A_253] : memref<64x4096xf32, #tpu.memory_space<hbm>> -> memref<64x128xf32, #tpu.memory_space<hbm>>
            tpu.wait_dma2 semaphore(%run_scoped3A_300 : memref<!tpu.dma_semaphore, #tpu.memory_space<semaphore_mem>>) src(%dma_wait3A_324 : memref<64x128xf32, #tpu.memory_space<hbm>>) dst(%dma_wait3A_322 : memref<64x128xf32, #tpu.memory_space<vmem>>)
            tpu.yield
          }) : () -> ()
          %and3A = arith.constant 127 : i32
          %and3A_255 = arith.andi %squeeze3A_138, %and3A : i32
          %add3A_256 = arith.constant 0 : i32
          %add3A_257 = arith.addi %multiple_of3A_127, %add3A_256 : i32
          %broadcast_in_dim3A_258 = vector.broadcast %and3A_255 : i32 to vector<16xi32>
          %broadcast_in_dim3A_259 = vector.broadcast %add3A_257 : i32 to vector<16xi32>
          %add3A_260 = arith.constant 0 : i32
          %add3A_261 = vector.broadcast %add3A_260 : i32 to vector<16xi32>
          %add3A_262 = arith.addi %add3A_261, %iota3A : vector<16xi32>
          %gather3A_263 = arith.constant 0 : i32
          %gather3A_264 = arith.constant 0 : i32
          %gather3A_265 = arith.constant 0 : i32
          %gather3A_266 = arith.constant 0 : i32
          %gather3A_267 = tpu.memref_slice %arg13[%gather3A_263, %gather3A_264, %gather3A_265, %gather3A_266] : memref<2x4x64x128xf32, #tpu.memory_space<vmem>> -> memref<1x1x64x128xf32, #tpu.memory_space<vmem>>
          %gather3A_268 = tpu.memref_squeeze %gather3A_267 : memref<1x1x64x128xf32, #tpu.memory_space<vmem>> -> memref<64x128xf32, #tpu.memory_space<vmem>>
          %gather3A_269 = tpu.vector_load_idx %gather3A_268[%add3A_262, %broadcast_in_dim3A_258] : memref<64x128xf32, #tpu.memory_space<vmem>>[vector<16xi32>, vector<16xi32>], vector<16xf32>,
          tpu.vector_store_idx %arg14[%add3A_262, %broadcast_in_dim3A_259], %gather3A_269 : memref<64x128xf32, #tpu.memory_space<vmem>>[vector<16xi32>, vector<16xi32>], vector<16xf32>,
          %add3A_270 = arith.constant 16 : i32
          %add3A_271 = vector.broadcast %add3A_270 : i32 to vector<16xi32>
          %add3A_272 = arith.addi %add3A_271, %iota3A : vector<16xi32>
          %gather3A_273 = arith.constant 0 : i32
          %gather3A_274 = arith.constant 0 : i32
          %gather3A_275 = arith.constant 0 : i32
          %gather3A_276 = arith.constant 0 : i32
          %gather3A_277 = tpu.memref_slice %arg13[%gather3A_273, %gather3A_274, %gather3A_275, %gather3A_276] : memref<2x4x64x128xf32, #tpu.memory_space<vmem>> -> memref<1x1x64x128xf32, #tpu.memory_space<vmem>>
          %gather3A_278 = tpu.memref_squeeze %gather3A_277 : memref<1x1x64x128xf32, #tpu.memory_space<vmem>> -> memref<64x128xf32, #tpu.memory_space<vmem>>
          %gather3A_279 = tpu.vector_load_idx %gather3A_278[%add3A_272, %broadcast_in_dim3A_258] : memref<64x128xf32, #tpu.memory_space<vmem>>[vector<16xi32>, vector<16xi32>], vector<16xf32>,
          tpu.vector_store_idx %arg14[%add3A_272, %broadcast_in_dim3A_259], %gather3A_279 : memref<64x128xf32, #tpu.memory_space<vmem>>[vector<16xi32>, vector<16xi32>], vector<16xf32>,
          %add3A_280 = arith.constant 32 : i32
          %add3A_281 = vector.broadcast %add3A_280 : i32 to vector<16xi32>
          %add3A_282 = arith.addi %add3A_281, %iota3A : vector<16xi32>
          %gather3A_283 = arith.constant 0 : i32
          %gather3A_284 = arith.constant 0 : i32
          %gather3A_285 = arith.constant 0 : i32
          %gather3A_286 = arith.constant 0 : i32
          %gather3A_287 = tpu.memref_slice %arg13[%gather3A_283, %gather3A_284, %gather3A_285, %gather3A_286] : memref<2x4x64x128xf32, #tpu.memory_space<vmem>> -> memref<1x1x64x128xf32, #tpu.memory_space<vmem>>
          %gather3A_288 = tpu.memref_squeeze %gather3A_287 : memref<1x1x64x128xf32, #tpu.memory_space<vmem>> -> memref<64x128xf32, #tpu.memory_space<vmem>>
          %gather3A_289 = tpu.vector_load_idx %gather3A_288[%add3A_282, %broadcast_in_dim3A_258] : memref<64x128xf32, #tpu.memory_space<vmem>>[vector<16xi32>, vector<16xi32>], vector<16xf32>,
          tpu.vector_store_idx %arg14[%add3A_282, %broadcast_in_dim3A_259], %gather3A_289 : memref<64x128xf32, #tpu.memory_space<vmem>>[vector<16xi32>, vector<16xi32>], vector<16xf32>,
          %add3A_290 = arith.constant 48 : i32
          %add3A_291 = vector.broadcast %add3A_290 : i32 to vector<16xi32>
          %add3A_292 = arith.addi %add3A_291, %iota3A : vector<16xi32>
          %gather3A_293 = arith.constant 0 : i32
          %gather3A_294 = arith.constant 0 : i32
          %gather3A_295 = arith.constant 0 : i32
          %gather3A_296 = arith.constant 0 : i32
          %gather3A_297 = tpu.memref_slice %arg13[%gather3A_293, %gather3A_294, %gather3A_295, %gather3A_296] : memref<2x4x64x128xf32, #tpu.memory_space<vmem>> -> memref<1x1x64x128xf32, #tpu.memory_space<vmem>>
          %gather3A_298 = tpu.memref_squeeze %gather3A_297 : memref<1x1x64x128xf32, #tpu.memory_space<vmem>> -> memref<64x128xf32, #tpu.memory_space<vmem>>
          %gather3A_299 = tpu.vector_load_idx %gather3A_298[%add3A_292, %broadcast_in_dim3A_258] : memref<64x128xf32, #tpu.memory_space<vmem>>[vector<16xi32>, vector<16xi32>], vector<16xf32>,
          tpu.vector_store_idx %arg14[%add3A_292, %broadcast_in_dim3A_259], %gather3A_299 : memref<64x128xf32, #tpu.memory_space<vmem>>[vector<16xi32>, vector<16xi32>], vector<16xf32>,
        } else {
        }
        %slice3A_144 = vector.extract_strided_slice %get3A_129 {offsets = [1], sizes = [1], strides = [1]} : vector<16xi32> to vector<1xi32>
        %squeeze3A_145 = vector.extract %slice3A_144[0] : i32 from vector<1xi32>
        %lt3A_146 = arith.constant 4096 : i32
        %lt3A_147 = arith.cmpi slt, %squeeze3A_145, %lt3A_146 : i32
        %convert_element_type3A_148 = arith.extui %lt3A_147 : i1 to i32
        %cond3A_149 = arith.constant 0 : i32
        %cond3A_150 = arith.cmpi ne, %convert_element_type3A_148, %cond3A_149 : i32
        scf.if %cond3A_150 {
          %shift_right_logical3A_249 = arith.constant 7 : i32
          %shift_right_logical3A_250 = arith.shrui %squeeze3A_145, %shift_right_logical3A_249 : i32
          %shift_left3A_251 = arith.constant 7 : i32
          %shift_left3A_252 = arith.shli %shift_right_logical3A_250, %shift_left3A_251 : i32
          %multiple_of3A_253 = tpu.assume_multiple %shift_left3A_252, 128 : i32
          %run_scoped3A = arith.constant 0 : i32
          %run_scoped3A_254 = arith.constant 0 : i32
          "tpu.region"() ({
            %run_scoped3A_300 = tpu.sem_alloc : memref<!tpu.dma_semaphore, #tpu.memory_space<semaphore_mem>>
            %dma_start3A_301 = arith.constant 0 : i32
            %dma_start3A_302 = arith.constant 0 : i32
            %dma_start3A_303 = tpu.memref_slice %arg13[%run_scoped3A, %run_scoped3A_254, %dma_start3A_301, %dma_start3A_302] : memref<2x4x64x128xf32, #tpu.memory_space<vmem>> -> memref<1x1x64x128xf32, #tpu.memory_space<vmem>>
            %dma_start3A_304 = tpu.memref_squeeze %dma_start3A_303 : memref<1x1x64x128xf32, #tpu.memory_space<vmem>> -> memref<64x128xf32, #tpu.memory_space<vmem>>
            %dma_start3A_305 = arith.constant 0 : i32
            %dma_start3A_306 = tpu.memref_slice %arg4[%dma_start3A_305, %multiple_of3A_253] : memref<64x4096xf32, #tpu.memory_space<hbm>> -> memref<64x128xf32, #tpu.memory_space<hbm>>
            %dma_start3A_307 = arith.constant 0 : i32
            %dma_start3A_308 = arith.constant 0 : i32
            %dma_start3A_309 = tpu.memref_slice %arg13[%run_scoped3A, %run_scoped3A_254, %dma_start3A_307, %dma_start3A_308] : memref<2x4x64x128xf32, #tpu.memory_space<vmem>> -> memref<1x1x64x128xf32, #tpu.memory_space<vmem>>
            %dma_start3A_310 = tpu.memref_squeeze %dma_start3A_309 : memref<1x1x64x128xf32, #tpu.memory_space<vmem>> -> memref<64x128xf32, #tpu.memory_space<vmem>>
            %dma_start3A_311 = arith.constant 0 : i32
            %dma_start3A_312 = tpu.memref_slice %arg4[%dma_start3A_311, %multiple_of3A_253] : memref<64x4096xf32, #tpu.memory_space<hbm>> -> memref<64x128xf32, #tpu.memory_space<hbm>>
            tpu.enqueue_dma source(%dma_start3A_312 : memref<64x128xf32, #tpu.memory_space<hbm>>) target(%dma_start3A_310 : memref<64x128xf32, #tpu.memory_space<vmem>>) target_semaphore(%run_scoped3A_300 : memref<!tpu.dma_semaphore, #tpu.memory_space<semaphore_mem>>)
            %dma_wait3A_313 = arith.constant 0 : i32
            %dma_wait3A_314 = arith.constant 0 : i32
            %dma_wait3A_315 = tpu.memref_slice %arg13[%run_scoped3A, %run_scoped3A_254, %dma_wait3A_313, %dma_wait3A_314] : memref<2x4x64x128xf32, #tpu.memory_space<vmem>> -> memref<1x1x64x128xf32, #tpu.memory_space<vmem>>
            %dma_wait3A_316 = tpu.memref_squeeze %dma_wait3A_315 : memref<1x1x64x128xf32, #tpu.memory_space<vmem>> -> memref<64x128xf32, #tpu.memory_space<vmem>>
            %dma_wait3A_317 = arith.constant 0 : i32
            %dma_wait3A_318 = tpu.memref_slice %arg4[%dma_wait3A_317, %multiple_of3A_253] : memref<64x4096xf32, #tpu.memory_space<hbm>> -> memref<64x128xf32, #tpu.memory_space<hbm>>
            %dma_wait3A_319 = arith.constant 0 : i32
            %dma_wait3A_320 = arith.constant 0 : i32
            %dma_wait3A_321 = tpu.memref_slice %arg13[%run_scoped3A, %run_scoped3A_254, %dma_wait3A_319, %dma_wait3A_320] : memref<2x4x64x128xf32, #tpu.memory_space<vmem>> -> memref<1x1x64x128xf32, #tpu.memory_space<vmem>>
            %dma_wait3A_322 = tpu.memref_squeeze %dma_wait3A_321 : memref<1x1x64x128xf32, #tpu.memory_space<vmem>> -> memref<64x128xf32, #tpu.memory_space<vmem>>
            %dma_wait3A_323 = arith.constant 0 : i32
            %dma_wait3A_324 = tpu.memref_slice %arg4[%dma_wait3A_323, %multiple_of3A_253] : memref<64x4096xf32, #tpu.memory_space<hbm>> -> memref<64x128xf32, #tpu.memory_space<hbm>>
            tpu.wait_dma2 semaphore(%run_scoped3A_300 : memref<!tpu.dma_semaphore, #tpu.memory_space<semaphore_mem>>) src(%dma_wait3A_324 : memref<64x128xf32, #tpu.memory_space<hbm>>) dst(%dma_wait3A_322 : memref<64x128xf32, #tpu.memory_space<vmem>>)
            tpu.yield
          }) : () -> ()
          %and3A = arith.constant 127 : i32
          %and3A_255 = arith.andi %squeeze3A_145, %and3A : i32
          %add3A_256 = arith.constant 1 : i32
          %add3A_257 = arith.addi %multiple_of3A_127, %add3A_256 : i32
          %broadcast_in_dim3A_258 = vector.broadcast %and3A_255 : i32 to vector<16xi32>
          %broadcast_in_dim3A_259 = vector.broadcast %add3A_257 : i32 to vector<16xi32>
          %add3A_260 = arith.constant 0 : i32
          %add3A_261 = vector.broadcast %add3A_260 : i32 to vector<16xi32>
          %add3A_262 = arith.addi %add3A_261, %iota3A : vector<16xi32>
          %gather3A_263 = arith.constant 0 : i32
          %gather3A_264 = arith.constant 0 : i32
          %gather3A_265 = arith.constant 0 : i32
          %gather3A_266 = arith.constant 0 : i32
          %gather3A_267 = tpu.memref_slice %arg13[%gather3A_263, %gather3A_264, %gather3A_265, %gather3A_266] : memref<2x4x64x128xf32, #tpu.memory_space<vmem>> -> memref<1x1x64x128xf32, #tpu.memory_space<vmem>>
          %gather3A_268 = tpu.memref_squeeze %gather3A_267 : memref<1x1x64x128xf32, #tpu.memory_space<vmem>> -> memref<64x128xf32, #tpu.memory_space<vmem>>
          %gather3A_269 = tpu.vector_load_idx %gather3A_268[%add3A_262, %broadcast_in_dim3A_258] : memref<64x128xf32, #tpu.memory_space<vmem>>[vector<16xi32>, vector<16xi32>], vector<16xf32>,
          tpu.vector_store_idx %arg14[%add3A_262, %broadcast_in_dim3A_259], %gather3A_269 : memref<64x128xf32, #tpu.memory_space<vmem>>[vector<16xi32>, vector<16xi32>], vector<16xf32>,
          %add3A_270 = arith.constant 16 : i32
          %add3A_271 = vector.broadcast %add3A_270 : i32 to vector<16xi32>
          %add3A_272 = arith.addi %add3A_271, %iota3A : vector<16xi32>
          %gather3A_273 = arith.constant 0 : i32
          %gather3A_274 = arith.constant 0 : i32
          %gather3A_275 = arith.constant 0 : i32
          %gather3A_276 = arith.constant 0 : i32
          %gather3A_277 = tpu.memref_slice %arg13[%gather3A_273, %gather3A_274, %gather3A_275, %gather3A_276] : memref<2x4x64x128xf32, #tpu.memory_space<vmem>> -> memref<1x1x64x128xf32, #tpu.memory_space<vmem>>
          %gather3A_278 = tpu.memref_squeeze %gather3A_277 : memref<1x1x64x128xf32, #tpu.memory_space<vmem>> -> memref<64x128xf32, #tpu.memory_space<vmem>>
          %gather3A_279 = tpu.vector_load_idx %gather3A_278[%add3A_272, %broadcast_in_dim3A_258] : memref<64x128xf32, #tpu.memory_space<vmem>>[vector<16xi32>, vector<16xi32>], vector<16xf32>,
          tpu.vector_store_idx %arg14[%add3A_272, %broadcast_in_dim3A_259], %gather3A_279 : memref<64x128xf32, #tpu.memory_space<vmem>>[vector<16xi32>, vector<16xi32>], vector<16xf32>,
          %add3A_280 = arith.constant 32 : i32
          %add3A_281 = vector.broadcast %add3A_280 : i32 to vector<16xi32>
          %add3A_282 = arith.addi %add3A_281, %iota3A : vector<16xi32>
          %gather3A_283 = arith.constant 0 : i32
          %gather3A_284 = arith.constant 0 : i32
          %gather3A_285 = arith.constant 0 : i32
          %gather3A_286 = arith.constant 0 : i32
          %gather3A_287 = tpu.memref_slice %arg13[%gather3A_283, %gather3A_284, %gather3A_285, %gather3A_286] : memref<2x4x64x128xf32, #tpu.memory_space<vmem>> -> memref<1x1x64x128xf32, #tpu.memory_space<vmem>>
          %gather3A_288 = tpu.memref_squeeze %gather3A_287 : memref<1x1x64x128xf32, #tpu.memory_space<vmem>> -> memref<64x128xf32, #tpu.memory_space<vmem>>
          %gather3A_289 = tpu.vector_load_idx %gather3A_288[%add3A_282, %broadcast_in_dim3A_258] : memref<64x128xf32, #tpu.memory_space<vmem>>[vector<16xi32>, vector<16xi32>], vector<16xf32>,
          tpu.vector_store_idx %arg14[%add3A_282, %broadcast_in_dim3A_259], %gather3A_289 : memref<64x128xf32, #tpu.memory_space<vmem>>[vector<16xi32>, vector<16xi32>], vector<16xf32>,
          %add3A_290 = arith.constant 48 : i32
          %add3A_291 = vector.broadcast %add3A_290 : i32 to vector<16xi32>
          %add3A_292 = arith.addi %add3A_291, %iota3A : vector<16xi32>
          %gather3A_293 = arith.constant 0 : i32
          %gather3A_294 = arith.constant 0 : i32
          %gather3A_295 = arith.constant 0 : i32
          %gather3A_296 = arith.constant 0 : i32
          %gather3A_297 = tpu.memref_slice %arg13[%gather3A_293, %gather3A_294, %gather3A_295, %gather3A_296] : memref<2x4x64x128xf32, #tpu.memory_space<vmem>> -> memref<1x1x64x128xf32, #tpu.memory_space<vmem>>
          %gather3A_298 = tpu.memref_squeeze %gather3A_297 : memref<1x1x64x128xf32, #tpu.memory_space<vmem>> -> memref<64x128xf32, #tpu.memory_space<vmem>>
          %gather3A_299 = tpu.vector_load_idx %gather3A_298[%add3A_292, %broadcast_in_dim3A_258] : memref<64x128xf32, #tpu.memory_space<vmem>>[vector<16xi32>, vector<16xi32>], vector<16xf32>,
          tpu.vector_store_idx %arg14[%add3A_292, %broadcast_in_dim3A_259], %gather3A_299 : memref<64x128xf32, #tpu.memory_space<vmem>>[vector<16xi32>, vector<16xi32>], vector<16xf32>,
        } else {
        }
        %slice3A_151 = vector.extract_strided_slice %get3A_129 {offsets = [2], sizes = [1], strides = [1]} : vector<16xi32> to vector<1xi32>
        %squeeze3A_152 = vector.extract %slice3A_151[0] : i32 from vector<1xi32>
        %lt3A_153 = arith.constant 4096 : i32
        %lt3A_154 = arith.cmpi slt, %squeeze3A_152, %lt3A_153 : i32
        %convert_element_type3A_155 = arith.extui %lt3A_154 : i1 to i32
        %cond3A_156 = arith.constant 0 : i32
        %cond3A_157 = arith.cmpi ne, %convert_element_type3A_155, %cond3A_156 : i32
        scf.if %cond3A_157 {
          %shift_right_logical3A_249 = arith.constant 7 : i32
          %shift_right_logical3A_250 = arith.shrui %squeeze3A_152, %shift_right_logical3A_249 : i32
          %shift_left3A_251 = arith.constant 7 : i32
          %shift_left3A_252 = arith.shli %shift_right_logical3A_250, %shift_left3A_251 : i32
          %multiple_of3A_253 = tpu.assume_multiple %shift_left3A_252, 128 : i32
          %run_scoped3A = arith.constant 0 : i32
          %run_scoped3A_254 = arith.constant 0 : i32
          "tpu.region"() ({
            %run_scoped3A_300 = tpu.sem_alloc : memref<!tpu.dma_semaphore, #tpu.memory_space<semaphore_mem>>
            %dma_start3A_301 = arith.constant 0 : i32
            %dma_start3A_302 = arith.constant 0 : i32
            %dma_start3A_303 = tpu.memref_slice %arg13[%run_scoped3A, %run_scoped3A_254, %dma_start3A_301, %dma_start3A_302] : memref<2x4x64x128xf32, #tpu.memory_space<vmem>> -> memref<1x1x64x128xf32, #tpu.memory_space<vmem>>
            %dma_start3A_304 = tpu.memref_squeeze %dma_start3A_303 : memref<1x1x64x128xf32, #tpu.memory_space<vmem>> -> memref<64x128xf32, #tpu.memory_space<vmem>>
            %dma_start3A_305 = arith.constant 0 : i32
            %dma_start3A_306 = tpu.memref_slice %arg4[%dma_start3A_305, %multiple_of3A_253] : memref<64x4096xf32, #tpu.memory_space<hbm>> -> memref<64x128xf32, #tpu.memory_space<hbm>>
            %dma_start3A_307 = arith.constant 0 : i32
            %dma_start3A_308 = arith.constant 0 : i32
            %dma_start3A_309 = tpu.memref_slice %arg13[%run_scoped3A, %run_scoped3A_254, %dma_start3A_307, %dma_start3A_308] : memref<2x4x64x128xf32, #tpu.memory_space<vmem>> -> memref<1x1x64x128xf32, #tpu.memory_space<vmem>>
            %dma_start3A_310 = tpu.memref_squeeze %dma_start3A_309 : memref<1x1x64x128xf32, #tpu.memory_space<vmem>> -> memref<64x128xf32, #tpu.memory_space<vmem>>
            %dma_start3A_311 = arith.constant 0 : i32
            %dma_start3A_312 = tpu.memref_slice %arg4[%dma_start3A_311, %multiple_of3A_253] : memref<64x4096xf32, #tpu.memory_space<hbm>> -> memref<64x128xf32, #tpu.memory_space<hbm>>
            tpu.enqueue_dma source(%dma_start3A_312 : memref<64x128xf32, #tpu.memory_space<hbm>>) target(%dma_start3A_310 : memref<64x128xf32, #tpu.memory_space<vmem>>) target_semaphore(%run_scoped3A_300 : memref<!tpu.dma_semaphore, #tpu.memory_space<semaphore_mem>>)
            %dma_wait3A_313 = arith.constant 0 : i32
            %dma_wait3A_314 = arith.constant 0 : i32
            %dma_wait3A_315 = tpu.memref_slice %arg13[%run_scoped3A, %run_scoped3A_254, %dma_wait3A_313, %dma_wait3A_314] : memref<2x4x64x128xf32, #tpu.memory_space<vmem>> -> memref<1x1x64x128xf32, #tpu.memory_space<vmem>>
            %dma_wait3A_316 = tpu.memref_squeeze %dma_wait3A_315 : memref<1x1x64x128xf32, #tpu.memory_space<vmem>> -> memref<64x128xf32, #tpu.memory_space<vmem>>
            %dma_wait3A_317 = arith.constant 0 : i32
            %dma_wait3A_318 = tpu.memref_slice %arg4[%dma_wait3A_317, %multiple_of3A_253] : memref<64x4096xf32, #tpu.memory_space<hbm>> -> memref<64x128xf32, #tpu.memory_space<hbm>>
            %dma_wait3A_319 = arith.constant 0 : i32
            %dma_wait3A_320 = arith.constant 0 : i32
            %dma_wait3A_321 = tpu.memref_slice %arg13[%run_scoped3A, %run_scoped3A_254, %dma_wait3A_319, %dma_wait3A_320] : memref<2x4x64x128xf32, #tpu.memory_space<vmem>> -> memref<1x1x64x128xf32, #tpu.memory_space<vmem>>
            %dma_wait3A_322 = tpu.memref_squeeze %dma_wait3A_321 : memref<1x1x64x128xf32, #tpu.memory_space<vmem>> -> memref<64x128xf32, #tpu.memory_space<vmem>>
            %dma_wait3A_323 = arith.constant 0 : i32
            %dma_wait3A_324 = tpu.memref_slice %arg4[%dma_wait3A_323, %multiple_of3A_253] : memref<64x4096xf32, #tpu.memory_space<hbm>> -> memref<64x128xf32, #tpu.memory_space<hbm>>
            tpu.wait_dma2 semaphore(%run_scoped3A_300 : memref<!tpu.dma_semaphore, #tpu.memory_space<semaphore_mem>>) src(%dma_wait3A_324 : memref<64x128xf32, #tpu.memory_space<hbm>>) dst(%dma_wait3A_322 : memref<64x128xf32, #tpu.memory_space<vmem>>)
            tpu.yield
          }) : () -> ()
          %and3A = arith.constant 127 : i32
          %and3A_255 = arith.andi %squeeze3A_152, %and3A : i32
          %add3A_256 = arith.constant 2 : i32
          %add3A_257 = arith.addi %multiple_of3A_127, %add3A_256 : i32
          %broadcast_in_dim3A_258 = vector.broadcast %and3A_255 : i32 to vector<16xi32>
          %broadcast_in_dim3A_259 = vector.broadcast %add3A_257 : i32 to vector<16xi32>
          %add3A_260 = arith.constant 0 : i32
          %add3A_261 = vector.broadcast %add3A_260 : i32 to vector<16xi32>
          %add3A_262 = arith.addi %add3A_261, %iota3A : vector<16xi32>
          %gather3A_263 = arith.constant 0 : i32
          %gather3A_264 = arith.constant 0 : i32
          %gather3A_265 = arith.constant 0 : i32
          %gather3A_266 = arith.constant 0 : i32
          %gather3A_267 = tpu.memref_slice %arg13[%gather3A_263, %gather3A_264, %gather3A_265, %gather3A_266] : memref<2x4x64x128xf32, #tpu.memory_space<vmem>> -> memref<1x1x64x128xf32, #tpu.memory_space<vmem>>
          %gather3A_268 = tpu.memref_squeeze %gather3A_267 : memref<1x1x64x128xf32, #tpu.memory_space<vmem>> -> memref<64x128xf32, #tpu.memory_space<vmem>>
          %gather3A_269 = tpu.vector_load_idx %gather3A_268[%add3A_262, %broadcast_in_dim3A_258] : memref<64x128xf32, #tpu.memory_space<vmem>>[vector<16xi32>, vector<16xi32>], vector<16xf32>,
          tpu.vector_store_idx %arg14[%add3A_262, %broadcast_in_dim3A_259], %gather3A_269 : memref<64x128xf32, #tpu.memory_space<vmem>>[vector<16xi32>, vector<16xi32>], vector<16xf32>,
          %add3A_270 = arith.constant 16 : i32
          %add3A_271 = vector.broadcast %add3A_270 : i32 to vector<16xi32>
          %add3A_272 = arith.addi %add3A_271, %iota3A : vector<16xi32>
          %gather3A_273 = arith.constant 0 : i32
          %gather3A_274 = arith.constant 0 : i32
          %gather3A_275 = arith.constant 0 : i32
          %gather3A_276 = arith.constant 0 : i32
          %gather3A_277 = tpu.memref_slice %arg13[%gather3A_273, %gather3A_274, %gather3A_275, %gather3A_276] : memref<2x4x64x128xf32, #tpu.memory_space<vmem>> -> memref<1x1x64x128xf32, #tpu.memory_space<vmem>>
          %gather3A_278 = tpu.memref_squeeze %gather3A_277 : memref<1x1x64x128xf32, #tpu.memory_space<vmem>> -> memref<64x128xf32, #tpu.memory_space<vmem>>
          %gather3A_279 = tpu.vector_load_idx %gather3A_278[%add3A_272, %broadcast_in_dim3A_258] : memref<64x128xf32, #tpu.memory_space<vmem>>[vector<16xi32>, vector<16xi32>], vector<16xf32>,
          tpu.vector_store_idx %arg14[%add3A_272, %broadcast_in_dim3A_259], %gather3A_279 : memref<64x128xf32, #tpu.memory_space<vmem>>[vector<16xi32>, vector<16xi32>], vector<16xf32>,
          %add3A_280 = arith.constant 32 : i32
          %add3A_281 = vector.broadcast %add3A_280 : i32 to vector<16xi32>
          %add3A_282 = arith.addi %add3A_281, %iota3A : vector<16xi32>
          %gather3A_283 = arith.constant 0 : i32
          %gather3A_284 = arith.constant 0 : i32
          %gather3A_285 = arith.constant 0 : i32
          %gather3A_286 = arith.constant 0 : i32
          %gather3A_287 = tpu.memref_slice %arg13[%gather3A_283, %gather3A_284, %gather3A_285, %gather3A_286] : memref<2x4x64x128xf32, #tpu.memory_space<vmem>> -> memref<1x1x64x128xf32, #tpu.memory_space<vmem>>
          %gather3A_288 = tpu.memref_squeeze %gather3A_287 : memref<1x1x64x128xf32, #tpu.memory_space<vmem>> -> memref<64x128xf32, #tpu.memory_space<vmem>>
          %gather3A_289 = tpu.vector_load_idx %gather3A_288[%add3A_282, %broadcast_in_dim3A_258] : memref<64x128xf32, #tpu.memory_space<vmem>>[vector<16xi32>, vector<16xi32>], vector<16xf32>,
          tpu.vector_store_idx %arg14[%add3A_282, %broadcast_in_dim3A_259], %gather3A_289 : memref<64x128xf32, #tpu.memory_space<vmem>>[vector<16xi32>, vector<16xi32>], vector<16xf32>,
          %add3A_290 = arith.constant 48 : i32
          %add3A_291 = vector.broadcast %add3A_290 : i32 to vector<16xi32>
          %add3A_292 = arith.addi %add3A_291, %iota3A : vector<16xi32>
          %gather3A_293 = arith.constant 0 : i32
          %gather3A_294 = arith.constant 0 : i32
          %gather3A_295 = arith.constant 0 : i32
          %gather3A_296 = arith.constant 0 : i32
          %gather3A_297 = tpu.memref_slice %arg13[%gather3A_293, %gather3A_294, %gather3A_295, %gather3A_296] : memref<2x4x64x128xf32, #tpu.memory_space<vmem>> -> memref<1x1x64x128xf32, #tpu.memory_space<vmem>>
          %gather3A_298 = tpu.memref_squeeze %gather3A_297 : memref<1x1x64x128xf32, #tpu.memory_space<vmem>> -> memref<64x128xf32, #tpu.memory_space<vmem>>
          %gather3A_299 = tpu.vector_load_idx %gather3A_298[%add3A_292, %broadcast_in_dim3A_258] : memref<64x128xf32, #tpu.memory_space<vmem>>[vector<16xi32>, vector<16xi32>], vector<16xf32>,
          tpu.vector_store_idx %arg14[%add3A_292, %broadcast_in_dim3A_259], %gather3A_299 : memref<64x128xf32, #tpu.memory_space<vmem>>[vector<16xi32>, vector<16xi32>], vector<16xf32>,
        } else {
        }
        %slice3A_158 = vector.extract_strided_slice %get3A_129 {offsets = [3], sizes = [1], strides = [1]} : vector<16xi32> to vector<1xi32>
        %squeeze3A_159 = vector.extract %slice3A_158[0] : i32 from vector<1xi32>
        %lt3A_160 = arith.constant 4096 : i32
        %lt3A_161 = arith.cmpi slt, %squeeze3A_159, %lt3A_160 : i32
        %convert_element_type3A_162 = arith.extui %lt3A_161 : i1 to i32
        %cond3A_163 = arith.constant 0 : i32
        %cond3A_164 = arith.cmpi ne, %convert_element_type3A_162, %cond3A_163 : i32
        scf.if %cond3A_164 {
          %shift_right_logical3A_249 = arith.constant 7 : i32
          %shift_right_logical3A_250 = arith.shrui %squeeze3A_159, %shift_right_logical3A_249 : i32
          %shift_left3A_251 = arith.constant 7 : i32
          %shift_left3A_252 = arith.shli %shift_right_logical3A_250, %shift_left3A_251 : i32
          %multiple_of3A_253 = tpu.assume_multiple %shift_left3A_252, 128 : i32
          %run_scoped3A = arith.constant 0 : i32
          %run_scoped3A_254 = arith.constant 0 : i32
          "tpu.region"() ({
            %run_scoped3A_300 = tpu.sem_alloc : memref<!tpu.dma_semaphore, #tpu.memory_space<semaphore_mem>>
            %dma_start3A_301 = arith.constant 0 : i32
            %dma_start3A_302 = arith.constant 0 : i32
            %dma_start3A_303 = tpu.memref_slice %arg13[%run_scoped3A, %run_scoped3A_254, %dma_start3A_301, %dma_start3A_302] : memref<2x4x64x128xf32, #tpu.memory_space<vmem>> -> memref<1x1x64x128xf32, #tpu.memory_space<vmem>>
            %dma_start3A_304 = tpu.memref_squeeze %dma_start3A_303 : memref<1x1x64x128xf32, #tpu.memory_space<vmem>> -> memref<64x128xf32, #tpu.memory_space<vmem>>
            %dma_start3A_305 = arith.constant 0 : i32
            %dma_start3A_306 = tpu.memref_slice %arg4[%dma_start3A_305, %multiple_of3A_253] : memref<64x4096xf32, #tpu.memory_space<hbm>> -> memref<64x128xf32, #tpu.memory_space<hbm>>
            %dma_start3A_307 = arith.constant 0 : i32
            %dma_start3A_308 = arith.constant 0 : i32
            %dma_start3A_309 = tpu.memref_slice %arg13[%run_scoped3A, %run_scoped3A_254, %dma_start3A_307, %dma_start3A_308] : memref<2x4x64x128xf32, #tpu.memory_space<vmem>> -> memref<1x1x64x128xf32, #tpu.memory_space<vmem>>
            %dma_start3A_310 = tpu.memref_squeeze %dma_start3A_309 : memref<1x1x64x128xf32, #tpu.memory_space<vmem>> -> memref<64x128xf32, #tpu.memory_space<vmem>>
            %dma_start3A_311 = arith.constant 0 : i32
            %dma_start3A_312 = tpu.memref_slice %arg4[%dma_start3A_311, %multiple_of3A_253] : memref<64x4096xf32, #tpu.memory_space<hbm>> -> memref<64x128xf32, #tpu.memory_space<hbm>>
            tpu.enqueue_dma source(%dma_start3A_312 : memref<64x128xf32, #tpu.memory_space<hbm>>) target(%dma_start3A_310 : memref<64x128xf32, #tpu.memory_space<vmem>>) target_semaphore(%run_scoped3A_300 : memref<!tpu.dma_semaphore, #tpu.memory_space<semaphore_mem>>)
            %dma_wait3A_313 = arith.constant 0 : i32
            %dma_wait3A_314 = arith.constant 0 : i32
            %dma_wait3A_315 = tpu.memref_slice %arg13[%run_scoped3A, %run_scoped3A_254, %dma_wait3A_313, %dma_wait3A_314] : memref<2x4x64x128xf32, #tpu.memory_space<vmem>> -> memref<1x1x64x128xf32, #tpu.memory_space<vmem>>
            %dma_wait3A_316 = tpu.memref_squeeze %dma_wait3A_315 : memref<1x1x64x128xf32, #tpu.memory_space<vmem>> -> memref<64x128xf32, #tpu.memory_space<vmem>>
            %dma_wait3A_317 = arith.constant 0 : i32
            %dma_wait3A_318 = tpu.memref_slice %arg4[%dma_wait3A_317, %multiple_of3A_253] : memref<64x4096xf32, #tpu.memory_space<hbm>> -> memref<64x128xf32, #tpu.memory_space<hbm>>
            %dma_wait3A_319 = arith.constant 0 : i32
            %dma_wait3A_320 = arith.constant 0 : i32
            %dma_wait3A_321 = tpu.memref_slice %arg13[%run_scoped3A, %run_scoped3A_254, %dma_wait3A_319, %dma_wait3A_320] : memref<2x4x64x128xf32, #tpu.memory_space<vmem>> -> memref<1x1x64x128xf32, #tpu.memory_space<vmem>>
            %dma_wait3A_322 = tpu.memref_squeeze %dma_wait3A_321 : memref<1x1x64x128xf32, #tpu.memory_space<vmem>> -> memref<64x128xf32, #tpu.memory_space<vmem>>
            %dma_wait3A_323 = arith.constant 0 : i32
            %dma_wait3A_324 = tpu.memref_slice %arg4[%dma_wait3A_323, %multiple_of3A_253] : memref<64x4096xf32, #tpu.memory_space<hbm>> -> memref<64x128xf32, #tpu.memory_space<hbm>>
            tpu.wait_dma2 semaphore(%run_scoped3A_300 : memref<!tpu.dma_semaphore, #tpu.memory_space<semaphore_mem>>) src(%dma_wait3A_324 : memref<64x128xf32, #tpu.memory_space<hbm>>) dst(%dma_wait3A_322 : memref<64x128xf32, #tpu.memory_space<vmem>>)
            tpu.yield
          }) : () -> ()
          %and3A = arith.constant 127 : i32
          %and3A_255 = arith.andi %squeeze3A_159, %and3A : i32
          %add3A_256 = arith.constant 3 : i32
          %add3A_257 = arith.addi %multiple_of3A_127, %add3A_256 : i32
          %broadcast_in_dim3A_258 = vector.broadcast %and3A_255 : i32 to vector<16xi32>
          %broadcast_in_dim3A_259 = vector.broadcast %add3A_257 : i32 to vector<16xi32>
          %add3A_260 = arith.constant 0 : i32
          %add3A_261 = vector.broadcast %add3A_260 : i32 to vector<16xi32>
          %add3A_262 = arith.addi %add3A_261, %iota3A : vector<16xi32>
          %gather3A_263 = arith.constant 0 : i32
          %gather3A_264 = arith.constant 0 : i32
          %gather3A_265 = arith.constant 0 : i32
          %gather3A_266 = arith.constant 0 : i32
          %gather3A_267 = tpu.memref_slice %arg13[%gather3A_263, %gather3A_264, %gather3A_265, %gather3A_266] : memref<2x4x64x128xf32, #tpu.memory_space<vmem>> -> memref<1x1x64x128xf32, #tpu.memory_space<vmem>>
          %gather3A_268 = tpu.memref_squeeze %gather3A_267 : memref<1x1x64x128xf32, #tpu.memory_space<vmem>> -> memref<64x128xf32, #tpu.memory_space<vmem>>
          %gather3A_269 = tpu.vector_load_idx %gather3A_268[%add3A_262, %broadcast_in_dim3A_258] : memref<64x128xf32, #tpu.memory_space<vmem>>[vector<16xi32>, vector<16xi32>], vector<16xf32>,
          tpu.vector_store_idx %arg14[%add3A_262, %broadcast_in_dim3A_259], %gather3A_269 : memref<64x128xf32, #tpu.memory_space<vmem>>[vector<16xi32>, vector<16xi32>], vector<16xf32>,
          %add3A_270 = arith.constant 16 : i32
          %add3A_271 = vector.broadcast %add3A_270 : i32 to vector<16xi32>
          %add3A_272 = arith.addi %add3A_271, %iota3A : vector<16xi32>
          %gather3A_273 = arith.constant 0 : i32
          %gather3A_274 = arith.constant 0 : i32
          %gather3A_275 = arith.constant 0 : i32
          %gather3A_276 = arith.constant 0 : i32
          %gather3A_277 = tpu.memref_slice %arg13[%gather3A_273, %gather3A_274, %gather3A_275, %gather3A_276] : memref<2x4x64x128xf32, #tpu.memory_space<vmem>> -> memref<1x1x64x128xf32, #tpu.memory_space<vmem>>
          %gather3A_278 = tpu.memref_squeeze %gather3A_277 : memref<1x1x64x128xf32, #tpu.memory_space<vmem>> -> memref<64x128xf32, #tpu.memory_space<vmem>>
          %gather3A_279 = tpu.vector_load_idx %gather3A_278[%add3A_272, %broadcast_in_dim3A_258] : memref<64x128xf32, #tpu.memory_space<vmem>>[vector<16xi32>, vector<16xi32>], vector<16xf32>,
          tpu.vector_store_idx %arg14[%add3A_272, %broadcast_in_dim3A_259], %gather3A_279 : memref<64x128xf32, #tpu.memory_space<vmem>>[vector<16xi32>, vector<16xi32>], vector<16xf32>,
          %add3A_280 = arith.constant 32 : i32
          %add3A_281 = vector.broadcast %add3A_280 : i32 to vector<16xi32>
          %add3A_282 = arith.addi %add3A_281, %iota3A : vector<16xi32>
          %gather3A_283 = arith.constant 0 : i32
          %gather3A_284 = arith.constant 0 : i32
          %gather3A_285 = arith.constant 0 : i32
          %gather3A_286 = arith.constant 0 : i32
          %gather3A_287 = tpu.memref_slice %arg13[%gather3A_283, %gather3A_284, %gather3A_285, %gather3A_286] : memref<2x4x64x128xf32, #tpu.memory_space<vmem>> -> memref<1x1x64x128xf32, #tpu.memory_space<vmem>>
          %gather3A_288 = tpu.memref_squeeze %gather3A_287 : memref<1x1x64x128xf32, #tpu.memory_space<vmem>> -> memref<64x128xf32, #tpu.memory_space<vmem>>
          %gather3A_289 = tpu.vector_load_idx %gather3A_288[%add3A_282, %broadcast_in_dim3A_258] : memref<64x128xf32, #tpu.memory_space<vmem>>[vector<16xi32>, vector<16xi32>], vector<16xf32>,
          tpu.vector_store_idx %arg14[%add3A_282, %broadcast_in_dim3A_259], %gather3A_289 : memref<64x128xf32, #tpu.memory_space<vmem>>[vector<16xi32>, vector<16xi32>], vector<16xf32>,
          %add3A_290 = arith.constant 48 : i32
          %add3A_291 = vector.broadcast %add3A_290 : i32 to vector<16xi32>
          %add3A_292 = arith.addi %add3A_291, %iota3A : vector<16xi32>
          %gather3A_293 = arith.constant 0 : i32
          %gather3A_294 = arith.constant 0 : i32
          %gather3A_295 = arith.constant 0 : i32
          %gather3A_296 = arith.constant 0 : i32
          %gather3A_297 = tpu.memref_slice %arg13[%gather3A_293, %gather3A_294, %gather3A_295, %gather3A_296] : memref<2x4x64x128xf32, #tpu.memory_space<vmem>> -> memref<1x1x64x128xf32, #tpu.memory_space<vmem>>
          %gather3A_298 = tpu.memref_squeeze %gather3A_297 : memref<1x1x64x128xf32, #tpu.memory_space<vmem>> -> memref<64x128xf32, #tpu.memory_space<vmem>>
          %gather3A_299 = tpu.vector_load_idx %gather3A_298[%add3A_292, %broadcast_in_dim3A_258] : memref<64x128xf32, #tpu.memory_space<vmem>>[vector<16xi32>, vector<16xi32>], vector<16xf32>,
          tpu.vector_store_idx %arg14[%add3A_292, %broadcast_in_dim3A_259], %gather3A_299 : memref<64x128xf32, #tpu.memory_space<vmem>>[vector<16xi32>, vector<16xi32>], vector<16xf32>,
        } else {
        }
        %slice3A_165 = vector.extract_strided_slice %get3A_129 {offsets = [4], sizes = [1], strides = [1]} : vector<16xi32> to vector<1xi32>
        %squeeze3A_166 = vector.extract %slice3A_165[0] : i32 from vector<1xi32>
        %lt3A_167 = arith.constant 4096 : i32
        %lt3A_168 = arith.cmpi slt, %squeeze3A_166, %lt3A_167 : i32
        %convert_element_type3A_169 = arith.extui %lt3A_168 : i1 to i32
        %cond3A_170 = arith.constant 0 : i32
        %cond3A_171 = arith.cmpi ne, %convert_element_type3A_169, %cond3A_170 : i32
        scf.if %cond3A_171 {
          %shift_right_logical3A_249 = arith.constant 7 : i32
          %shift_right_logical3A_250 = arith.shrui %squeeze3A_166, %shift_right_logical3A_249 : i32
          %shift_left3A_251 = arith.constant 7 : i32
          %shift_left3A_252 = arith.shli %shift_right_logical3A_250, %shift_left3A_251 : i32
          %multiple_of3A_253 = tpu.assume_multiple %shift_left3A_252, 128 : i32
          %run_scoped3A = arith.constant 0 : i32
          %run_scoped3A_254 = arith.constant 0 : i32
          "tpu.region"() ({
            %run_scoped3A_300 = tpu.sem_alloc : memref<!tpu.dma_semaphore, #tpu.memory_space<semaphore_mem>>
            %dma_start3A_301 = arith.constant 0 : i32
            %dma_start3A_302 = arith.constant 0 : i32
            %dma_start3A_303 = tpu.memref_slice %arg13[%run_scoped3A, %run_scoped3A_254, %dma_start3A_301, %dma_start3A_302] : memref<2x4x64x128xf32, #tpu.memory_space<vmem>> -> memref<1x1x64x128xf32, #tpu.memory_space<vmem>>
            %dma_start3A_304 = tpu.memref_squeeze %dma_start3A_303 : memref<1x1x64x128xf32, #tpu.memory_space<vmem>> -> memref<64x128xf32, #tpu.memory_space<vmem>>
            %dma_start3A_305 = arith.constant 0 : i32
            %dma_start3A_306 = tpu.memref_slice %arg4[%dma_start3A_305, %multiple_of3A_253] : memref<64x4096xf32, #tpu.memory_space<hbm>> -> memref<64x128xf32, #tpu.memory_space<hbm>>
            %dma_start3A_307 = arith.constant 0 : i32
            %dma_start3A_308 = arith.constant 0 : i32
            %dma_start3A_309 = tpu.memref_slice %arg13[%run_scoped3A, %run_scoped3A_254, %dma_start3A_307, %dma_start3A_308] : memref<2x4x64x128xf32, #tpu.memory_space<vmem>> -> memref<1x1x64x128xf32, #tpu.memory_space<vmem>>
            %dma_start3A_310 = tpu.memref_squeeze %dma_start3A_309 : memref<1x1x64x128xf32, #tpu.memory_space<vmem>> -> memref<64x128xf32, #tpu.memory_space<vmem>>
            %dma_start3A_311 = arith.constant 0 : i32
            %dma_start3A_312 = tpu.memref_slice %arg4[%dma_start3A_311, %multiple_of3A_253] : memref<64x4096xf32, #tpu.memory_space<hbm>> -> memref<64x128xf32, #tpu.memory_space<hbm>>
            tpu.enqueue_dma source(%dma_start3A_312 : memref<64x128xf32, #tpu.memory_space<hbm>>) target(%dma_start3A_310 : memref<64x128xf32, #tpu.memory_space<vmem>>) target_semaphore(%run_scoped3A_300 : memref<!tpu.dma_semaphore, #tpu.memory_space<semaphore_mem>>)
            %dma_wait3A_313 = arith.constant 0 : i32
            %dma_wait3A_314 = arith.constant 0 : i32
            %dma_wait3A_315 = tpu.memref_slice %arg13[%run_scoped3A, %run_scoped3A_254, %dma_wait3A_313, %dma_wait3A_314] : memref<2x4x64x128xf32, #tpu.memory_space<vmem>> -> memref<1x1x64x128xf32, #tpu.memory_space<vmem>>
            %dma_wait3A_316 = tpu.memref_squeeze %dma_wait3A_315 : memref<1x1x64x128xf32, #tpu.memory_space<vmem>> -> memref<64x128xf32, #tpu.memory_space<vmem>>
            %dma_wait3A_317 = arith.constant 0 : i32
            %dma_wait3A_318 = tpu.memref_slice %arg4[%dma_wait3A_317, %multiple_of3A_253] : memref<64x4096xf32, #tpu.memory_space<hbm>> -> memref<64x128xf32, #tpu.memory_space<hbm>>
            %dma_wait3A_319 = arith.constant 0 : i32
            %dma_wait3A_320 = arith.constant 0 : i32
            %dma_wait3A_321 = tpu.memref_slice %arg13[%run_scoped3A, %run_scoped3A_254, %dma_wait3A_319, %dma_wait3A_320] : memref<2x4x64x128xf32, #tpu.memory_space<vmem>> -> memref<1x1x64x128xf32, #tpu.memory_space<vmem>>
            %dma_wait3A_322 = tpu.memref_squeeze %dma_wait3A_321 : memref<1x1x64x128xf32, #tpu.memory_space<vmem>> -> memref<64x128xf32, #tpu.memory_space<vmem>>
            %dma_wait3A_323 = arith.constant 0 : i32
            %dma_wait3A_324 = tpu.memref_slice %arg4[%dma_wait3A_323, %multiple_of3A_253] : memref<64x4096xf32, #tpu.memory_space<hbm>> -> memref<64x128xf32, #tpu.memory_space<hbm>>
            tpu.wait_dma2 semaphore(%run_scoped3A_300 : memref<!tpu.dma_semaphore, #tpu.memory_space<semaphore_mem>>) src(%dma_wait3A_324 : memref<64x128xf32, #tpu.memory_space<hbm>>) dst(%dma_wait3A_322 : memref<64x128xf32, #tpu.memory_space<vmem>>)
            tpu.yield
          }) : () -> ()
          %and3A = arith.constant 127 : i32
          %and3A_255 = arith.andi %squeeze3A_166, %and3A : i32
          %add3A_256 = arith.constant 4 : i32
          %add3A_257 = arith.addi %multiple_of3A_127, %add3A_256 : i32
          %broadcast_in_dim3A_258 = vector.broadcast %and3A_255 : i32 to vector<16xi32>
          %broadcast_in_dim3A_259 = vector.broadcast %add3A_257 : i32 to vector<16xi32>
          %add3A_260 = arith.constant 0 : i32
          %add3A_261 = vector.broadcast %add3A_260 : i32 to vector<16xi32>
          %add3A_262 = arith.addi %add3A_261, %iota3A : vector<16xi32>
          %gather3A_263 = arith.constant 0 : i32
          %gather3A_264 = arith.constant 0 : i32
          %gather3A_265 = arith.constant 0 : i32
          %gather3A_266 = arith.constant 0 : i32
          %gather3A_267 = tpu.memref_slice %arg13[%gather3A_263, %gather3A_264, %gather3A_265, %gather3A_266] : memref<2x4x64x128xf32, #tpu.memory_space<vmem>> -> memref<1x1x64x128xf32, #tpu.memory_space<vmem>>
          %gather3A_268 = tpu.memref_squeeze %gather3A_267 : memref<1x1x64x128xf32, #tpu.memory_space<vmem>> -> memref<64x128xf32, #tpu.memory_space<vmem>>
          %gather3A_269 = tpu.vector_load_idx %gather3A_268[%add3A_262, %broadcast_in_dim3A_258] : memref<64x128xf32, #tpu.memory_space<vmem>>[vector<16xi32>, vector<16xi32>], vector<16xf32>,
          tpu.vector_store_idx %arg14[%add3A_262, %broadcast_in_dim3A_259], %gather3A_269 : memref<64x128xf32, #tpu.memory_space<vmem>>[vector<16xi32>, vector<16xi32>], vector<16xf32>,
          %add3A_270 = arith.constant 16 : i32
          %add3A_271 = vector.broadcast %add3A_270 : i32 to vector<16xi32>
          %add3A_272 = arith.addi %add3A_271, %iota3A : vector<16xi32>
          %gather3A_273 = arith.constant 0 : i32
          %gather3A_274 = arith.constant 0 : i32
          %gather3A_275 = arith.constant 0 : i32
          %gather3A_276 = arith.constant 0 : i32
          %gather3A_277 = tpu.memref_slice %arg13[%gather3A_273, %gather3A_274, %gather3A_275, %gather3A_276] : memref<2x4x64x128xf32, #tpu.memory_space<vmem>> -> memref<1x1x64x128xf32, #tpu.memory_space<vmem>>
          %gather3A_278 = tpu.memref_squeeze %gather3A_277 : memref<1x1x64x128xf32, #tpu.memory_space<vmem>> -> memref<64x128xf32, #tpu.memory_space<vmem>>
          %gather3A_279 = tpu.vector_load_idx %gather3A_278[%add3A_272, %broadcast_in_dim3A_258] : memref<64x128xf32, #tpu.memory_space<vmem>>[vector<16xi32>, vector<16xi32>], vector<16xf32>,
          tpu.vector_store_idx %arg14[%add3A_272, %broadcast_in_dim3A_259], %gather3A_279 : memref<64x128xf32, #tpu.memory_space<vmem>>[vector<16xi32>, vector<16xi32>], vector<16xf32>,
          %add3A_280 = arith.constant 32 : i32
          %add3A_281 = vector.broadcast %add3A_280 : i32 to vector<16xi32>
          %add3A_282 = arith.addi %add3A_281, %iota3A : vector<16xi32>
          %gather3A_283 = arith.constant 0 : i32
          %gather3A_284 = arith.constant 0 : i32
          %gather3A_285 = arith.constant 0 : i32
          %gather3A_286 = arith.constant 0 : i32
          %gather3A_287 = tpu.memref_slice %arg13[%gather3A_283, %gather3A_284, %gather3A_285, %gather3A_286] : memref<2x4x64x128xf32, #tpu.memory_space<vmem>> -> memref<1x1x64x128xf32, #tpu.memory_space<vmem>>
          %gather3A_288 = tpu.memref_squeeze %gather3A_287 : memref<1x1x64x128xf32, #tpu.memory_space<vmem>> -> memref<64x128xf32, #tpu.memory_space<vmem>>
          %gather3A_289 = tpu.vector_load_idx %gather3A_288[%add3A_282, %broadcast_in_dim3A_258] : memref<64x128xf32, #tpu.memory_space<vmem>>[vector<16xi32>, vector<16xi32>], vector<16xf32>,
          tpu.vector_store_idx %arg14[%add3A_282, %broadcast_in_dim3A_259], %gather3A_289 : memref<64x128xf32, #tpu.memory_space<vmem>>[vector<16xi32>, vector<16xi32>], vector<16xf32>,
          %add3A_290 = arith.constant 48 : i32
          %add3A_291 = vector.broadcast %add3A_290 : i32 to vector<16xi32>
          %add3A_292 = arith.addi %add3A_291, %iota3A : vector<16xi32>
          %gather3A_293 = arith.constant 0 : i32
          %gather3A_294 = arith.constant 0 : i32
          %gather3A_295 = arith.constant 0 : i32
          %gather3A_296 = arith.constant 0 : i32
          %gather3A_297 = tpu.memref_slice %arg13[%gather3A_293, %gather3A_294, %gather3A_295, %gather3A_296] : memref<2x4x64x128xf32, #tpu.memory_space<vmem>> -> memref<1x1x64x128xf32, #tpu.memory_space<vmem>>
          %gather3A_298 = tpu.memref_squeeze %gather3A_297 : memref<1x1x64x128xf32, #tpu.memory_space<vmem>> -> memref<64x128xf32, #tpu.memory_space<vmem>>
          %gather3A_299 = tpu.vector_load_idx %gather3A_298[%add3A_292, %broadcast_in_dim3A_258] : memref<64x128xf32, #tpu.memory_space<vmem>>[vector<16xi32>, vector<16xi32>], vector<16xf32>,
          tpu.vector_store_idx %arg14[%add3A_292, %broadcast_in_dim3A_259], %gather3A_299 : memref<64x128xf32, #tpu.memory_space<vmem>>[vector<16xi32>, vector<16xi32>], vector<16xf32>,
        } else {
        }
        %slice3A_172 = vector.extract_strided_slice %get3A_129 {offsets = [5], sizes = [1], strides = [1]} : vector<16xi32> to vector<1xi32>
        %squeeze3A_173 = vector.extract %slice3A_172[0] : i32 from vector<1xi32>
        %lt3A_174 = arith.constant 4096 : i32
        %lt3A_175 = arith.cmpi slt, %squeeze3A_173, %lt3A_174 : i32
        %convert_element_type3A_176 = arith.extui %lt3A_175 : i1 to i32
        %cond3A_177 = arith.constant 0 : i32
        %cond3A_178 = arith.cmpi ne, %convert_element_type3A_176, %cond3A_177 : i32
        scf.if %cond3A_178 {
          %shift_right_logical3A_249 = arith.constant 7 : i32
          %shift_right_logical3A_250 = arith.shrui %squeeze3A_173, %shift_right_logical3A_249 : i32
          %shift_left3A_251 = arith.constant 7 : i32
          %shift_left3A_252 = arith.shli %shift_right_logical3A_250, %shift_left3A_251 : i32
          %multiple_of3A_253 = tpu.assume_multiple %shift_left3A_252, 128 : i32
          %run_scoped3A = arith.constant 0 : i32
          %run_scoped3A_254 = arith.constant 0 : i32
          "tpu.region"() ({
            %run_scoped3A_300 = tpu.sem_alloc : memref<!tpu.dma_semaphore, #tpu.memory_space<semaphore_mem>>
            %dma_start3A_301 = arith.constant 0 : i32
            %dma_start3A_302 = arith.constant 0 : i32
            %dma_start3A_303 = tpu.memref_slice %arg13[%run_scoped3A, %run_scoped3A_254, %dma_start3A_301, %dma_start3A_302] : memref<2x4x64x128xf32, #tpu.memory_space<vmem>> -> memref<1x1x64x128xf32, #tpu.memory_space<vmem>>
            %dma_start3A_304 = tpu.memref_squeeze %dma_start3A_303 : memref<1x1x64x128xf32, #tpu.memory_space<vmem>> -> memref<64x128xf32, #tpu.memory_space<vmem>>
            %dma_start3A_305 = arith.constant 0 : i32
            %dma_start3A_306 = tpu.memref_slice %arg4[%dma_start3A_305, %multiple_of3A_253] : memref<64x4096xf32, #tpu.memory_space<hbm>> -> memref<64x128xf32, #tpu.memory_space<hbm>>
            %dma_start3A_307 = arith.constant 0 : i32
            %dma_start3A_308 = arith.constant 0 : i32
            %dma_start3A_309 = tpu.memref_slice %arg13[%run_scoped3A, %run_scoped3A_254, %dma_start3A_307, %dma_start3A_308] : memref<2x4x64x128xf32, #tpu.memory_space<vmem>> -> memref<1x1x64x128xf32, #tpu.memory_space<vmem>>
            %dma_start3A_310 = tpu.memref_squeeze %dma_start3A_309 : memref<1x1x64x128xf32, #tpu.memory_space<vmem>> -> memref<64x128xf32, #tpu.memory_space<vmem>>
            %dma_start3A_311 = arith.constant 0 : i32
            %dma_start3A_312 = tpu.memref_slice %arg4[%dma_start3A_311, %multiple_of3A_253] : memref<64x4096xf32, #tpu.memory_space<hbm>> -> memref<64x128xf32, #tpu.memory_space<hbm>>
            tpu.enqueue_dma source(%dma_start3A_312 : memref<64x128xf32, #tpu.memory_space<hbm>>) target(%dma_start3A_310 : memref<64x128xf32, #tpu.memory_space<vmem>>) target_semaphore(%run_scoped3A_300 : memref<!tpu.dma_semaphore, #tpu.memory_space<semaphore_mem>>)
            %dma_wait3A_313 = arith.constant 0 : i32
            %dma_wait3A_314 = arith.constant 0 : i32
            %dma_wait3A_315 = tpu.memref_slice %arg13[%run_scoped3A, %run_scoped3A_254, %dma_wait3A_313, %dma_wait3A_314] : memref<2x4x64x128xf32, #tpu.memory_space<vmem>> -> memref<1x1x64x128xf32, #tpu.memory_space<vmem>>
            %dma_wait3A_316 = tpu.memref_squeeze %dma_wait3A_315 : memref<1x1x64x128xf32, #tpu.memory_space<vmem>> -> memref<64x128xf32, #tpu.memory_space<vmem>>
            %dma_wait3A_317 = arith.constant 0 : i32
            %dma_wait3A_318 = tpu.memref_slice %arg4[%dma_wait3A_317, %multiple_of3A_253] : memref<64x4096xf32, #tpu.memory_space<hbm>> -> memref<64x128xf32, #tpu.memory_space<hbm>>
            %dma_wait3A_319 = arith.constant 0 : i32
            %dma_wait3A_320 = arith.constant 0 : i32
            %dma_wait3A_321 = tpu.memref_slice %arg13[%run_scoped3A, %run_scoped3A_254, %dma_wait3A_319, %dma_wait3A_320] : memref<2x4x64x128xf32, #tpu.memory_space<vmem>> -> memref<1x1x64x128xf32, #tpu.memory_space<vmem>>
            %dma_wait3A_322 = tpu.memref_squeeze %dma_wait3A_321 : memref<1x1x64x128xf32, #tpu.memory_space<vmem>> -> memref<64x128xf32, #tpu.memory_space<vmem>>
            %dma_wait3A_323 = arith.constant 0 : i32
            %dma_wait3A_324 = tpu.memref_slice %arg4[%dma_wait3A_323, %multiple_of3A_253] : memref<64x4096xf32, #tpu.memory_space<hbm>> -> memref<64x128xf32, #tpu.memory_space<hbm>>
            tpu.wait_dma2 semaphore(%run_scoped3A_300 : memref<!tpu.dma_semaphore, #tpu.memory_space<semaphore_mem>>) src(%dma_wait3A_324 : memref<64x128xf32, #tpu.memory_space<hbm>>) dst(%dma_wait3A_322 : memref<64x128xf32, #tpu.memory_space<vmem>>)
            tpu.yield
          }) : () -> ()
          %and3A = arith.constant 127 : i32
          %and3A_255 = arith.andi %squeeze3A_173, %and3A : i32
          %add3A_256 = arith.constant 5 : i32
          %add3A_257 = arith.addi %multiple_of3A_127, %add3A_256 : i32
          %broadcast_in_dim3A_258 = vector.broadcast %and3A_255 : i32 to vector<16xi32>
          %broadcast_in_dim3A_259 = vector.broadcast %add3A_257 : i32 to vector<16xi32>
          %add3A_260 = arith.constant 0 : i32
          %add3A_261 = vector.broadcast %add3A_260 : i32 to vector<16xi32>
          %add3A_262 = arith.addi %add3A_261, %iota3A : vector<16xi32>
          %gather3A_263 = arith.constant 0 : i32
          %gather3A_264 = arith.constant 0 : i32
          %gather3A_265 = arith.constant 0 : i32
          %gather3A_266 = arith.constant 0 : i32
          %gather3A_267 = tpu.memref_slice %arg13[%gather3A_263, %gather3A_264, %gather3A_265, %gather3A_266] : memref<2x4x64x128xf32, #tpu.memory_space<vmem>> -> memref<1x1x64x128xf32, #tpu.memory_space<vmem>>
          %gather3A_268 = tpu.memref_squeeze %gather3A_267 : memref<1x1x64x128xf32, #tpu.memory_space<vmem>> -> memref<64x128xf32, #tpu.memory_space<vmem>>
          %gather3A_269 = tpu.vector_load_idx %gather3A_268[%add3A_262, %broadcast_in_dim3A_258] : memref<64x128xf32, #tpu.memory_space<vmem>>[vector<16xi32>, vector<16xi32>], vector<16xf32>,
          tpu.vector_store_idx %arg14[%add3A_262, %broadcast_in_dim3A_259], %gather3A_269 : memref<64x128xf32, #tpu.memory_space<vmem>>[vector<16xi32>, vector<16xi32>], vector<16xf32>,
          %add3A_270 = arith.constant 16 : i32
          %add3A_271 = vector.broadcast %add3A_270 : i32 to vector<16xi32>
          %add3A_272 = arith.addi %add3A_271, %iota3A : vector<16xi32>
          %gather3A_273 = arith.constant 0 : i32
          %gather3A_274 = arith.constant 0 : i32
          %gather3A_275 = arith.constant 0 : i32
          %gather3A_276 = arith.constant 0 : i32
          %gather3A_277 = tpu.memref_slice %arg13[%gather3A_273, %gather3A_274, %gather3A_275, %gather3A_276] : memref<2x4x64x128xf32, #tpu.memory_space<vmem>> -> memref<1x1x64x128xf32, #tpu.memory_space<vmem>>
          %gather3A_278 = tpu.memref_squeeze %gather3A_277 : memref<1x1x64x128xf32, #tpu.memory_space<vmem>> -> memref<64x128xf32, #tpu.memory_space<vmem>>
          %gather3A_279 = tpu.vector_load_idx %gather3A_278[%add3A_272, %broadcast_in_dim3A_258] : memref<64x128xf32, #tpu.memory_space<vmem>>[vector<16xi32>, vector<16xi32>], vector<16xf32>,
          tpu.vector_store_idx %arg14[%add3A_272, %broadcast_in_dim3A_259], %gather3A_279 : memref<64x128xf32, #tpu.memory_space<vmem>>[vector<16xi32>, vector<16xi32>], vector<16xf32>,
          %add3A_280 = arith.constant 32 : i32
          %add3A_281 = vector.broadcast %add3A_280 : i32 to vector<16xi32>
          %add3A_282 = arith.addi %add3A_281, %iota3A : vector<16xi32>
          %gather3A_283 = arith.constant 0 : i32
          %gather3A_284 = arith.constant 0 : i32
          %gather3A_285 = arith.constant 0 : i32
          %gather3A_286 = arith.constant 0 : i32
          %gather3A_287 = tpu.memref_slice %arg13[%gather3A_283, %gather3A_284, %gather3A_285, %gather3A_286] : memref<2x4x64x128xf32, #tpu.memory_space<vmem>> -> memref<1x1x64x128xf32, #tpu.memory_space<vmem>>
          %gather3A_288 = tpu.memref_squeeze %gather3A_287 : memref<1x1x64x128xf32, #tpu.memory_space<vmem>> -> memref<64x128xf32, #tpu.memory_space<vmem>>
          %gather3A_289 = tpu.vector_load_idx %gather3A_288[%add3A_282, %broadcast_in_dim3A_258] : memref<64x128xf32, #tpu.memory_space<vmem>>[vector<16xi32>, vector<16xi32>], vector<16xf32>,
          tpu.vector_store_idx %arg14[%add3A_282, %broadcast_in_dim3A_259], %gather3A_289 : memref<64x128xf32, #tpu.memory_space<vmem>>[vector<16xi32>, vector<16xi32>], vector<16xf32>,
          %add3A_290 = arith.constant 48 : i32
          %add3A_291 = vector.broadcast %add3A_290 : i32 to vector<16xi32>
          %add3A_292 = arith.addi %add3A_291, %iota3A : vector<16xi32>
          %gather3A_293 = arith.constant 0 : i32
          %gather3A_294 = arith.constant 0 : i32
          %gather3A_295 = arith.constant 0 : i32
          %gather3A_296 = arith.constant 0 : i32
          %gather3A_297 = tpu.memref_slice %arg13[%gather3A_293, %gather3A_294, %gather3A_295, %gather3A_296] : memref<2x4x64x128xf32, #tpu.memory_space<vmem>> -> memref<1x1x64x128xf32, #tpu.memory_space<vmem>>
          %gather3A_298 = tpu.memref_squeeze %gather3A_297 : memref<1x1x64x128xf32, #tpu.memory_space<vmem>> -> memref<64x128xf32, #tpu.memory_space<vmem>>
          %gather3A_299 = tpu.vector_load_idx %gather3A_298[%add3A_292, %broadcast_in_dim3A_258] : memref<64x128xf32, #tpu.memory_space<vmem>>[vector<16xi32>, vector<16xi32>], vector<16xf32>,
          tpu.vector_store_idx %arg14[%add3A_292, %broadcast_in_dim3A_259], %gather3A_299 : memref<64x128xf32, #tpu.memory_space<vmem>>[vector<16xi32>, vector<16xi32>], vector<16xf32>,
        } else {
        }
        %slice3A_179 = vector.extract_strided_slice %get3A_129 {offsets = [6], sizes = [1], strides = [1]} : vector<16xi32> to vector<1xi32>
        %squeeze3A_180 = vector.extract %slice3A_179[0] : i32 from vector<1xi32>
        %lt3A_181 = arith.constant 4096 : i32
        %lt3A_182 = arith.cmpi slt, %squeeze3A_180, %lt3A_181 : i32
        %convert_element_type3A_183 = arith.extui %lt3A_182 : i1 to i32
        %cond3A_184 = arith.constant 0 : i32
        %cond3A_185 = arith.cmpi ne, %convert_element_type3A_183, %cond3A_184 : i32
        scf.if %cond3A_185 {
          %shift_right_logical3A_249 = arith.constant 7 : i32
          %shift_right_logical3A_250 = arith.shrui %squeeze3A_180, %shift_right_logical3A_249 : i32
          %shift_left3A_251 = arith.constant 7 : i32
          %shift_left3A_252 = arith.shli %shift_right_logical3A_250, %shift_left3A_251 : i32
          %multiple_of3A_253 = tpu.assume_multiple %shift_left3A_252, 128 : i32
          %run_scoped3A = arith.constant 0 : i32
          %run_scoped3A_254 = arith.constant 0 : i32
          "tpu.region"() ({
            %run_scoped3A_300 = tpu.sem_alloc : memref<!tpu.dma_semaphore, #tpu.memory_space<semaphore_mem>>
            %dma_start3A_301 = arith.constant 0 : i32
            %dma_start3A_302 = arith.constant 0 : i32
            %dma_start3A_303 = tpu.memref_slice %arg13[%run_scoped3A, %run_scoped3A_254, %dma_start3A_301, %dma_start3A_302] : memref<2x4x64x128xf32, #tpu.memory_space<vmem>> -> memref<1x1x64x128xf32, #tpu.memory_space<vmem>>
            %dma_start3A_304 = tpu.memref_squeeze %dma_start3A_303 : memref<1x1x64x128xf32, #tpu.memory_space<vmem>> -> memref<64x128xf32, #tpu.memory_space<vmem>>
            %dma_start3A_305 = arith.constant 0 : i32
            %dma_start3A_306 = tpu.memref_slice %arg4[%dma_start3A_305, %multiple_of3A_253] : memref<64x4096xf32, #tpu.memory_space<hbm>> -> memref<64x128xf32, #tpu.memory_space<hbm>>
            %dma_start3A_307 = arith.constant 0 : i32
            %dma_start3A_308 = arith.constant 0 : i32
            %dma_start3A_309 = tpu.memref_slice %arg13[%run_scoped3A, %run_scoped3A_254, %dma_start3A_307, %dma_start3A_308] : memref<2x4x64x128xf32, #tpu.memory_space<vmem>> -> memref<1x1x64x128xf32, #tpu.memory_space<vmem>>
            %dma_start3A_310 = tpu.memref_squeeze %dma_start3A_309 : memref<1x1x64x128xf32, #tpu.memory_space<vmem>> -> memref<64x128xf32, #tpu.memory_space<vmem>>
            %dma_start3A_311 = arith.constant 0 : i32
            %dma_start3A_312 = tpu.memref_slice %arg4[%dma_start3A_311, %multiple_of3A_253] : memref<64x4096xf32, #tpu.memory_space<hbm>> -> memref<64x128xf32, #tpu.memory_space<hbm>>
            tpu.enqueue_dma source(%dma_start3A_312 : memref<64x128xf32, #tpu.memory_space<hbm>>) target(%dma_start3A_310 : memref<64x128xf32, #tpu.memory_space<vmem>>) target_semaphore(%run_scoped3A_300 : memref<!tpu.dma_semaphore, #tpu.memory_space<semaphore_mem>>)
            %dma_wait3A_313 = arith.constant 0 : i32
            %dma_wait3A_314 = arith.constant 0 : i32
            %dma_wait3A_315 = tpu.memref_slice %arg13[%run_scoped3A, %run_scoped3A_254, %dma_wait3A_313, %dma_wait3A_314] : memref<2x4x64x128xf32, #tpu.memory_space<vmem>> -> memref<1x1x64x128xf32, #tpu.memory_space<vmem>>
            %dma_wait3A_316 = tpu.memref_squeeze %dma_wait3A_315 : memref<1x1x64x128xf32, #tpu.memory_space<vmem>> -> memref<64x128xf32, #tpu.memory_space<vmem>>
            %dma_wait3A_317 = arith.constant 0 : i32
            %dma_wait3A_318 = tpu.memref_slice %arg4[%dma_wait3A_317, %multiple_of3A_253] : memref<64x4096xf32, #tpu.memory_space<hbm>> -> memref<64x128xf32, #tpu.memory_space<hbm>>
            %dma_wait3A_319 = arith.constant 0 : i32
            %dma_wait3A_320 = arith.constant 0 : i32
            %dma_wait3A_321 = tpu.memref_slice %arg13[%run_scoped3A, %run_scoped3A_254, %dma_wait3A_319, %dma_wait3A_320] : memref<2x4x64x128xf32, #tpu.memory_space<vmem>> -> memref<1x1x64x128xf32, #tpu.memory_space<vmem>>
            %dma_wait3A_322 = tpu.memref_squeeze %dma_wait3A_321 : memref<1x1x64x128xf32, #tpu.memory_space<vmem>> -> memref<64x128xf32, #tpu.memory_space<vmem>>
            %dma_wait3A_323 = arith.constant 0 : i32
            %dma_wait3A_324 = tpu.memref_slice %arg4[%dma_wait3A_323, %multiple_of3A_253] : memref<64x4096xf32, #tpu.memory_space<hbm>> -> memref<64x128xf32, #tpu.memory_space<hbm>>
            tpu.wait_dma2 semaphore(%run_scoped3A_300 : memref<!tpu.dma_semaphore, #tpu.memory_space<semaphore_mem>>) src(%dma_wait3A_324 : memref<64x128xf32, #tpu.memory_space<hbm>>) dst(%dma_wait3A_322 : memref<64x128xf32, #tpu.memory_space<vmem>>)
            tpu.yield
          }) : () -> ()
          %and3A = arith.constant 127 : i32
          %and3A_255 = arith.andi %squeeze3A_180, %and3A : i32
          %add3A_256 = arith.constant 6 : i32
          %add3A_257 = arith.addi %multiple_of3A_127, %add3A_256 : i32
          %broadcast_in_dim3A_258 = vector.broadcast %and3A_255 : i32 to vector<16xi32>
          %broadcast_in_dim3A_259 = vector.broadcast %add3A_257 : i32 to vector<16xi32>
          %add3A_260 = arith.constant 0 : i32
          %add3A_261 = vector.broadcast %add3A_260 : i32 to vector<16xi32>
          %add3A_262 = arith.addi %add3A_261, %iota3A : vector<16xi32>
          %gather3A_263 = arith.constant 0 : i32
          %gather3A_264 = arith.constant 0 : i32
          %gather3A_265 = arith.constant 0 : i32
          %gather3A_266 = arith.constant 0 : i32
          %gather3A_267 = tpu.memref_slice %arg13[%gather3A_263, %gather3A_264, %gather3A_265, %gather3A_266] : memref<2x4x64x128xf32, #tpu.memory_space<vmem>> -> memref<1x1x64x128xf32, #tpu.memory_space<vmem>>
          %gather3A_268 = tpu.memref_squeeze %gather3A_267 : memref<1x1x64x128xf32, #tpu.memory_space<vmem>> -> memref<64x128xf32, #tpu.memory_space<vmem>>
          %gather3A_269 = tpu.vector_load_idx %gather3A_268[%add3A_262, %broadcast_in_dim3A_258] : memref<64x128xf32, #tpu.memory_space<vmem>>[vector<16xi32>, vector<16xi32>], vector<16xf32>,
          tpu.vector_store_idx %arg14[%add3A_262, %broadcast_in_dim3A_259], %gather3A_269 : memref<64x128xf32, #tpu.memory_space<vmem>>[vector<16xi32>, vector<16xi32>], vector<16xf32>,
          %add3A_270 = arith.constant 16 : i32
          %add3A_271 = vector.broadcast %add3A_270 : i32 to vector<16xi32>
          %add3A_272 = arith.addi %add3A_271, %iota3A : vector<16xi32>
          %gather3A_273 = arith.constant 0 : i32
          %gather3A_274 = arith.constant 0 : i32
          %gather3A_275 = arith.constant 0 : i32
          %gather3A_276 = arith.constant 0 : i32
          %gather3A_277 = tpu.memref_slice %arg13[%gather3A_273, %gather3A_274, %gather3A_275, %gather3A_276] : memref<2x4x64x128xf32, #tpu.memory_space<vmem>> -> memref<1x1x64x128xf32, #tpu.memory_space<vmem>>
          %gather3A_278 = tpu.memref_squeeze %gather3A_277 : memref<1x1x64x128xf32, #tpu.memory_space<vmem>> -> memref<64x128xf32, #tpu.memory_space<vmem>>
          %gather3A_279 = tpu.vector_load_idx %gather3A_278[%add3A_272, %broadcast_in_dim3A_258] : memref<64x128xf32, #tpu.memory_space<vmem>>[vector<16xi32>, vector<16xi32>], vector<16xf32>,
          tpu.vector_store_idx %arg14[%add3A_272, %broadcast_in_dim3A_259], %gather3A_279 : memref<64x128xf32, #tpu.memory_space<vmem>>[vector<16xi32>, vector<16xi32>], vector<16xf32>,
          %add3A_280 = arith.constant 32 : i32
          %add3A_281 = vector.broadcast %add3A_280 : i32 to vector<16xi32>
          %add3A_282 = arith.addi %add3A_281, %iota3A : vector<16xi32>
          %gather3A_283 = arith.constant 0 : i32
          %gather3A_284 = arith.constant 0 : i32
          %gather3A_285 = arith.constant 0 : i32
          %gather3A_286 = arith.constant 0 : i32
          %gather3A_287 = tpu.memref_slice %arg13[%gather3A_283, %gather3A_284, %gather3A_285, %gather3A_286] : memref<2x4x64x128xf32, #tpu.memory_space<vmem>> -> memref<1x1x64x128xf32, #tpu.memory_space<vmem>>
          %gather3A_288 = tpu.memref_squeeze %gather3A_287 : memref<1x1x64x128xf32, #tpu.memory_space<vmem>> -> memref<64x128xf32, #tpu.memory_space<vmem>>
          %gather3A_289 = tpu.vector_load_idx %gather3A_288[%add3A_282, %broadcast_in_dim3A_258] : memref<64x128xf32, #tpu.memory_space<vmem>>[vector<16xi32>, vector<16xi32>], vector<16xf32>,
          tpu.vector_store_idx %arg14[%add3A_282, %broadcast_in_dim3A_259], %gather3A_289 : memref<64x128xf32, #tpu.memory_space<vmem>>[vector<16xi32>, vector<16xi32>], vector<16xf32>,
          %add3A_290 = arith.constant 48 : i32
          %add3A_291 = vector.broadcast %add3A_290 : i32 to vector<16xi32>
          %add3A_292 = arith.addi %add3A_291, %iota3A : vector<16xi32>
          %gather3A_293 = arith.constant 0 : i32
          %gather3A_294 = arith.constant 0 : i32
          %gather3A_295 = arith.constant 0 : i32
          %gather3A_296 = arith.constant 0 : i32
          %gather3A_297 = tpu.memref_slice %arg13[%gather3A_293, %gather3A_294, %gather3A_295, %gather3A_296] : memref<2x4x64x128xf32, #tpu.memory_space<vmem>> -> memref<1x1x64x128xf32, #tpu.memory_space<vmem>>
          %gather3A_298 = tpu.memref_squeeze %gather3A_297 : memref<1x1x64x128xf32, #tpu.memory_space<vmem>> -> memref<64x128xf32, #tpu.memory_space<vmem>>
          %gather3A_299 = tpu.vector_load_idx %gather3A_298[%add3A_292, %broadcast_in_dim3A_258] : memref<64x128xf32, #tpu.memory_space<vmem>>[vector<16xi32>, vector<16xi32>], vector<16xf32>,
          tpu.vector_store_idx %arg14[%add3A_292, %broadcast_in_dim3A_259], %gather3A_299 : memref<64x128xf32, #tpu.memory_space<vmem>>[vector<16xi32>, vector<16xi32>], vector<16xf32>,
        } else {
        }
        %slice3A_186 = vector.extract_strided_slice %get3A_129 {offsets = [7], sizes = [1], strides = [1]} : vector<16xi32> to vector<1xi32>
        %squeeze3A_187 = vector.extract %slice3A_186[0] : i32 from vector<1xi32>
        %lt3A_188 = arith.constant 4096 : i32
        %lt3A_189 = arith.cmpi slt, %squeeze3A_187, %lt3A_188 : i32
        %convert_element_type3A_190 = arith.extui %lt3A_189 : i1 to i32
        %cond3A_191 = arith.constant 0 : i32
        %cond3A_192 = arith.cmpi ne, %convert_element_type3A_190, %cond3A_191 : i32
        scf.if %cond3A_192 {
          %shift_right_logical3A_249 = arith.constant 7 : i32
          %shift_right_logical3A_250 = arith.shrui %squeeze3A_187, %shift_right_logical3A_249 : i32
          %shift_left3A_251 = arith.constant 7 : i32
          %shift_left3A_252 = arith.shli %shift_right_logical3A_250, %shift_left3A_251 : i32
          %multiple_of3A_253 = tpu.assume_multiple %shift_left3A_252, 128 : i32
          %run_scoped3A = arith.constant 0 : i32
          %run_scoped3A_254 = arith.constant 0 : i32
          "tpu.region"() ({
            %run_scoped3A_300 = tpu.sem_alloc : memref<!tpu.dma_semaphore, #tpu.memory_space<semaphore_mem>>
            %dma_start3A_301 = arith.constant 0 : i32
            %dma_start3A_302 = arith.constant 0 : i32
            %dma_start3A_303 = tpu.memref_slice %arg13[%run_scoped3A, %run_scoped3A_254, %dma_start3A_301, %dma_start3A_302] : memref<2x4x64x128xf32, #tpu.memory_space<vmem>> -> memref<1x1x64x128xf32, #tpu.memory_space<vmem>>
            %dma_start3A_304 = tpu.memref_squeeze %dma_start3A_303 : memref<1x1x64x128xf32, #tpu.memory_space<vmem>> -> memref<64x128xf32, #tpu.memory_space<vmem>>
            %dma_start3A_305 = arith.constant 0 : i32
            %dma_start3A_306 = tpu.memref_slice %arg4[%dma_start3A_305, %multiple_of3A_253] : memref<64x4096xf32, #tpu.memory_space<hbm>> -> memref<64x128xf32, #tpu.memory_space<hbm>>
            %dma_start3A_307 = arith.constant 0 : i32
            %dma_start3A_308 = arith.constant 0 : i32
            %dma_start3A_309 = tpu.memref_slice %arg13[%run_scoped3A, %run_scoped3A_254, %dma_start3A_307, %dma_start3A_308] : memref<2x4x64x128xf32, #tpu.memory_space<vmem>> -> memref<1x1x64x128xf32, #tpu.memory_space<vmem>>
            %dma_start3A_310 = tpu.memref_squeeze %dma_start3A_309 : memref<1x1x64x128xf32, #tpu.memory_space<vmem>> -> memref<64x128xf32, #tpu.memory_space<vmem>>
            %dma_start3A_311 = arith.constant 0 : i32
            %dma_start3A_312 = tpu.memref_slice %arg4[%dma_start3A_311, %multiple_of3A_253] : memref<64x4096xf32, #tpu.memory_space<hbm>> -> memref<64x128xf32, #tpu.memory_space<hbm>>
            tpu.enqueue_dma source(%dma_start3A_312 : memref<64x128xf32, #tpu.memory_space<hbm>>) target(%dma_start3A_310 : memref<64x128xf32, #tpu.memory_space<vmem>>) target_semaphore(%run_scoped3A_300 : memref<!tpu.dma_semaphore, #tpu.memory_space<semaphore_mem>>)
            %dma_wait3A_313 = arith.constant 0 : i32
            %dma_wait3A_314 = arith.constant 0 : i32
            %dma_wait3A_315 = tpu.memref_slice %arg13[%run_scoped3A, %run_scoped3A_254, %dma_wait3A_313, %dma_wait3A_314] : memref<2x4x64x128xf32, #tpu.memory_space<vmem>> -> memref<1x1x64x128xf32, #tpu.memory_space<vmem>>
            %dma_wait3A_316 = tpu.memref_squeeze %dma_wait3A_315 : memref<1x1x64x128xf32, #tpu.memory_space<vmem>> -> memref<64x128xf32, #tpu.memory_space<vmem>>
            %dma_wait3A_317 = arith.constant 0 : i32
            %dma_wait3A_318 = tpu.memref_slice %arg4[%dma_wait3A_317, %multiple_of3A_253] : memref<64x4096xf32, #tpu.memory_space<hbm>> -> memref<64x128xf32, #tpu.memory_space<hbm>>
            %dma_wait3A_319 = arith.constant 0 : i32
            %dma_wait3A_320 = arith.constant 0 : i32
            %dma_wait3A_321 = tpu.memref_slice %arg13[%run_scoped3A, %run_scoped3A_254, %dma_wait3A_319, %dma_wait3A_320] : memref<2x4x64x128xf32, #tpu.memory_space<vmem>> -> memref<1x1x64x128xf32, #tpu.memory_space<vmem>>
            %dma_wait3A_322 = tpu.memref_squeeze %dma_wait3A_321 : memref<1x1x64x128xf32, #tpu.memory_space<vmem>> -> memref<64x128xf32, #tpu.memory_space<vmem>>
            %dma_wait3A_323 = arith.constant 0 : i32
            %dma_wait3A_324 = tpu.memref_slice %arg4[%dma_wait3A_323, %multiple_of3A_253] : memref<64x4096xf32, #tpu.memory_space<hbm>> -> memref<64x128xf32, #tpu.memory_space<hbm>>
            tpu.wait_dma2 semaphore(%run_scoped3A_300 : memref<!tpu.dma_semaphore, #tpu.memory_space<semaphore_mem>>) src(%dma_wait3A_324 : memref<64x128xf32, #tpu.memory_space<hbm>>) dst(%dma_wait3A_322 : memref<64x128xf32, #tpu.memory_space<vmem>>)
            tpu.yield
          }) : () -> ()
          %and3A = arith.constant 127 : i32
          %and3A_255 = arith.andi %squeeze3A_187, %and3A : i32
          %add3A_256 = arith.constant 7 : i32
          %add3A_257 = arith.addi %multiple_of3A_127, %add3A_256 : i32
          %broadcast_in_dim3A_258 = vector.broadcast %and3A_255 : i32 to vector<16xi32>
          %broadcast_in_dim3A_259 = vector.broadcast %add3A_257 : i32 to vector<16xi32>
          %add3A_260 = arith.constant 0 : i32
          %add3A_261 = vector.broadcast %add3A_260 : i32 to vector<16xi32>
          %add3A_262 = arith.addi %add3A_261, %iota3A : vector<16xi32>
          %gather3A_263 = arith.constant 0 : i32
          %gather3A_264 = arith.constant 0 : i32
          %gather3A_265 = arith.constant 0 : i32
          %gather3A_266 = arith.constant 0 : i32
          %gather3A_267 = tpu.memref_slice %arg13[%gather3A_263, %gather3A_264, %gather3A_265, %gather3A_266] : memref<2x4x64x128xf32, #tpu.memory_space<vmem>> -> memref<1x1x64x128xf32, #tpu.memory_space<vmem>>
          %gather3A_268 = tpu.memref_squeeze %gather3A_267 : memref<1x1x64x128xf32, #tpu.memory_space<vmem>> -> memref<64x128xf32, #tpu.memory_space<vmem>>
          %gather3A_269 = tpu.vector_load_idx %gather3A_268[%add3A_262, %broadcast_in_dim3A_258] : memref<64x128xf32, #tpu.memory_space<vmem>>[vector<16xi32>, vector<16xi32>], vector<16xf32>,
          tpu.vector_store_idx %arg14[%add3A_262, %broadcast_in_dim3A_259], %gather3A_269 : memref<64x128xf32, #tpu.memory_space<vmem>>[vector<16xi32>, vector<16xi32>], vector<16xf32>,
          %add3A_270 = arith.constant 16 : i32
          %add3A_271 = vector.broadcast %add3A_270 : i32 to vector<16xi32>
          %add3A_272 = arith.addi %add3A_271, %iota3A : vector<16xi32>
          %gather3A_273 = arith.constant 0 : i32
          %gather3A_274 = arith.constant 0 : i32
          %gather3A_275 = arith.constant 0 : i32
          %gather3A_276 = arith.constant 0 : i32
          %gather3A_277 = tpu.memref_slice %arg13[%gather3A_273, %gather3A_274, %gather3A_275, %gather3A_276] : memref<2x4x64x128xf32, #tpu.memory_space<vmem>> -> memref<1x1x64x128xf32, #tpu.memory_space<vmem>>
          %gather3A_278 = tpu.memref_squeeze %gather3A_277 : memref<1x1x64x128xf32, #tpu.memory_space<vmem>> -> memref<64x128xf32, #tpu.memory_space<vmem>>
          %gather3A_279 = tpu.vector_load_idx %gather3A_278[%add3A_272, %broadcast_in_dim3A_258] : memref<64x128xf32, #tpu.memory_space<vmem>>[vector<16xi32>, vector<16xi32>], vector<16xf32>,
          tpu.vector_store_idx %arg14[%add3A_272, %broadcast_in_dim3A_259], %gather3A_279 : memref<64x128xf32, #tpu.memory_space<vmem>>[vector<16xi32>, vector<16xi32>], vector<16xf32>,
          %add3A_280 = arith.constant 32 : i32
          %add3A_281 = vector.broadcast %add3A_280 : i32 to vector<16xi32>
          %add3A_282 = arith.addi %add3A_281, %iota3A : vector<16xi32>
          %gather3A_283 = arith.constant 0 : i32
          %gather3A_284 = arith.constant 0 : i32
          %gather3A_285 = arith.constant 0 : i32
          %gather3A_286 = arith.constant 0 : i32
          %gather3A_287 = tpu.memref_slice %arg13[%gather3A_283, %gather3A_284, %gather3A_285, %gather3A_286] : memref<2x4x64x128xf32, #tpu.memory_space<vmem>> -> memref<1x1x64x128xf32, #tpu.memory_space<vmem>>
          %gather3A_288 = tpu.memref_squeeze %gather3A_287 : memref<1x1x64x128xf32, #tpu.memory_space<vmem>> -> memref<64x128xf32, #tpu.memory_space<vmem>>
          %gather3A_289 = tpu.vector_load_idx %gather3A_288[%add3A_282, %broadcast_in_dim3A_258] : memref<64x128xf32, #tpu.memory_space<vmem>>[vector<16xi32>, vector<16xi32>], vector<16xf32>,
          tpu.vector_store_idx %arg14[%add3A_282, %broadcast_in_dim3A_259], %gather3A_289 : memref<64x128xf32, #tpu.memory_space<vmem>>[vector<16xi32>, vector<16xi32>], vector<16xf32>,
          %add3A_290 = arith.constant 48 : i32
          %add3A_291 = vector.broadcast %add3A_290 : i32 to vector<16xi32>
          %add3A_292 = arith.addi %add3A_291, %iota3A : vector<16xi32>
          %gather3A_293 = arith.constant 0 : i32
          %gather3A_294 = arith.constant 0 : i32
          %gather3A_295 = arith.constant 0 : i32
          %gather3A_296 = arith.constant 0 : i32
          %gather3A_297 = tpu.memref_slice %arg13[%gather3A_293, %gather3A_294, %gather3A_295, %gather3A_296] : memref<2x4x64x128xf32, #tpu.memory_space<vmem>> -> memref<1x1x64x128xf32, #tpu.memory_space<vmem>>
          %gather3A_298 = tpu.memref_squeeze %gather3A_297 : memref<1x1x64x128xf32, #tpu.memory_space<vmem>> -> memref<64x128xf32, #tpu.memory_space<vmem>>
          %gather3A_299 = tpu.vector_load_idx %gather3A_298[%add3A_292, %broadcast_in_dim3A_258] : memref<64x128xf32, #tpu.memory_space<vmem>>[vector<16xi32>, vector<16xi32>], vector<16xf32>,
          tpu.vector_store_idx %arg14[%add3A_292, %broadcast_in_dim3A_259], %gather3A_299 : memref<64x128xf32, #tpu.memory_space<vmem>>[vector<16xi32>, vector<16xi32>], vector<16xf32>,
        } else {
        }
        %slice3A_193 = vector.extract_strided_slice %get3A_129 {offsets = [8], sizes = [1], strides = [1]} : vector<16xi32> to vector<1xi32>
        %squeeze3A_194 = vector.extract %slice3A_193[0] : i32 from vector<1xi32>
        %lt3A_195 = arith.constant 4096 : i32
        %lt3A_196 = arith.cmpi slt, %squeeze3A_194, %lt3A_195 : i32
        %convert_element_type3A_197 = arith.extui %lt3A_196 : i1 to i32
        %cond3A_198 = arith.constant 0 : i32
        %cond3A_199 = arith.cmpi ne, %convert_element_type3A_197, %cond3A_198 : i32
        scf.if %cond3A_199 {
          %shift_right_logical3A_249 = arith.constant 7 : i32
          %shift_right_logical3A_250 = arith.shrui %squeeze3A_194, %shift_right_logical3A_249 : i32
          %shift_left3A_251 = arith.constant 7 : i32
          %shift_left3A_252 = arith.shli %shift_right_logical3A_250, %shift_left3A_251 : i32
          %multiple_of3A_253 = tpu.assume_multiple %shift_left3A_252, 128 : i32
          %run_scoped3A = arith.constant 0 : i32
          %run_scoped3A_254 = arith.constant 0 : i32
          "tpu.region"() ({
            %run_scoped3A_300 = tpu.sem_alloc : memref<!tpu.dma_semaphore, #tpu.memory_space<semaphore_mem>>
            %dma_start3A_301 = arith.constant 0 : i32
            %dma_start3A_302 = arith.constant 0 : i32
            %dma_start3A_303 = tpu.memref_slice %arg13[%run_scoped3A, %run_scoped3A_254, %dma_start3A_301, %dma_start3A_302] : memref<2x4x64x128xf32, #tpu.memory_space<vmem>> -> memref<1x1x64x128xf32, #tpu.memory_space<vmem>>
            %dma_start3A_304 = tpu.memref_squeeze %dma_start3A_303 : memref<1x1x64x128xf32, #tpu.memory_space<vmem>> -> memref<64x128xf32, #tpu.memory_space<vmem>>
            %dma_start3A_305 = arith.constant 0 : i32
            %dma_start3A_306 = tpu.memref_slice %arg4[%dma_start3A_305, %multiple_of3A_253] : memref<64x4096xf32, #tpu.memory_space<hbm>> -> memref<64x128xf32, #tpu.memory_space<hbm>>
            %dma_start3A_307 = arith.constant 0 : i32
            %dma_start3A_308 = arith.constant 0 : i32
            %dma_start3A_309 = tpu.memref_slice %arg13[%run_scoped3A, %run_scoped3A_254, %dma_start3A_307, %dma_start3A_308] : memref<2x4x64x128xf32, #tpu.memory_space<vmem>> -> memref<1x1x64x128xf32, #tpu.memory_space<vmem>>
            %dma_start3A_310 = tpu.memref_squeeze %dma_start3A_309 : memref<1x1x64x128xf32, #tpu.memory_space<vmem>> -> memref<64x128xf32, #tpu.memory_space<vmem>>
            %dma_start3A_311 = arith.constant 0 : i32
            %dma_start3A_312 = tpu.memref_slice %arg4[%dma_start3A_311, %multiple_of3A_253] : memref<64x4096xf32, #tpu.memory_space<hbm>> -> memref<64x128xf32, #tpu.memory_space<hbm>>
            tpu.enqueue_dma source(%dma_start3A_312 : memref<64x128xf32, #tpu.memory_space<hbm>>) target(%dma_start3A_310 : memref<64x128xf32, #tpu.memory_space<vmem>>) target_semaphore(%run_scoped3A_300 : memref<!tpu.dma_semaphore, #tpu.memory_space<semaphore_mem>>)
            %dma_wait3A_313 = arith.constant 0 : i32
            %dma_wait3A_314 = arith.constant 0 : i32
            %dma_wait3A_315 = tpu.memref_slice %arg13[%run_scoped3A, %run_scoped3A_254, %dma_wait3A_313, %dma_wait3A_314] : memref<2x4x64x128xf32, #tpu.memory_space<vmem>> -> memref<1x1x64x128xf32, #tpu.memory_space<vmem>>
            %dma_wait3A_316 = tpu.memref_squeeze %dma_wait3A_315 : memref<1x1x64x128xf32, #tpu.memory_space<vmem>> -> memref<64x128xf32, #tpu.memory_space<vmem>>
            %dma_wait3A_317 = arith.constant 0 : i32
            %dma_wait3A_318 = tpu.memref_slice %arg4[%dma_wait3A_317, %multiple_of3A_253] : memref<64x4096xf32, #tpu.memory_space<hbm>> -> memref<64x128xf32, #tpu.memory_space<hbm>>
            %dma_wait3A_319 = arith.constant 0 : i32
            %dma_wait3A_320 = arith.constant 0 : i32
            %dma_wait3A_321 = tpu.memref_slice %arg13[%run_scoped3A, %run_scoped3A_254, %dma_wait3A_319, %dma_wait3A_320] : memref<2x4x64x128xf32, #tpu.memory_space<vmem>> -> memref<1x1x64x128xf32, #tpu.memory_space<vmem>>
            %dma_wait3A_322 = tpu.memref_squeeze %dma_wait3A_321 : memref<1x1x64x128xf32, #tpu.memory_space<vmem>> -> memref<64x128xf32, #tpu.memory_space<vmem>>
            %dma_wait3A_323 = arith.constant 0 : i32
            %dma_wait3A_324 = tpu.memref_slice %arg4[%dma_wait3A_323, %multiple_of3A_253] : memref<64x4096xf32, #tpu.memory_space<hbm>> -> memref<64x128xf32, #tpu.memory_space<hbm>>
            tpu.wait_dma2 semaphore(%run_scoped3A_300 : memref<!tpu.dma_semaphore, #tpu.memory_space<semaphore_mem>>) src(%dma_wait3A_324 : memref<64x128xf32, #tpu.memory_space<hbm>>) dst(%dma_wait3A_322 : memref<64x128xf32, #tpu.memory_space<vmem>>)
            tpu.yield
          }) : () -> ()
          %and3A = arith.constant 127 : i32
          %and3A_255 = arith.andi %squeeze3A_194, %and3A : i32
          %add3A_256 = arith.constant 8 : i32
          %add3A_257 = arith.addi %multiple_of3A_127, %add3A_256 : i32
          %broadcast_in_dim3A_258 = vector.broadcast %and3A_255 : i32 to vector<16xi32>
          %broadcast_in_dim3A_259 = vector.broadcast %add3A_257 : i32 to vector<16xi32>
          %add3A_260 = arith.constant 0 : i32
          %add3A_261 = vector.broadcast %add3A_260 : i32 to vector<16xi32>
          %add3A_262 = arith.addi %add3A_261, %iota3A : vector<16xi32>
          %gather3A_263 = arith.constant 0 : i32
          %gather3A_264 = arith.constant 0 : i32
          %gather3A_265 = arith.constant 0 : i32
          %gather3A_266 = arith.constant 0 : i32
          %gather3A_267 = tpu.memref_slice %arg13[%gather3A_263, %gather3A_264, %gather3A_265, %gather3A_266] : memref<2x4x64x128xf32, #tpu.memory_space<vmem>> -> memref<1x1x64x128xf32, #tpu.memory_space<vmem>>
          %gather3A_268 = tpu.memref_squeeze %gather3A_267 : memref<1x1x64x128xf32, #tpu.memory_space<vmem>> -> memref<64x128xf32, #tpu.memory_space<vmem>>
          %gather3A_269 = tpu.vector_load_idx %gather3A_268[%add3A_262, %broadcast_in_dim3A_258] : memref<64x128xf32, #tpu.memory_space<vmem>>[vector<16xi32>, vector<16xi32>], vector<16xf32>,
          tpu.vector_store_idx %arg14[%add3A_262, %broadcast_in_dim3A_259], %gather3A_269 : memref<64x128xf32, #tpu.memory_space<vmem>>[vector<16xi32>, vector<16xi32>], vector<16xf32>,
          %add3A_270 = arith.constant 16 : i32
          %add3A_271 = vector.broadcast %add3A_270 : i32 to vector<16xi32>
          %add3A_272 = arith.addi %add3A_271, %iota3A : vector<16xi32>
          %gather3A_273 = arith.constant 0 : i32
          %gather3A_274 = arith.constant 0 : i32
          %gather3A_275 = arith.constant 0 : i32
          %gather3A_276 = arith.constant 0 : i32
          %gather3A_277 = tpu.memref_slice %arg13[%gather3A_273, %gather3A_274, %gather3A_275, %gather3A_276] : memref<2x4x64x128xf32, #tpu.memory_space<vmem>> -> memref<1x1x64x128xf32, #tpu.memory_space<vmem>>
          %gather3A_278 = tpu.memref_squeeze %gather3A_277 : memref<1x1x64x128xf32, #tpu.memory_space<vmem>> -> memref<64x128xf32, #tpu.memory_space<vmem>>
          %gather3A_279 = tpu.vector_load_idx %gather3A_278[%add3A_272, %broadcast_in_dim3A_258] : memref<64x128xf32, #tpu.memory_space<vmem>>[vector<16xi32>, vector<16xi32>], vector<16xf32>,
          tpu.vector_store_idx %arg14[%add3A_272, %broadcast_in_dim3A_259], %gather3A_279 : memref<64x128xf32, #tpu.memory_space<vmem>>[vector<16xi32>, vector<16xi32>], vector<16xf32>,
          %add3A_280 = arith.constant 32 : i32
          %add3A_281 = vector.broadcast %add3A_280 : i32 to vector<16xi32>
          %add3A_282 = arith.addi %add3A_281, %iota3A : vector<16xi32>
          %gather3A_283 = arith.constant 0 : i32
          %gather3A_284 = arith.constant 0 : i32
          %gather3A_285 = arith.constant 0 : i32
          %gather3A_286 = arith.constant 0 : i32
          %gather3A_287 = tpu.memref_slice %arg13[%gather3A_283, %gather3A_284, %gather3A_285, %gather3A_286] : memref<2x4x64x128xf32, #tpu.memory_space<vmem>> -> memref<1x1x64x128xf32, #tpu.memory_space<vmem>>
          %gather3A_288 = tpu.memref_squeeze %gather3A_287 : memref<1x1x64x128xf32, #tpu.memory_space<vmem>> -> memref<64x128xf32, #tpu.memory_space<vmem>>
          %gather3A_289 = tpu.vector_load_idx %gather3A_288[%add3A_282, %broadcast_in_dim3A_258] : memref<64x128xf32, #tpu.memory_space<vmem>>[vector<16xi32>, vector<16xi32>], vector<16xf32>,
          tpu.vector_store_idx %arg14[%add3A_282, %broadcast_in_dim3A_259], %gather3A_289 : memref<64x128xf32, #tpu.memory_space<vmem>>[vector<16xi32>, vector<16xi32>], vector<16xf32>,
          %add3A_290 = arith.constant 48 : i32
          %add3A_291 = vector.broadcast %add3A_290 : i32 to vector<16xi32>
          %add3A_292 = arith.addi %add3A_291, %iota3A : vector<16xi32>
          %gather3A_293 = arith.constant 0 : i32
          %gather3A_294 = arith.constant 0 : i32
          %gather3A_295 = arith.constant 0 : i32
          %gather3A_296 = arith.constant 0 : i32
          %gather3A_297 = tpu.memref_slice %arg13[%gather3A_293, %gather3A_294, %gather3A_295, %gather3A_296] : memref<2x4x64x128xf32, #tpu.memory_space<vmem>> -> memref<1x1x64x128xf32, #tpu.memory_space<vmem>>
          %gather3A_298 = tpu.memref_squeeze %gather3A_297 : memref<1x1x64x128xf32, #tpu.memory_space<vmem>> -> memref<64x128xf32, #tpu.memory_space<vmem>>
          %gather3A_299 = tpu.vector_load_idx %gather3A_298[%add3A_292, %broadcast_in_dim3A_258] : memref<64x128xf32, #tpu.memory_space<vmem>>[vector<16xi32>, vector<16xi32>], vector<16xf32>,
          tpu.vector_store_idx %arg14[%add3A_292, %broadcast_in_dim3A_259], %gather3A_299 : memref<64x128xf32, #tpu.memory_space<vmem>>[vector<16xi32>, vector<16xi32>], vector<16xf32>,
        } else {
        }
        %slice3A_200 = vector.extract_strided_slice %get3A_129 {offsets = [9], sizes = [1], strides = [1]} : vector<16xi32> to vector<1xi32>
        %squeeze3A_201 = vector.extract %slice3A_200[0] : i32 from vector<1xi32>
        %lt3A_202 = arith.constant 4096 : i32
        %lt3A_203 = arith.cmpi slt, %squeeze3A_201, %lt3A_202 : i32
        %convert_element_type3A_204 = arith.extui %lt3A_203 : i1 to i32
        %cond3A_205 = arith.constant 0 : i32
        %cond3A_206 = arith.cmpi ne, %convert_element_type3A_204, %cond3A_205 : i32
        scf.if %cond3A_206 {
          %shift_right_logical3A_249 = arith.constant 7 : i32
          %shift_right_logical3A_250 = arith.shrui %squeeze3A_201, %shift_right_logical3A_249 : i32
          %shift_left3A_251 = arith.constant 7 : i32
          %shift_left3A_252 = arith.shli %shift_right_logical3A_250, %shift_left3A_251 : i32
          %multiple_of3A_253 = tpu.assume_multiple %shift_left3A_252, 128 : i32
          %run_scoped3A = arith.constant 0 : i32
          %run_scoped3A_254 = arith.constant 0 : i32
          "tpu.region"() ({
            %run_scoped3A_300 = tpu.sem_alloc : memref<!tpu.dma_semaphore, #tpu.memory_space<semaphore_mem>>
            %dma_start3A_301 = arith.constant 0 : i32
            %dma_start3A_302 = arith.constant 0 : i32
            %dma_start3A_303 = tpu.memref_slice %arg13[%run_scoped3A, %run_scoped3A_254, %dma_start3A_301, %dma_start3A_302] : memref<2x4x64x128xf32, #tpu.memory_space<vmem>> -> memref<1x1x64x128xf32, #tpu.memory_space<vmem>>
            %dma_start3A_304 = tpu.memref_squeeze %dma_start3A_303 : memref<1x1x64x128xf32, #tpu.memory_space<vmem>> -> memref<64x128xf32, #tpu.memory_space<vmem>>
            %dma_start3A_305 = arith.constant 0 : i32
            %dma_start3A_306 = tpu.memref_slice %arg4[%dma_start3A_305, %multiple_of3A_253] : memref<64x4096xf32, #tpu.memory_space<hbm>> -> memref<64x128xf32, #tpu.memory_space<hbm>>
            %dma_start3A_307 = arith.constant 0 : i32
            %dma_start3A_308 = arith.constant 0 : i32
            %dma_start3A_309 = tpu.memref_slice %arg13[%run_scoped3A, %run_scoped3A_254, %dma_start3A_307, %dma_start3A_308] : memref<2x4x64x128xf32, #tpu.memory_space<vmem>> -> memref<1x1x64x128xf32, #tpu.memory_space<vmem>>
            %dma_start3A_310 = tpu.memref_squeeze %dma_start3A_309 : memref<1x1x64x128xf32, #tpu.memory_space<vmem>> -> memref<64x128xf32, #tpu.memory_space<vmem>>
            %dma_start3A_311 = arith.constant 0 : i32
            %dma_start3A_312 = tpu.memref_slice %arg4[%dma_start3A_311, %multiple_of3A_253] : memref<64x4096xf32, #tpu.memory_space<hbm>> -> memref<64x128xf32, #tpu.memory_space<hbm>>
            tpu.enqueue_dma source(%dma_start3A_312 : memref<64x128xf32, #tpu.memory_space<hbm>>) target(%dma_start3A_310 : memref<64x128xf32, #tpu.memory_space<vmem>>) target_semaphore(%run_scoped3A_300 : memref<!tpu.dma_semaphore, #tpu.memory_space<semaphore_mem>>)
            %dma_wait3A_313 = arith.constant 0 : i32
            %dma_wait3A_314 = arith.constant 0 : i32
            %dma_wait3A_315 = tpu.memref_slice %arg13[%run_scoped3A, %run_scoped3A_254, %dma_wait3A_313, %dma_wait3A_314] : memref<2x4x64x128xf32, #tpu.memory_space<vmem>> -> memref<1x1x64x128xf32, #tpu.memory_space<vmem>>
            %dma_wait3A_316 = tpu.memref_squeeze %dma_wait3A_315 : memref<1x1x64x128xf32, #tpu.memory_space<vmem>> -> memref<64x128xf32, #tpu.memory_space<vmem>>
            %dma_wait3A_317 = arith.constant 0 : i32
            %dma_wait3A_318 = tpu.memref_slice %arg4[%dma_wait3A_317, %multiple_of3A_253] : memref<64x4096xf32, #tpu.memory_space<hbm>> -> memref<64x128xf32, #tpu.memory_space<hbm>>
            %dma_wait3A_319 = arith.constant 0 : i32
            %dma_wait3A_320 = arith.constant 0 : i32
            %dma_wait3A_321 = tpu.memref_slice %arg13[%run_scoped3A, %run_scoped3A_254, %dma_wait3A_319, %dma_wait3A_320] : memref<2x4x64x128xf32, #tpu.memory_space<vmem>> -> memref<1x1x64x128xf32, #tpu.memory_space<vmem>>
            %dma_wait3A_322 = tpu.memref_squeeze %dma_wait3A_321 : memref<1x1x64x128xf32, #tpu.memory_space<vmem>> -> memref<64x128xf32, #tpu.memory_space<vmem>>
            %dma_wait3A_323 = arith.constant 0 : i32
            %dma_wait3A_324 = tpu.memref_slice %arg4[%dma_wait3A_323, %multiple_of3A_253] : memref<64x4096xf32, #tpu.memory_space<hbm>> -> memref<64x128xf32, #tpu.memory_space<hbm>>
            tpu.wait_dma2 semaphore(%run_scoped3A_300 : memref<!tpu.dma_semaphore, #tpu.memory_space<semaphore_mem>>) src(%dma_wait3A_324 : memref<64x128xf32, #tpu.memory_space<hbm>>) dst(%dma_wait3A_322 : memref<64x128xf32, #tpu.memory_space<vmem>>)
            tpu.yield
          }) : () -> ()
          %and3A = arith.constant 127 : i32
          %and3A_255 = arith.andi %squeeze3A_201, %and3A : i32
          %add3A_256 = arith.constant 9 : i32
          %add3A_257 = arith.addi %multiple_of3A_127, %add3A_256 : i32
          %broadcast_in_dim3A_258 = vector.broadcast %and3A_255 : i32 to vector<16xi32>
          %broadcast_in_dim3A_259 = vector.broadcast %add3A_257 : i32 to vector<16xi32>
          %add3A_260 = arith.constant 0 : i32
          %add3A_261 = vector.broadcast %add3A_260 : i32 to vector<16xi32>
          %add3A_262 = arith.addi %add3A_261, %iota3A : vector<16xi32>
          %gather3A_263 = arith.constant 0 : i32
          %gather3A_264 = arith.constant 0 : i32
          %gather3A_265 = arith.constant 0 : i32
          %gather3A_266 = arith.constant 0 : i32
          %gather3A_267 = tpu.memref_slice %arg13[%gather3A_263, %gather3A_264, %gather3A_265, %gather3A_266] : memref<2x4x64x128xf32, #tpu.memory_space<vmem>> -> memref<1x1x64x128xf32, #tpu.memory_space<vmem>>
          %gather3A_268 = tpu.memref_squeeze %gather3A_267 : memref<1x1x64x128xf32, #tpu.memory_space<vmem>> -> memref<64x128xf32, #tpu.memory_space<vmem>>
          %gather3A_269 = tpu.vector_load_idx %gather3A_268[%add3A_262, %broadcast_in_dim3A_258] : memref<64x128xf32, #tpu.memory_space<vmem>>[vector<16xi32>, vector<16xi32>], vector<16xf32>,
          tpu.vector_store_idx %arg14[%add3A_262, %broadcast_in_dim3A_259], %gather3A_269 : memref<64x128xf32, #tpu.memory_space<vmem>>[vector<16xi32>, vector<16xi32>], vector<16xf32>,
          %add3A_270 = arith.constant 16 : i32
          %add3A_271 = vector.broadcast %add3A_270 : i32 to vector<16xi32>
          %add3A_272 = arith.addi %add3A_271, %iota3A : vector<16xi32>
          %gather3A_273 = arith.constant 0 : i32
          %gather3A_274 = arith.constant 0 : i32
          %gather3A_275 = arith.constant 0 : i32
          %gather3A_276 = arith.constant 0 : i32
          %gather3A_277 = tpu.memref_slice %arg13[%gather3A_273, %gather3A_274, %gather3A_275, %gather3A_276] : memref<2x4x64x128xf32, #tpu.memory_space<vmem>> -> memref<1x1x64x128xf32, #tpu.memory_space<vmem>>
          %gather3A_278 = tpu.memref_squeeze %gather3A_277 : memref<1x1x64x128xf32, #tpu.memory_space<vmem>> -> memref<64x128xf32, #tpu.memory_space<vmem>>
          %gather3A_279 = tpu.vector_load_idx %gather3A_278[%add3A_272, %broadcast_in_dim3A_258] : memref<64x128xf32, #tpu.memory_space<vmem>>[vector<16xi32>, vector<16xi32>], vector<16xf32>,
          tpu.vector_store_idx %arg14[%add3A_272, %broadcast_in_dim3A_259], %gather3A_279 : memref<64x128xf32, #tpu.memory_space<vmem>>[vector<16xi32>, vector<16xi32>], vector<16xf32>,
          %add3A_280 = arith.constant 32 : i32
          %add3A_281 = vector.broadcast %add3A_280 : i32 to vector<16xi32>
          %add3A_282 = arith.addi %add3A_281, %iota3A : vector<16xi32>
          %gather3A_283 = arith.constant 0 : i32
          %gather3A_284 = arith.constant 0 : i32
          %gather3A_285 = arith.constant 0 : i32
          %gather3A_286 = arith.constant 0 : i32
          %gather3A_287 = tpu.memref_slice %arg13[%gather3A_283, %gather3A_284, %gather3A_285, %gather3A_286] : memref<2x4x64x128xf32, #tpu.memory_space<vmem>> -> memref<1x1x64x128xf32, #tpu.memory_space<vmem>>
          %gather3A_288 = tpu.memref_squeeze %gather3A_287 : memref<1x1x64x128xf32, #tpu.memory_space<vmem>> -> memref<64x128xf32, #tpu.memory_space<vmem>>
          %gather3A_289 = tpu.vector_load_idx %gather3A_288[%add3A_282, %broadcast_in_dim3A_258] : memref<64x128xf32, #tpu.memory_space<vmem>>[vector<16xi32>, vector<16xi32>], vector<16xf32>,
          tpu.vector_store_idx %arg14[%add3A_282, %broadcast_in_dim3A_259], %gather3A_289 : memref<64x128xf32, #tpu.memory_space<vmem>>[vector<16xi32>, vector<16xi32>], vector<16xf32>,
          %add3A_290 = arith.constant 48 : i32
          %add3A_291 = vector.broadcast %add3A_290 : i32 to vector<16xi32>
          %add3A_292 = arith.addi %add3A_291, %iota3A : vector<16xi32>
          %gather3A_293 = arith.constant 0 : i32
          %gather3A_294 = arith.constant 0 : i32
          %gather3A_295 = arith.constant 0 : i32
          %gather3A_296 = arith.constant 0 : i32
          %gather3A_297 = tpu.memref_slice %arg13[%gather3A_293, %gather3A_294, %gather3A_295, %gather3A_296] : memref<2x4x64x128xf32, #tpu.memory_space<vmem>> -> memref<1x1x64x128xf32, #tpu.memory_space<vmem>>
          %gather3A_298 = tpu.memref_squeeze %gather3A_297 : memref<1x1x64x128xf32, #tpu.memory_space<vmem>> -> memref<64x128xf32, #tpu.memory_space<vmem>>
          %gather3A_299 = tpu.vector_load_idx %gather3A_298[%add3A_292, %broadcast_in_dim3A_258] : memref<64x128xf32, #tpu.memory_space<vmem>>[vector<16xi32>, vector<16xi32>], vector<16xf32>,
          tpu.vector_store_idx %arg14[%add3A_292, %broadcast_in_dim3A_259], %gather3A_299 : memref<64x128xf32, #tpu.memory_space<vmem>>[vector<16xi32>, vector<16xi32>], vector<16xf32>,
        } else {
        }
        %slice3A_207 = vector.extract_strided_slice %get3A_129 {offsets = [10], sizes = [1], strides = [1]} : vector<16xi32> to vector<1xi32>
        %squeeze3A_208 = vector.extract %slice3A_207[0] : i32 from vector<1xi32>
        %lt3A_209 = arith.constant 4096 : i32
        %lt3A_210 = arith.cmpi slt, %squeeze3A_208, %lt3A_209 : i32
        %convert_element_type3A_211 = arith.extui %lt3A_210 : i1 to i32
        %cond3A_212 = arith.constant 0 : i32
        %cond3A_213 = arith.cmpi ne, %convert_element_type3A_211, %cond3A_212 : i32
        scf.if %cond3A_213 {
          %shift_right_logical3A_249 = arith.constant 7 : i32
          %shift_right_logical3A_250 = arith.shrui %squeeze3A_208, %shift_right_logical3A_249 : i32
          %shift_left3A_251 = arith.constant 7 : i32
          %shift_left3A_252 = arith.shli %shift_right_logical3A_250, %shift_left3A_251 : i32
          %multiple_of3A_253 = tpu.assume_multiple %shift_left3A_252, 128 : i32
          %run_scoped3A = arith.constant 0 : i32
          %run_scoped3A_254 = arith.constant 0 : i32
          "tpu.region"() ({
            %run_scoped3A_300 = tpu.sem_alloc : memref<!tpu.dma_semaphore, #tpu.memory_space<semaphore_mem>>
            %dma_start3A_301 = arith.constant 0 : i32
            %dma_start3A_302 = arith.constant 0 : i32
            %dma_start3A_303 = tpu.memref_slice %arg13[%run_scoped3A, %run_scoped3A_254, %dma_start3A_301, %dma_start3A_302] : memref<2x4x64x128xf32, #tpu.memory_space<vmem>> -> memref<1x1x64x128xf32, #tpu.memory_space<vmem>>
            %dma_start3A_304 = tpu.memref_squeeze %dma_start3A_303 : memref<1x1x64x128xf32, #tpu.memory_space<vmem>> -> memref<64x128xf32, #tpu.memory_space<vmem>>
            %dma_start3A_305 = arith.constant 0 : i32
            %dma_start3A_306 = tpu.memref_slice %arg4[%dma_start3A_305, %multiple_of3A_253] : memref<64x4096xf32, #tpu.memory_space<hbm>> -> memref<64x128xf32, #tpu.memory_space<hbm>>
            %dma_start3A_307 = arith.constant 0 : i32
            %dma_start3A_308 = arith.constant 0 : i32
            %dma_start3A_309 = tpu.memref_slice %arg13[%run_scoped3A, %run_scoped3A_254, %dma_start3A_307, %dma_start3A_308] : memref<2x4x64x128xf32, #tpu.memory_space<vmem>> -> memref<1x1x64x128xf32, #tpu.memory_space<vmem>>
            %dma_start3A_310 = tpu.memref_squeeze %dma_start3A_309 : memref<1x1x64x128xf32, #tpu.memory_space<vmem>> -> memref<64x128xf32, #tpu.memory_space<vmem>>
            %dma_start3A_311 = arith.constant 0 : i32
            %dma_start3A_312 = tpu.memref_slice %arg4[%dma_start3A_311, %multiple_of3A_253] : memref<64x4096xf32, #tpu.memory_space<hbm>> -> memref<64x128xf32, #tpu.memory_space<hbm>>
            tpu.enqueue_dma source(%dma_start3A_312 : memref<64x128xf32, #tpu.memory_space<hbm>>) target(%dma_start3A_310 : memref<64x128xf32, #tpu.memory_space<vmem>>) target_semaphore(%run_scoped3A_300 : memref<!tpu.dma_semaphore, #tpu.memory_space<semaphore_mem>>)
            %dma_wait3A_313 = arith.constant 0 : i32
            %dma_wait3A_314 = arith.constant 0 : i32
            %dma_wait3A_315 = tpu.memref_slice %arg13[%run_scoped3A, %run_scoped3A_254, %dma_wait3A_313, %dma_wait3A_314] : memref<2x4x64x128xf32, #tpu.memory_space<vmem>> -> memref<1x1x64x128xf32, #tpu.memory_space<vmem>>
            %dma_wait3A_316 = tpu.memref_squeeze %dma_wait3A_315 : memref<1x1x64x128xf32, #tpu.memory_space<vmem>> -> memref<64x128xf32, #tpu.memory_space<vmem>>
            %dma_wait3A_317 = arith.constant 0 : i32
            %dma_wait3A_318 = tpu.memref_slice %arg4[%dma_wait3A_317, %multiple_of3A_253] : memref<64x4096xf32, #tpu.memory_space<hbm>> -> memref<64x128xf32, #tpu.memory_space<hbm>>
            %dma_wait3A_319 = arith.constant 0 : i32
            %dma_wait3A_320 = arith.constant 0 : i32
            %dma_wait3A_321 = tpu.memref_slice %arg13[%run_scoped3A, %run_scoped3A_254, %dma_wait3A_319, %dma_wait3A_320] : memref<2x4x64x128xf32, #tpu.memory_space<vmem>> -> memref<1x1x64x128xf32, #tpu.memory_space<vmem>>
            %dma_wait3A_322 = tpu.memref_squeeze %dma_wait3A_321 : memref<1x1x64x128xf32, #tpu.memory_space<vmem>> -> memref<64x128xf32, #tpu.memory_space<vmem>>
            %dma_wait3A_323 = arith.constant 0 : i32
            %dma_wait3A_324 = tpu.memref_slice %arg4[%dma_wait3A_323, %multiple_of3A_253] : memref<64x4096xf32, #tpu.memory_space<hbm>> -> memref<64x128xf32, #tpu.memory_space<hbm>>
            tpu.wait_dma2 semaphore(%run_scoped3A_300 : memref<!tpu.dma_semaphore, #tpu.memory_space<semaphore_mem>>) src(%dma_wait3A_324 : memref<64x128xf32, #tpu.memory_space<hbm>>) dst(%dma_wait3A_322 : memref<64x128xf32, #tpu.memory_space<vmem>>)
            tpu.yield
          }) : () -> ()
          %and3A = arith.constant 127 : i32
          %and3A_255 = arith.andi %squeeze3A_208, %and3A : i32
          %add3A_256 = arith.constant 10 : i32
          %add3A_257 = arith.addi %multiple_of3A_127, %add3A_256 : i32
          %broadcast_in_dim3A_258 = vector.broadcast %and3A_255 : i32 to vector<16xi32>
          %broadcast_in_dim3A_259 = vector.broadcast %add3A_257 : i32 to vector<16xi32>
          %add3A_260 = arith.constant 0 : i32
          %add3A_261 = vector.broadcast %add3A_260 : i32 to vector<16xi32>
          %add3A_262 = arith.addi %add3A_261, %iota3A : vector<16xi32>
          %gather3A_263 = arith.constant 0 : i32
          %gather3A_264 = arith.constant 0 : i32
          %gather3A_265 = arith.constant 0 : i32
          %gather3A_266 = arith.constant 0 : i32
          %gather3A_267 = tpu.memref_slice %arg13[%gather3A_263, %gather3A_264, %gather3A_265, %gather3A_266] : memref<2x4x64x128xf32, #tpu.memory_space<vmem>> -> memref<1x1x64x128xf32, #tpu.memory_space<vmem>>
          %gather3A_268 = tpu.memref_squeeze %gather3A_267 : memref<1x1x64x128xf32, #tpu.memory_space<vmem>> -> memref<64x128xf32, #tpu.memory_space<vmem>>
          %gather3A_269 = tpu.vector_load_idx %gather3A_268[%add3A_262, %broadcast_in_dim3A_258] : memref<64x128xf32, #tpu.memory_space<vmem>>[vector<16xi32>, vector<16xi32>], vector<16xf32>,
          tpu.vector_store_idx %arg14[%add3A_262, %broadcast_in_dim3A_259], %gather3A_269 : memref<64x128xf32, #tpu.memory_space<vmem>>[vector<16xi32>, vector<16xi32>], vector<16xf32>,
          %add3A_270 = arith.constant 16 : i32
          %add3A_271 = vector.broadcast %add3A_270 : i32 to vector<16xi32>
          %add3A_272 = arith.addi %add3A_271, %iota3A : vector<16xi32>
          %gather3A_273 = arith.constant 0 : i32
          %gather3A_274 = arith.constant 0 : i32
          %gather3A_275 = arith.constant 0 : i32
          %gather3A_276 = arith.constant 0 : i32
          %gather3A_277 = tpu.memref_slice %arg13[%gather3A_273, %gather3A_274, %gather3A_275, %gather3A_276] : memref<2x4x64x128xf32, #tpu.memory_space<vmem>> -> memref<1x1x64x128xf32, #tpu.memory_space<vmem>>
          %gather3A_278 = tpu.memref_squeeze %gather3A_277 : memref<1x1x64x128xf32, #tpu.memory_space<vmem>> -> memref<64x128xf32, #tpu.memory_space<vmem>>
          %gather3A_279 = tpu.vector_load_idx %gather3A_278[%add3A_272, %broadcast_in_dim3A_258] : memref<64x128xf32, #tpu.memory_space<vmem>>[vector<16xi32>, vector<16xi32>], vector<16xf32>,
          tpu.vector_store_idx %arg14[%add3A_272, %broadcast_in_dim3A_259], %gather3A_279 : memref<64x128xf32, #tpu.memory_space<vmem>>[vector<16xi32>, vector<16xi32>], vector<16xf32>,
          %add3A_280 = arith.constant 32 : i32
          %add3A_281 = vector.broadcast %add3A_280 : i32 to vector<16xi32>
          %add3A_282 = arith.addi %add3A_281, %iota3A : vector<16xi32>
          %gather3A_283 = arith.constant 0 : i32
          %gather3A_284 = arith.constant 0 : i32
          %gather3A_285 = arith.constant 0 : i32
          %gather3A_286 = arith.constant 0 : i32
          %gather3A_287 = tpu.memref_slice %arg13[%gather3A_283, %gather3A_284, %gather3A_285, %gather3A_286] : memref<2x4x64x128xf32, #tpu.memory_space<vmem>> -> memref<1x1x64x128xf32, #tpu.memory_space<vmem>>
          %gather3A_288 = tpu.memref_squeeze %gather3A_287 : memref<1x1x64x128xf32, #tpu.memory_space<vmem>> -> memref<64x128xf32, #tpu.memory_space<vmem>>
          %gather3A_289 = tpu.vector_load_idx %gather3A_288[%add3A_282, %broadcast_in_dim3A_258] : memref<64x128xf32, #tpu.memory_space<vmem>>[vector<16xi32>, vector<16xi32>], vector<16xf32>,
          tpu.vector_store_idx %arg14[%add3A_282, %broadcast_in_dim3A_259], %gather3A_289 : memref<64x128xf32, #tpu.memory_space<vmem>>[vector<16xi32>, vector<16xi32>], vector<16xf32>,
          %add3A_290 = arith.constant 48 : i32
          %add3A_291 = vector.broadcast %add3A_290 : i32 to vector<16xi32>
          %add3A_292 = arith.addi %add3A_291, %iota3A : vector<16xi32>
          %gather3A_293 = arith.constant 0 : i32
          %gather3A_294 = arith.constant 0 : i32
          %gather3A_295 = arith.constant 0 : i32
          %gather3A_296 = arith.constant 0 : i32
          %gather3A_297 = tpu.memref_slice %arg13[%gather3A_293, %gather3A_294, %gather3A_295, %gather3A_296] : memref<2x4x64x128xf32, #tpu.memory_space<vmem>> -> memref<1x1x64x128xf32, #tpu.memory_space<vmem>>
          %gather3A_298 = tpu.memref_squeeze %gather3A_297 : memref<1x1x64x128xf32, #tpu.memory_space<vmem>> -> memref<64x128xf32, #tpu.memory_space<vmem>>
          %gather3A_299 = tpu.vector_load_idx %gather3A_298[%add3A_292, %broadcast_in_dim3A_258] : memref<64x128xf32, #tpu.memory_space<vmem>>[vector<16xi32>, vector<16xi32>], vector<16xf32>,
          tpu.vector_store_idx %arg14[%add3A_292, %broadcast_in_dim3A_259], %gather3A_299 : memref<64x128xf32, #tpu.memory_space<vmem>>[vector<16xi32>, vector<16xi32>], vector<16xf32>,
        } else {
        }
        %slice3A_214 = vector.extract_strided_slice %get3A_129 {offsets = [11], sizes = [1], strides = [1]} : vector<16xi32> to vector<1xi32>
        %squeeze3A_215 = vector.extract %slice3A_214[0] : i32 from vector<1xi32>
        %lt3A_216 = arith.constant 4096 : i32
        %lt3A_217 = arith.cmpi slt, %squeeze3A_215, %lt3A_216 : i32
        %convert_element_type3A_218 = arith.extui %lt3A_217 : i1 to i32
        %cond3A_219 = arith.constant 0 : i32
        %cond3A_220 = arith.cmpi ne, %convert_element_type3A_218, %cond3A_219 : i32
        scf.if %cond3A_220 {
          %shift_right_logical3A_249 = arith.constant 7 : i32
          %shift_right_logical3A_250 = arith.shrui %squeeze3A_215, %shift_right_logical3A_249 : i32
          %shift_left3A_251 = arith.constant 7 : i32
          %shift_left3A_252 = arith.shli %shift_right_logical3A_250, %shift_left3A_251 : i32
          %multiple_of3A_253 = tpu.assume_multiple %shift_left3A_252, 128 : i32
          %run_scoped3A = arith.constant 0 : i32
          %run_scoped3A_254 = arith.constant 0 : i32
          "tpu.region"() ({
            %run_scoped3A_300 = tpu.sem_alloc : memref<!tpu.dma_semaphore, #tpu.memory_space<semaphore_mem>>
            %dma_start3A_301 = arith.constant 0 : i32
            %dma_start3A_302 = arith.constant 0 : i32
            %dma_start3A_303 = tpu.memref_slice %arg13[%run_scoped3A, %run_scoped3A_254, %dma_start3A_301, %dma_start3A_302] : memref<2x4x64x128xf32, #tpu.memory_space<vmem>> -> memref<1x1x64x128xf32, #tpu.memory_space<vmem>>
            %dma_start3A_304 = tpu.memref_squeeze %dma_start3A_303 : memref<1x1x64x128xf32, #tpu.memory_space<vmem>> -> memref<64x128xf32, #tpu.memory_space<vmem>>
            %dma_start3A_305 = arith.constant 0 : i32
            %dma_start3A_306 = tpu.memref_slice %arg4[%dma_start3A_305, %multiple_of3A_253] : memref<64x4096xf32, #tpu.memory_space<hbm>> -> memref<64x128xf32, #tpu.memory_space<hbm>>
            %dma_start3A_307 = arith.constant 0 : i32
            %dma_start3A_308 = arith.constant 0 : i32
            %dma_start3A_309 = tpu.memref_slice %arg13[%run_scoped3A, %run_scoped3A_254, %dma_start3A_307, %dma_start3A_308] : memref<2x4x64x128xf32, #tpu.memory_space<vmem>> -> memref<1x1x64x128xf32, #tpu.memory_space<vmem>>
            %dma_start3A_310 = tpu.memref_squeeze %dma_start3A_309 : memref<1x1x64x128xf32, #tpu.memory_space<vmem>> -> memref<64x128xf32, #tpu.memory_space<vmem>>
            %dma_start3A_311 = arith.constant 0 : i32
            %dma_start3A_312 = tpu.memref_slice %arg4[%dma_start3A_311, %multiple_of3A_253] : memref<64x4096xf32, #tpu.memory_space<hbm>> -> memref<64x128xf32, #tpu.memory_space<hbm>>
            tpu.enqueue_dma source(%dma_start3A_312 : memref<64x128xf32, #tpu.memory_space<hbm>>) target(%dma_start3A_310 : memref<64x128xf32, #tpu.memory_space<vmem>>) target_semaphore(%run_scoped3A_300 : memref<!tpu.dma_semaphore, #tpu.memory_space<semaphore_mem>>)
            %dma_wait3A_313 = arith.constant 0 : i32
            %dma_wait3A_314 = arith.constant 0 : i32
            %dma_wait3A_315 = tpu.memref_slice %arg13[%run_scoped3A, %run_scoped3A_254, %dma_wait3A_313, %dma_wait3A_314] : memref<2x4x64x128xf32, #tpu.memory_space<vmem>> -> memref<1x1x64x128xf32, #tpu.memory_space<vmem>>
            %dma_wait3A_316 = tpu.memref_squeeze %dma_wait3A_315 : memref<1x1x64x128xf32, #tpu.memory_space<vmem>> -> memref<64x128xf32, #tpu.memory_space<vmem>>
            %dma_wait3A_317 = arith.constant 0 : i32
            %dma_wait3A_318 = tpu.memref_slice %arg4[%dma_wait3A_317, %multiple_of3A_253] : memref<64x4096xf32, #tpu.memory_space<hbm>> -> memref<64x128xf32, #tpu.memory_space<hbm>>
            %dma_wait3A_319 = arith.constant 0 : i32
            %dma_wait3A_320 = arith.constant 0 : i32
            %dma_wait3A_321 = tpu.memref_slice %arg13[%run_scoped3A, %run_scoped3A_254, %dma_wait3A_319, %dma_wait3A_320] : memref<2x4x64x128xf32, #tpu.memory_space<vmem>> -> memref<1x1x64x128xf32, #tpu.memory_space<vmem>>
            %dma_wait3A_322 = tpu.memref_squeeze %dma_wait3A_321 : memref<1x1x64x128xf32, #tpu.memory_space<vmem>> -> memref<64x128xf32, #tpu.memory_space<vmem>>
            %dma_wait3A_323 = arith.constant 0 : i32
            %dma_wait3A_324 = tpu.memref_slice %arg4[%dma_wait3A_323, %multiple_of3A_253] : memref<64x4096xf32, #tpu.memory_space<hbm>> -> memref<64x128xf32, #tpu.memory_space<hbm>>
            tpu.wait_dma2 semaphore(%run_scoped3A_300 : memref<!tpu.dma_semaphore, #tpu.memory_space<semaphore_mem>>) src(%dma_wait3A_324 : memref<64x128xf32, #tpu.memory_space<hbm>>) dst(%dma_wait3A_322 : memref<64x128xf32, #tpu.memory_space<vmem>>)
            tpu.yield
          }) : () -> ()
          %and3A = arith.constant 127 : i32
          %and3A_255 = arith.andi %squeeze3A_215, %and3A : i32
          %add3A_256 = arith.constant 11 : i32
          %add3A_257 = arith.addi %multiple_of3A_127, %add3A_256 : i32
          %broadcast_in_dim3A_258 = vector.broadcast %and3A_255 : i32 to vector<16xi32>
          %broadcast_in_dim3A_259 = vector.broadcast %add3A_257 : i32 to vector<16xi32>
          %add3A_260 = arith.constant 0 : i32
          %add3A_261 = vector.broadcast %add3A_260 : i32 to vector<16xi32>
          %add3A_262 = arith.addi %add3A_261, %iota3A : vector<16xi32>
          %gather3A_263 = arith.constant 0 : i32
          %gather3A_264 = arith.constant 0 : i32
          %gather3A_265 = arith.constant 0 : i32
          %gather3A_266 = arith.constant 0 : i32
          %gather3A_267 = tpu.memref_slice %arg13[%gather3A_263, %gather3A_264, %gather3A_265, %gather3A_266] : memref<2x4x64x128xf32, #tpu.memory_space<vmem>> -> memref<1x1x64x128xf32, #tpu.memory_space<vmem>>
          %gather3A_268 = tpu.memref_squeeze %gather3A_267 : memref<1x1x64x128xf32, #tpu.memory_space<vmem>> -> memref<64x128xf32, #tpu.memory_space<vmem>>
          %gather3A_269 = tpu.vector_load_idx %gather3A_268[%add3A_262, %broadcast_in_dim3A_258] : memref<64x128xf32, #tpu.memory_space<vmem>>[vector<16xi32>, vector<16xi32>], vector<16xf32>,
          tpu.vector_store_idx %arg14[%add3A_262, %broadcast_in_dim3A_259], %gather3A_269 : memref<64x128xf32, #tpu.memory_space<vmem>>[vector<16xi32>, vector<16xi32>], vector<16xf32>,
          %add3A_270 = arith.constant 16 : i32
          %add3A_271 = vector.broadcast %add3A_270 : i32 to vector<16xi32>
          %add3A_272 = arith.addi %add3A_271, %iota3A : vector<16xi32>
          %gather3A_273 = arith.constant 0 : i32
          %gather3A_274 = arith.constant 0 : i32
          %gather3A_275 = arith.constant 0 : i32
          %gather3A_276 = arith.constant 0 : i32
          %gather3A_277 = tpu.memref_slice %arg13[%gather3A_273, %gather3A_274, %gather3A_275, %gather3A_276] : memref<2x4x64x128xf32, #tpu.memory_space<vmem>> -> memref<1x1x64x128xf32, #tpu.memory_space<vmem>>
          %gather3A_278 = tpu.memref_squeeze %gather3A_277 : memref<1x1x64x128xf32, #tpu.memory_space<vmem>> -> memref<64x128xf32, #tpu.memory_space<vmem>>
          %gather3A_279 = tpu.vector_load_idx %gather3A_278[%add3A_272, %broadcast_in_dim3A_258] : memref<64x128xf32, #tpu.memory_space<vmem>>[vector<16xi32>, vector<16xi32>], vector<16xf32>,
          tpu.vector_store_idx %arg14[%add3A_272, %broadcast_in_dim3A_259], %gather3A_279 : memref<64x128xf32, #tpu.memory_space<vmem>>[vector<16xi32>, vector<16xi32>], vector<16xf32>,
          %add3A_280 = arith.constant 32 : i32
          %add3A_281 = vector.broadcast %add3A_280 : i32 to vector<16xi32>
          %add3A_282 = arith.addi %add3A_281, %iota3A : vector<16xi32>
          %gather3A_283 = arith.constant 0 : i32
          %gather3A_284 = arith.constant 0 : i32
          %gather3A_285 = arith.constant 0 : i32
          %gather3A_286 = arith.constant 0 : i32
          %gather3A_287 = tpu.memref_slice %arg13[%gather3A_283, %gather3A_284, %gather3A_285, %gather3A_286] : memref<2x4x64x128xf32, #tpu.memory_space<vmem>> -> memref<1x1x64x128xf32, #tpu.memory_space<vmem>>
          %gather3A_288 = tpu.memref_squeeze %gather3A_287 : memref<1x1x64x128xf32, #tpu.memory_space<vmem>> -> memref<64x128xf32, #tpu.memory_space<vmem>>
          %gather3A_289 = tpu.vector_load_idx %gather3A_288[%add3A_282, %broadcast_in_dim3A_258] : memref<64x128xf32, #tpu.memory_space<vmem>>[vector<16xi32>, vector<16xi32>], vector<16xf32>,
          tpu.vector_store_idx %arg14[%add3A_282, %broadcast_in_dim3A_259], %gather3A_289 : memref<64x128xf32, #tpu.memory_space<vmem>>[vector<16xi32>, vector<16xi32>], vector<16xf32>,
          %add3A_290 = arith.constant 48 : i32
          %add3A_291 = vector.broadcast %add3A_290 : i32 to vector<16xi32>
          %add3A_292 = arith.addi %add3A_291, %iota3A : vector<16xi32>
          %gather3A_293 = arith.constant 0 : i32
          %gather3A_294 = arith.constant 0 : i32
          %gather3A_295 = arith.constant 0 : i32
          %gather3A_296 = arith.constant 0 : i32
          %gather3A_297 = tpu.memref_slice %arg13[%gather3A_293, %gather3A_294, %gather3A_295, %gather3A_296] : memref<2x4x64x128xf32, #tpu.memory_space<vmem>> -> memref<1x1x64x128xf32, #tpu.memory_space<vmem>>
          %gather3A_298 = tpu.memref_squeeze %gather3A_297 : memref<1x1x64x128xf32, #tpu.memory_space<vmem>> -> memref<64x128xf32, #tpu.memory_space<vmem>>
          %gather3A_299 = tpu.vector_load_idx %gather3A_298[%add3A_292, %broadcast_in_dim3A_258] : memref<64x128xf32, #tpu.memory_space<vmem>>[vector<16xi32>, vector<16xi32>], vector<16xf32>,
          tpu.vector_store_idx %arg14[%add3A_292, %broadcast_in_dim3A_259], %gather3A_299 : memref<64x128xf32, #tpu.memory_space<vmem>>[vector<16xi32>, vector<16xi32>], vector<16xf32>,
        } else {
        }
        %slice3A_221 = vector.extract_strided_slice %get3A_129 {offsets = [12], sizes = [1], strides = [1]} : vector<16xi32> to vector<1xi32>
        %squeeze3A_222 = vector.extract %slice3A_221[0] : i32 from vector<1xi32>
        %lt3A_223 = arith.constant 4096 : i32
        %lt3A_224 = arith.cmpi slt, %squeeze3A_222, %lt3A_223 : i32
        %convert_element_type3A_225 = arith.extui %lt3A_224 : i1 to i32
        %cond3A_226 = arith.constant 0 : i32
        %cond3A_227 = arith.cmpi ne, %convert_element_type3A_225, %cond3A_226 : i32
        scf.if %cond3A_227 {
          %shift_right_logical3A_249 = arith.constant 7 : i32
          %shift_right_logical3A_250 = arith.shrui %squeeze3A_222, %shift_right_logical3A_249 : i32
          %shift_left3A_251 = arith.constant 7 : i32
          %shift_left3A_252 = arith.shli %shift_right_logical3A_250, %shift_left3A_251 : i32
          %multiple_of3A_253 = tpu.assume_multiple %shift_left3A_252, 128 : i32
          %run_scoped3A = arith.constant 0 : i32
          %run_scoped3A_254 = arith.constant 0 : i32
          "tpu.region"() ({
            %run_scoped3A_300 = tpu.sem_alloc : memref<!tpu.dma_semaphore, #tpu.memory_space<semaphore_mem>>
            %dma_start3A_301 = arith.constant 0 : i32
            %dma_start3A_302 = arith.constant 0 : i32
            %dma_start3A_303 = tpu.memref_slice %arg13[%run_scoped3A, %run_scoped3A_254, %dma_start3A_301, %dma_start3A_302] : memref<2x4x64x128xf32, #tpu.memory_space<vmem>> -> memref<1x1x64x128xf32, #tpu.memory_space<vmem>>
            %dma_start3A_304 = tpu.memref_squeeze %dma_start3A_303 : memref<1x1x64x128xf32, #tpu.memory_space<vmem>> -> memref<64x128xf32, #tpu.memory_space<vmem>>
            %dma_start3A_305 = arith.constant 0 : i32
            %dma_start3A_306 = tpu.memref_slice %arg4[%dma_start3A_305, %multiple_of3A_253] : memref<64x4096xf32, #tpu.memory_space<hbm>> -> memref<64x128xf32, #tpu.memory_space<hbm>>
            %dma_start3A_307 = arith.constant 0 : i32
            %dma_start3A_308 = arith.constant 0 : i32
            %dma_start3A_309 = tpu.memref_slice %arg13[%run_scoped3A, %run_scoped3A_254, %dma_start3A_307, %dma_start3A_308] : memref<2x4x64x128xf32, #tpu.memory_space<vmem>> -> memref<1x1x64x128xf32, #tpu.memory_space<vmem>>
            %dma_start3A_310 = tpu.memref_squeeze %dma_start3A_309 : memref<1x1x64x128xf32, #tpu.memory_space<vmem>> -> memref<64x128xf32, #tpu.memory_space<vmem>>
            %dma_start3A_311 = arith.constant 0 : i32
            %dma_start3A_312 = tpu.memref_slice %arg4[%dma_start3A_311, %multiple_of3A_253] : memref<64x4096xf32, #tpu.memory_space<hbm>> -> memref<64x128xf32, #tpu.memory_space<hbm>>
            tpu.enqueue_dma source(%dma_start3A_312 : memref<64x128xf32, #tpu.memory_space<hbm>>) target(%dma_start3A_310 : memref<64x128xf32, #tpu.memory_space<vmem>>) target_semaphore(%run_scoped3A_300 : memref<!tpu.dma_semaphore, #tpu.memory_space<semaphore_mem>>)
            %dma_wait3A_313 = arith.constant 0 : i32
            %dma_wait3A_314 = arith.constant 0 : i32
            %dma_wait3A_315 = tpu.memref_slice %arg13[%run_scoped3A, %run_scoped3A_254, %dma_wait3A_313, %dma_wait3A_314] : memref<2x4x64x128xf32, #tpu.memory_space<vmem>> -> memref<1x1x64x128xf32, #tpu.memory_space<vmem>>
            %dma_wait3A_316 = tpu.memref_squeeze %dma_wait3A_315 : memref<1x1x64x128xf32, #tpu.memory_space<vmem>> -> memref<64x128xf32, #tpu.memory_space<vmem>>
            %dma_wait3A_317 = arith.constant 0 : i32
            %dma_wait3A_318 = tpu.memref_slice %arg4[%dma_wait3A_317, %multiple_of3A_253] : memref<64x4096xf32, #tpu.memory_space<hbm>> -> memref<64x128xf32, #tpu.memory_space<hbm>>
            %dma_wait3A_319 = arith.constant 0 : i32
            %dma_wait3A_320 = arith.constant 0 : i32
            %dma_wait3A_321 = tpu.memref_slice %arg13[%run_scoped3A, %run_scoped3A_254, %dma_wait3A_319, %dma_wait3A_320] : memref<2x4x64x128xf32, #tpu.memory_space<vmem>> -> memref<1x1x64x128xf32, #tpu.memory_space<vmem>>
            %dma_wait3A_322 = tpu.memref_squeeze %dma_wait3A_321 : memref<1x1x64x128xf32, #tpu.memory_space<vmem>> -> memref<64x128xf32, #tpu.memory_space<vmem>>
            %dma_wait3A_323 = arith.constant 0 : i32
            %dma_wait3A_324 = tpu.memref_slice %arg4[%dma_wait3A_323, %multiple_of3A_253] : memref<64x4096xf32, #tpu.memory_space<hbm>> -> memref<64x128xf32, #tpu.memory_space<hbm>>
            tpu.wait_dma2 semaphore(%run_scoped3A_300 : memref<!tpu.dma_semaphore, #tpu.memory_space<semaphore_mem>>) src(%dma_wait3A_324 : memref<64x128xf32, #tpu.memory_space<hbm>>) dst(%dma_wait3A_322 : memref<64x128xf32, #tpu.memory_space<vmem>>)
            tpu.yield
          }) : () -> ()
          %and3A = arith.constant 127 : i32
          %and3A_255 = arith.andi %squeeze3A_222, %and3A : i32
          %add3A_256 = arith.constant 12 : i32
          %add3A_257 = arith.addi %multiple_of3A_127, %add3A_256 : i32
          %broadcast_in_dim3A_258 = vector.broadcast %and3A_255 : i32 to vector<16xi32>
          %broadcast_in_dim3A_259 = vector.broadcast %add3A_257 : i32 to vector<16xi32>
          %add3A_260 = arith.constant 0 : i32
          %add3A_261 = vector.broadcast %add3A_260 : i32 to vector<16xi32>
          %add3A_262 = arith.addi %add3A_261, %iota3A : vector<16xi32>
          %gather3A_263 = arith.constant 0 : i32
          %gather3A_264 = arith.constant 0 : i32
          %gather3A_265 = arith.constant 0 : i32
          %gather3A_266 = arith.constant 0 : i32
          %gather3A_267 = tpu.memref_slice %arg13[%gather3A_263, %gather3A_264, %gather3A_265, %gather3A_266] : memref<2x4x64x128xf32, #tpu.memory_space<vmem>> -> memref<1x1x64x128xf32, #tpu.memory_space<vmem>>
          %gather3A_268 = tpu.memref_squeeze %gather3A_267 : memref<1x1x64x128xf32, #tpu.memory_space<vmem>> -> memref<64x128xf32, #tpu.memory_space<vmem>>
          %gather3A_269 = tpu.vector_load_idx %gather3A_268[%add3A_262, %broadcast_in_dim3A_258] : memref<64x128xf32, #tpu.memory_space<vmem>>[vector<16xi32>, vector<16xi32>], vector<16xf32>,
          tpu.vector_store_idx %arg14[%add3A_262, %broadcast_in_dim3A_259], %gather3A_269 : memref<64x128xf32, #tpu.memory_space<vmem>>[vector<16xi32>, vector<16xi32>], vector<16xf32>,
          %add3A_270 = arith.constant 16 : i32
          %add3A_271 = vector.broadcast %add3A_270 : i32 to vector<16xi32>
          %add3A_272 = arith.addi %add3A_271, %iota3A : vector<16xi32>
          %gather3A_273 = arith.constant 0 : i32
          %gather3A_274 = arith.constant 0 : i32
          %gather3A_275 = arith.constant 0 : i32
          %gather3A_276 = arith.constant 0 : i32
          %gather3A_277 = tpu.memref_slice %arg13[%gather3A_273, %gather3A_274, %gather3A_275, %gather3A_276] : memref<2x4x64x128xf32, #tpu.memory_space<vmem>> -> memref<1x1x64x128xf32, #tpu.memory_space<vmem>>
          %gather3A_278 = tpu.memref_squeeze %gather3A_277 : memref<1x1x64x128xf32, #tpu.memory_space<vmem>> -> memref<64x128xf32, #tpu.memory_space<vmem>>
          %gather3A_279 = tpu.vector_load_idx %gather3A_278[%add3A_272, %broadcast_in_dim3A_258] : memref<64x128xf32, #tpu.memory_space<vmem>>[vector<16xi32>, vector<16xi32>], vector<16xf32>,
          tpu.vector_store_idx %arg14[%add3A_272, %broadcast_in_dim3A_259], %gather3A_279 : memref<64x128xf32, #tpu.memory_space<vmem>>[vector<16xi32>, vector<16xi32>], vector<16xf32>,
          %add3A_280 = arith.constant 32 : i32
          %add3A_281 = vector.broadcast %add3A_280 : i32 to vector<16xi32>
          %add3A_282 = arith.addi %add3A_281, %iota3A : vector<16xi32>
          %gather3A_283 = arith.constant 0 : i32
          %gather3A_284 = arith.constant 0 : i32
          %gather3A_285 = arith.constant 0 : i32
          %gather3A_286 = arith.constant 0 : i32
          %gather3A_287 = tpu.memref_slice %arg13[%gather3A_283, %gather3A_284, %gather3A_285, %gather3A_286] : memref<2x4x64x128xf32, #tpu.memory_space<vmem>> -> memref<1x1x64x128xf32, #tpu.memory_space<vmem>>
          %gather3A_288 = tpu.memref_squeeze %gather3A_287 : memref<1x1x64x128xf32, #tpu.memory_space<vmem>> -> memref<64x128xf32, #tpu.memory_space<vmem>>
          %gather3A_289 = tpu.vector_load_idx %gather3A_288[%add3A_282, %broadcast_in_dim3A_258] : memref<64x128xf32, #tpu.memory_space<vmem>>[vector<16xi32>, vector<16xi32>], vector<16xf32>,
          tpu.vector_store_idx %arg14[%add3A_282, %broadcast_in_dim3A_259], %gather3A_289 : memref<64x128xf32, #tpu.memory_space<vmem>>[vector<16xi32>, vector<16xi32>], vector<16xf32>,
          %add3A_290 = arith.constant 48 : i32
          %add3A_291 = vector.broadcast %add3A_290 : i32 to vector<16xi32>
          %add3A_292 = arith.addi %add3A_291, %iota3A : vector<16xi32>
          %gather3A_293 = arith.constant 0 : i32
          %gather3A_294 = arith.constant 0 : i32
          %gather3A_295 = arith.constant 0 : i32
          %gather3A_296 = arith.constant 0 : i32
          %gather3A_297 = tpu.memref_slice %arg13[%gather3A_293, %gather3A_294, %gather3A_295, %gather3A_296] : memref<2x4x64x128xf32, #tpu.memory_space<vmem>> -> memref<1x1x64x128xf32, #tpu.memory_space<vmem>>
          %gather3A_298 = tpu.memref_squeeze %gather3A_297 : memref<1x1x64x128xf32, #tpu.memory_space<vmem>> -> memref<64x128xf32, #tpu.memory_space<vmem>>
          %gather3A_299 = tpu.vector_load_idx %gather3A_298[%add3A_292, %broadcast_in_dim3A_258] : memref<64x128xf32, #tpu.memory_space<vmem>>[vector<16xi32>, vector<16xi32>], vector<16xf32>,
          tpu.vector_store_idx %arg14[%add3A_292, %broadcast_in_dim3A_259], %gather3A_299 : memref<64x128xf32, #tpu.memory_space<vmem>>[vector<16xi32>, vector<16xi32>], vector<16xf32>,
        } else {
        }
        %slice3A_228 = vector.extract_strided_slice %get3A_129 {offsets = [13], sizes = [1], strides = [1]} : vector<16xi32> to vector<1xi32>
        %squeeze3A_229 = vector.extract %slice3A_228[0] : i32 from vector<1xi32>
        %lt3A_230 = arith.constant 4096 : i32
        %lt3A_231 = arith.cmpi slt, %squeeze3A_229, %lt3A_230 : i32
        %convert_element_type3A_232 = arith.extui %lt3A_231 : i1 to i32
        %cond3A_233 = arith.constant 0 : i32
        %cond3A_234 = arith.cmpi ne, %convert_element_type3A_232, %cond3A_233 : i32
        scf.if %cond3A_234 {
          %shift_right_logical3A_249 = arith.constant 7 : i32
          %shift_right_logical3A_250 = arith.shrui %squeeze3A_229, %shift_right_logical3A_249 : i32
          %shift_left3A_251 = arith.constant 7 : i32
          %shift_left3A_252 = arith.shli %shift_right_logical3A_250, %shift_left3A_251 : i32
          %multiple_of3A_253 = tpu.assume_multiple %shift_left3A_252, 128 : i32
          %run_scoped3A = arith.constant 0 : i32
          %run_scoped3A_254 = arith.constant 0 : i32
          "tpu.region"() ({
            %run_scoped3A_300 = tpu.sem_alloc : memref<!tpu.dma_semaphore, #tpu.memory_space<semaphore_mem>>
            %dma_start3A_301 = arith.constant 0 : i32
            %dma_start3A_302 = arith.constant 0 : i32
            %dma_start3A_303 = tpu.memref_slice %arg13[%run_scoped3A, %run_scoped3A_254, %dma_start3A_301, %dma_start3A_302] : memref<2x4x64x128xf32, #tpu.memory_space<vmem>> -> memref<1x1x64x128xf32, #tpu.memory_space<vmem>>
            %dma_start3A_304 = tpu.memref_squeeze %dma_start3A_303 : memref<1x1x64x128xf32, #tpu.memory_space<vmem>> -> memref<64x128xf32, #tpu.memory_space<vmem>>
            %dma_start3A_305 = arith.constant 0 : i32
            %dma_start3A_306 = tpu.memref_slice %arg4[%dma_start3A_305, %multiple_of3A_253] : memref<64x4096xf32, #tpu.memory_space<hbm>> -> memref<64x128xf32, #tpu.memory_space<hbm>>
            %dma_start3A_307 = arith.constant 0 : i32
            %dma_start3A_308 = arith.constant 0 : i32
            %dma_start3A_309 = tpu.memref_slice %arg13[%run_scoped3A, %run_scoped3A_254, %dma_start3A_307, %dma_start3A_308] : memref<2x4x64x128xf32, #tpu.memory_space<vmem>> -> memref<1x1x64x128xf32, #tpu.memory_space<vmem>>
            %dma_start3A_310 = tpu.memref_squeeze %dma_start3A_309 : memref<1x1x64x128xf32, #tpu.memory_space<vmem>> -> memref<64x128xf32, #tpu.memory_space<vmem>>
            %dma_start3A_311 = arith.constant 0 : i32
            %dma_start3A_312 = tpu.memref_slice %arg4[%dma_start3A_311, %multiple_of3A_253] : memref<64x4096xf32, #tpu.memory_space<hbm>> -> memref<64x128xf32, #tpu.memory_space<hbm>>
            tpu.enqueue_dma source(%dma_start3A_312 : memref<64x128xf32, #tpu.memory_space<hbm>>) target(%dma_start3A_310 : memref<64x128xf32, #tpu.memory_space<vmem>>) target_semaphore(%run_scoped3A_300 : memref<!tpu.dma_semaphore, #tpu.memory_space<semaphore_mem>>)
            %dma_wait3A_313 = arith.constant 0 : i32
            %dma_wait3A_314 = arith.constant 0 : i32
            %dma_wait3A_315 = tpu.memref_slice %arg13[%run_scoped3A, %run_scoped3A_254, %dma_wait3A_313, %dma_wait3A_314] : memref<2x4x64x128xf32, #tpu.memory_space<vmem>> -> memref<1x1x64x128xf32, #tpu.memory_space<vmem>>
            %dma_wait3A_316 = tpu.memref_squeeze %dma_wait3A_315 : memref<1x1x64x128xf32, #tpu.memory_space<vmem>> -> memref<64x128xf32, #tpu.memory_space<vmem>>
            %dma_wait3A_317 = arith.constant 0 : i32
            %dma_wait3A_318 = tpu.memref_slice %arg4[%dma_wait3A_317, %multiple_of3A_253] : memref<64x4096xf32, #tpu.memory_space<hbm>> -> memref<64x128xf32, #tpu.memory_space<hbm>>
            %dma_wait3A_319 = arith.constant 0 : i32
            %dma_wait3A_320 = arith.constant 0 : i32
            %dma_wait3A_321 = tpu.memref_slice %arg13[%run_scoped3A, %run_scoped3A_254, %dma_wait3A_319, %dma_wait3A_320] : memref<2x4x64x128xf32, #tpu.memory_space<vmem>> -> memref<1x1x64x128xf32, #tpu.memory_space<vmem>>
            %dma_wait3A_322 = tpu.memref_squeeze %dma_wait3A_321 : memref<1x1x64x128xf32, #tpu.memory_space<vmem>> -> memref<64x128xf32, #tpu.memory_space<vmem>>
            %dma_wait3A_323 = arith.constant 0 : i32
            %dma_wait3A_324 = tpu.memref_slice %arg4[%dma_wait3A_323, %multiple_of3A_253] : memref<64x4096xf32, #tpu.memory_space<hbm>> -> memref<64x128xf32, #tpu.memory_space<hbm>>
            tpu.wait_dma2 semaphore(%run_scoped3A_300 : memref<!tpu.dma_semaphore, #tpu.memory_space<semaphore_mem>>) src(%dma_wait3A_324 : memref<64x128xf32, #tpu.memory_space<hbm>>) dst(%dma_wait3A_322 : memref<64x128xf32, #tpu.memory_space<vmem>>)
            tpu.yield
          }) : () -> ()
          %and3A = arith.constant 127 : i32
          %and3A_255 = arith.andi %squeeze3A_229, %and3A : i32
          %add3A_256 = arith.constant 13 : i32
          %add3A_257 = arith.addi %multiple_of3A_127, %add3A_256 : i32
          %broadcast_in_dim3A_258 = vector.broadcast %and3A_255 : i32 to vector<16xi32>
          %broadcast_in_dim3A_259 = vector.broadcast %add3A_257 : i32 to vector<16xi32>
          %add3A_260 = arith.constant 0 : i32
          %add3A_261 = vector.broadcast %add3A_260 : i32 to vector<16xi32>
          %add3A_262 = arith.addi %add3A_261, %iota3A : vector<16xi32>
          %gather3A_263 = arith.constant 0 : i32
          %gather3A_264 = arith.constant 0 : i32
          %gather3A_265 = arith.constant 0 : i32
          %gather3A_266 = arith.constant 0 : i32
          %gather3A_267 = tpu.memref_slice %arg13[%gather3A_263, %gather3A_264, %gather3A_265, %gather3A_266] : memref<2x4x64x128xf32, #tpu.memory_space<vmem>> -> memref<1x1x64x128xf32, #tpu.memory_space<vmem>>
          %gather3A_268 = tpu.memref_squeeze %gather3A_267 : memref<1x1x64x128xf32, #tpu.memory_space<vmem>> -> memref<64x128xf32, #tpu.memory_space<vmem>>
          %gather3A_269 = tpu.vector_load_idx %gather3A_268[%add3A_262, %broadcast_in_dim3A_258] : memref<64x128xf32, #tpu.memory_space<vmem>>[vector<16xi32>, vector<16xi32>], vector<16xf32>,
          tpu.vector_store_idx %arg14[%add3A_262, %broadcast_in_dim3A_259], %gather3A_269 : memref<64x128xf32, #tpu.memory_space<vmem>>[vector<16xi32>, vector<16xi32>], vector<16xf32>,
          %add3A_270 = arith.constant 16 : i32
          %add3A_271 = vector.broadcast %add3A_270 : i32 to vector<16xi32>
          %add3A_272 = arith.addi %add3A_271, %iota3A : vector<16xi32>
          %gather3A_273 = arith.constant 0 : i32
          %gather3A_274 = arith.constant 0 : i32
          %gather3A_275 = arith.constant 0 : i32
          %gather3A_276 = arith.constant 0 : i32
          %gather3A_277 = tpu.memref_slice %arg13[%gather3A_273, %gather3A_274, %gather3A_275, %gather3A_276] : memref<2x4x64x128xf32, #tpu.memory_space<vmem>> -> memref<1x1x64x128xf32, #tpu.memory_space<vmem>>
          %gather3A_278 = tpu.memref_squeeze %gather3A_277 : memref<1x1x64x128xf32, #tpu.memory_space<vmem>> -> memref<64x128xf32, #tpu.memory_space<vmem>>
          %gather3A_279 = tpu.vector_load_idx %gather3A_278[%add3A_272, %broadcast_in_dim3A_258] : memref<64x128xf32, #tpu.memory_space<vmem>>[vector<16xi32>, vector<16xi32>], vector<16xf32>,
          tpu.vector_store_idx %arg14[%add3A_272, %broadcast_in_dim3A_259], %gather3A_279 : memref<64x128xf32, #tpu.memory_space<vmem>>[vector<16xi32>, vector<16xi32>], vector<16xf32>,
          %add3A_280 = arith.constant 32 : i32
          %add3A_281 = vector.broadcast %add3A_280 : i32 to vector<16xi32>
          %add3A_282 = arith.addi %add3A_281, %iota3A : vector<16xi32>
          %gather3A_283 = arith.constant 0 : i32
          %gather3A_284 = arith.constant 0 : i32
          %gather3A_285 = arith.constant 0 : i32
          %gather3A_286 = arith.constant 0 : i32
          %gather3A_287 = tpu.memref_slice %arg13[%gather3A_283, %gather3A_284, %gather3A_285, %gather3A_286] : memref<2x4x64x128xf32, #tpu.memory_space<vmem>> -> memref<1x1x64x128xf32, #tpu.memory_space<vmem>>
          %gather3A_288 = tpu.memref_squeeze %gather3A_287 : memref<1x1x64x128xf32, #tpu.memory_space<vmem>> -> memref<64x128xf32, #tpu.memory_space<vmem>>
          %gather3A_289 = tpu.vector_load_idx %gather3A_288[%add3A_282, %broadcast_in_dim3A_258] : memref<64x128xf32, #tpu.memory_space<vmem>>[vector<16xi32>, vector<16xi32>], vector<16xf32>,
          tpu.vector_store_idx %arg14[%add3A_282, %broadcast_in_dim3A_259], %gather3A_289 : memref<64x128xf32, #tpu.memory_space<vmem>>[vector<16xi32>, vector<16xi32>], vector<16xf32>,
          %add3A_290 = arith.constant 48 : i32
          %add3A_291 = vector.broadcast %add3A_290 : i32 to vector<16xi32>
          %add3A_292 = arith.addi %add3A_291, %iota3A : vector<16xi32>
          %gather3A_293 = arith.constant 0 : i32
          %gather3A_294 = arith.constant 0 : i32
          %gather3A_295 = arith.constant 0 : i32
          %gather3A_296 = arith.constant 0 : i32
          %gather3A_297 = tpu.memref_slice %arg13[%gather3A_293, %gather3A_294, %gather3A_295, %gather3A_296] : memref<2x4x64x128xf32, #tpu.memory_space<vmem>> -> memref<1x1x64x128xf32, #tpu.memory_space<vmem>>
          %gather3A_298 = tpu.memref_squeeze %gather3A_297 : memref<1x1x64x128xf32, #tpu.memory_space<vmem>> -> memref<64x128xf32, #tpu.memory_space<vmem>>
          %gather3A_299 = tpu.vector_load_idx %gather3A_298[%add3A_292, %broadcast_in_dim3A_258] : memref<64x128xf32, #tpu.memory_space<vmem>>[vector<16xi32>, vector<16xi32>], vector<16xf32>,
          tpu.vector_store_idx %arg14[%add3A_292, %broadcast_in_dim3A_259], %gather3A_299 : memref<64x128xf32, #tpu.memory_space<vmem>>[vector<16xi32>, vector<16xi32>], vector<16xf32>,
        } else {
        }
        %slice3A_235 = vector.extract_strided_slice %get3A_129 {offsets = [14], sizes = [1], strides = [1]} : vector<16xi32> to vector<1xi32>
        %squeeze3A_236 = vector.extract %slice3A_235[0] : i32 from vector<1xi32>
        %lt3A_237 = arith.constant 4096 : i32
        %lt3A_238 = arith.cmpi slt, %squeeze3A_236, %lt3A_237 : i32
        %convert_element_type3A_239 = arith.extui %lt3A_238 : i1 to i32
        %cond3A_240 = arith.constant 0 : i32
        %cond3A_241 = arith.cmpi ne, %convert_element_type3A_239, %cond3A_240 : i32
        scf.if %cond3A_241 {
          %shift_right_logical3A_249 = arith.constant 7 : i32
          %shift_right_logical3A_250 = arith.shrui %squeeze3A_236, %shift_right_logical3A_249 : i32
          %shift_left3A_251 = arith.constant 7 : i32
          %shift_left3A_252 = arith.shli %shift_right_logical3A_250, %shift_left3A_251 : i32
          %multiple_of3A_253 = tpu.assume_multiple %shift_left3A_252, 128 : i32
          %run_scoped3A = arith.constant 0 : i32
          %run_scoped3A_254 = arith.constant 0 : i32
          "tpu.region"() ({
            %run_scoped3A_300 = tpu.sem_alloc : memref<!tpu.dma_semaphore, #tpu.memory_space<semaphore_mem>>
            %dma_start3A_301 = arith.constant 0 : i32
            %dma_start3A_302 = arith.constant 0 : i32
            %dma_start3A_303 = tpu.memref_slice %arg13[%run_scoped3A, %run_scoped3A_254, %dma_start3A_301, %dma_start3A_302] : memref<2x4x64x128xf32, #tpu.memory_space<vmem>> -> memref<1x1x64x128xf32, #tpu.memory_space<vmem>>
            %dma_start3A_304 = tpu.memref_squeeze %dma_start3A_303 : memref<1x1x64x128xf32, #tpu.memory_space<vmem>> -> memref<64x128xf32, #tpu.memory_space<vmem>>
            %dma_start3A_305 = arith.constant 0 : i32
            %dma_start3A_306 = tpu.memref_slice %arg4[%dma_start3A_305, %multiple_of3A_253] : memref<64x4096xf32, #tpu.memory_space<hbm>> -> memref<64x128xf32, #tpu.memory_space<hbm>>
            %dma_start3A_307 = arith.constant 0 : i32
            %dma_start3A_308 = arith.constant 0 : i32
            %dma_start3A_309 = tpu.memref_slice %arg13[%run_scoped3A, %run_scoped3A_254, %dma_start3A_307, %dma_start3A_308] : memref<2x4x64x128xf32, #tpu.memory_space<vmem>> -> memref<1x1x64x128xf32, #tpu.memory_space<vmem>>
            %dma_start3A_310 = tpu.memref_squeeze %dma_start3A_309 : memref<1x1x64x128xf32, #tpu.memory_space<vmem>> -> memref<64x128xf32, #tpu.memory_space<vmem>>
            %dma_start3A_311 = arith.constant 0 : i32
            %dma_start3A_312 = tpu.memref_slice %arg4[%dma_start3A_311, %multiple_of3A_253] : memref<64x4096xf32, #tpu.memory_space<hbm>> -> memref<64x128xf32, #tpu.memory_space<hbm>>
            tpu.enqueue_dma source(%dma_start3A_312 : memref<64x128xf32, #tpu.memory_space<hbm>>) target(%dma_start3A_310 : memref<64x128xf32, #tpu.memory_space<vmem>>) target_semaphore(%run_scoped3A_300 : memref<!tpu.dma_semaphore, #tpu.memory_space<semaphore_mem>>)
            %dma_wait3A_313 = arith.constant 0 : i32
            %dma_wait3A_314 = arith.constant 0 : i32
            %dma_wait3A_315 = tpu.memref_slice %arg13[%run_scoped3A, %run_scoped3A_254, %dma_wait3A_313, %dma_wait3A_314] : memref<2x4x64x128xf32, #tpu.memory_space<vmem>> -> memref<1x1x64x128xf32, #tpu.memory_space<vmem>>
            %dma_wait3A_316 = tpu.memref_squeeze %dma_wait3A_315 : memref<1x1x64x128xf32, #tpu.memory_space<vmem>> -> memref<64x128xf32, #tpu.memory_space<vmem>>
            %dma_wait3A_317 = arith.constant 0 : i32
            %dma_wait3A_318 = tpu.memref_slice %arg4[%dma_wait3A_317, %multiple_of3A_253] : memref<64x4096xf32, #tpu.memory_space<hbm>> -> memref<64x128xf32, #tpu.memory_space<hbm>>
            %dma_wait3A_319 = arith.constant 0 : i32
            %dma_wait3A_320 = arith.constant 0 : i32
            %dma_wait3A_321 = tpu.memref_slice %arg13[%run_scoped3A, %run_scoped3A_254, %dma_wait3A_319, %dma_wait3A_320] : memref<2x4x64x128xf32, #tpu.memory_space<vmem>> -> memref<1x1x64x128xf32, #tpu.memory_space<vmem>>
            %dma_wait3A_322 = tpu.memref_squeeze %dma_wait3A_321 : memref<1x1x64x128xf32, #tpu.memory_space<vmem>> -> memref<64x128xf32, #tpu.memory_space<vmem>>
            %dma_wait3A_323 = arith.constant 0 : i32
            %dma_wait3A_324 = tpu.memref_slice %arg4[%dma_wait3A_323, %multiple_of3A_253] : memref<64x4096xf32, #tpu.memory_space<hbm>> -> memref<64x128xf32, #tpu.memory_space<hbm>>
            tpu.wait_dma2 semaphore(%run_scoped3A_300 : memref<!tpu.dma_semaphore, #tpu.memory_space<semaphore_mem>>) src(%dma_wait3A_324 : memref<64x128xf32, #tpu.memory_space<hbm>>) dst(%dma_wait3A_322 : memref<64x128xf32, #tpu.memory_space<vmem>>)
            tpu.yield
          }) : () -> ()
          %and3A = arith.constant 127 : i32
          %and3A_255 = arith.andi %squeeze3A_236, %and3A : i32
          %add3A_256 = arith.constant 14 : i32
          %add3A_257 = arith.addi %multiple_of3A_127, %add3A_256 : i32
          %broadcast_in_dim3A_258 = vector.broadcast %and3A_255 : i32 to vector<16xi32>
          %broadcast_in_dim3A_259 = vector.broadcast %add3A_257 : i32 to vector<16xi32>
          %add3A_260 = arith.constant 0 : i32
          %add3A_261 = vector.broadcast %add3A_260 : i32 to vector<16xi32>
          %add3A_262 = arith.addi %add3A_261, %iota3A : vector<16xi32>
          %gather3A_263 = arith.constant 0 : i32
          %gather3A_264 = arith.constant 0 : i32
          %gather3A_265 = arith.constant 0 : i32
          %gather3A_266 = arith.constant 0 : i32
          %gather3A_267 = tpu.memref_slice %arg13[%gather3A_263, %gather3A_264, %gather3A_265, %gather3A_266] : memref<2x4x64x128xf32, #tpu.memory_space<vmem>> -> memref<1x1x64x128xf32, #tpu.memory_space<vmem>>
          %gather3A_268 = tpu.memref_squeeze %gather3A_267 : memref<1x1x64x128xf32, #tpu.memory_space<vmem>> -> memref<64x128xf32, #tpu.memory_space<vmem>>
          %gather3A_269 = tpu.vector_load_idx %gather3A_268[%add3A_262, %broadcast_in_dim3A_258] : memref<64x128xf32, #tpu.memory_space<vmem>>[vector<16xi32>, vector<16xi32>], vector<16xf32>,
          tpu.vector_store_idx %arg14[%add3A_262, %broadcast_in_dim3A_259], %gather3A_269 : memref<64x128xf32, #tpu.memory_space<vmem>>[vector<16xi32>, vector<16xi32>], vector<16xf32>,
          %add3A_270 = arith.constant 16 : i32
          %add3A_271 = vector.broadcast %add3A_270 : i32 to vector<16xi32>
          %add3A_272 = arith.addi %add3A_271, %iota3A : vector<16xi32>
          %gather3A_273 = arith.constant 0 : i32
          %gather3A_274 = arith.constant 0 : i32
          %gather3A_275 = arith.constant 0 : i32
          %gather3A_276 = arith.constant 0 : i32
          %gather3A_277 = tpu.memref_slice %arg13[%gather3A_273, %gather3A_274, %gather3A_275, %gather3A_276] : memref<2x4x64x128xf32, #tpu.memory_space<vmem>> -> memref<1x1x64x128xf32, #tpu.memory_space<vmem>>
          %gather3A_278 = tpu.memref_squeeze %gather3A_277 : memref<1x1x64x128xf32, #tpu.memory_space<vmem>> -> memref<64x128xf32, #tpu.memory_space<vmem>>
          %gather3A_279 = tpu.vector_load_idx %gather3A_278[%add3A_272, %broadcast_in_dim3A_258] : memref<64x128xf32, #tpu.memory_space<vmem>>[vector<16xi32>, vector<16xi32>], vector<16xf32>,
          tpu.vector_store_idx %arg14[%add3A_272, %broadcast_in_dim3A_259], %gather3A_279 : memref<64x128xf32, #tpu.memory_space<vmem>>[vector<16xi32>, vector<16xi32>], vector<16xf32>,
          %add3A_280 = arith.constant 32 : i32
          %add3A_281 = vector.broadcast %add3A_280 : i32 to vector<16xi32>
          %add3A_282 = arith.addi %add3A_281, %iota3A : vector<16xi32>
          %gather3A_283 = arith.constant 0 : i32
          %gather3A_284 = arith.constant 0 : i32
          %gather3A_285 = arith.constant 0 : i32
          %gather3A_286 = arith.constant 0 : i32
          %gather3A_287 = tpu.memref_slice %arg13[%gather3A_283, %gather3A_284, %gather3A_285, %gather3A_286] : memref<2x4x64x128xf32, #tpu.memory_space<vmem>> -> memref<1x1x64x128xf32, #tpu.memory_space<vmem>>
          %gather3A_288 = tpu.memref_squeeze %gather3A_287 : memref<1x1x64x128xf32, #tpu.memory_space<vmem>> -> memref<64x128xf32, #tpu.memory_space<vmem>>
          %gather3A_289 = tpu.vector_load_idx %gather3A_288[%add3A_282, %broadcast_in_dim3A_258] : memref<64x128xf32, #tpu.memory_space<vmem>>[vector<16xi32>, vector<16xi32>], vector<16xf32>,
          tpu.vector_store_idx %arg14[%add3A_282, %broadcast_in_dim3A_259], %gather3A_289 : memref<64x128xf32, #tpu.memory_space<vmem>>[vector<16xi32>, vector<16xi32>], vector<16xf32>,
          %add3A_290 = arith.constant 48 : i32
          %add3A_291 = vector.broadcast %add3A_290 : i32 to vector<16xi32>
          %add3A_292 = arith.addi %add3A_291, %iota3A : vector<16xi32>
          %gather3A_293 = arith.constant 0 : i32
          %gather3A_294 = arith.constant 0 : i32
          %gather3A_295 = arith.constant 0 : i32
          %gather3A_296 = arith.constant 0 : i32
          %gather3A_297 = tpu.memref_slice %arg13[%gather3A_293, %gather3A_294, %gather3A_295, %gather3A_296] : memref<2x4x64x128xf32, #tpu.memory_space<vmem>> -> memref<1x1x64x128xf32, #tpu.memory_space<vmem>>
          %gather3A_298 = tpu.memref_squeeze %gather3A_297 : memref<1x1x64x128xf32, #tpu.memory_space<vmem>> -> memref<64x128xf32, #tpu.memory_space<vmem>>
          %gather3A_299 = tpu.vector_load_idx %gather3A_298[%add3A_292, %broadcast_in_dim3A_258] : memref<64x128xf32, #tpu.memory_space<vmem>>[vector<16xi32>, vector<16xi32>], vector<16xf32>,
          tpu.vector_store_idx %arg14[%add3A_292, %broadcast_in_dim3A_259], %gather3A_299 : memref<64x128xf32, #tpu.memory_space<vmem>>[vector<16xi32>, vector<16xi32>], vector<16xf32>,
        } else {
        }
        %slice3A_242 = vector.extract_strided_slice %get3A_129 {offsets = [15], sizes = [1], strides = [1]} : vector<16xi32> to vector<1xi32>
        %squeeze3A_243 = vector.extract %slice3A_242[0] : i32 from vector<1xi32>
        %lt3A_244 = arith.constant 4096 : i32
        %lt3A_245 = arith.cmpi slt, %squeeze3A_243, %lt3A_244 : i32
        %convert_element_type3A_246 = arith.extui %lt3A_245 : i1 to i32
        %cond3A_247 = arith.constant 0 : i32
        %cond3A_248 = arith.cmpi ne, %convert_element_type3A_246, %cond3A_247 : i32
        scf.if %cond3A_248 {
          %shift_right_logical3A_249 = arith.constant 7 : i32
          %shift_right_logical3A_250 = arith.shrui %squeeze3A_243, %shift_right_logical3A_249 : i32
          %shift_left3A_251 = arith.constant 7 : i32
          %shift_left3A_252 = arith.shli %shift_right_logical3A_250, %shift_left3A_251 : i32
          %multiple_of3A_253 = tpu.assume_multiple %shift_left3A_252, 128 : i32
          %run_scoped3A = arith.constant 0 : i32
          %run_scoped3A_254 = arith.constant 0 : i32
          "tpu.region"() ({
            %run_scoped3A_300 = tpu.sem_alloc : memref<!tpu.dma_semaphore, #tpu.memory_space<semaphore_mem>>
            %dma_start3A_301 = arith.constant 0 : i32
            %dma_start3A_302 = arith.constant 0 : i32
            %dma_start3A_303 = tpu.memref_slice %arg13[%run_scoped3A, %run_scoped3A_254, %dma_start3A_301, %dma_start3A_302] : memref<2x4x64x128xf32, #tpu.memory_space<vmem>> -> memref<1x1x64x128xf32, #tpu.memory_space<vmem>>
            %dma_start3A_304 = tpu.memref_squeeze %dma_start3A_303 : memref<1x1x64x128xf32, #tpu.memory_space<vmem>> -> memref<64x128xf32, #tpu.memory_space<vmem>>
            %dma_start3A_305 = arith.constant 0 : i32
            %dma_start3A_306 = tpu.memref_slice %arg4[%dma_start3A_305, %multiple_of3A_253] : memref<64x4096xf32, #tpu.memory_space<hbm>> -> memref<64x128xf32, #tpu.memory_space<hbm>>
            %dma_start3A_307 = arith.constant 0 : i32
            %dma_start3A_308 = arith.constant 0 : i32
            %dma_start3A_309 = tpu.memref_slice %arg13[%run_scoped3A, %run_scoped3A_254, %dma_start3A_307, %dma_start3A_308] : memref<2x4x64x128xf32, #tpu.memory_space<vmem>> -> memref<1x1x64x128xf32, #tpu.memory_space<vmem>>
            %dma_start3A_310 = tpu.memref_squeeze %dma_start3A_309 : memref<1x1x64x128xf32, #tpu.memory_space<vmem>> -> memref<64x128xf32, #tpu.memory_space<vmem>>
            %dma_start3A_311 = arith.constant 0 : i32
            %dma_start3A_312 = tpu.memref_slice %arg4[%dma_start3A_311, %multiple_of3A_253] : memref<64x4096xf32, #tpu.memory_space<hbm>> -> memref<64x128xf32, #tpu.memory_space<hbm>>
            tpu.enqueue_dma source(%dma_start3A_312 : memref<64x128xf32, #tpu.memory_space<hbm>>) target(%dma_start3A_310 : memref<64x128xf32, #tpu.memory_space<vmem>>) target_semaphore(%run_scoped3A_300 : memref<!tpu.dma_semaphore, #tpu.memory_space<semaphore_mem>>)
            %dma_wait3A_313 = arith.constant 0 : i32
            %dma_wait3A_314 = arith.constant 0 : i32
            %dma_wait3A_315 = tpu.memref_slice %arg13[%run_scoped3A, %run_scoped3A_254, %dma_wait3A_313, %dma_wait3A_314] : memref<2x4x64x128xf32, #tpu.memory_space<vmem>> -> memref<1x1x64x128xf32, #tpu.memory_space<vmem>>
            %dma_wait3A_316 = tpu.memref_squeeze %dma_wait3A_315 : memref<1x1x64x128xf32, #tpu.memory_space<vmem>> -> memref<64x128xf32, #tpu.memory_space<vmem>>
            %dma_wait3A_317 = arith.constant 0 : i32
            %dma_wait3A_318 = tpu.memref_slice %arg4[%dma_wait3A_317, %multiple_of3A_253] : memref<64x4096xf32, #tpu.memory_space<hbm>> -> memref<64x128xf32, #tpu.memory_space<hbm>>
            %dma_wait3A_319 = arith.constant 0 : i32
            %dma_wait3A_320 = arith.constant 0 : i32
            %dma_wait3A_321 = tpu.memref_slice %arg13[%run_scoped3A, %run_scoped3A_254, %dma_wait3A_319, %dma_wait3A_320] : memref<2x4x64x128xf32, #tpu.memory_space<vmem>> -> memref<1x1x64x128xf32, #tpu.memory_space<vmem>>
            %dma_wait3A_322 = tpu.memref_squeeze %dma_wait3A_321 : memref<1x1x64x128xf32, #tpu.memory_space<vmem>> -> memref<64x128xf32, #tpu.memory_space<vmem>>
            %dma_wait3A_323 = arith.constant 0 : i32
            %dma_wait3A_324 = tpu.memref_slice %arg4[%dma_wait3A_323, %multiple_of3A_253] : memref<64x4096xf32, #tpu.memory_space<hbm>> -> memref<64x128xf32, #tpu.memory_space<hbm>>
            tpu.wait_dma2 semaphore(%run_scoped3A_300 : memref<!tpu.dma_semaphore, #tpu.memory_space<semaphore_mem>>) src(%dma_wait3A_324 : memref<64x128xf32, #tpu.memory_space<hbm>>) dst(%dma_wait3A_322 : memref<64x128xf32, #tpu.memory_space<vmem>>)
            tpu.yield
          }) : () -> ()
          %and3A = arith.constant 127 : i32
          %and3A_255 = arith.andi %squeeze3A_243, %and3A : i32
          %add3A_256 = arith.constant 15 : i32
          %add3A_257 = arith.addi %multiple_of3A_127, %add3A_256 : i32
          %broadcast_in_dim3A_258 = vector.broadcast %and3A_255 : i32 to vector<16xi32>
          %broadcast_in_dim3A_259 = vector.broadcast %add3A_257 : i32 to vector<16xi32>
          %add3A_260 = arith.constant 0 : i32
          %add3A_261 = vector.broadcast %add3A_260 : i32 to vector<16xi32>
          %add3A_262 = arith.addi %add3A_261, %iota3A : vector<16xi32>
          %gather3A_263 = arith.constant 0 : i32
          %gather3A_264 = arith.constant 0 : i32
          %gather3A_265 = arith.constant 0 : i32
          %gather3A_266 = arith.constant 0 : i32
          %gather3A_267 = tpu.memref_slice %arg13[%gather3A_263, %gather3A_264, %gather3A_265, %gather3A_266] : memref<2x4x64x128xf32, #tpu.memory_space<vmem>> -> memref<1x1x64x128xf32, #tpu.memory_space<vmem>>
          %gather3A_268 = tpu.memref_squeeze %gather3A_267 : memref<1x1x64x128xf32, #tpu.memory_space<vmem>> -> memref<64x128xf32, #tpu.memory_space<vmem>>
          %gather3A_269 = tpu.vector_load_idx %gather3A_268[%add3A_262, %broadcast_in_dim3A_258] : memref<64x128xf32, #tpu.memory_space<vmem>>[vector<16xi32>, vector<16xi32>], vector<16xf32>,
          tpu.vector_store_idx %arg14[%add3A_262, %broadcast_in_dim3A_259], %gather3A_269 : memref<64x128xf32, #tpu.memory_space<vmem>>[vector<16xi32>, vector<16xi32>], vector<16xf32>,
          %add3A_270 = arith.constant 16 : i32
          %add3A_271 = vector.broadcast %add3A_270 : i32 to vector<16xi32>
          %add3A_272 = arith.addi %add3A_271, %iota3A : vector<16xi32>
          %gather3A_273 = arith.constant 0 : i32
          %gather3A_274 = arith.constant 0 : i32
          %gather3A_275 = arith.constant 0 : i32
          %gather3A_276 = arith.constant 0 : i32
          %gather3A_277 = tpu.memref_slice %arg13[%gather3A_273, %gather3A_274, %gather3A_275, %gather3A_276] : memref<2x4x64x128xf32, #tpu.memory_space<vmem>> -> memref<1x1x64x128xf32, #tpu.memory_space<vmem>>
          %gather3A_278 = tpu.memref_squeeze %gather3A_277 : memref<1x1x64x128xf32, #tpu.memory_space<vmem>> -> memref<64x128xf32, #tpu.memory_space<vmem>>
          %gather3A_279 = tpu.vector_load_idx %gather3A_278[%add3A_272, %broadcast_in_dim3A_258] : memref<64x128xf32, #tpu.memory_space<vmem>>[vector<16xi32>, vector<16xi32>], vector<16xf32>,
          tpu.vector_store_idx %arg14[%add3A_272, %broadcast_in_dim3A_259], %gather3A_279 : memref<64x128xf32, #tpu.memory_space<vmem>>[vector<16xi32>, vector<16xi32>], vector<16xf32>,
          %add3A_280 = arith.constant 32 : i32
          %add3A_281 = vector.broadcast %add3A_280 : i32 to vector<16xi32>
          %add3A_282 = arith.addi %add3A_281, %iota3A : vector<16xi32>
          %gather3A_283 = arith.constant 0 : i32
          %gather3A_284 = arith.constant 0 : i32
          %gather3A_285 = arith.constant 0 : i32
          %gather3A_286 = arith.constant 0 : i32
          %gather3A_287 = tpu.memref_slice %arg13[%gather3A_283, %gather3A_284, %gather3A_285, %gather3A_286] : memref<2x4x64x128xf32, #tpu.memory_space<vmem>> -> memref<1x1x64x128xf32, #tpu.memory_space<vmem>>
          %gather3A_288 = tpu.memref_squeeze %gather3A_287 : memref<1x1x64x128xf32, #tpu.memory_space<vmem>> -> memref<64x128xf32, #tpu.memory_space<vmem>>
          %gather3A_289 = tpu.vector_load_idx %gather3A_288[%add3A_282, %broadcast_in_dim3A_258] : memref<64x128xf32, #tpu.memory_space<vmem>>[vector<16xi32>, vector<16xi32>], vector<16xf32>,
          tpu.vector_store_idx %arg14[%add3A_282, %broadcast_in_dim3A_259], %gather3A_289 : memref<64x128xf32, #tpu.memory_space<vmem>>[vector<16xi32>, vector<16xi32>], vector<16xf32>,
          %add3A_290 = arith.constant 48 : i32
          %add3A_291 = vector.broadcast %add3A_290 : i32 to vector<16xi32>
          %add3A_292 = arith.addi %add3A_291, %iota3A : vector<16xi32>
          %gather3A_293 = arith.constant 0 : i32
          %gather3A_294 = arith.constant 0 : i32
          %gather3A_295 = arith.constant 0 : i32
          %gather3A_296 = arith.constant 0 : i32
          %gather3A_297 = tpu.memref_slice %arg13[%gather3A_293, %gather3A_294, %gather3A_295, %gather3A_296] : memref<2x4x64x128xf32, #tpu.memory_space<vmem>> -> memref<1x1x64x128xf32, #tpu.memory_space<vmem>>
          %gather3A_298 = tpu.memref_squeeze %gather3A_297 : memref<1x1x64x128xf32, #tpu.memory_space<vmem>> -> memref<64x128xf32, #tpu.memory_space<vmem>>
          %gather3A_299 = tpu.vector_load_idx %gather3A_298[%add3A_292, %broadcast_in_dim3A_258] : memref<64x128xf32, #tpu.memory_space<vmem>>[vector<16xi32>, vector<16xi32>], vector<16xf32>,
          tpu.vector_store_idx %arg14[%add3A_292, %broadcast_in_dim3A_259], %gather3A_299 : memref<64x128xf32, #tpu.memory_space<vmem>>[vector<16xi32>, vector<16xi32>], vector<16xf32>,
        } else {
        }
      }
      %scan3A_123 = arith.constant 8 : i32
    } else {
    }
    %scan3A_108 = arith.constant 0 : i32
    %scan3A_109 = arith.constant 0 : i32
    %scan3A_110 = arith.constant 8 : i32
    %scan3A_111 = arith.addi %scan3A_109, %scan3A_110 : i32
    %scan3A_112 = arith.constant 1 : i32
    scf.for %scan3A_114 = %scan3A_109 to %scan3A_111 step %scan3A_112  : i32 {
      %mul3A_115 = arith.constant 16 : i32
      %mul3A_116 = arith.muli %scan3A_114, %mul3A_115 : i32
      %multiple_of3A_117 = tpu.assume_multiple %mul3A_116, 16 : i32
      %get3A_118 = arith.index_cast %multiple_of3A_117 : i32 to index
      %get3A_119 = tpu.vector_load %arg16[%get3A_118] {strides = array<i32>} : memref<128xf32, #tpu.memory_space<vmem>>, vector<16xf32>,
      %swap3A = arith.constant 0 : i32
      %swap3A_120 = arith.index_cast %swap3A : i32 to index
      %swap3A_121 = arith.index_cast %multiple_of3A_117 : i32 to index
      %swap3A_122 = tpu.vector_load %arg15[%swap3A_120, %swap3A_121] {strides = array<i32>} : memref<1x128xf32, #tpu.memory_space<vmem>>, vector<16xf32>,
      tpu.vector_store %arg15[%swap3A_120, %swap3A_121], %get3A_119 {strides = array<i32>} : memref<1x128xf32, #tpu.memory_space<vmem>>, vector<16xf32>,
    }
    %scan3A_113 = arith.constant 8 : i32
    "tpu.region"() ({
      %run_scoped3A = tpu.sem_alloc : memref<!tpu.dma_semaphore, #tpu.memory_space<semaphore_mem>>
      %dma_start3A_114 = arith.constant 0 : i32
      %dma_start3A_115 = tpu.memref_slice %arg8[%dma_start3A_114, %mul3A_2] : memref<65x4096xf32, #tpu.memory_space<hbm>> -> memref<64x128xf32, #tpu.memory_space<hbm>>
      %dma_start3A_116 = arith.constant 0 : i32
      %dma_start3A_117 = tpu.memref_slice %arg8[%dma_start3A_116, %mul3A_2] : memref<65x4096xf32, #tpu.memory_space<hbm>> -> memref<64x128xf32, #tpu.memory_space<hbm>>
      tpu.enqueue_dma source(%arg14 : memref<64x128xf32, #tpu.memory_space<vmem>>) target(%dma_start3A_117 : memref<64x128xf32, #tpu.memory_space<hbm>>) target_semaphore(%run_scoped3A : memref<!tpu.dma_semaphore, #tpu.memory_space<semaphore_mem>>)
      %dma_wait3A_118 = arith.constant 0 : i32
      %dma_wait3A_119 = tpu.memref_slice %arg8[%dma_wait3A_118, %mul3A_2] : memref<65x4096xf32, #tpu.memory_space<hbm>> -> memref<64x128xf32, #tpu.memory_space<hbm>>
      %dma_wait3A_120 = arith.constant 0 : i32
      %dma_wait3A_121 = tpu.memref_slice %arg8[%dma_wait3A_120, %mul3A_2] : memref<65x4096xf32, #tpu.memory_space<hbm>> -> memref<64x128xf32, #tpu.memory_space<hbm>>
      tpu.wait_dma2 semaphore(%run_scoped3A : memref<!tpu.dma_semaphore, #tpu.memory_space<semaphore_mem>>) src(%arg14 : memref<64x128xf32, #tpu.memory_space<vmem>>) dst(%dma_wait3A_121 : memref<64x128xf32, #tpu.memory_space<hbm>>)
      tpu.yield
    }) : () -> ()
    "tpu.region"() ({
      %run_scoped3A = tpu.sem_alloc : memref<!tpu.dma_semaphore, #tpu.memory_space<semaphore_mem>>
      %dma_start3A_114 = arith.constant 64 : i32
      %dma_start3A_115 = tpu.memref_slice %arg8[%dma_start3A_114, %mul3A_2] : memref<65x4096xf32, #tpu.memory_space<hbm>> -> memref<1x128xf32, #tpu.memory_space<hbm>>
      %dma_start3A_116 = arith.constant 64 : i32
      %dma_start3A_117 = tpu.memref_slice %arg8[%dma_start3A_116, %mul3A_2] : memref<65x4096xf32, #tpu.memory_space<hbm>> -> memref<1x128xf32, #tpu.memory_space<hbm>>
      tpu.enqueue_dma source(%arg15 : memref<1x128xf32, #tpu.memory_space<vmem>>) target(%dma_start3A_117 : memref<1x128xf32, #tpu.memory_space<hbm>>) target_semaphore(%run_scoped3A : memref<!tpu.dma_semaphore, #tpu.memory_space<semaphore_mem>>)
      %dma_wait3A_118 = arith.constant 64 : i32
      %dma_wait3A_119 = tpu.memref_slice %arg8[%dma_wait3A_118, %mul3A_2] : memref<65x4096xf32, #tpu.memory_space<hbm>> -> memref<1x128xf32, #tpu.memory_space<hbm>>
      %dma_wait3A_120 = arith.constant 64 : i32
      %dma_wait3A_121 = tpu.memref_slice %arg8[%dma_wait3A_120, %mul3A_2] : memref<65x4096xf32, #tpu.memory_space<hbm>> -> memref<1x128xf32, #tpu.memory_space<hbm>>
      tpu.wait_dma2 semaphore(%run_scoped3A : memref<!tpu.dma_semaphore, #tpu.memory_space<semaphore_mem>>) src(%arg15 : memref<1x128xf32, #tpu.memory_space<vmem>>) dst(%dma_wait3A_121 : memref<1x128xf32, #tpu.memory_space<hbm>>)
      tpu.yield
    }) : () -> ()
    return
  }
}

</mosaic_0001>

<sc_bundles>
// kernel: kernel.3.cloned.1.call-start
scs
__scs_entry_jumppad:
0x0: {  	(pc) =	sbr.rel $0x88, $3  }
0x1: {  	(tag) =	ssettag $0x0;
	lr =	simm.s32 $0x1  }
0x2: {  	[smem:$0x3F9B] =	sst lr;
	_ =	strace $0xD0000000  }
0x3: {  	_ = 	snop  }
0x4: {  	_ = 	snop  }
0x5: {  	_ = 	snop  }
0x6: {  	_ = 	snop  }
0x7: {  	_ = 	snop  }
__scs_overlays_trampoline_lowered:
0x8: {  	[smem:$0x3FAA] =	sst s0  }
0x9: {  	[smem:$0x3FAB] =	sst s1  }
0xa: {  	[smem:$0x3FAC] =	sst s2  }
0xb: {  	[smem:$0x3FAD] =	sst s3  }
0xc: {  	[smem:$0x3FAE] =	sst s4  }
0xd: {  	[smem:$0x3FAF] =	sst s5  }
0xe: {  	[smem:$0x3FB0] =	sst s6  }
0xf: {  	[smem:$0x3FB1] =	sst s7  }
0x10: {  	[smem:$0x3FB2] =	sst s8  }
0x11: {  	[smem:$0x3FB3] =	sst s9;
	s0 =	simm.s32 @!p0 $0x0  }
0x12: {  	s1 =	sld [smem:$0x3F99];
	s0 =	simm.s32 @p0 $0x1  }
0x13: {  	[smem:$0x3FB4] =	sst s0;
	s0 =	simm.s32 @!p1 $0x0  }
0x14: {  	s2 =	sld [smem:$0x3F98];
	s0 =	simm.s32 @p1 $0x1  }
0x15: {  	[smem:$0x3FB5] =	sst s0;
	s0 =	simm.s32 @!p2 $0x0  }
0x16: {  	s3 =	sld [smem:$0x3FDB];
	s0 =	simm.s32 @p2 $0x1  }
0x17: {  	s4 =	simm.s32 $0x1BF5;
	[smem:$0x3FB7] =	sst s0  }
0x18: {  	s0 =	sld [smem:$0x3F9A];
	_ =	swait.ge [sflag:s4], $0x0  }
0x19: {  	s7 =	sld [smem:$0x3F9B]  }
0x1a: {  	s8 =	sadd.s32 $0xFFFFE003, lr  }
0x1b: {  	s9 =	sadd.s32 $0xFFFFFEF7, lr;
	s5 =	simm.s32 $0xFFFFFFFF;
	p2 =	slt.u32 s8, $0xFFFFF086  }
0x1c: {  	p1 =	slt.u32 s9, $0xF7A;
	s5 =	simm.s32 @!p2 $0x0  }
0x1d: {  	s5 =	simm.s32 @p1 $0x1;
	p0 =	seq.s32 s7, s2  }
0x1e: {  	s7 =	smul.u32 @!p0 $0xF7A, s2;
	p2 =	seq.s32 @!p0 s5, $0x0  }
0x1f: {  	s9 =	smul.u32 $0xF7A, s1;
	s8 =	simm.s32 @!p0 $0x1BF5;
	p2 =	por !p2, p0  }
0x20: {  	[sflag:s8] =	ssyncset.s32 @!p0 $0xFFFFF086;
	s6 =	sadd.s32 @!p0 s3, s7;
	s7 =	simm.s32 @!p0 $0x108  }
0x21: {  	s3 =	sadd.s32 s3, s9;
	s6 =	sadd.s32 @!p0 $0x88, s6;
	s7 =	simm.s32 @p2 $0x1082  }
0x22: {  	[simem:s7], [sflag:s8] =	dma.local @!p0 [hbm:s6], $0xF7A  }
0x23: {  	s9 =	sor.u32 $0xD0000000, s2;
	s6 =	simm.s32 $0x108;
	_ =	swait.ge @!p0 [sflag:s8], $0x0  }
0x24: {  	s3 =	sadd.s32 $0x88, s3;
	s6 =	simm.s32 @!p1 $0x1082;
	[sflag:s4] =	ssyncset.s32 $0xFFFFF086  }
0x25: {  	[simem:s6], [sflag:s4] =	dma.local [hbm:s3], $0xF7A  }
0x26: {  	[smem:$0x3F9B] =	sst s1;
	(tag) =	ssettag s2;
	_ =	strace s9  }
0x27: {  	s1 =	sld [smem:$0x3FAB]  }
0x28: {  	s2 =	sld [smem:$0x3FAC]  }
0x29: {  	s4 =	sld [smem:$0x3FAE]  }
0x2a: {  	p0 =	seq.s32 s5, $0x0;
	s5 =	sld [smem:$0x3FAF]  }
0x2b: {  	s6 =	sld [smem:$0x3FB0]  }
0x2c: {  	s7 =	sld [smem:$0x3FB1]  }
0x2d: {  	s3 =	simm.s32 $0x108;
	s8 =	sld [smem:$0x3FB2]  }
0x2e: {  	s3 =	simm.s32 @!p0 $0x1082;
	s9 =	sld [smem:$0x3FB3]  }
0x2f: {  	lr =	sadd.s32 s0, s3;
	s0 =	sld [smem:$0x3FAA]  }
0x30: {  	s3 =	sld [smem:$0x3FAD]  }
0x31: {  	[smem:$0x3FB6] =	sst s10  }
0x32: {  	s10 =	sld [smem:$0x3FB4];
	_ =	sdelay $0x3  }
0x33: {  	p0 =	seq.s32 s10, $0x1;
	s10 =	sld [smem:$0x3FB6];
	_ =	sdelay $0x3  }
0x34: {  	[smem:$0x3FB6] =	sst s10  }
0x35: {  	s10 =	sld [smem:$0x3FB5];
	_ =	sdelay $0x3  }
0x36: {  	p1 =	seq.s32 s10, $0x1;
	s10 =	sld [smem:$0x3FB6];
	_ =	sdelay $0x3  }
0x37: {  	[smem:$0x3FB6] =	sst s10  }
0x38: {  	s10 =	sld [smem:$0x3FB7]  }
0x39: {  	_ = 	snop;
	(pc) =	sbr.ind lr, $3  }
0x3a: {  	_ = 	snop  }
0x3b: {  	_ = 	snop  }
0x3c: {  	p2 =	seq.s32 s10, $0x1;
	s10 =	sld [smem:$0x3FB6]  }
0x3d: {  	_ =	shalt  }
0x3e: {  	_ =	shalt  }
0x3f: {  	_ =	shalt  }
0x40: {  	_ =	shalt  }
0x41: {  	_ =	shalt  }
0x42: {  	_ =	shalt  }
0x43: {  	_ =	shalt  }
0x44: {  	_ =	shalt  }
0x45: {  	_ =	shalt  }
0x46: {  	_ =	shalt  }
0x47: {  	_ =	shalt  }
0x48: {  	_ =	shalt  }
0x49: {  	_ =	shalt  }
0x4a: {  	_ =	shalt  }
0x4b: {  	_ =	shalt  }
0x4c: {  	_ =	shalt  }
0x4d: {  	_ =	shalt  }
0x4e: {  	_ =	shalt  }
0x4f: {  	_ =	shalt  }
0x50: {  	_ =	shalt  }
0x51: {  	_ =	shalt  }
0x52: {  	_ =	shalt  }
0x53: {  	_ =	shalt  }
0x54: {  	_ =	shalt  }
0x55: {  	_ =	shalt  }
0x56: {  	_ =	shalt  }
0x57: {  	_ =	shalt  }
0x58: {  	_ =	shalt  }
0x59: {  	_ =	shalt  }
0x5a: {  	_ =	shalt  }
0x5b: {  	_ =	shalt  }
0x5c: {  	_ =	shalt  }
0x5d: {  	_ =	shalt  }
0x5e: {  	_ =	shalt  }
0x5f: {  	_ =	shalt  }
0x60: {  	_ =	shalt  }
0x61: {  	_ =	shalt  }
0x62: {  	_ =	shalt  }
0x63: {  	_ =	shalt  }
0x64: {  	_ =	shalt  }
0x65: {  	_ =	shalt  }
0x66: {  	_ =	shalt  }
0x67: {  	_ =	shalt  }
0x68: {  	_ =	shalt  }
0x69: {  	_ =	shalt  }
0x6a: {  	_ =	shalt  }
0x6b: {  	_ =	shalt  }
0x6c: {  	_ =	shalt  }
0x6d: {  	_ =	shalt  }
0x6e: {  	_ =	shalt  }
0x6f: {  	_ =	shalt  }
0x70: {  	_ =	shalt  }
0x71: {  	_ =	shalt  }
0x72: {  	_ =	shalt  }
0x73: {  	_ =	shalt  }
0x74: {  	_ =	shalt  }
0x75: {  	_ =	shalt  }
0x76: {  	_ =	shalt  }
0x77: {  	_ =	shalt  }
0x78: {  	_ =	shalt  }
0x79: {  	_ =	shalt  }
0x7a: {  	_ =	shalt  }
0x7b: {  	_ =	shalt  }
0x7c: {  	_ =	shalt  }
0x7d: {  	_ =	shalt  }
0x7e: {  	_ =	shalt  }
0x7f: {  	_ =	shalt  }
0x80: {  	_ =	shalt  }
0x81: {  	_ =	shalt  }
0x82: {  	_ =	shalt  }
0x83: {  	_ =	shalt  }
0x84: {  	_ =	shalt  }
0x85: {  	_ =	shalt  }
0x86: {  	_ =	shalt  }
0x87: {  	_ =	shalt  }
.Lfunc_end0:
.L_simem_size_0:
called_computation_lowered:
.L_overlay_start_0:
0x88: {  	s2 =	sld [smem:$0x3FD9]  }
0x89: {  	s3 =	sld [smem:$0x3FFE];
	_ =	sdelay $0x1  }
0x8a: {  	s1 =	srdreg.scid  }
0x8b: {  	s0 =	sand.u32 $0x1, s1  }
0x8c: {  	s17 =	sshll.u32 s0, $0xA;
	s2 =	sadd.s32 s3, s2  }
0x8d: {  	s2 =	sadd.s32 s2, s17  }
0x8e: {  	[smem:$0x3FC2] =	sst s2  }
0x8f: {  	_ = 	snop  }
0x90: {  	s2 =	sld [smem:$0x3FC9]  }
0x91: {  	s18 =	sld [smem:$0x3FC8]  }
0x92: {  	s4 =	sld [smem:$0x3FC7]  }
0x93: {  	s5 =	sld [smem:$0x3FC6]  }
0x94: {  	s6 =	sld [smem:$0x3FC4]  }
0x95: {  	s7 =	sld [smem:$0x3FD0];
	(tm) =	ssettm $0x1  }
0x96: {  	s8 =	sld [smem:$0x3FFB];
	_ =	sdelay $0x3  }
0x97: {  	_ =	strace s8  }
0x98: {  	s8 =	sld [smem:$0x3FFC];
	_ =	sdelay $0x3  }
0x99: {  	_ =	strace s8  }
0x9a: {  	s8 =	sld [smem:$0x3FFD];
	_ =	sdelay $0x3  }
0x9b: {  	_ =	strace s8  }
0x9c: {  	_ =	strace $0x8FFFFFFF  }
0x9d: {  	s19 =	sld [smem:$0x3FDB];
	_ =	sdelay $0x1  }
0x9e: {  	s9 =	simm.s32 $_scs_section_size  }
0x9f: {  	s10 =	simm.s32 $_size__tile_overlayer_lowered;
	s11 =	simm.s32 $_tile_overlayer_lowered  }
0xa0: {  	s22 =	simm.s32 $0x1BFF;
	s21 =	sshll.u32 s11, $0x1;
	s8 =	sadd.s32 s9, s19  }
0xa1: {  	s12 =	simm.s32 $0x0;
	s20 =	sshll.u32 s10, $0x1;
	s10 =	sadd.s32 s21, s8  }
0xa2: {  	[timem:s12], [sflag:s22] =	dma.local [hbm:s10], s20  }
0xa3: {  	_ =	swait.ge [sflag:s22], s20  }
0xa4: {  	s9 =	ssub.s32 $0x0, s20;
	[sflag:s22] =	ssyncset.done $0x0  }
0xa5: {  	[sflag:s22] =	ssyncadd.s32 s9;
	_ =	sdelay $0x1  }
0xa6: {  	s23 =	simm.s32 $0x1B8B  }
0xa7: {  	_ =	swait.ge [sflag:s23], $0x1  }
0xa8: {  	[sflag:s23] =	ssyncset.done $0x0  }
0xa9: {  	s25 =	simm.s32 $0x1B8E;
	s24 =	sld [smem:$0x3FFE];
	[sflag:s23] =	ssyncadd.s32 $0xFFFFFFFF  }
0xaa: {  	s26 =	simm.s32 $execute0_lowered;
	[smem:$0x3FD2] =	sst s25  }
0xab: {  	s10 =	sshll.u32 s26, $0x1;
	_ =	strace $0x80000046;
	[dreg:$0x1] =	wrdreg $0xFFFFFFFF  }
0xac: {  	s28 =	simm.s32 $_size_execute0_lowered;
	s8 =	sadd.s32 s8, s10;
	[dreg:$0x0] =	wrdreg $0x0  }
0xad: {  	s10 =	sshll.u32 s28, $0x1;
	[dreg:$0x2] =	wrdreg s8  }
0xae: {  	[dreg:$0x3] =	wrdreg s10  }
0xaf: {  	[dreg:$0x4] =	wrdreg $0xC0  }
0xb0: {  	_ =	task [dreg:s12], $0x5FFFF  }
0xb1: {  	[dreg:$0x1] =	wrdreg $0xFFFFFFFF  }
0xb2: {  	[dreg:$0x0] =	wrdreg $0x60  }
0xb3: {  	[dreg:$0x2] =	wrdreg s2  }
0xb4: {  	[dreg:$0x3] =	wrdreg s18  }
0xb5: {  	[dreg:$0x4] =	wrdreg s4  }
0xb6: {  	[dreg:$0x5] =	wrdreg s5  }
0xb7: {  	[dreg:$0x6] =	wrdreg s6  }
0xb8: {  	[dreg:$0x7] =	wrdreg s24  }
0xb9: {  	[dreg:$0x8] =	wrdreg s7  }
0xba: {  	[dreg:$0x9] =	wrdreg $0x9  }
0xbb: {  	_ =	task.clear_ibuf [dreg:s12], $0xAFFFF;
	_ =	strace $0x90000046  }
0xbc: {  	s29 =	simm.s32 $0x9;
	_ =	strace $0x80000048  }
0xbd: {  	_ =	swait.ge [sflag:s29], $0x1  }
0xbe: {  	[sflag:s29] =	ssyncadd.s32 $0xFFFFFFFF  }
0xbf: {  	_ =	strace $0x90000048  }
0xc0: {  	_ =	sfence  }
0xc1: {  	s30 =	sld [smem:$0x0];
	_ =	sdelay $0x2  }
0xc2: {  	s31 =	sshll.u32 s1, $0xD;
	s1 =	sshrl.u32 s1, $0x2  }
0xc3: {  	s3 =	sand.u32 $0x4000, s31;
	s1 =	sadd.s32 s1, s30  }
0xc4: {  	s0 =	sor.u32 s3, s0;
	s1 =	sshll.u32 s1, $0x11  }
0xc5: {  	s0 =	sor.u32 s1, s0  }
0xc6: {  	s0 =	sadd.s32 $0x8F2B, s0  }
0xc7: {  	[sflag:s0] =	ssyncadd.remote.s32 $0x1  }
0xc8: {  	_ =	sfence.sel $0xFFFF  }
0xc9: {  	[dreg:$0x0] =	wrdreg $0xFFFFFFFF;
	(pc) =	sbr.abs _section_cstart, $3  }
0xca: {  	[dreg:$0x1] =	wrdreg $0xFFFFFFFF  }
0xcb: {  	_ =	task.clear_ibuf [dreg:s12], $0x2FFFF;
	_ =	strace $0x9FFFFFFF  }
0xcc: {  	(tm) =	ssettm $0x7FFFFFFF  }
0xcd: {  	_ =	shalt  }
tec
execute0_lowered:
.L_overlay_start_1:
0x0: {  	(tag) =	ssettag $0x1  }
0x1: {  	s0 =	rddreg [dreg:$0x0]  }
0x2: {  	s3 =	rddreg [dreg:$0x2]  }
0x3: {  	s1 =	rddreg [dreg:$0x4]  }
0x4: {  	s2 =	rddreg [dreg:$0x5]  }
0x5: {  	s4 =	rddreg [dreg:$0x6];
	s6 =	simm.s32 $0x0  }
0x6: {  	s5 =	srdreg.scid;
	s7 =	stileid.u32;
	s12 =	simm.s32 $0x5  }
0x7: {  	s13 =	simm.s32 $0x80;
	s15 =	simm.s32 $0x400;
	s16 =	simm.s32 $0x7A1400  }
0x8: {  	s17 =	simm.s32 $0x200;
	s18 =	simm.s32 $0x2200;
	s19 =	simm.s32 $0x4200  }
0x9: {  	s20 =	simm.s32 $0x6200;
	s21 =	simm.s32 $0x8200;
	s22 =	simm.s32 $0xA200  }
0xa: {  	s23 =	simm.s32 $0xC200;
	s24 =	simm.s32 $0xE200;
	s28 =	simm.s32 $0x2  }
0xb: {  	s29 =	simm.s32 $0x3;
	[smem:$0x7FF] =	sst s6;
	s5 =	sand.u32 $0x1, s5  }
0xc: {  	s8 =	sshll.u32 s7, $0x1;
	s2 =	sadd.s32 $0x400, s2;
	_ =	strace $0x80000047  }
0xd: {  	[dreg:$0x8] =	wrdreg s2;
	s25 =	ssub.s32 $0x2, s5;
	s5 =	sor.u32 s5, s8  }
.Ltmp0:
0xe: {  	s26 =	sshrl.u32 s25, $0x1;
	s9 =	sshll.u32 s5, $0x4;
	(pc) =	sbr.rel .LBB2_1-.Ltmp0, $4  }
0xf: {  	v0 =	vlaneseq.u32;
	s5 =	sshll.u32 s5, $0x7;
	s2 =	ssub.s32 s25, s26;
	s1 =	sadd.s32 s1, s9  }
0x10: {  	v1 =	vmul.u32 $0x80, v0;
	s30 =	sadd.s32 s4, s5;
	s25 =	simm.s32 $0x1;
	[dreg:$0x9] =	wrdreg s1  }
0x11: {  	s26 =	simm.s32 $0x10200;
	[dreg:$0xa] =	wrdreg s30;
	s31 =	smax.u32 s2, $0x1  }
0x12: {  	v2 =	vor.u32 $0x800, v1;
	v3 =	vor.u32 $0x1000, v1;
	v4 =	vor.u32 $0x1800, v1;
	s4 =	simm.s32 $0x0;
	s10 =	sadd.s32 $0x8000, s30;
	[dreg:$0xb] =	wrdreg s31  }
.LBB2_6:
0x13: {  	v5 =	vld [tilespmem:$0x12280]  }
0x14: {  	v6 =	vld [tilespmem:$0x12290]  }
0x15: {  	v7 =	vld [tilespmem:$0x122A0]  }
0x16: {  	v8 =	vld [tilespmem:$0x122B0]  }
0x17: {  	v9 =	vld [tilespmem:$0x122C0]  }
0x18: {  	[tilespmem:$0x12200] =	vst v5;
	v5 =	vld [tilespmem:$0x122D0]  }
0x19: {  	[tilespmem:$0x12210] =	vst v6;
	v6 =	vld [tilespmem:$0x122E0]  }
0x1a: {  	[tilespmem:$0x12220] =	vst v7;
	v7 =	vld [tilespmem:$0x122F0]  }
0x1b: {  	[tilespmem:$0x12230] =	vst v8  }
0x1c: {  	[tilespmem:$0x12240] =	vst v9  }
0x1d: {  	[tilespmem:$0x12250] =	vst v5  }
0x1e: {  	[tilespmem:$0x12260] =	vst v6  }
0x1f: {  	s1 =	rddreg [dreg:$0xa];
	s2 =	simm.s32 $0x8000;
	[tilespmem:$0x12270] =	vst v7  }
0x20: {  	[hbm4b:s1+s15] =	stream.strided.scatter [tilespmem:s26], [sflag:$0x5], $0x2000, s2, s15, $0x38;
	[tilespmem:$0x12380] =	vst v63  }
0x21: {  	_ =	swait.ge [sflag:s12], $0x2000  }
0x22: {  	[sflag:s12] =	ssyncset.done $0x0  }
0x23: {  	s30 =	simm.s32 $0x12200;
	[sflag:s12] =	ssyncadd.s32 $0xFFFFE000  }
0x24: {  	[hbm4b:s10+s15] =	stream.strided.scatter [tilespmem:s30], [sflag:$0x5], $0x0, s2, s15, $0x38;
	[tilespmem:$0x12380] =	vst v63  }
0x25: {  	_ = 	snop  }
0x26: {  	[hbm4b:s10+s6] =	stream.linear.scatter [tilespmem:s30], [sflag:$0x5], $0x80, $0x38;
	[tilespmem:$0x12380] =	vst v63  }
0x27: {  	_ =	swait.ge [sflag:s12], $0x80  }
0x28: {  	s4 =	sadd.s32 $0x1, s4;
	s31 =	rddreg [dreg:$0xb]  }
0x29: {  	p0 =	sne.s32 s4, s31  }
.Ltmp1:
0x2a: {  	_ = 	snop;
	(pc) =	sbr.rel @!p0 .LBB2_7-.Ltmp1, $3  }
0x2b: {  	_ =	sdelay $0x1  }
0x2c: {  	[sflag:s12] =	ssyncset.done $0x0  }
0x2d: {  	[sflag:s12] =	ssyncadd.s32 $0xFFFFFF80  }
.LBB2_1:
0x2e: {  	s1 =	rddreg [dreg:$0x9]  }
0x2f: {  	[tilespmem:s6], [sflag:$0x5] =	stream.linear.gather [hbm4b:s1+s6], $0x80, $0x38;
	[tilespmem:$0x12380] =	vst v63  }
0x30: {  	_ =	swait.ge [sflag:s12], $0x80  }
0x31: {  	[sflag:s12] =	ssyncset.done $0x0  }
0x32: {  	s8 =	rddreg [dreg:$0x8];
	[sflag:s12] =	ssyncadd.s32 $0xFFFFFF80  }
0x33: {  	[tilespmem:s13], [sflag:$0x5] =	stream.linear.gather [hbm4b:s8+s6], $0x80, $0x38;
	[tilespmem:$0x12380] =	vst v63  }
0x34: {  	_ =	swait.ge [sflag:s12], $0x80  }
0x35: {  	[sflag:s12] =	ssyncset.done $0x0  }
0x36: {  	[sflag:s12] =	ssyncadd.s32 $0xFFFFFF80  }
0x37: {  	s2 =	simm.s32 $0x12280;
	s9 =	rddreg [dreg:$0x1]  }
0x38: {  	[tilespmem:s2], [sflag:$0x3] =	stream.indirect.gather [hbm4b:s9+s13], $0x1, s6, s13, $0xb8;
	[tilespmem:$0x12380] =	vst v63  }
0x39: {  	v5 =	vld [tilespmem:$0x80]  }
0x3a: {  	v6 =	vld [tilespmem:$0x0];
	_ =	sdelay $0x1  }
0x3b: {  	v7 =	vld [tilespmem:$0x10];
	_ =	sdelay $0x1  }
0x3c: {  	v8 =	vld [tilespmem:$0x20]  }
0x3d: {  	v6 =	vsub.s32 v6, v5  }
0x3e: {  	v10 =	vld [tilespmem:$0x30];
	vm0 =	vlt.s32 v6, $0x0;
	v9 =	vadd.s32 $0xF4240, v6  }
0x3f: {  	v7 =	vsub.s32 v7, v5;
	v6 =	vsel vm0, v9, v6  }
0x40: {  	v11 =	vld [tilespmem:$0x40];
	vm1 =	vlt.s32 v7, $0x0;
	v9 =	vadd.s32 $0xF4240, v7;
	vm0 =	vlt.s32 v6, $0x1000  }
0x41: {  	v8 =	vsub.s32 v8, v5;
	[tilespmem:$0x100] =	vst v6;
	v7 =	vsel vm1, v9, v7;
	v6 =	vnsel vm0, $0x0, v6  }
0x42: {  	vm2 =	vlt.s32 v8, $0x0;
	v9 =	vld [tilespmem:$0x50];
	vm1 =	vlt.s32 v7, $0x1000;
	[tilespmem:$0x180] =	vst v6;
	v6 =	vadd.s32 $0xF4240, v8  }
0x43: {  	[tilespmem:$0x110] =	vst v7;
	v7 =	vnsel vm1, $0x0, v7;
	v6 =	vsel vm2, v6, v8;
	v8 =	vsub.s32 v10, v5  }
0x44: {  	[tilespmem:$0x190] =	vst v7;
	v10 =	vld [tilespmem:$0x60];
	vm2 =	vlt.s32 v6, $0x1000;
	vm3 =	vlt.s32 v8, $0x0;
	v7 =	vadd.s32 $0xF4240, v8  }
0x45: {  	[tilespmem:$0x120] =	vst v6;
	v6 =	vnsel vm2, $0x0, v6;
	v7 =	vsel vm3, v7, v8;
	v8 =	vsub.s32 v11, v5  }
0x46: {  	v11 =	vld [tilespmem:$0x70];
	[tilespmem:$0x1A0] =	vst v6;
	vm3 =	vlt.s32 v7, $0x1000;
	vm4 =	vlt.s32 v8, $0x0;
	v6 =	vadd.s32 $0xF4240, v8  }
0x47: {  	[tilespmem:$0x130] =	vst v7;
	v7 =	vnsel vm3, $0x0, v7;
	v6 =	vsel vm4, v6, v8;
	v8 =	vsub.s32 v9, v5  }
0x48: {  	[tilespmem:$0x1B0] =	vst v7;
	vm4 =	vlt.s32 v6, $0x1000;
	vm5 =	vlt.s32 v8, $0x0;
	v7 =	vadd.s32 $0xF4240, v8  }
0x49: {  	[tilespmem:$0x140] =	vst v6;
	v6 =	vnsel vm4, $0x0, v6;
	v7 =	vsel vm5, v7, v8;
	v8 =	vsub.s32 v10, v5  }
0x4a: {  	[tilespmem:$0x1C0] =	vst v6;
	vm5 =	vlt.s32 v7, $0x1000;
	vm6 =	vlt.s32 v8, $0x0;
	v6 =	vadd.s32 $0xF4240, v8  }
0x4b: {  	[tilespmem:$0x150] =	vst v7;
	v5 =	vsub.s32 v11, v5;
	v6 =	vsel vm6, v6, v8;
	v7 =	vnsel vm5, $0x0, v7  }
0x4c: {  	vm7 =	vlt.s32 v5, $0x0;
	[tilespmem:$0x1D0] =	vst v7;
	vm6 =	vlt.s32 v6, $0x1000;
	v7 =	vadd.s32 $0xF4240, v5  }
0x4d: {  	[tilespmem:$0x160] =	vst v6;
	v5 =	vsel vm7, v7, v5;
	v6 =	vnsel vm6, $0x0, v6  }
0x4e: {  	[tilespmem:$0x1E0] =	vst v6;
	vm7 =	vlt.s32 v5, $0x1000  }
0x4f: {  	[tilespmem:$0x170] =	vst v5;
	v5 =	vnsel vm7, $0x0, v5  }
0x50: {  	[tilespmem:$0x1F0] =	vst v5  }
0x51: {  	v5 =	vld.idx.msk [tilespmem:v0+s6+$0x0], $0xffff;
	_ =	sdelay $0x4  }
0x52: {  	(v2sf) =	vpush v5, $0x0;
	_ =	sdelay $0x1  }
0x53: {  	(v2sf) =	vpush v5, $0x1;
	_ =	sdelay $0x2  }
0x54: {  	(v2sf) =	vpush v5, $0x2;
	_ =	sdelay $0x2  }
0x55: {  	(v2sf) =	vpush v5, $0x3;
	_ =	sdelay $0x6  }
0x56: {  	s11 =	spop (v2sf)  }
0x57: {  	s2 =	sand.u32 $0xFFFFF80, s11  }
0x58: {  	s14 =	spop (v2sf);
	s2 =	sadd.s32 s0, s2  }
0x59: {  	[tilespmem:s17], [sflag:$0x1] =	stream.strided.gather [hbm4b:s2+s15], $0x2000, s16, s15, $0x38;
	[tilespmem:$0x12380] =	vst v63  }
0x5a: {  	s2 =	sand.u32 $0xFFFFF80, s14  }
0x5b: {  	s30 =	spop (v2sf);
	s2 =	sadd.s32 s0, s2  }
0x5c: {  	[tilespmem:s18], [sflag:$0x1] =	stream.strided.gather [hbm4b:s2+s15], $0x2000, s16, s15, $0x38;
	[tilespmem:$0x12380] =	vst v63  }
0x5d: {  	s2 =	sand.u32 $0xFFFFF80, s30  }
0x5e: {  	s31 =	spop (v2sf);
	s2 =	sadd.s32 s0, s2  }
0x5f: {  	[tilespmem:s19], [sflag:$0x1] =	stream.strided.gather [hbm4b:s2+s15], $0x2000, s16, s15, $0x38;
	[tilespmem:$0x12380] =	vst v63  }
0x60: {  	v9 =	vmpcnt.ones.xlane vm4;
	v8 =	vmpcnt.ones.xlane vm3;
	s2 =	sand.u32 $0xFFFFF80, s31  }
0x61: {  	v10 =	vmpcnt.ones.xlane vm5;
	v7 =	vmpcnt.ones.xlane vm2;
	s2 =	sadd.s32 s0, s2  }
0x62: {  	v11 =	vmpcnt.ones.xlane vm6;
	v6 =	vmpcnt.ones.xlane vm1;
	[tilespmem:s20], [sflag:$0x1] =	stream.strided.gather [hbm4b:s2+s15], $0x2000, s16, s15, $0x38;
	[tilespmem:$0x12380] =	vst v63  }
0x63: {  	v12 =	vmpcnt.ones.xlane vm7;
	v5 =	vmpcnt.ones.xlane vm0;
	s2 =	simm.s32 $0x0  }
.LBB2_2:
0x64: {  	s14 =	sadd.s32 $0x4, s2  }
0x65: {  	v13 =	vadd.s32 s14, v0  }
0x66: {  	vm0 =	vlt.s32 v13, $0x7F  }
0x67: {  	v13 =	vnsel vm0, $0x7F, v13;
	_ =	sdelay $0x4  }
0x68: {  	v14 =	vld.idx.msk [tilespmem:v13+s6+$0x0], $0xffff;
	_ =	sdelay $0x4  }
0x69: {  	(v2sf) =	vpush v14, $0x0;
	_ =	sdelay $0x1  }
0x6a: {  	(v2sf) =	vpush v14, $0x1;
	_ =	sdelay $0x2  }
0x6b: {  	(v2sf) =	vpush v14, $0x2;
	_ =	sdelay $0x2  }
0x6c: {  	(v2sf) =	vpush v14, $0x3;
	_ =	sdelay $0x6  }
0x6d: {  	s30 =	spop (v2sf)  }
0x6e: {  	s30 =	sand.u32 $0xFFFFF80, s30  }
0x6f: {  	s31 =	spop (v2sf);
	s30 =	sadd.s32 s0, s30  }
0x70: {  	[tilespmem:s21], [sflag:$0x2] =	stream.strided.gather [hbm4b:s30+s15], $0x2000, s16, s15, $0x38;
	[tilespmem:$0x12380] =	vst v63  }
0x71: {  	s30 =	sand.u32 $0xFFFFF80, s31  }
0x72: {  	s1 =	spop (v2sf);
	s30 =	sadd.s32 s0, s30  }
0x73: {  	[tilespmem:s22], [sflag:$0x2] =	stream.strided.gather [hbm4b:s30+s15], $0x2000, s16, s15, $0x38;
	[tilespmem:$0x12380] =	vst v63  }
0x74: {  	s30 =	sand.u32 $0xFFFFF80, s1  }
0x75: {  	s5 =	spop (v2sf);
	s30 =	sadd.s32 s0, s30  }
0x76: {  	[tilespmem:s23], [sflag:$0x2] =	stream.strided.gather [hbm4b:s30+s15], $0x2000, s16, s15, $0x38;
	[tilespmem:$0x12380] =	vst v63  }
0x77: {  	s30 =	sand.u32 $0xFFFFF80, s5  }
0x78: {  	s30 =	sadd.s32 s0, s30  }
0x79: {  	[tilespmem:s24], [sflag:$0x2] =	stream.strided.gather [hbm4b:s30+s15], $0x2000, s16, s15, $0x38;
	[tilespmem:$0x12380] =	vst v63  }
0x7a: {  	_ =	swait.ge [sflag:s25], $0x2000  }
0x7b: {  	[sflag:s25] =	ssyncset.done $0x0  }
0x7c: {  	[sflag:s25] =	ssyncadd.s32 $0xFFFFE000  }
0x7d: {  	_ =	swait.ge [sflag:s25], $0x2000  }
0x7e: {  	[sflag:s25] =	ssyncset.done $0x0  }
0x7f: {  	v14 =	vadd.s32 s2, v0;
	[sflag:s25] =	ssyncadd.s32 $0xFFFFE000  }
0x80: {  	vm15 =	vlt.s32 v14, $0x7F;
	_ =	swait.ge [sflag:s25], $0x2000  }
0x81: {  	v14 =	vnsel vm15, $0x7F, v14;
	[sflag:s25] =	ssyncset.done $0x0  }
0x82: {  	[sflag:s25] =	ssyncadd.s32 $0xFFFFE000  }
0x83: {  	_ =	swait.ge [sflag:s25], $0x2000  }
0x84: {  	[sflag:s25] =	ssyncset.done $0x0  }
0x85: {  	[sflag:s25] =	ssyncadd.s32 $0xFFFFE000  }
0x86: {  	v14 =	vld.idx.msk [tilespmem:v14+s6+$0x0], $0xffff;
	_ =	sdelay $0x4  }
0x87: {  	(v2sf) =	vpush v14, $0x0;
	_ =	sdelay $0xe  }
0x88: {  	s7 =	spop (v2sf)  }
0x89: {  	s30 =	sand.u32 $0x7F, s7  }
0x8a: {  	v15 =	vor.u32 s30, v1;
	_ =	sdelay $0x4  }
0x8b: {  	v16 =	vor.u32 s2, v1;
	v15 =	vld.idx.msk [tilespmem:v15+s17+$0x0], $0xffff  }
0x8c: {  	v17 =	vor.u32 s30, v2  }
0x8d: {  	(v2sf) =	vpush v14, $0x1;
	_ =	sdelay $0x2  }
0x8e: {  	[tilespmem:v16+s26+$0x0] =	vst.idx.msk $0xffff, v15  }
0x8f: {  	v24 =	vor.u32 s2, v2;
	v15 =	vld.idx.msk [tilespmem:v17+s17+$0x0], $0xffff  }
0x90: {  	v25 =	vor.u32 s30, v3;
	_ =	sdelay $0x3  }
0x91: {  	[tilespmem:v24+s26+$0x0] =	vst.idx.msk $0xffff, v15  }
0x92: {  	v26 =	vor.u32 s2, v3;
	v15 =	vld.idx.msk [tilespmem:v25+s17+$0x0], $0xffff  }
0x93: {  	v27 =	vor.u32 s30, v4;
	_ =	sdelay $0x3  }
0x94: {  	s8 =	spop (v2sf);
	[tilespmem:v26+s26+$0x0] =	vst.idx.msk $0xffff, v15  }
0x95: {  	v28 =	vor.u32 s2, v4;
	s30 =	sand.u32 $0x7F, s8;
	v15 =	vld.idx.msk [tilespmem:v27+s17+$0x0], $0xffff  }
0x96: {  	s31 =	sadd.s32 $0x1, s2;
	v29 =	vor.u32 s30, v1  }
0x97: {  	v18 =	vmov s31  }
0x98: {  	v18 =	vand.u32 $0x79, v18  }
0x99: {  	v18 =	vbroadcast v18, $0x0  }
0x9a: {  	[tilespmem:v28+s26+$0x0] =	vst.idx.msk $0xffff, v15  }
0x9b: {  	v30 =	vor.u32 v1, v18;
	v15 =	vld.idx.msk [tilespmem:v29+s18+$0x0], $0xffff  }
0x9c: {  	v31 =	vor.u32 s30, v2  }
0x9d: {  	(v2sf) =	vpush v14, $0x2;
	_ =	sdelay $0x2  }
0x9e: {  	[tilespmem:v30+s26+$0x0] =	vst.idx.msk $0xffff, v15  }
0x9f: {  	v32 =	vor.u32 v2, v18;
	v15 =	vld.idx.msk [tilespmem:v31+s18+$0x0], $0xffff  }
0xa0: {  	v33 =	vor.u32 s30, v3;
	_ =	sdelay $0x3  }
0xa1: {  	[tilespmem:v32+s26+$0x0] =	vst.idx.msk $0xffff, v15  }
0xa2: {  	v34 =	vor.u32 v3, v18;
	v15 =	vld.idx.msk [tilespmem:v33+s18+$0x0], $0xffff  }
0xa3: {  	v35 =	vor.u32 s30, v4;
	_ =	sdelay $0x3  }
0xa4: {  	s9 =	spop (v2sf);
	[tilespmem:v34+s26+$0x0] =	vst.idx.msk $0xffff, v15  }
0xa5: {  	v36 =	vor.u32 v4, v18;
	s30 =	sand.u32 $0x7F, s9;
	v15 =	vld.idx.msk [tilespmem:v35+s18+$0x0], $0xffff  }
0xa6: {  	s11 =	sadd.s32 $0x2, s2;
	v37 =	vor.u32 s30, v1  }
0xa7: {  	v38 =	vmov s11  }
0xa8: {  	v18 =	vand.u32 $0x7A, v38  }
0xa9: {  	v18 =	vbroadcast v18, $0x0  }
0xaa: {  	[tilespmem:v36+s26+$0x0] =	vst.idx.msk $0xffff, v15  }
0xab: {  	v39 =	vor.u32 v1, v18;
	v15 =	vld.idx.msk [tilespmem:v37+s19+$0x0], $0xffff  }
0xac: {  	v40 =	vor.u32 s30, v2  }
0xad: {  	(v2sf) =	vpush v14, $0x3;
	_ =	sdelay $0x2  }
0xae: {  	[tilespmem:v39+s26+$0x0] =	vst.idx.msk $0xffff, v15  }
0xaf: {  	v15 =	vor.u32 v2, v18;
	v14 =	vld.idx.msk [tilespmem:v40+s19+$0x0], $0xffff  }
0xb0: {  	v41 =	vor.u32 s30, v3;
	_ =	sdelay $0x3  }
0xb1: {  	[tilespmem:v15+s26+$0x0] =	vst.idx.msk $0xffff, v14  }
0xb2: {  	v15 =	vor.u32 v3, v18;
	v14 =	vld.idx.msk [tilespmem:v41+s19+$0x0], $0xffff  }
0xb3: {  	v42 =	vor.u32 s30, v4;
	_ =	sdelay $0x3  }
0xb4: {  	s31 =	spop (v2sf);
	[tilespmem:v15+s26+$0x0] =	vst.idx.msk $0xffff, v14  }
0xb5: {  	s30 =	sand.u32 $0x7F, s31;
	v15 =	vor.u32 v4, v18;
	v14 =	vld.idx.msk [tilespmem:v42+s19+$0x0], $0xffff  }
0xb6: {  	s1 =	sadd.s32 $0x3, s2;
	v43 =	vor.u32 s30, v1  }
0xb7: {  	v44 =	vmov s1  }
0xb8: {  	v17 =	vand.u32 $0x7B, v44  }
0xb9: {  	v17 =	vbroadcast v17, $0x0  }
0xba: {  	[tilespmem:v15+s26+$0x0] =	vst.idx.msk $0xffff, v14  }
0xbb: {  	v15 =	vor.u32 v1, v17;
	v14 =	vld.idx.msk [tilespmem:v43+s20+$0x0], $0xffff  }
0xbc: {  	v45 =	vor.u32 s30, v2;
	_ =	sdelay $0x3  }
0xbd: {  	[tilespmem:v15+s26+$0x0] =	vst.idx.msk $0xffff, v14  }
0xbe: {  	v15 =	vor.u32 v2, v17;
	v14 =	vld.idx.msk [tilespmem:v45+s20+$0x0], $0xffff  }
0xbf: {  	v46 =	vor.u32 s30, v3;
	_ =	sdelay $0x3  }
0xc0: {  	[tilespmem:v15+s26+$0x0] =	vst.idx.msk $0xffff, v14  }
0xc1: {  	v15 =	vor.u32 v3, v17;
	v14 =	vld.idx.msk [tilespmem:v46+s20+$0x0], $0xffff  }
0xc2: {  	v47 =	vor.u32 s30, v4;
	_ =	sdelay $0x1  }
0xc3: {  	p0 =	seq.s32 s2, $0x78  }
0xc4: {  	s30 =	sadd.s32 @!p0 $0x8, s2;
	v18 =	vlaneseq.u32 @!p0  }
0xc5: {  	[tilespmem:v15+s26+$0x0] =	vst.idx.msk $0xffff, v14;
	v14 =	vadd.s32 @!p0 s30, v18  }
0xc6: {  	v48 =	vor.u32 v4, v17;
	v15 =	vld.idx.msk [tilespmem:v47+s20+$0x0], $0xffff;
	vm0 =	vlt.s32 @!p0 v14, $0x7F  }
0xc7: {  	v14 =	vnsel @!p0 vm0, $0x7F, v14;
	_ =	sdelay $0x3  }
0xc8: {  	s30 =	simm.s32 @!p0 $0x0;
	[tilespmem:v48+s26+$0x0] =	vst.idx.msk $0xffff, v15  }
0xc9: {  	v14 =	vld.idx.msk @!p0 [tilespmem:v14+s30+$0x0], $0xffff;
	_ =	sdelay $0x4  }
0xca: {  	(v2sf) =	vpush @!p0 v14, $0x0;
	_ =	sdelay $0x3  }
0xcb: {  	(v2sf) =	vpush @!p0 v14, $0x1;
	_ =	sdelay $0x3  }
0xcc: {  	(v2sf) =	vpush @!p0 v14, $0x2;
	_ =	sdelay $0x3  }
0xcd: {  	(v2sf) =	vpush @!p0 v14, $0x3;
	_ =	sdelay $0x2  }
0xce: {  	s30 =	spop @!p0 (v2sf)  }
0xcf: {  	s7 =	simm.s32 @!p0 $0x7A1400;
	s30 =	sand.u32 @!p0 $0xFFFFF80, s30  }
0xd0: {  	s8 =	simm.s32 @!p0 $0x200;
	s31 =	simm.s32 @!p0 $0x400;
	s30 =	sadd.s32 @!p0 s0, s30  }
0xd1: {  	[tilespmem:s8], [sflag:$0x1] =	stream.strided.gather @!p0 [hbm4b:s30+s31], $0x2000, s7, s31, $0x38;
	[tilespmem:$0x12380] =	vst v63  }
0xd2: {  	s8 =	spop @!p0 (v2sf)  }
0xd3: {  	s8 =	sand.u32 @!p0 $0xFFFFF80, s8  }
0xd4: {  	s30 =	simm.s32 @!p0 $0x2200;
	s8 =	sadd.s32 @!p0 s0, s8  }
0xd5: {  	[tilespmem:s30], [sflag:$0x1] =	stream.strided.gather @!p0 [hbm4b:s8+s31], $0x2000, s7, s31, $0x38;
	[tilespmem:$0x12380] =	vst v63  }
0xd6: {  	s8 =	spop @!p0 (v2sf)  }
0xd7: {  	s8 =	sand.u32 @!p0 $0xFFFFF80, s8  }
0xd8: {  	s30 =	simm.s32 @!p0 $0x4200;
	s8 =	sadd.s32 @!p0 s0, s8  }
0xd9: {  	[tilespmem:s30], [sflag:$0x1] =	stream.strided.gather @!p0 [hbm4b:s8+s31], $0x2000, s7, s31, $0x38;
	[tilespmem:$0x12380] =	vst v63  }
0xda: {  	s8 =	spop @!p0 (v2sf)  }
0xdb: {  	s8 =	sand.u32 @!p0 $0xFFFFF80, s8  }
0xdc: {  	s30 =	simm.s32 @!p0 $0x6200;
	s8 =	sadd.s32 @!p0 s0, s8  }
0xdd: {  	[tilespmem:s30], [sflag:$0x1] =	stream.strided.gather @!p0 [hbm4b:s8+s31], $0x2000, s7, s31, $0x38;
	[tilespmem:$0x12380] =	vst v63  }
0xde: {  	_ =	swait.ge [sflag:s28], $0x2000  }
0xdf: {  	[sflag:s28] =	ssyncset.done $0x0  }
0xe0: {  	[sflag:s28] =	ssyncadd.s32 $0xFFFFE000  }
0xe1: {  	_ =	swait.ge [sflag:s28], $0x2000  }
0xe2: {  	[sflag:s28] =	ssyncset.done $0x0  }
0xe3: {  	[sflag:s28] =	ssyncadd.s32 $0xFFFFE000  }
0xe4: {  	_ =	swait.ge [sflag:s28], $0x2000  }
0xe5: {  	[sflag:s28] =	ssyncset.done $0x0  }
0xe6: {  	[sflag:s28] =	ssyncadd.s32 $0xFFFFE000  }
0xe7: {  	_ =	swait.ge [sflag:s28], $0x2000  }
0xe8: {  	[sflag:s28] =	ssyncset.done $0x0  }
0xe9: {  	[sflag:s28] =	ssyncadd.s32 $0xFFFFE000  }
0xea: {  	v13 =	vld.idx.msk [tilespmem:v13+s6+$0x0], $0xffff;
	_ =	sdelay $0x4  }
0xeb: {  	(v2sf) =	vpush v13, $0x0;
	_ =	sdelay $0xe  }
0xec: {  	s5 =	spop (v2sf)  }
0xed: {  	s7 =	sand.u32 $0x7F, s5  }
0xee: {  	v14 =	vor.u32 s7, v1;
	_ =	sdelay $0x3  }
0xef: {  	v15 =	vmov s14  }
0xf0: {  	v49 =	vor.u32 v1, v15;
	v14 =	vld.idx.msk [tilespmem:v14+s21+$0x0], $0xffff  }
0xf1: {  	v50 =	vor.u32 s7, v2  }
0xf2: {  	(v2sf) =	vpush v13, $0x1;
	_ =	sdelay $0x2  }
0xf3: {  	[tilespmem:v49+s26+$0x0] =	vst.idx.msk $0xffff, v14  }
0xf4: {  	v51 =	vor.u32 v2, v15;
	v14 =	vld.idx.msk [tilespmem:v50+s21+$0x0], $0xffff  }
0xf5: {  	v52 =	vor.u32 s7, v3;
	_ =	sdelay $0x3  }
0xf6: {  	[tilespmem:v51+s26+$0x0] =	vst.idx.msk $0xffff, v14  }
0xf7: {  	v53 =	vor.u32 v3, v15;
	v14 =	vld.idx.msk [tilespmem:v52+s21+$0x0], $0xffff  }
0xf8: {  	v54 =	vor.u32 s7, v4;
	_ =	sdelay $0x3  }
0xf9: {  	s8 =	spop (v2sf);
	[tilespmem:v53+s26+$0x0] =	vst.idx.msk $0xffff, v14  }
0xfa: {  	v15 =	vor.u32 v4, v15;
	s7 =	sand.u32 $0x7F, s8;
	v14 =	vld.idx.msk [tilespmem:v54+s21+$0x0], $0xffff  }
0xfb: {  	s9 =	sadd.s32 $0x5, s2;
	v55 =	vor.u32 s7, v1  }
0xfc: {  	v56 =	vmov s9  }
0xfd: {  	v17 =	vand.u32 $0x7D, v56  }
0xfe: {  	v17 =	vbroadcast v17, $0x0  }
0xff: {  	[tilespmem:v15+s26+$0x0] =	vst.idx.msk $0xffff, v14  }
0x100: {  	v15 =	vor.u32 v1, v17;
	v14 =	vld.idx.msk [tilespmem:v55+s22+$0x0], $0xffff  }
0x101: {  	v57 =	vor.u32 s7, v2  }
0x102: {  	(v2sf) =	vpush v13, $0x2;
	_ =	sdelay $0x2  }
0x103: {  	[tilespmem:v15+s26+$0x0] =	vst.idx.msk $0xffff, v14  }
0x104: {  	v15 =	vor.u32 v2, v17;
	v14 =	vld.idx.msk [tilespmem:v57+s22+$0x0], $0xffff  }
0x105: {  	v58 =	vor.u32 s7, v3;
	_ =	sdelay $0x3  }
0x106: {  	[tilespmem:v15+s26+$0x0] =	vst.idx.msk $0xffff, v14  }
0x107: {  	v15 =	vor.u32 v3, v17;
	v14 =	vld.idx.msk [tilespmem:v58+s22+$0x0], $0xffff  }
0x108: {  	v59 =	vor.u32 s7, v4;
	_ =	sdelay $0x3  }
0x109: {  	s11 =	spop (v2sf);
	[tilespmem:v15+s26+$0x0] =	vst.idx.msk $0xffff, v14  }
0x10a: {  	s7 =	sand.u32 $0x7F, s11;
	v15 =	vor.u32 v4, v17;
	v14 =	vld.idx.msk [tilespmem:v59+s22+$0x0], $0xffff  }
0x10b: {  	s14 =	sadd.s32 $0x6, s2;
	v60 =	vor.u32 s7, v1  }
0x10c: {  	v61 =	vmov s14  }
0x10d: {  	v17 =	vand.u32 $0x7E, v61  }
0x10e: {  	v17 =	vbroadcast v17, $0x0  }
0x10f: {  	[tilespmem:v15+s26+$0x0] =	vst.idx.msk $0xffff, v14  }
0x110: {  	v15 =	vor.u32 v1, v17;
	v14 =	vld.idx.msk [tilespmem:v60+s23+$0x0], $0xffff  }
0x111: {  	v62 =	vor.u32 s7, v2  }
0x112: {  	(v2sf) =	vpush v13, $0x3;
	_ =	sdelay $0x2  }
0x113: {  	[tilespmem:v15+s26+$0x0] =	vst.idx.msk $0xffff, v14  }
0x114: {  	v14 =	vor.u32 v2, v17;
	v13 =	vld.idx.msk [tilespmem:v62+s23+$0x0], $0xffff  }
0x115: {  	v15 =	vor.u32 s7, v3;
	_ =	sdelay $0x3  }
0x116: {  	[tilespmem:v14+s26+$0x0] =	vst.idx.msk $0xffff, v13  }
0x117: {  	v14 =	vor.u32 v3, v17;
	v13 =	vld.idx.msk [tilespmem:v15+s23+$0x0], $0xffff  }
0x118: {  	v15 =	vor.u32 s7, v4;
	_ =	sdelay $0x3  }
0x119: {  	s30 =	spop (v2sf);
	[tilespmem:v14+s26+$0x0] =	vst.idx.msk $0xffff, v13  }
0x11a: {  	s7 =	sand.u32 $0x7F, s30;
	v14 =	vor.u32 v4, v17;
	v13 =	vld.idx.msk [tilespmem:v15+s23+$0x0], $0xffff  }
0x11b: {  	s31 =	sadd.s32 $0x7, s2;
	v15 =	vor.u32 s7, v1  }
0x11c: {  	v63 =	vmov s31  }
0x11d: {  	v16 =	vand.u32 $0x7F, v63  }
0x11e: {  	v16 =	vbroadcast v16, $0x0  }
0x11f: {  	[tilespmem:v14+s26+$0x0] =	vst.idx.msk $0xffff, v13  }
0x120: {  	v14 =	vor.u32 v1, v16;
	v13 =	vld.idx.msk [tilespmem:v15+s24+$0x0], $0xffff  }
0x121: {  	v15 =	vor.u32 s7, v2;
	_ =	sdelay $0x3  }
0x122: {  	[tilespmem:v14+s26+$0x0] =	vst.idx.msk $0xffff, v13  }
0x123: {  	v14 =	vor.u32 v2, v16;
	v13 =	vld.idx.msk [tilespmem:v15+s24+$0x0], $0xffff  }
0x124: {  	v15 =	vor.u32 s7, v3;
	_ =	sdelay $0x3  }
0x125: {  	[tilespmem:v14+s26+$0x0] =	vst.idx.msk $0xffff, v13  }
0x126: {  	v14 =	vor.u32 v3, v16;
	v13 =	vld.idx.msk [tilespmem:v15+s24+$0x0], $0xffff  }
0x127: {  	v15 =	vor.u32 s7, v4;
	_ =	sdelay $0x3  }
0x128: {  	s2 =	sadd.s32 $0x8, s2;
	[tilespmem:v14+s26+$0x0] =	vst.idx.msk $0xffff, v13  }
0x129: {  	p0 =	sne.s32 s2, $0x80;
	v14 =	vor.u32 v4, v16;
	v13 =	vld.idx.msk [tilespmem:v15+s24+$0x0], $0xffff  }
.Ltmp2:
0x12a: {  	_ = 	snop;
	(pc) =	sbr.rel @p0 .LBB2_2-.Ltmp2, $2  }
0x12b: {  	_ =	sdelay $0x2  }
0x12c: {  	[tilespmem:v14+s26+$0x0] =	vst.idx.msk $0xffff, v13  }
0x12d: {  	v5 =	vadd.s32 v5, v6  }
0x12e: {  	v5 =	vadd.s32 v5, v7  }
0x12f: {  	v5 =	vadd.s32 v5, v8  }
0x130: {  	v5 =	vadd.s32 v5, v9  }
0x131: {  	v5 =	vadd.s32 v5, v10  }
0x132: {  	v5 =	vadd.s32 v5, v11  }
0x133: {  	_ =	swait.ge [sflag:s29], $0x80;
	v5 =	vadd.s32 v5, v12  }
0x134: {  	(v2sf) =	vpush v5, $0x0;
	_ =	sdelay $0xe  }
0x135: {  	s2 =	spop (v2sf)  }
0x136: {  	p0 =	slt.s32 s2, $0x1  }
.Ltmp3:
0x137: {  	_ = 	snop;
	(pc) =	sbr.rel @p0 .LBB2_6-.Ltmp3, $3  }
0x138: {  	_ =	sdelay $0x1  }
0x139: {  	[sflag:s29] =	ssyncset.done $0x0  }
0x13a: {  	[sflag:s29] =	ssyncadd.s32 $0xFFFFFF80  }
0x13b: {  	s30 =	simm.s32 $0x12300  }
0x13c: {  	s1 =	rddreg [dreg:$0x3];
	s2 =	simm.s32 $0x180;
	s14 =	simm.s32 $0x4  }
0x13d: {  	[tilespmem:s30], [sflag:$0x4] =	stream.indirect.gather [hbm4b:s1+s13], $0x1, s2, s13, $0xb8;
	[tilespmem:$0x12380] =	vst v63  }
0x13e: {  	_ =	swait.ge [sflag:s14], $0x80  }
0x13f: {  	s31 =	simm.s32 $0x12280;
	[sflag:s14] =	ssyncset.done $0x0  }
0x140: {  	s2 =	simm.s32 $0xF;
	[sflag:s14] =	ssyncadd.s32 $0xFFFFFF80;
	s14 =	simm.s32 $0x100  }
.LBB2_5:
0x141: {  	v5 =	vld [tilespmem:s14+$0x0];
	_ =	sdelay $0x4  }
0x142: {  	(v2sf) =	vpush v5, $0x0;
	_ =	sdelay $0xb  }
0x143: {  	v6 =	vld [tilespmem:s30+$0x0]  }
0x144: {  	v7 =	vld [tilespmem:s31+$0x0];
	_ =	sdelay $0x1  }
0x145: {  	s7 =	spop (v2sf)  }
0x146: {  	p0 =	sgt.s32 s7, $0xFFF  }
0x147: {  	s11 =	sadd.s32 $0xFFFFFFF1, s2;
	vm0 =	vlt.s32 v5, $0x1000;
	v8 =	vlaneseq.u32 @!p0  }
0x148: {  	v6 =	vsel vm0, v6, v7;
	s8 =	sand.u32 @!p0 $0xFFFFF80, s7;
	s1 =	simm.s32 @!p0 $0x400;
	s5 =	simm.s32 @!p0 $0x8000;
	v7 =	vmul.u32 @!p0 $0x80, v8  }
0x149: {  	[tilespmem:s31+$0x0] =	vst v6;
	s9 =	simm.s32 @!p0 $0x200;
	s7 =	sand.u32 @!p0 $0x7F, s7;
	s8 =	sadd.s32 @!p0 s3, s8  }
0x14a: {  	[tilespmem:s9], [sflag:$0x5] =	stream.strided.gather @!p0 [hbm4b:s8+s1], $0x2000, s5, s1, $0x38;
	v6 =	vor.u32 @!p0 s7, v7;
	[tilespmem:$0x12380] =	vst v63  }
0x14b: {  	v8 =	vmov @!p0 s11;
	s1 =	simm.s32 @!p0 $0x5  }
0x14c: {  	v8 =	vand.u32 @!p0 $0x70, v8;
	_ =	swait.ge @!p0 [sflag:s1], $0x2000  }
0x14d: {  	v8 =	vbroadcast @!p0 v8, $0x0;
	[sflag:s1] =	ssyncset.done @!p0 $0x0  }
0x14e: {  	[sflag:s1] =	ssyncadd.s32 @!p0 $0xFFFFE000  }
0x14f: {  	v10 =	vor.u32 @!p0 $0x800, v7;
	v9 =	vor.u32 @!p0 v7, v8;
	v6 =	vld.idx.msk @!p0 [tilespmem:v6+s9+$0x0], $0xffff  }
0x150: {  	v11 =	vor.u32 @!p0 s7, v10;
	_ =	sdelay $0x2  }
0x151: {  	s1 =	simm.s32 @!p0 $0x10200  }
0x152: {  	(v2sf) =	vpush v5, $0x1;
	[tilespmem:v9+s1+$0x0] =	vst.idx.msk @!p0 $0xffff, v6  }
0x153: {  	v9 =	vor.u32 @!p0 v10, v8;
	v10 =	vor.u32 @!p0 $0x1000, v7;
	v6 =	vld.idx.msk @!p0 [tilespmem:v11+s9+$0x0], $0xffff  }
0x154: {  	v11 =	vor.u32 @!p0 s7, v10;
	_ =	sdelay $0x3  }
0x155: {  	[tilespmem:v9+s1+$0x0] =	vst.idx.msk @!p0 $0xffff, v6  }
0x156: {  	v7 =	vor.u32 @!p0 $0x1800, v7;
	v9 =	vor.u32 @!p0 v10, v8;
	v6 =	vld.idx.msk @!p0 [tilespmem:v11+s9+$0x0], $0xffff  }
0x157: {  	v10 =	vor.u32 @!p0 s7, v7;
	_ =	sdelay $0x3  }
0x158: {  	[tilespmem:v9+s1+$0x0] =	vst.idx.msk @!p0 $0xffff, v6  }
0x159: {  	v7 =	vor.u32 @!p0 v7, v8;
	v6 =	vld.idx.msk @!p0 [tilespmem:v10+s9+$0x0], $0xffff;
	_ =	sdelay $0x1  }
0x15a: {  	s5 =	spop (v2sf)  }
0x15b: {  	p1 =	sgt.s32 s5, $0xFFF  }
0x15c: {  	s7 =	sand.u32 @!p1 $0xFFFFF80, s5;
	s8 =	simm.s32 @!p1 $0x8000  }
0x15d: {  	s7 =	sadd.s32 @!p1 s3, s7;
	s9 =	simm.s32 @!p1 $0x200;
	[tilespmem:v7+s1+$0x0] =	vst.idx.msk @!p0 $0xffff, v6;
	s1 =	simm.s32 @!p1 $0x400;
	v6 =	vlaneseq.u32 @!p1  }
0x15e: {  	[tilespmem:s9], [sflag:$0x5] =	stream.strided.gather @!p1 [hbm4b:s7+s1], $0x2000, s8, s1, $0x38;
	v6 =	vmul.u32 @!p1 $0x80, v6;
	[tilespmem:$0x12380] =	vst v63  }
0x15f: {  	s1 =	sand.u32 @!p1 $0x7F, s5  }
0x160: {  	s5 =	sadd.s32 @!p1 $0xFFFFFFF2, s2;
	v7 =	vor.u32 @!p1 s1, v6  }
0x161: {  	s7 =	simm.s32 @!p1 $0x5;
	v8 =	vmov @!p1 s5  }
0x162: {  	_ =	swait.ge @!p1 [sflag:s7], $0x2000;
	v8 =	vand.u32 @!p1 $0x71, v8  }
0x163: {  	[sflag:s7] =	ssyncset.done @!p1 $0x0;
	v8 =	vbroadcast @!p1 v8, $0x0  }
0x164: {  	[sflag:s7] =	ssyncadd.s32 @!p1 $0xFFFFE000  }
0x165: {  	v10 =	vor.u32 @!p1 $0x800, v6;
	v9 =	vor.u32 @!p1 v6, v8;
	v7 =	vld.idx.msk @!p1 [tilespmem:v7+s9+$0x0], $0xffff  }
0x166: {  	v11 =	vor.u32 @!p1 s1, v10;
	_ =	sdelay $0x2  }
0x167: {  	s5 =	simm.s32 @!p1 $0x10200  }
0x168: {  	[tilespmem:v9+s5+$0x0] =	vst.idx.msk @!p1 $0xffff, v7  }
0x169: {  	(v2sf) =	vpush v5, $0x2;
	v9 =	vor.u32 @!p1 v10, v8;
	v10 =	vor.u32 @!p1 $0x1000, v6;
	v7 =	vld.idx.msk @!p1 [tilespmem:v11+s9+$0x0], $0xffff  }
0x16a: {  	v11 =	vor.u32 @!p1 s1, v10;
	_ =	sdelay $0x3  }
0x16b: {  	[tilespmem:v9+s5+$0x0] =	vst.idx.msk @!p1 $0xffff, v7  }
0x16c: {  	v6 =	vor.u32 @!p1 $0x1800, v6;
	v9 =	vor.u32 @!p1 v10, v8;
	v7 =	vld.idx.msk @!p1 [tilespmem:v11+s9+$0x0], $0xffff  }
0x16d: {  	v10 =	vor.u32 @!p1 s1, v6;
	_ =	sdelay $0x3  }
0x16e: {  	[tilespmem:v9+s5+$0x0] =	vst.idx.msk @!p1 $0xffff, v7  }
0x16f: {  	v6 =	vor.u32 @!p1 v6, v8;
	v7 =	vld.idx.msk @!p1 [tilespmem:v10+s9+$0x0], $0xffff;
	_ =	sdelay $0x2  }
0x170: {  	s1 =	spop (v2sf)  }
0x171: {  	p0 =	sgt.s32 s1, $0xFFF  }
0x172: {  	s7 =	sand.u32 @!p0 $0xFFFFF80, s1;
	s8 =	simm.s32 @!p0 $0x8000;
	s1 =	sand.u32 @!p0 $0x7F, s1;
	[tilespmem:v6+s5+$0x0] =	vst.idx.msk @!p1 $0xffff, v7;
	v6 =	vlaneseq.u32 @!p0  }
0x173: {  	s7 =	sadd.s32 @!p0 s3, s7;
	s9 =	simm.s32 @!p0 $0x200;
	s5 =	simm.s32 @!p0 $0x400;
	v6 =	vmul.u32 @!p0 $0x80, v6  }
0x174: {  	[tilespmem:s9], [sflag:$0x5] =	stream.strided.gather @!p0 [hbm4b:s7+s5], $0x2000, s8, s5, $0x38;
	[tilespmem:$0x12380] =	vst v63  }
0x175: {  	s5 =	sadd.s32 @!p0 $0xFFFFFFF3, s2;
	v7 =	vor.u32 @!p0 s1, v6  }
0x176: {  	s7 =	simm.s32 @!p0 $0x5;
	v8 =	vmov @!p0 s5  }
0x177: {  	_ =	swait.ge @!p0 [sflag:s7], $0x2000;
	v8 =	vand.u32 @!p0 $0x72, v8  }
0x178: {  	[sflag:s7] =	ssyncset.done @!p0 $0x0;
	v8 =	vbroadcast @!p0 v8, $0x0  }
0x179: {  	[sflag:s7] =	ssyncadd.s32 @!p0 $0xFFFFE000  }
0x17a: {  	v10 =	vor.u32 @!p0 $0x800, v6;
	v9 =	vor.u32 @!p0 v6, v8;
	v7 =	vld.idx.msk @!p0 [tilespmem:v7+s9+$0x0], $0xffff  }
0x17b: {  	v11 =	vor.u32 @!p0 s1, v10;
	_ =	sdelay $0x2  }
0x17c: {  	s5 =	simm.s32 @!p0 $0x10200  }
0x17d: {  	[tilespmem:v9+s5+$0x0] =	vst.idx.msk @!p0 $0xffff, v7  }
0x17e: {  	(v2sf) =	vpush v5, $0x3;
	v9 =	vor.u32 @!p0 v10, v8;
	v10 =	vor.u32 @!p0 $0x1000, v6;
	v7 =	vld.idx.msk @!p0 [tilespmem:v11+s9+$0x0], $0xffff  }
0x17f: {  	v11 =	vor.u32 @!p0 s1, v10;
	_ =	sdelay $0x3  }
0x180: {  	[tilespmem:v9+s5+$0x0] =	vst.idx.msk @!p0 $0xffff, v7  }
0x181: {  	v6 =	vor.u32 @!p0 $0x1800, v6;
	v9 =	vor.u32 @!p0 v10, v8;
	v7 =	vld.idx.msk @!p0 [tilespmem:v11+s9+$0x0], $0xffff  }
0x182: {  	v10 =	vor.u32 @!p0 s1, v6;
	_ =	sdelay $0x3  }
0x183: {  	[tilespmem:v9+s5+$0x0] =	vst.idx.msk @!p0 $0xffff, v7  }
0x184: {  	v6 =	vor.u32 @!p0 v6, v8;
	v7 =	vld.idx.msk @!p0 [tilespmem:v10+s9+$0x0], $0xffff;
	_ =	sdelay $0x2  }
0x185: {  	s1 =	spop (v2sf)  }
0x186: {  	p1 =	sgt.s32 s1, $0xFFF  }
0x187: {  	s7 =	sand.u32 @!p1 $0xFFFFF80, s1;
	s8 =	simm.s32 @!p1 $0x8000;
	s1 =	sand.u32 @!p1 $0x7F, s1;
	[tilespmem:v6+s5+$0x0] =	vst.idx.msk @!p0 $0xffff, v7;
	v6 =	vlaneseq.u32 @!p1  }
0x188: {  	s7 =	sadd.s32 @!p1 s3, s7;
	s9 =	simm.s32 @!p1 $0x200;
	s5 =	simm.s32 @!p1 $0x400;
	v6 =	vmul.u32 @!p1 $0x80, v6  }
0x189: {  	[tilespmem:s9], [sflag:$0x5] =	stream.strided.gather @!p1 [hbm4b:s7+s5], $0x2000, s8, s5, $0x38;
	[tilespmem:$0x12380] =	vst v63  }
0x18a: {  	s5 =	sadd.s32 @!p1 $0xFFFFFFF4, s2;
	v7 =	vor.u32 @!p1 s1, v6  }
0x18b: {  	s7 =	simm.s32 @!p1 $0x5;
	v8 =	vmov @!p1 s5  }
0x18c: {  	_ =	swait.ge @!p1 [sflag:s7], $0x2000;
	v8 =	vand.u32 @!p1 $0x73, v8  }
0x18d: {  	[sflag:s7] =	ssyncset.done @!p1 $0x0;
	v8 =	vbroadcast @!p1 v8, $0x0  }
0x18e: {  	[sflag:s7] =	ssyncadd.s32 @!p1 $0xFFFFE000  }
0x18f: {  	v10 =	vor.u32 @!p1 $0x800, v6;
	v9 =	vor.u32 @!p1 v6, v8;
	v7 =	vld.idx.msk @!p1 [tilespmem:v7+s9+$0x0], $0xffff  }
0x190: {  	v11 =	vor.u32 @!p1 s1, v10;
	_ =	sdelay $0x2  }
0x191: {  	s5 =	simm.s32 @!p1 $0x10200  }
0x192: {  	[tilespmem:v9+s5+$0x0] =	vst.idx.msk @!p1 $0xffff, v7  }
0x193: {  	(v2sf) =	vpush v5, $0x4;
	v9 =	vor.u32 @!p1 v10, v8;
	v10 =	vor.u32 @!p1 $0x1000, v6;
	v7 =	vld.idx.msk @!p1 [tilespmem:v11+s9+$0x0], $0xffff  }
0x194: {  	v11 =	vor.u32 @!p1 s1, v10;
	_ =	sdelay $0x3  }
0x195: {  	[tilespmem:v9+s5+$0x0] =	vst.idx.msk @!p1 $0xffff, v7  }
0x196: {  	v6 =	vor.u32 @!p1 $0x1800, v6;
	v9 =	vor.u32 @!p1 v10, v8;
	v7 =	vld.idx.msk @!p1 [tilespmem:v11+s9+$0x0], $0xffff  }
0x197: {  	v10 =	vor.u32 @!p1 s1, v6;
	_ =	sdelay $0x3  }
0x198: {  	[tilespmem:v9+s5+$0x0] =	vst.idx.msk @!p1 $0xffff, v7  }
0x199: {  	v6 =	vor.u32 @!p1 v6, v8;
	v7 =	vld.idx.msk @!p1 [tilespmem:v10+s9+$0x0], $0xffff;
	_ =	sdelay $0x2  }
0x19a: {  	s1 =	spop (v2sf)  }
0x19b: {  	p0 =	sgt.s32 s1, $0xFFF  }
0x19c: {  	s7 =	sand.u32 @!p0 $0xFFFFF80, s1;
	s8 =	simm.s32 @!p0 $0x8000;
	s1 =	sand.u32 @!p0 $0x7F, s1;
	[tilespmem:v6+s5+$0x0] =	vst.idx.msk @!p1 $0xffff, v7;
	v6 =	vlaneseq.u32 @!p0  }
0x19d: {  	s7 =	sadd.s32 @!p0 s3, s7;
	s9 =	simm.s32 @!p0 $0x200;
	s5 =	simm.s32 @!p0 $0x400;
	v6 =	vmul.u32 @!p0 $0x80, v6  }
0x19e: {  	[tilespmem:s9], [sflag:$0x5] =	stream.strided.gather @!p0 [hbm4b:s7+s5], $0x2000, s8, s5, $0x38;
	[tilespmem:$0x12380] =	vst v63  }
0x19f: {  	s5 =	sadd.s32 @!p0 $0xFFFFFFF5, s2;
	v7 =	vor.u32 @!p0 s1, v6  }
0x1a0: {  	s7 =	simm.s32 @!p0 $0x5;
	v8 =	vmov @!p0 s5  }
0x1a1: {  	_ =	swait.ge @!p0 [sflag:s7], $0x2000;
	v8 =	vand.u32 @!p0 $0x74, v8  }
0x1a2: {  	[sflag:s7] =	ssyncset.done @!p0 $0x0;
	v8 =	vbroadcast @!p0 v8, $0x0  }
0x1a3: {  	[sflag:s7] =	ssyncadd.s32 @!p0 $0xFFFFE000  }
0x1a4: {  	v10 =	vor.u32 @!p0 $0x800, v6;
	v9 =	vor.u32 @!p0 v6, v8;
	v7 =	vld.idx.msk @!p0 [tilespmem:v7+s9+$0x0], $0xffff  }
0x1a5: {  	v11 =	vor.u32 @!p0 s1, v10;
	_ =	sdelay $0x2  }
0x1a6: {  	s5 =	simm.s32 @!p0 $0x10200  }
0x1a7: {  	[tilespmem:v9+s5+$0x0] =	vst.idx.msk @!p0 $0xffff, v7  }
0x1a8: {  	(v2sf) =	vpush v5, $0x5;
	v9 =	vor.u32 @!p0 v10, v8;
	v10 =	vor.u32 @!p0 $0x1000, v6;
	v7 =	vld.idx.msk @!p0 [tilespmem:v11+s9+$0x0], $0xffff  }
0x1a9: {  	v11 =	vor.u32 @!p0 s1, v10;
	_ =	sdelay $0x3  }
0x1aa: {  	[tilespmem:v9+s5+$0x0] =	vst.idx.msk @!p0 $0xffff, v7  }
0x1ab: {  	v6 =	vor.u32 @!p0 $0x1800, v6;
	v9 =	vor.u32 @!p0 v10, v8;
	v7 =	vld.idx.msk @!p0 [tilespmem:v11+s9+$0x0], $0xffff  }
0x1ac: {  	v10 =	vor.u32 @!p0 s1, v6;
	_ =	sdelay $0x3  }
0x1ad: {  	[tilespmem:v9+s5+$0x0] =	vst.idx.msk @!p0 $0xffff, v7  }
0x1ae: {  	v6 =	vor.u32 @!p0 v6, v8;
	v7 =	vld.idx.msk @!p0 [tilespmem:v10+s9+$0x0], $0xffff;
	_ =	sdelay $0x2  }
0x1af: {  	s1 =	spop (v2sf)  }
0x1b0: {  	p1 =	sgt.s32 s1, $0xFFF  }
0x1b1: {  	s7 =	sand.u32 @!p1 $0xFFFFF80, s1;
	s8 =	simm.s32 @!p1 $0x8000;
	s1 =	sand.u32 @!p1 $0x7F, s1;
	[tilespmem:v6+s5+$0x0] =	vst.idx.msk @!p0 $0xffff, v7;
	v6 =	vlaneseq.u32 @!p1  }
0x1b2: {  	s7 =	sadd.s32 @!p1 s3, s7;
	s9 =	simm.s32 @!p1 $0x200;
	s5 =	simm.s32 @!p1 $0x400;
	v6 =	vmul.u32 @!p1 $0x80, v6  }
0x1b3: {  	[tilespmem:s9], [sflag:$0x5] =	stream.strided.gather @!p1 [hbm4b:s7+s5], $0x2000, s8, s5, $0x38;
	[tilespmem:$0x12380] =	vst v63  }
0x1b4: {  	s5 =	sadd.s32 @!p1 $0xFFFFFFF6, s2;
	v7 =	vor.u32 @!p1 s1, v6  }
0x1b5: {  	s7 =	simm.s32 @!p1 $0x5;
	v8 =	vmov @!p1 s5  }
0x1b6: {  	_ =	swait.ge @!p1 [sflag:s7], $0x2000;
	v8 =	vand.u32 @!p1 $0x75, v8  }
0x1b7: {  	[sflag:s7] =	ssyncset.done @!p1 $0x0;
	v8 =	vbroadcast @!p1 v8, $0x0  }
0x1b8: {  	[sflag:s7] =	ssyncadd.s32 @!p1 $0xFFFFE000  }
0x1b9: {  	v10 =	vor.u32 @!p1 $0x800, v6;
	v9 =	vor.u32 @!p1 v6, v8;
	v7 =	vld.idx.msk @!p1 [tilespmem:v7+s9+$0x0], $0xffff  }
0x1ba: {  	v11 =	vor.u32 @!p1 s1, v10;
	_ =	sdelay $0x2  }
0x1bb: {  	s5 =	simm.s32 @!p1 $0x10200  }
0x1bc: {  	[tilespmem:v9+s5+$0x0] =	vst.idx.msk @!p1 $0xffff, v7  }
0x1bd: {  	(v2sf) =	vpush v5, $0x6;
	v9 =	vor.u32 @!p1 v10, v8;
	v10 =	vor.u32 @!p1 $0x1000, v6;
	v7 =	vld.idx.msk @!p1 [tilespmem:v11+s9+$0x0], $0xffff  }
0x1be: {  	v11 =	vor.u32 @!p1 s1, v10;
	_ =	sdelay $0x3  }
0x1bf: {  	[tilespmem:v9+s5+$0x0] =	vst.idx.msk @!p1 $0xffff, v7  }
0x1c0: {  	v6 =	vor.u32 @!p1 $0x1800, v6;
	v9 =	vor.u32 @!p1 v10, v8;
	v7 =	vld.idx.msk @!p1 [tilespmem:v11+s9+$0x0], $0xffff  }
0x1c1: {  	v10 =	vor.u32 @!p1 s1, v6;
	_ =	sdelay $0x3  }
0x1c2: {  	[tilespmem:v9+s5+$0x0] =	vst.idx.msk @!p1 $0xffff, v7  }
0x1c3: {  	v6 =	vor.u32 @!p1 v6, v8;
	v7 =	vld.idx.msk @!p1 [tilespmem:v10+s9+$0x0], $0xffff;
	_ =	sdelay $0x2  }
0x1c4: {  	s1 =	spop (v2sf)  }
0x1c5: {  	p0 =	sgt.s32 s1, $0xFFF  }
0x1c6: {  	s7 =	sand.u32 @!p0 $0xFFFFF80, s1;
	s8 =	simm.s32 @!p0 $0x8000;
	s1 =	sand.u32 @!p0 $0x7F, s1;
	[tilespmem:v6+s5+$0x0] =	vst.idx.msk @!p1 $0xffff, v7;
	v6 =	vlaneseq.u32 @!p0  }
0x1c7: {  	s7 =	sadd.s32 @!p0 s3, s7;
	s9 =	simm.s32 @!p0 $0x200;
	s5 =	simm.s32 @!p0 $0x400;
	v6 =	vmul.u32 @!p0 $0x80, v6  }
0x1c8: {  	[tilespmem:s9], [sflag:$0x5] =	stream.strided.gather @!p0 [hbm4b:s7+s5], $0x2000, s8, s5, $0x38;
	[tilespmem:$0x12380] =	vst v63  }
0x1c9: {  	s5 =	sadd.s32 @!p0 $0xFFFFFFF7, s2;
	v7 =	vor.u32 @!p0 s1, v6  }
0x1ca: {  	s7 =	simm.s32 @!p0 $0x5;
	v8 =	vmov @!p0 s5  }
0x1cb: {  	_ =	swait.ge @!p0 [sflag:s7], $0x2000;
	v8 =	vand.u32 @!p0 $0x76, v8  }
0x1cc: {  	[sflag:s7] =	ssyncset.done @!p0 $0x0;
	v8 =	vbroadcast @!p0 v8, $0x0  }
0x1cd: {  	[sflag:s7] =	ssyncadd.s32 @!p0 $0xFFFFE000  }
0x1ce: {  	v10 =	vor.u32 @!p0 $0x800, v6;
	v9 =	vor.u32 @!p0 v6, v8;
	v7 =	vld.idx.msk @!p0 [tilespmem:v7+s9+$0x0], $0xffff  }
0x1cf: {  	v11 =	vor.u32 @!p0 s1, v10;
	_ =	sdelay $0x2  }
0x1d0: {  	s5 =	simm.s32 @!p0 $0x10200  }
0x1d1: {  	[tilespmem:v9+s5+$0x0] =	vst.idx.msk @!p0 $0xffff, v7  }
0x1d2: {  	(v2sf) =	vpush v5, $0x7;
	v9 =	vor.u32 @!p0 v10, v8;
	v10 =	vor.u32 @!p0 $0x1000, v6;
	v7 =	vld.idx.msk @!p0 [tilespmem:v11+s9+$0x0], $0xffff  }
0x1d3: {  	v11 =	vor.u32 @!p0 s1, v10;
	_ =	sdelay $0x3  }
0x1d4: {  	[tilespmem:v9+s5+$0x0] =	vst.idx.msk @!p0 $0xffff, v7  }
0x1d5: {  	v6 =	vor.u32 @!p0 $0x1800, v6;
	v9 =	vor.u32 @!p0 v10, v8;
	v7 =	vld.idx.msk @!p0 [tilespmem:v11+s9+$0x0], $0xffff  }
0x1d6: {  	v10 =	vor.u32 @!p0 s1, v6;
	_ =	sdelay $0x3  }
0x1d7: {  	[tilespmem:v9+s5+$0x0] =	vst.idx.msk @!p0 $0xffff, v7  }
0x1d8: {  	v6 =	vor.u32 @!p0 v6, v8;
	v7 =	vld.idx.msk @!p0 [tilespmem:v10+s9+$0x0], $0xffff;
	_ =	sdelay $0x2  }
0x1d9: {  	s1 =	spop (v2sf)  }
0x1da: {  	p1 =	sgt.s32 s1, $0xFFF  }
0x1db: {  	s7 =	sand.u32 @!p1 $0xFFFFF80, s1;
	s8 =	simm.s32 @!p1 $0x8000;
	s1 =	sand.u32 @!p1 $0x7F, s1;
	[tilespmem:v6+s5+$0x0] =	vst.idx.msk @!p0 $0xffff, v7;
	v6 =	vlaneseq.u32 @!p1  }
0x1dc: {  	s7 =	sadd.s32 @!p1 s3, s7;
	s9 =	simm.s32 @!p1 $0x200;
	s5 =	simm.s32 @!p1 $0x400;
	v6 =	vmul.u32 @!p1 $0x80, v6  }
0x1dd: {  	[tilespmem:s9], [sflag:$0x5] =	stream.strided.gather @!p1 [hbm4b:s7+s5], $0x2000, s8, s5, $0x38;
	[tilespmem:$0x12380] =	vst v63  }
0x1de: {  	s5 =	sadd.s32 @!p1 $0xFFFFFFF8, s2;
	v7 =	vor.u32 @!p1 s1, v6  }
0x1df: {  	s7 =	simm.s32 @!p1 $0x5;
	v8 =	vmov @!p1 s5  }
0x1e0: {  	_ =	swait.ge @!p1 [sflag:s7], $0x2000;
	v8 =	vand.u32 @!p1 $0x77, v8  }
0x1e1: {  	[sflag:s7] =	ssyncset.done @!p1 $0x0;
	v8 =	vbroadcast @!p1 v8, $0x0  }
0x1e2: {  	[sflag:s7] =	ssyncadd.s32 @!p1 $0xFFFFE000  }
0x1e3: {  	v10 =	vor.u32 @!p1 $0x800, v6;
	v9 =	vor.u32 @!p1 v6, v8;
	v7 =	vld.idx.msk @!p1 [tilespmem:v7+s9+$0x0], $0xffff  }
0x1e4: {  	v11 =	vor.u32 @!p1 s1, v10;
	_ =	sdelay $0x2  }
0x1e5: {  	s5 =	simm.s32 @!p1 $0x10200  }
0x1e6: {  	[tilespmem:v9+s5+$0x0] =	vst.idx.msk @!p1 $0xffff, v7  }
0x1e7: {  	(v2sf) =	vpush v5, $0x8;
	v9 =	vor.u32 @!p1 v10, v8;
	v10 =	vor.u32 @!p1 $0x1000, v6;
	v7 =	vld.idx.msk @!p1 [tilespmem:v11+s9+$0x0], $0xffff  }
0x1e8: {  	v11 =	vor.u32 @!p1 s1, v10;
	_ =	sdelay $0x3  }
0x1e9: {  	[tilespmem:v9+s5+$0x0] =	vst.idx.msk @!p1 $0xffff, v7  }
0x1ea: {  	v6 =	vor.u32 @!p1 $0x1800, v6;
	v9 =	vor.u32 @!p1 v10, v8;
	v7 =	vld.idx.msk @!p1 [tilespmem:v11+s9+$0x0], $0xffff  }
0x1eb: {  	v10 =	vor.u32 @!p1 s1, v6;
	_ =	sdelay $0x3  }
0x1ec: {  	[tilespmem:v9+s5+$0x0] =	vst.idx.msk @!p1 $0xffff, v7  }
0x1ed: {  	v6 =	vor.u32 @!p1 v6, v8;
	v7 =	vld.idx.msk @!p1 [tilespmem:v10+s9+$0x0], $0xffff;
	_ =	sdelay $0x2  }
0x1ee: {  	s1 =	spop (v2sf)  }
0x1ef: {  	p0 =	sgt.s32 s1, $0xFFF  }
0x1f0: {  	s7 =	sand.u32 @!p0 $0xFFFFF80, s1;
	s8 =	simm.s32 @!p0 $0x8000;
	s1 =	sand.u32 @!p0 $0x7F, s1;
	[tilespmem:v6+s5+$0x0] =	vst.idx.msk @!p1 $0xffff, v7;
	v6 =	vlaneseq.u32 @!p0  }
0x1f1: {  	s7 =	sadd.s32 @!p0 s3, s7;
	s9 =	simm.s32 @!p0 $0x200;
	s5 =	simm.s32 @!p0 $0x400;
	v6 =	vmul.u32 @!p0 $0x80, v6  }
0x1f2: {  	[tilespmem:s9], [sflag:$0x5] =	stream.strided.gather @!p0 [hbm4b:s7+s5], $0x2000, s8, s5, $0x38;
	[tilespmem:$0x12380] =	vst v63  }
0x1f3: {  	s5 =	sadd.s32 @!p0 $0xFFFFFFF9, s2;
	v7 =	vor.u32 @!p0 s1, v6  }
0x1f4: {  	s7 =	simm.s32 @!p0 $0x5;
	v8 =	vmov @!p0 s5  }
0x1f5: {  	_ =	swait.ge @!p0 [sflag:s7], $0x2000;
	v8 =	vand.u32 @!p0 $0x78, v8  }
0x1f6: {  	[sflag:s7] =	ssyncset.done @!p0 $0x0;
	v8 =	vbroadcast @!p0 v8, $0x0  }
0x1f7: {  	[sflag:s7] =	ssyncadd.s32 @!p0 $0xFFFFE000  }
0x1f8: {  	v10 =	vor.u32 @!p0 $0x800, v6;
	v9 =	vor.u32 @!p0 v6, v8;
	v7 =	vld.idx.msk @!p0 [tilespmem:v7+s9+$0x0], $0xffff  }
0x1f9: {  	v11 =	vor.u32 @!p0 s1, v10;
	_ =	sdelay $0x2  }
0x1fa: {  	s5 =	simm.s32 @!p0 $0x10200  }
0x1fb: {  	[tilespmem:v9+s5+$0x0] =	vst.idx.msk @!p0 $0xffff, v7  }
0x1fc: {  	(v2sf) =	vpush v5, $0x9;
	v9 =	vor.u32 @!p0 v10, v8;
	v10 =	vor.u32 @!p0 $0x1000, v6;
	v7 =	vld.idx.msk @!p0 [tilespmem:v11+s9+$0x0], $0xffff  }
0x1fd: {  	v11 =	vor.u32 @!p0 s1, v10;
	_ =	sdelay $0x3  }
0x1fe: {  	[tilespmem:v9+s5+$0x0] =	vst.idx.msk @!p0 $0xffff, v7  }
0x1ff: {  	v6 =	vor.u32 @!p0 $0x1800, v6;
	v9 =	vor.u32 @!p0 v10, v8;
	v7 =	vld.idx.msk @!p0 [tilespmem:v11+s9+$0x0], $0xffff  }
0x200: {  	v10 =	vor.u32 @!p0 s1, v6;
	_ =	sdelay $0x3  }
0x201: {  	[tilespmem:v9+s5+$0x0] =	vst.idx.msk @!p0 $0xffff, v7  }
0x202: {  	v6 =	vor.u32 @!p0 v6, v8;
	v7 =	vld.idx.msk @!p0 [tilespmem:v10+s9+$0x0], $0xffff;
	_ =	sdelay $0x2  }
0x203: {  	s1 =	spop (v2sf)  }
0x204: {  	p1 =	sgt.s32 s1, $0xFFF  }
0x205: {  	s7 =	sand.u32 @!p1 $0xFFFFF80, s1;
	s8 =	simm.s32 @!p1 $0x8000;
	s1 =	sand.u32 @!p1 $0x7F, s1;
	[tilespmem:v6+s5+$0x0] =	vst.idx.msk @!p0 $0xffff, v7;
	v6 =	vlaneseq.u32 @!p1  }
0x206: {  	s7 =	sadd.s32 @!p1 s3, s7;
	s9 =	simm.s32 @!p1 $0x200;
	s5 =	simm.s32 @!p1 $0x400;
	v6 =	vmul.u32 @!p1 $0x80, v6  }
0x207: {  	[tilespmem:s9], [sflag:$0x5] =	stream.strided.gather @!p1 [hbm4b:s7+s5], $0x2000, s8, s5, $0x38;
	[tilespmem:$0x12380] =	vst v63  }
0x208: {  	s5 =	sadd.s32 @!p1 $0xFFFFFFFA, s2;
	v7 =	vor.u32 @!p1 s1, v6  }
0x209: {  	s7 =	simm.s32 @!p1 $0x5;
	v8 =	vmov @!p1 s5  }
0x20a: {  	_ =	swait.ge @!p1 [sflag:s7], $0x2000;
	v8 =	vand.u32 @!p1 $0x79, v8  }
0x20b: {  	[sflag:s7] =	ssyncset.done @!p1 $0x0;
	v8 =	vbroadcast @!p1 v8, $0x0  }
0x20c: {  	[sflag:s7] =	ssyncadd.s32 @!p1 $0xFFFFE000  }
0x20d: {  	v10 =	vor.u32 @!p1 $0x800, v6;
	v9 =	vor.u32 @!p1 v6, v8;
	v7 =	vld.idx.msk @!p1 [tilespmem:v7+s9+$0x0], $0xffff  }
0x20e: {  	v11 =	vor.u32 @!p1 s1, v10;
	_ =	sdelay $0x2  }
0x20f: {  	s5 =	simm.s32 @!p1 $0x10200  }
0x210: {  	[tilespmem:v9+s5+$0x0] =	vst.idx.msk @!p1 $0xffff, v7  }
0x211: {  	(v2sf) =	vpush v5, $0xA;
	v9 =	vor.u32 @!p1 v10, v8;
	v10 =	vor.u32 @!p1 $0x1000, v6;
	v7 =	vld.idx.msk @!p1 [tilespmem:v11+s9+$0x0], $0xffff  }
0x212: {  	v11 =	vor.u32 @!p1 s1, v10;
	_ =	sdelay $0x3  }
0x213: {  	[tilespmem:v9+s5+$0x0] =	vst.idx.msk @!p1 $0xffff, v7  }
0x214: {  	v6 =	vor.u32 @!p1 $0x1800, v6;
	v9 =	vor.u32 @!p1 v10, v8;
	v7 =	vld.idx.msk @!p1 [tilespmem:v11+s9+$0x0], $0xffff  }
0x215: {  	v10 =	vor.u32 @!p1 s1, v6;
	_ =	sdelay $0x3  }
0x216: {  	[tilespmem:v9+s5+$0x0] =	vst.idx.msk @!p1 $0xffff, v7  }
0x217: {  	v6 =	vor.u32 @!p1 v6, v8;
	v7 =	vld.idx.msk @!p1 [tilespmem:v10+s9+$0x0], $0xffff;
	_ =	sdelay $0x2  }
0x218: {  	s1 =	spop (v2sf)  }
0x219: {  	p0 =	sgt.s32 s1, $0xFFF  }
0x21a: {  	s7 =	sand.u32 @!p0 $0xFFFFF80, s1;
	s8 =	simm.s32 @!p0 $0x8000;
	s1 =	sand.u32 @!p0 $0x7F, s1;
	[tilespmem:v6+s5+$0x0] =	vst.idx.msk @!p1 $0xffff, v7;
	v6 =	vlaneseq.u32 @!p0  }
0x21b: {  	s7 =	sadd.s32 @!p0 s3, s7;
	s9 =	simm.s32 @!p0 $0x200;
	s5 =	simm.s32 @!p0 $0x400;
	v6 =	vmul.u32 @!p0 $0x80, v6  }
0x21c: {  	[tilespmem:s9], [sflag:$0x5] =	stream.strided.gather @!p0 [hbm4b:s7+s5], $0x2000, s8, s5, $0x38;
	[tilespmem:$0x12380] =	vst v63  }
0x21d: {  	s5 =	sadd.s32 @!p0 $0xFFFFFFFB, s2;
	v7 =	vor.u32 @!p0 s1, v6  }
0x21e: {  	s7 =	simm.s32 @!p0 $0x5;
	v8 =	vmov @!p0 s5  }
0x21f: {  	_ =	swait.ge @!p0 [sflag:s7], $0x2000;
	v8 =	vand.u32 @!p0 $0x7A, v8  }
0x220: {  	[sflag:s7] =	ssyncset.done @!p0 $0x0;
	v8 =	vbroadcast @!p0 v8, $0x0  }
0x221: {  	[sflag:s7] =	ssyncadd.s32 @!p0 $0xFFFFE000  }
0x222: {  	v10 =	vor.u32 @!p0 $0x800, v6;
	v9 =	vor.u32 @!p0 v6, v8;
	v7 =	vld.idx.msk @!p0 [tilespmem:v7+s9+$0x0], $0xffff  }
0x223: {  	v11 =	vor.u32 @!p0 s1, v10;
	_ =	sdelay $0x2  }
0x224: {  	s5 =	simm.s32 @!p0 $0x10200  }
0x225: {  	[tilespmem:v9+s5+$0x0] =	vst.idx.msk @!p0 $0xffff, v7  }
0x226: {  	(v2sf) =	vpush v5, $0xB;
	v9 =	vor.u32 @!p0 v10, v8;
	v10 =	vor.u32 @!p0 $0x1000, v6;
	v7 =	vld.idx.msk @!p0 [tilespmem:v11+s9+$0x0], $0xffff  }
0x227: {  	v11 =	vor.u32 @!p0 s1, v10;
	_ =	sdelay $0x3  }
0x228: {  	[tilespmem:v9+s5+$0x0] =	vst.idx.msk @!p0 $0xffff, v7  }
0x229: {  	v6 =	vor.u32 @!p0 $0x1800, v6;
	v9 =	vor.u32 @!p0 v10, v8;
	v7 =	vld.idx.msk @!p0 [tilespmem:v11+s9+$0x0], $0xffff  }
0x22a: {  	v10 =	vor.u32 @!p0 s1, v6;
	_ =	sdelay $0x3  }
0x22b: {  	[tilespmem:v9+s5+$0x0] =	vst.idx.msk @!p0 $0xffff, v7  }
0x22c: {  	v6 =	vor.u32 @!p0 v6, v8;
	v7 =	vld.idx.msk @!p0 [tilespmem:v10+s9+$0x0], $0xffff;
	_ =	sdelay $0x2  }
0x22d: {  	s1 =	spop (v2sf)  }
0x22e: {  	p1 =	sgt.s32 s1, $0xFFF  }
0x22f: {  	s7 =	sand.u32 @!p1 $0xFFFFF80, s1;
	s8 =	simm.s32 @!p1 $0x8000;
	s1 =	sand.u32 @!p1 $0x7F, s1;
	[tilespmem:v6+s5+$0x0] =	vst.idx.msk @!p0 $0xffff, v7;
	v6 =	vlaneseq.u32 @!p1  }
0x230: {  	s7 =	sadd.s32 @!p1 s3, s7;
	s9 =	simm.s32 @!p1 $0x200;
	s5 =	simm.s32 @!p1 $0x400;
	v6 =	vmul.u32 @!p1 $0x80, v6  }
0x231: {  	[tilespmem:s9], [sflag:$0x5] =	stream.strided.gather @!p1 [hbm4b:s7+s5], $0x2000, s8, s5, $0x38;
	[tilespmem:$0x12380] =	vst v63  }
0x232: {  	s5 =	sadd.s32 @!p1 $0xFFFFFFFC, s2;
	v7 =	vor.u32 @!p1 s1, v6  }
0x233: {  	s7 =	simm.s32 @!p1 $0x5;
	v8 =	vmov @!p1 s5  }
0x234: {  	_ =	swait.ge @!p1 [sflag:s7], $0x2000;
	v8 =	vand.u32 @!p1 $0x7B, v8  }
0x235: {  	[sflag:s7] =	ssyncset.done @!p1 $0x0;
	v8 =	vbroadcast @!p1 v8, $0x0  }
0x236: {  	[sflag:s7] =	ssyncadd.s32 @!p1 $0xFFFFE000  }
0x237: {  	v10 =	vor.u32 @!p1 $0x800, v6;
	v9 =	vor.u32 @!p1 v6, v8;
	v7 =	vld.idx.msk @!p1 [tilespmem:v7+s9+$0x0], $0xffff  }
0x238: {  	v11 =	vor.u32 @!p1 s1, v10;
	_ =	sdelay $0x2  }
0x239: {  	s5 =	simm.s32 @!p1 $0x10200  }
0x23a: {  	[tilespmem:v9+s5+$0x0] =	vst.idx.msk @!p1 $0xffff, v7  }
0x23b: {  	(v2sf) =	vpush v5, $0xC;
	v9 =	vor.u32 @!p1 v10, v8;
	v10 =	vor.u32 @!p1 $0x1000, v6;
	v7 =	vld.idx.msk @!p1 [tilespmem:v11+s9+$0x0], $0xffff  }
0x23c: {  	v11 =	vor.u32 @!p1 s1, v10;
	_ =	sdelay $0x3  }
0x23d: {  	[tilespmem:v9+s5+$0x0] =	vst.idx.msk @!p1 $0xffff, v7  }
0x23e: {  	v6 =	vor.u32 @!p1 $0x1800, v6;
	v9 =	vor.u32 @!p1 v10, v8;
	v7 =	vld.idx.msk @!p1 [tilespmem:v11+s9+$0x0], $0xffff  }
0x23f: {  	v10 =	vor.u32 @!p1 s1, v6;
	_ =	sdelay $0x3  }
0x240: {  	[tilespmem:v9+s5+$0x0] =	vst.idx.msk @!p1 $0xffff, v7  }
0x241: {  	v6 =	vor.u32 @!p1 v6, v8;
	v7 =	vld.idx.msk @!p1 [tilespmem:v10+s9+$0x0], $0xffff;
	_ =	sdelay $0x2  }
0x242: {  	s1 =	spop (v2sf)  }
0x243: {  	p0 =	sgt.s32 s1, $0xFFF  }
0x244: {  	s7 =	sand.u32 @!p0 $0xFFFFF80, s1;
	s8 =	simm.s32 @!p0 $0x8000;
	s1 =	sand.u32 @!p0 $0x7F, s1;
	[tilespmem:v6+s5+$0x0] =	vst.idx.msk @!p1 $0xffff, v7;
	v6 =	vlaneseq.u32 @!p0  }
0x245: {  	s7 =	sadd.s32 @!p0 s3, s7;
	s9 =	simm.s32 @!p0 $0x200;
	s5 =	simm.s32 @!p0 $0x400;
	v6 =	vmul.u32 @!p0 $0x80, v6  }
0x246: {  	[tilespmem:s9], [sflag:$0x5] =	stream.strided.gather @!p0 [hbm4b:s7+s5], $0x2000, s8, s5, $0x38;
	[tilespmem:$0x12380] =	vst v63  }
0x247: {  	s5 =	sadd.s32 @!p0 $0xFFFFFFFD, s2;
	v7 =	vor.u32 @!p0 s1, v6  }
0x248: {  	s7 =	simm.s32 @!p0 $0x5;
	v8 =	vmov @!p0 s5  }
0x249: {  	_ =	swait.ge @!p0 [sflag:s7], $0x2000;
	v8 =	vand.u32 @!p0 $0x7C, v8  }
0x24a: {  	[sflag:s7] =	ssyncset.done @!p0 $0x0;
	v8 =	vbroadcast @!p0 v8, $0x0  }
0x24b: {  	[sflag:s7] =	ssyncadd.s32 @!p0 $0xFFFFE000  }
0x24c: {  	v10 =	vor.u32 @!p0 $0x800, v6;
	v9 =	vor.u32 @!p0 v6, v8;
	v7 =	vld.idx.msk @!p0 [tilespmem:v7+s9+$0x0], $0xffff  }
0x24d: {  	v11 =	vor.u32 @!p0 s1, v10;
	_ =	sdelay $0x2  }
0x24e: {  	s5 =	simm.s32 @!p0 $0x10200  }
0x24f: {  	[tilespmem:v9+s5+$0x0] =	vst.idx.msk @!p0 $0xffff, v7  }
0x250: {  	(v2sf) =	vpush v5, $0xD;
	v9 =	vor.u32 @!p0 v10, v8;
	v10 =	vor.u32 @!p0 $0x1000, v6;
	v7 =	vld.idx.msk @!p0 [tilespmem:v11+s9+$0x0], $0xffff  }
0x251: {  	v11 =	vor.u32 @!p0 s1, v10;
	_ =	sdelay $0x3  }
0x252: {  	[tilespmem:v9+s5+$0x0] =	vst.idx.msk @!p0 $0xffff, v7  }
0x253: {  	v6 =	vor.u32 @!p0 $0x1800, v6;
	v9 =	vor.u32 @!p0 v10, v8;
	v7 =	vld.idx.msk @!p0 [tilespmem:v11+s9+$0x0], $0xffff  }
0x254: {  	v10 =	vor.u32 @!p0 s1, v6;
	_ =	sdelay $0x3  }
0x255: {  	[tilespmem:v9+s5+$0x0] =	vst.idx.msk @!p0 $0xffff, v7  }
0x256: {  	v6 =	vor.u32 @!p0 v6, v8;
	v7 =	vld.idx.msk @!p0 [tilespmem:v10+s9+$0x0], $0xffff;
	_ =	sdelay $0x2  }
0x257: {  	s1 =	spop (v2sf)  }
0x258: {  	p1 =	sgt.s32 s1, $0xFFF  }
0x259: {  	s7 =	sand.u32 @!p1 $0xFFFFF80, s1;
	s8 =	simm.s32 @!p1 $0x8000;
	s1 =	sand.u32 @!p1 $0x7F, s1;
	[tilespmem:v6+s5+$0x0] =	vst.idx.msk @!p0 $0xffff, v7;
	v6 =	vlaneseq.u32 @!p1  }
0x25a: {  	s7 =	sadd.s32 @!p1 s3, s7;
	s9 =	simm.s32 @!p1 $0x200;
	s5 =	simm.s32 @!p1 $0x400;
	v6 =	vmul.u32 @!p1 $0x80, v6  }
0x25b: {  	[tilespmem:s9], [sflag:$0x5] =	stream.strided.gather @!p1 [hbm4b:s7+s5], $0x2000, s8, s5, $0x38;
	[tilespmem:$0x12380] =	vst v63  }
0x25c: {  	s5 =	sadd.s32 @!p1 $0xFFFFFFFE, s2;
	v7 =	vor.u32 @!p1 s1, v6  }
0x25d: {  	s7 =	simm.s32 @!p1 $0x5;
	v8 =	vmov @!p1 s5  }
0x25e: {  	_ =	swait.ge @!p1 [sflag:s7], $0x2000;
	v8 =	vand.u32 @!p1 $0x7D, v8  }
0x25f: {  	[sflag:s7] =	ssyncset.done @!p1 $0x0;
	v8 =	vbroadcast @!p1 v8, $0x0  }
0x260: {  	[sflag:s7] =	ssyncadd.s32 @!p1 $0xFFFFE000  }
0x261: {  	v10 =	vor.u32 @!p1 $0x800, v6;
	v9 =	vor.u32 @!p1 v6, v8;
	v7 =	vld.idx.msk @!p1 [tilespmem:v7+s9+$0x0], $0xffff  }
0x262: {  	v11 =	vor.u32 @!p1 s1, v10;
	_ =	sdelay $0x2  }
0x263: {  	s5 =	simm.s32 @!p1 $0x10200  }
0x264: {  	[tilespmem:v9+s5+$0x0] =	vst.idx.msk @!p1 $0xffff, v7  }
0x265: {  	(v2sf) =	vpush v5, $0xE;
	v9 =	vor.u32 @!p1 v10, v8;
	v10 =	vor.u32 @!p1 $0x1000, v6;
	v7 =	vld.idx.msk @!p1 [tilespmem:v11+s9+$0x0], $0xffff  }
0x266: {  	v11 =	vor.u32 @!p1 s1, v10;
	_ =	sdelay $0x3  }
0x267: {  	[tilespmem:v9+s5+$0x0] =	vst.idx.msk @!p1 $0xffff, v7  }
0x268: {  	v6 =	vor.u32 @!p1 $0x1800, v6;
	v9 =	vor.u32 @!p1 v10, v8;
	v7 =	vld.idx.msk @!p1 [tilespmem:v11+s9+$0x0], $0xffff  }
0x269: {  	v10 =	vor.u32 @!p1 s1, v6;
	_ =	sdelay $0x3  }
0x26a: {  	[tilespmem:v9+s5+$0x0] =	vst.idx.msk @!p1 $0xffff, v7  }
0x26b: {  	v6 =	vor.u32 @!p1 v6, v8;
	v7 =	vld.idx.msk @!p1 [tilespmem:v10+s9+$0x0], $0xffff;
	_ =	sdelay $0x2  }
0x26c: {  	s1 =	spop (v2sf)  }
0x26d: {  	p0 =	sgt.s32 s1, $0xFFF  }
0x26e: {  	s7 =	sand.u32 @!p0 $0xFFFFF80, s1;
	s8 =	simm.s32 @!p0 $0x8000;
	s1 =	sand.u32 @!p0 $0x7F, s1;
	[tilespmem:v6+s5+$0x0] =	vst.idx.msk @!p1 $0xffff, v7;
	v6 =	vlaneseq.u32 @!p0  }
0x26f: {  	s7 =	sadd.s32 @!p0 s3, s7;
	s9 =	simm.s32 @!p0 $0x200;
	s5 =	simm.s32 @!p0 $0x400;
	v6 =	vmul.u32 @!p0 $0x80, v6  }
0x270: {  	[tilespmem:s9], [sflag:$0x5] =	stream.strided.gather @!p0 [hbm4b:s7+s5], $0x2000, s8, s5, $0x38;
	[tilespmem:$0x12380] =	vst v63  }
0x271: {  	s5 =	sadd.s32 @!p0 $0xFFFFFFFF, s2;
	v7 =	vor.u32 @!p0 s1, v6  }
0x272: {  	s7 =	simm.s32 @!p0 $0x5;
	v8 =	vmov @!p0 s5  }
0x273: {  	_ =	swait.ge @!p0 [sflag:s7], $0x2000;
	v8 =	vand.u32 @!p0 $0x7E, v8  }
0x274: {  	[sflag:s7] =	ssyncset.done @!p0 $0x0;
	v8 =	vbroadcast @!p0 v8, $0x0  }
0x275: {  	[sflag:s7] =	ssyncadd.s32 @!p0 $0xFFFFE000  }
0x276: {  	v10 =	vor.u32 @!p0 $0x800, v6;
	v9 =	vor.u32 @!p0 v6, v8;
	v7 =	vld.idx.msk @!p0 [tilespmem:v7+s9+$0x0], $0xffff  }
0x277: {  	v11 =	vor.u32 @!p0 s1, v10;
	_ =	sdelay $0x2  }
0x278: {  	s5 =	simm.s32 @!p0 $0x10200;
	(v2sf) =	vpush v5, $0xF  }
0x279: {  	[tilespmem:v9+s5+$0x0] =	vst.idx.msk @!p0 $0xffff, v7  }
0x27a: {  	v7 =	vor.u32 @!p0 v10, v8;
	v9 =	vor.u32 @!p0 $0x1000, v6;
	v5 =	vld.idx.msk @!p0 [tilespmem:v11+s9+$0x0], $0xffff  }
0x27b: {  	v10 =	vor.u32 @!p0 s1, v9;
	_ =	sdelay $0x3  }
0x27c: {  	[tilespmem:v7+s5+$0x0] =	vst.idx.msk @!p0 $0xffff, v5  }
0x27d: {  	v6 =	vor.u32 @!p0 $0x1800, v6;
	v7 =	vor.u32 @!p0 v9, v8;
	v5 =	vld.idx.msk @!p0 [tilespmem:v10+s9+$0x0], $0xffff  }
0x27e: {  	v9 =	vor.u32 @!p0 s1, v6;
	_ =	sdelay $0x3  }
0x27f: {  	[tilespmem:v7+s5+$0x0] =	vst.idx.msk @!p0 $0xffff, v5  }
0x280: {  	v6 =	vor.u32 @!p0 v6, v8;
	v5 =	vld.idx.msk @!p0 [tilespmem:v9+s9+$0x0], $0xffff  }
0x281: {  	s1 =	spop (v2sf)  }
0x282: {  	p1 =	sgt.s32 s1, $0xFFF  }
0x283: {  	v7 =	vlaneseq.u32 @!p1  }
0x284: {  	s7 =	sand.u32 @!p1 $0xFFFFF80, s1;
	s8 =	simm.s32 @!p1 $0x400;
	s1 =	sand.u32 @!p1 $0x7F, s1;
	v7 =	vmul.u32 @!p1 $0x80, v7  }
0x285: {  	s7 =	sadd.s32 @!p1 s3, s7;
	s9 =	simm.s32 @!p1 $0x200;
	[tilespmem:v6+s5+$0x0] =	vst.idx.msk @!p0 $0xffff, v5;
	s5 =	simm.s32 @!p1 $0x8000  }
0x286: {  	v5 =	vor.u32 @!p1 s1, v7;
	[tilespmem:s9], [sflag:$0x5] =	stream.strided.gather @!p1 [hbm4b:s7+s8], $0x2000, s5, s8, $0x38;
	[tilespmem:$0x12380] =	vst v63  }
0x287: {  	v6 =	vmov @!p1 s2;
	s5 =	simm.s32 @!p1 $0x5  }
0x288: {  	v6 =	vand.u32 @!p1 $0x7F, v6;
	_ =	swait.ge @!p1 [sflag:s5], $0x2000  }
0x289: {  	v6 =	vbroadcast @!p1 v6, $0x0;
	[sflag:s5] =	ssyncset.done @!p1 $0x0  }
0x28a: {  	[sflag:s5] =	ssyncadd.s32 @!p1 $0xFFFFE000  }
0x28b: {  	v9 =	vor.u32 @!p1 $0x800, v7;
	v8 =	vor.u32 @!p1 v7, v6;
	v5 =	vld.idx.msk @!p1 [tilespmem:v5+s9+$0x0], $0xffff  }
0x28c: {  	v10 =	vor.u32 @!p1 s1, v9;
	_ =	sdelay $0x2  }
0x28d: {  	s5 =	simm.s32 @!p1 $0x10200  }
0x28e: {  	[tilespmem:v8+s5+$0x0] =	vst.idx.msk @!p1 $0xffff, v5  }
0x28f: {  	v8 =	vor.u32 @!p1 v9, v6;
	v9 =	vor.u32 @!p1 $0x1000, v7;
	v5 =	vld.idx.msk @!p1 [tilespmem:v10+s9+$0x0], $0xffff  }
0x290: {  	v10 =	vor.u32 @!p1 s1, v9;
	_ =	sdelay $0x3  }
0x291: {  	[tilespmem:v8+s5+$0x0] =	vst.idx.msk @!p1 $0xffff, v5  }
0x292: {  	v7 =	vor.u32 @!p1 $0x1800, v7;
	v8 =	vor.u32 @!p1 v9, v6;
	v5 =	vld.idx.msk @!p1 [tilespmem:v10+s9+$0x0], $0xffff  }
0x293: {  	v9 =	vor.u32 @!p1 s1, v7;
	_ =	sdelay $0x3  }
0x294: {  	s2 =	sadd.s32 $0x10, s2;
	[tilespmem:v8+s5+$0x0] =	vst.idx.msk @!p1 $0xffff, v5  }
0x295: {  	p0 =	sne.s32 s2, $0x8F;
	v6 =	vor.u32 @!p1 v7, v6;
	v5 =	vld.idx.msk @!p1 [tilespmem:v9+s9+$0x0], $0xffff  }
.Ltmp4:
0x296: {  	_ = 	snop;
	(pc) =	sbr.rel @p0 .LBB2_5-.Ltmp4, $2  }
0x297: {  	_ =	sdelay $0x2  }
0x298: {  	s14 =	sadd.s32 $0x10, s14;
	s30 =	sadd.s32 $0x10, s30;
	s31 =	sadd.s32 $0x10, s31;
	[tilespmem:v6+s5+$0x0] =	vst.idx.msk @!p1 $0xffff, v5  }
.Ltmp5:
0x299: {  	_ = 	snop;
	(pc) =	sbr.rel .LBB2_6-.Ltmp5, $1  }
0x29a: {  	_ =	sdelay $0x3  }
.LBB2_7:
0x29b: {  	_ =	sfence.sel $0x180000  }
0x29c: {  	[bflag:$0x0] =	sbarrier.arrive $0xFFFF  }
0x29d: {  	_ =	strace $0x90000047  }
0x29e: {  	s0 =	stileid.u32;
	[bflag:$0x2] =	sbarrier.arrive $0xFFFF  }
0x29f: {  	p0 =	sne.s32 s0, $0x0;
	s0 =	rddreg [dreg:$0x7]  }
0x2a0: {  	s0 =	sadd.s32 @!p0 $0x100000, s0  }
0x2a1: {  	[sflag:s0] =	ssyncadd.tile.s32 @!p0 $0x1;
	_ =	shalt  }
.Lfunc_end2:
_tile_overlayer_lowered:
.L_overlay_start_2:
0x2a2: {  	(tag) =	ssettag $0x2  }
0x2a3: {  	s0 =	rddreg [dreg:$0x0];
	s2 =	stileid.u32  }
0x2a4: {  	s1 =	rddreg [dreg:$0x1];
	p0 =	sne.s32 s2, $0x0  }
0x2a5: {  	s3 =	rddreg [dreg:$0x2];
	[bflag:$0x3] =	sbarrier.arrive $0xFFFF;
	s2 =	simm.s32 @!p0 $0x1C05  }
0x2a6: {  	[timem:s3], [sflag:s2] =	dma.local @!p0 [hbm:s0], s1  }
0x2a7: {  	s0 =	simm.s32 @!p0 $0x5  }
0x2a8: {  	_ =	swait.ge @!p0 [sflag:s0], s1  }
0x2a9: {  	s1 =	ssub.s32 @!p0 $0x0, s1;
	[sflag:s0] =	ssyncset.done @!p0 $0x0  }
0x2aa: {  	[sflag:s0] =	ssyncadd.s32 @!p0 s1  }
0x2ab: {  	[bflag:$0x3] =	sbarrier.arrive $0xFFFF  }
0x2ac: {  	_ =	shalt  }

</sc_bundles>
